<compile_context>
chip_gen: v7x
topology: tpu7x:2x2x1
jax: 0.10.2.dev20260603
libtpu: 0.0.44.dev20260713+nightly
codegen_flags: <defaults>
</compile_context>

<pallas_src>
import functools

import jax
import jax.numpy as jnp
from jax import lax
from jax.experimental import pallas as pl
from jax.experimental.pallas import tpu as pltpu
from jax.experimental.pallas import tpu_sc as plsc

N = 10000
M = 32
ORIG = 92
NBR = 16
AF = 128
TWO_AF = 2 * AF
NCONV = 3
H = 128
N0 = 100
A = 100
NM = N * M
EPS = 1e-3

NC = 2
NS = 16
NW = NC * NS
CHUNK = 128
PER_TILE = NM // NW
FULL_CHUNKS = PER_TILE // CHUNK
TAIL = PER_TILE - FULL_CHUNKS * CHUNK

AB = 200
EB = AB * M
GRID_E = NM // EB
HALF_E = NM // 2
HALF_A = N // 2
GRID_H = GRID_E // 2


def _softplus(x):
    return jnp.log1p(jnp.exp(-jnp.abs(x))) + jnp.maximum(x, 0.0)


def _sigmoid(x):
    return 1.0 / (1.0 + jnp.exp(-x))


def _embed_body(x_ref, w_ref, b_ref, o_ref):
    o_ref[...] = (
        jnp.dot(x_ref[...], w_ref[...], preferred_element_type=jnp.float32)
        + b_ref[...]
    )


def _embed(atom_fea, w_emb, b_emb):
    return pl.pallas_call(
        _embed_body,
        grid=(5,),
        in_specs=[
            pl.BlockSpec((N // 5, ORIG), lambda i: (i, 0)),
            pl.BlockSpec((ORIG, AF), lambda i: (0, 0)),
            pl.BlockSpec((1, AF), lambda i: (0, 0)),
        ],
        out_specs=pl.BlockSpec((N // 5, AF), lambda i: (i, 0)),
        out_shape=jax.ShapeDtypeStruct((N, AF), jnp.float32),
    )(atom_fea, w_emb, b_emb.reshape(1, AF))


def _sy_body(x_ref, w_ref, b_ref, s_ref, y_ref):
    sy = jnp.dot(x_ref[...], w_ref[...], preferred_element_type=jnp.float32)
    s_ref[...] = sy[:, :TWO_AF] + b_ref[...]
    y_ref[...] = sy[:, TWO_AF:]


def _sy(x, w_cat, bias):
    return pl.pallas_call(
        _sy_body,
        grid=(10,),
        in_specs=[
            pl.BlockSpec((N // 10, AF), lambda i: (i, 0)),
            pl.BlockSpec((AF, 2 * TWO_AF), lambda i: (0, 0)),
            pl.BlockSpec((1, TWO_AF), lambda i: (0, 0)),
        ],
        out_specs=[
            pl.BlockSpec((N // 10, TWO_AF), lambda i: (i, 0)),
            pl.BlockSpec((N // 10, TWO_AF), lambda i: (i, 0)),
        ],
        out_shape=[
            jax.ShapeDtypeStruct((N, TWO_AF), jnp.float32),
            jax.ShapeDtypeStruct((N, TWO_AF), jnp.float32),
        ],
    )(x, w_cat, bias.reshape(1, TWO_AF))


def _resid_body(x_ref, t_ref, aff_ref, xn_ref):
    xn_ref[...] = _softplus(
        x_ref[...] + aff_ref[0:1] * t_ref[...] + aff_ref[1:2]
    )


def _resid_update(x, t, aff2):
    return pl.pallas_call(
        _resid_body,
        grid=(10,),
        in_specs=[
            pl.BlockSpec((N // 10, AF), lambda i: (i, 0)),
            pl.BlockSpec((N // 10, AF), lambda i: (i, 0)),
            pl.BlockSpec((2, AF), lambda i: (0, 0)),
        ],
        out_specs=pl.BlockSpec((N // 10, AF), lambda i: (i, 0)),
        out_shape=jax.ShapeDtypeStruct((N, AF), jnp.float32),
    )(x, t, aff2)


def _gather_rows(table, idx_flat):
    (E,) = idx_flat.shape
    per_tile = E // NW
    full_chunks = (per_tile // CHUNK) & ~1
    tail = per_tile - full_chunks * CHUNK
    mesh = plsc.VectorSubcoreMesh(core_axis_name="c", subcore_axis_name="s")

    @functools.partial(
        pl.kernel,
        out_type=jax.ShapeDtypeStruct((E, TWO_AF), jnp.float32),
        mesh=mesh,
        scratch_types=[
            pltpu.VMEM((CHUNK,), jnp.int32),
            pltpu.VMEM((CHUNK,), jnp.int32),
            pltpu.VMEM((CHUNK, TWO_AF), jnp.float32),
            pltpu.VMEM((CHUNK, TWO_AF), jnp.float32),
            pltpu.SemaphoreType.DMA,
            pltpu.SemaphoreType.DMA,
            pltpu.SemaphoreType.DMA,
            pltpu.SemaphoreType.DMA,
        ],
    )
    def k(table_hbm, idx_hbm, out_hbm, idx_v0, idx_v1, rows_v0, rows_v1,
          gsem0, gsem1, wsem0, wsem1):
        wid = lax.axis_index("s") * NC + lax.axis_index("c")
        base = wid * per_tile
        idx_v = (idx_v0, idx_v1)
        rows_v = (rows_v0, rows_v1)
        gsem = (gsem0, gsem1)
        wsem = (wsem0, wsem1)

        def step(i, carry):
            offs = [base + (2 * i + b) * CHUNK for b in range(2)]
            descs = []
            for b in range(2):
                pltpu.sync_copy(idx_hbm.at[pl.ds(offs[b], CHUNK)], idx_v[b])

                @pl.when(i > 0)
                def _drain(b=b):
                    pltpu.make_async_copy(
                        rows_v[b], out_hbm.at[pl.ds(offs[b], CHUNK)], wsem[b]
                    ).wait()

                descs.append(
                    pltpu.async_copy(table_hbm.at[idx_v[b]], rows_v[b], gsem[b])
                )
            for b in range(2):
                descs[b].wait()
                pltpu.async_copy(
                    rows_v[b], out_hbm.at[pl.ds(offs[b], CHUNK)], wsem[b]
                )
            return carry

        lax.fori_loop(0, full_chunks // 2, step, 0)

        last = base + (full_chunks - 2) * CHUNK
        for b in range(2):
            pltpu.make_async_copy(
                rows_v[b], out_hbm.at[pl.ds(last + b * CHUNK, CHUNK)], wsem[b]
            ).wait()

        toff = base + full_chunks * CHUNK
        for tb in range(0, tail, CHUNK):
            sz = min(CHUNK, tail - tb)
            pltpu.sync_copy(
                idx_hbm.at[pl.ds(toff + tb, sz)], idx_v0.at[pl.ds(0, sz)]
            )
            pltpu.async_copy(
                table_hbm.at[idx_v0.at[pl.ds(0, sz)]],
                rows_v0.at[pl.ds(0, sz)],
                gsem0,
            ).wait()
            pltpu.sync_copy(
                rows_v0.at[pl.ds(0, sz)], out_hbm.at[pl.ds(toff + tb, sz)]
            )

    return k(table, idx_flat)


def _stats_body(y_ref, f_ref, s_ref, wb_ref, sum_ref, sq_ref):
    u = jnp.dot(f_ref[...], wb_ref[...], preferred_element_type=jnp.float32)
    srep = jnp.reshape(
        jnp.broadcast_to(s_ref[...][:, None, :], (AB, M, TWO_AF)), (EB, TWO_AF)
    )
    g = srep + y_ref[...] + u
    ps = jnp.sum(g, axis=0, keepdims=True)
    pq = jnp.sum(g * g, axis=0, keepdims=True)

    @pl.when(pl.program_id(0) == 0)
    def _init():
        sum_ref[...] = ps
        sq_ref[...] = pq

    @pl.when(pl.program_id(0) != 0)
    def _acc():
        sum_ref[...] += ps
        sq_ref[...] += pq


def _stats(y_g, f_flat, s, wb, half):
    off = half * GRID_H
    return pl.pallas_call(
        _stats_body,
        grid=(GRID_H,),
        in_specs=[
            pl.BlockSpec((EB, TWO_AF), lambda i: (i, 0)),
            pl.BlockSpec((EB, NBR), lambda i: (i + off, 0)),
            pl.BlockSpec((AB, TWO_AF), lambda i: (i + off, 0)),
            pl.BlockSpec((NBR, TWO_AF), lambda i: (0, 0)),
        ],
        out_specs=[
            pl.BlockSpec((1, TWO_AF), lambda i: (0, 0)),
            pl.BlockSpec((1, TWO_AF), lambda i: (0, 0)),
        ],
        out_shape=[
            jax.ShapeDtypeStruct((1, TWO_AF), jnp.float32),
            jax.ShapeDtypeStruct((1, TWO_AF), jnp.float32),
        ],
    )(y_g, f_flat, s, wb)


def _apply_body(y_ref, f_ref, s_ref, wb_ref, aff_ref, t_ref):
    u = jnp.dot(f_ref[...], wb_ref[...], preferred_element_type=jnp.float32)
    srep = jnp.reshape(
        jnp.broadcast_to(s_ref[...][:, None, :], (AB, M, TWO_AF)), (EB, TWO_AF)
    )
    g = srep + y_ref[...] + u
    h = aff_ref[0:1] * g + aff_ref[1:2]
    p = _sigmoid(h[:, :AF]) * _softplus(h[:, AF:])
    t_ref[...] = jnp.sum(jnp.reshape(p, (AB, M, AF)), axis=1)


def _apply(y_g, f_flat, s, wb, aff1, half):
    off = half * GRID_H
    return pl.pallas_call(
        _apply_body,
        grid=(GRID_H,),
        in_specs=[
            pl.BlockSpec((EB, TWO_AF), lambda i: (i, 0)),
            pl.BlockSpec((EB, NBR), lambda i: (i + off, 0)),
            pl.BlockSpec((AB, TWO_AF), lambda i: (i + off, 0)),
            pl.BlockSpec((NBR, TWO_AF), lambda i: (0, 0)),
            pl.BlockSpec((2, TWO_AF), lambda i: (0, 0)),
        ],
        out_specs=pl.BlockSpec((AB, AF), lambda i: (i, 0)),
        out_shape=jax.ShapeDtypeStruct((HALF_A, AF), jnp.float32),
    )(y_g, f_flat, s, wb, aff1)


def _final_body(
    x_ref, t_ref, aff_ref, wfc_ref, bfc_ref, wout_ref, bout_ref, o_ref
):
    x3 = _softplus(x_ref[...] + aff_ref[0:1] * t_ref[...] + aff_ref[1:2])
    crys = jnp.mean(jnp.reshape(x3, (N0, A, AF)), axis=1)
    crys = _softplus(crys)
    hh = (
        jnp.dot(crys.astype(jnp.bfloat16), wfc_ref[...],
                preferred_element_type=jnp.float32)
        + bfc_ref[...]
    )
    hh = _softplus(hh)
    o_ref[...] = (
        jnp.dot(hh.astype(jnp.bfloat16), wout_ref[...],
                preferred_element_type=jnp.float32)
        + bout_ref[...]
    )


def _final(x, t, aff2, w_fc, b_fc, w_out, b_out):
    return pl.pallas_call(
        _final_body,
        grid=(1,),
        in_specs=[
            pl.BlockSpec((N, AF), lambda i: (0, 0)),
            pl.BlockSpec((N, AF), lambda i: (0, 0)),
            pl.BlockSpec((2, AF), lambda i: (0, 0)),
            pl.BlockSpec((AF, H), lambda i: (0, 0)),
            pl.BlockSpec((1, H), lambda i: (0, 0)),
            pl.BlockSpec((H, 1), lambda i: (0, 0)),
            pl.BlockSpec((1, 1), lambda i: (0, 0)),
        ],
        out_specs=pl.BlockSpec((N0, 1), lambda i: (0, 0)),
        out_shape=jax.ShapeDtypeStruct((N0, 1), jnp.float32),
    )(x, t, aff2, w_fc.astype(jnp.bfloat16), b_fc.reshape(1, H),
       w_out.astype(jnp.bfloat16), b_out.reshape(1, 1))


def kernel(atom_fea, nbr_fea, nbr_fea_idx, crystal_atom_idx,
           W_emb, b_emb, Wc, bc, g1, be1, g2, be2,
           W_fc, b_fc, W_out, b_out):
    f32 = jnp.float32
    idx = nbr_fea_idx.astype(jnp.int32).reshape(NM)
    bf = jnp.bfloat16
    f_flat = nbr_fea.astype(bf).reshape(NM, NBR)

    x = _embed(atom_fea.astype(bf), W_emb.astype(bf), b_emb.astype(f32))

    t = None
    aff2 = None
    for i in range(NCONV):
        w_cat = jnp.concatenate([Wc[i, :AF], Wc[i, AF:TWO_AF]], axis=1).astype(bf)
        wb = Wc[i, TWO_AF:].astype(bf)
        if i > 0:
            x = _resid_update(x, t, aff2)
        s, y = _sy(x.astype(bf), w_cat, bc[i])
        y_g0 = _gather_rows(y, idx[:HALF_E])
        y_g1 = _gather_rows(y, idx[HALF_E:])
        ssum0, ssq0 = _stats(y_g0, f_flat, s, wb, 0)
        ssum1, ssq1 = _stats(y_g1, f_flat, s, wb, 1)
        ssum = ssum0 + ssum1
        ssq = ssq0 + ssq1
        mu = ssum / NM
        var = ssq / NM - mu * mu
        a1 = g1[i].reshape(1, TWO_AF) / jnp.sqrt(var + EPS)
        b1 = be1[i].reshape(1, TWO_AF) - mu * a1
        aff1 = jnp.concatenate([a1, b1], axis=0)
        t0 = _apply(y_g0, f_flat, s, wb, aff1, 0)
        t1 = _apply(y_g1, f_flat, s, wb, aff1, 1)
        t = jnp.concatenate([t0, t1], axis=0)
        mu2 = jnp.mean(t, axis=0).reshape(1, AF)
        var2 = jnp.var(t, axis=0).reshape(1, AF)
        a2 = g2[i].reshape(1, AF) / jnp.sqrt(var2 + EPS)
        b2 = be2[i].reshape(1, AF) - mu2 * a2
        aff2 = jnp.concatenate([a2, b2], axis=0)

    return _final(x, t, aff2, W_fc, b_fc, W_out, b_out)

# --- scband reference (transcript-rebuilt; emitter-appended) ---
"""Pipeline reference for scband-crystal-graph-conv-net-38740605010104 (READ-ONLY COPY).

The authoritative reference and input builder live on the scoring server;
editing this copy changes nothing except your own understanding.
"""

import jax, jax.numpy as jnp
import numpy as np

N = 10000
M = 32
ORIG = 92
NBR = 16
AF = 128
NCONV = 3
H = 128
N0 = 100
A = 100


def setup_inputs(seed: int = 0) -> dict:
    key = jax.random.key(seed)
    ks = jax.random.split(key, 12)
    atom_fea = jax.random.normal(ks[0], (N, ORIG), dtype=jnp.float32)
    nbr_fea = jax.random.normal(ks[1], (N, M, NBR), dtype=jnp.float32)
    nbr_fea_idx = jax.random.randint(ks[2], (N, M), 0, N).astype(jnp.int64)
    crystal_atom_idx = jnp.arange(N0 * A, dtype=jnp.int64).reshape(N0, A)
    # learned parameters
    W_emb = jax.random.normal(ks[3], (ORIG, AF), dtype=jnp.float32) * 0.05
    b_emb = jnp.zeros((AF,), dtype=jnp.float32)
    Wc = jax.random.normal(ks[4], (NCONV, 2 * AF + NBR, 2 * AF), dtype=jnp.float32) * 0.05
    bc = jnp.zeros((NCONV, 2 * AF), dtype=jnp.float32)
    g1 = jnp.ones((NCONV, 2 * AF), dtype=jnp.float32)
    be1 = jnp.zeros((NCONV, 2 * AF), dtype=jnp.float32)
    g2 = jnp.ones((NCONV, AF), dtype=jnp.float32)
    be2 = jnp.zeros((NCONV, AF), dtype=jnp.float32)
    W_fc = jax.random.normal(ks[5], (AF, H), dtype=jnp.float32) * 0.05
    b_fc = jnp.zeros((H,), dtype=jnp.float32)
    W_out = jax.random.normal(ks[6], (H, 1), dtype=jnp.float32) * 0.05
    b_out = jnp.zeros((1,), dtype=jnp.float32)
    return {
        'atom_fea': atom_fea, 'nbr_fea': nbr_fea,
        'nbr_fea_idx': nbr_fea_idx, 'crystal_atom_idx': crystal_atom_idx,
        'W_emb': W_emb, 'b_emb': b_emb, 'Wc': Wc, 'bc': bc,
        'g1': g1, 'be1': be1, 'g2': g2, 'be2': be2,
        'W_fc': W_fc, 'b_fc': b_fc, 'W_out': W_out, 'b_out': b_out,
    }


def _bn(x, g, b, eps=1e-3):
    mu = jnp.mean(x, axis=0, keepdims=True)
    var = jnp.var(x, axis=0, keepdims=True)
    return g * (x - mu) / jnp.sqrt(var + eps) + b


def reference(atom_fea, nbr_fea, nbr_fea_idx, crystal_atom_idx,
              W_emb, b_emb, Wc, bc, g1, be1, g2, be2,
              W_fc, b_fc, W_out, b_out):
    # embedding
    x = atom_fea @ W_emb + b_emb  # [N, AF]
    # conv layers
    for i in range(NCONV):
        atom_nbr_fea = jnp.take(x, nbr_fea_idx, axis=0)  # [N, M, AF] gather
        self_fea = jnp.broadcast_to(x[:, None, :], (N, M, AF))
        total_nbr_fea = jnp.concatenate([self_fea, atom_nbr_fea, nbr_fea], axis=2)  # [N, M, 2AF+NBR]
        total_gated_fea = total_nbr_fea @ Wc[i] + bc[i]  # [N, M, 2AF]
        total_gated_fea = _bn(total_gated_fea.reshape(-1, 2 * AF), g1[i], be1[i]).reshape(N, M, 2 * AF)
        nbr_filter, nbr_core = jnp.split(total_gated_fea, 2, axis=2)
        nbr_filter = jax.nn.sigmoid(nbr_filter)
        nbr_core = jax.nn.softplus(nbr_core)
        nbr_sumed = jnp.sum(nbr_filter * nbr_core, axis=1)  # [N, AF]
        nbr_sumed = _bn(nbr_sumed, g2[i], be2[i])
        x = jax.nn.softplus(x + nbr_sumed)
    # pooling: mean of atom features per crystal (equal-size crystals)
    crys_fea = jnp.mean(jnp.take(x, crystal_atom_idx, axis=0), axis=1)  # [N0, AF]
    crys_fea = jax.nn.softplus(crys_fea) @ W_fc + b_fc
    crys_fea = jax.nn.softplus(crys_fea)
    out = crys_fea @ W_out + b_out  # [N0, 1]
    return out

if __name__ == "__main__":
    import jax
    _d = setup_inputs()
    print(jax.jit(kernel)(*tuple(_d.values())))

</pallas_src>

<mosaic_0001>
#map = affine_map<(d0, d1) -> (0, 0)>
#map1 = affine_map<(d0, d1) -> (0)>
module attributes {stable_mosaic.version = 14 : i64} {
  func.func @k(%arg0: i32, %arg1: i32, %arg2: memref<10000x256xf32, #tpu.memory_space<hbm>>, %arg3: memref<160000xi32, #tpu.memory_space<hbm>>, %arg4: memref<160000x256xf32, #tpu.memory_space<hbm>>, %arg5: memref<128xi32, #tpu.memory_space<vmem>>, %arg6: memref<128xi32, #tpu.memory_space<vmem>>, %arg7: memref<128x256xf32, #tpu.memory_space<vmem>>, %arg8: memref<128x256xf32, #tpu.memory_space<vmem>>, %arg9: memref<!tpu.dma_semaphore, #tpu.memory_space<semaphore_mem>>, %arg10: memref<!tpu.dma_semaphore, #tpu.memory_space<semaphore_mem>>, %arg11: memref<!tpu.dma_semaphore, #tpu.memory_space<semaphore_mem>>, %arg12: memref<!tpu.dma_semaphore, #tpu.memory_space<semaphore_mem>>) attributes {dimension_semantics = [#tpu.dimension_semantics<core_parallel>, #tpu.dimension_semantics<subcore_parallel>], iteration_bounds = array<i64: 2, 16>, scalar_prefetch = 0 : i64, scratch_operands = 8 : i64, tpu.core_type = #tpu.core_type<sc_vector_subcore>, window_params = [{transform_indices = #map}, {transform_indices = #map1}, {transform_indices = #map}]} {
    %mul3A = arith.constant 2 : i32
    %mul3A_0 = arith.muli %arg1, %mul3A : i32
    %add3A = arith.addi %mul3A_0, %arg0 : i32
    %mul3A_1 = arith.constant 5000 : i32
    %mul3A_2 = arith.muli %add3A, %mul3A_1 : i32
    %scan3A = arith.constant 0 : i32
    %scan3A_3 = arith.constant 0 : i32
    %scan3A_4 = arith.constant 19 : i32
    %scan3A_5 = arith.addi %scan3A_3, %scan3A_4 : i32
    %scan3A_6 = arith.constant 1 : i32
    scf.for %scan3A_62 = %scan3A_3 to %scan3A_5 step %scan3A_6  : i32 {
      %mul3A_63 = arith.constant 2 : i32
      %mul3A_64 = arith.muli %mul3A_63, %scan3A_62 : i32
      %add3A_65 = arith.constant 0 : i32
      %add3A_66 = arith.addi %mul3A_64, %add3A_65 : i32
      %mul3A_67 = arith.constant 128 : i32
      %mul3A_68 = arith.muli %add3A_66, %mul3A_67 : i32
      %add3A_69 = arith.addi %mul3A_2, %mul3A_68 : i32
      %mul3A_70 = arith.constant 2 : i32
      %mul3A_71 = arith.muli %mul3A_70, %scan3A_62 : i32
      %add3A_72 = arith.constant 1 : i32
      %add3A_73 = arith.addi %mul3A_71, %add3A_72 : i32
      %mul3A_74 = arith.constant 128 : i32
      %mul3A_75 = arith.muli %add3A_73, %mul3A_74 : i32
      %add3A_76 = arith.addi %mul3A_2, %mul3A_75 : i32
      "tpu.region"() ({
        %run_scoped3A = tpu.sem_alloc : memref<!tpu.dma_semaphore, #tpu.memory_space<semaphore_mem>>
        %dma_start3A_104 = tpu.memref_slice %arg3[%add3A_69] : memref<160000xi32, #tpu.memory_space<hbm>> -> memref<128xi32, #tpu.memory_space<hbm>>
        %dma_start3A_105 = tpu.memref_slice %arg3[%add3A_69] : memref<160000xi32, #tpu.memory_space<hbm>> -> memref<128xi32, #tpu.memory_space<hbm>>
        tpu.enqueue_dma source(%dma_start3A_105 : memref<128xi32, #tpu.memory_space<hbm>>) target(%arg5 : memref<128xi32, #tpu.memory_space<vmem>>) target_semaphore(%run_scoped3A : memref<!tpu.dma_semaphore, #tpu.memory_space<semaphore_mem>>)
        %dma_wait3A_106 = tpu.memref_slice %arg3[%add3A_69] : memref<160000xi32, #tpu.memory_space<hbm>> -> memref<128xi32, #tpu.memory_space<hbm>>
        %dma_wait3A_107 = tpu.memref_slice %arg3[%add3A_69] : memref<160000xi32, #tpu.memory_space<hbm>> -> memref<128xi32, #tpu.memory_space<hbm>>
        tpu.wait_dma2 semaphore(%run_scoped3A : memref<!tpu.dma_semaphore, #tpu.memory_space<semaphore_mem>>) src(%dma_wait3A_107 : memref<128xi32, #tpu.memory_space<hbm>>) dst(%arg5 : memref<128xi32, #tpu.memory_space<vmem>>)
        tpu.yield
      }) : () -> ()
      %gt3A = arith.constant 0 : i32
      %gt3A_77 = arith.cmpi sgt, %scan3A_62, %gt3A : i32
      %convert_element_type3A = arith.extui %gt3A_77 : i1 to i32
      %cond3A = arith.constant 0 : i32
      %cond3A_78 = arith.cmpi ne, %convert_element_type3A, %cond3A : i32
      scf.if %cond3A_78 {
        %dma_wait3A_104 = arith.constant 0 : i32
        %dma_wait3A_105 = tpu.memref_slice %arg4[%add3A_69, %dma_wait3A_104] : memref<160000x256xf32, #tpu.memory_space<hbm>> -> memref<128x256xf32, #tpu.memory_space<hbm>>
        %dma_wait3A_106 = arith.constant 0 : i32
        %dma_wait3A_107 = tpu.memref_slice %arg4[%add3A_69, %dma_wait3A_106] : memref<160000x256xf32, #tpu.memory_space<hbm>> -> memref<128x256xf32, #tpu.memory_space<hbm>>
        tpu.wait_dma2 semaphore(%arg11 : memref<!tpu.dma_semaphore, #tpu.memory_space<semaphore_mem>>) src(%arg7 : memref<128x256xf32, #tpu.memory_space<vmem>>) dst(%dma_wait3A_107 : memref<128x256xf32, #tpu.memory_space<hbm>>)
      } else {
      }
      %dma_start3A_79 = arith.constant 0 : i32
      %dma_start3A_80 = arith.constant 0 : i32
      %dma_start3A_81 = tpu.memref_slice %arg2[%dma_start3A_79, %dma_start3A_80] : memref<10000x256xf32, #tpu.memory_space<hbm>> -> memref<10000x256xf32, #tpu.memory_space<hbm>>
      tpu.enqueue_indirect_dma source(%dma_start3A_81 : memref<10000x256xf32, #tpu.memory_space<hbm>>) target(%arg7 : memref<128x256xf32, #tpu.memory_space<vmem>>) offsets(%arg5 : memref<128xi32, #tpu.memory_space<vmem>>) semaphore(%arg9 : memref<!tpu.dma_semaphore, #tpu.memory_space<semaphore_mem>>)
      "tpu.region"() ({
        %run_scoped3A = tpu.sem_alloc : memref<!tpu.dma_semaphore, #tpu.memory_space<semaphore_mem>>
        %dma_start3A_104 = tpu.memref_slice %arg3[%add3A_76] : memref<160000xi32, #tpu.memory_space<hbm>> -> memref<128xi32, #tpu.memory_space<hbm>>
        %dma_start3A_105 = tpu.memref_slice %arg3[%add3A_76] : memref<160000xi32, #tpu.memory_space<hbm>> -> memref<128xi32, #tpu.memory_space<hbm>>
        tpu.enqueue_dma source(%dma_start3A_105 : memref<128xi32, #tpu.memory_space<hbm>>) target(%arg6 : memref<128xi32, #tpu.memory_space<vmem>>) target_semaphore(%run_scoped3A : memref<!tpu.dma_semaphore, #tpu.memory_space<semaphore_mem>>)
        %dma_wait3A_106 = tpu.memref_slice %arg3[%add3A_76] : memref<160000xi32, #tpu.memory_space<hbm>> -> memref<128xi32, #tpu.memory_space<hbm>>
        %dma_wait3A_107 = tpu.memref_slice %arg3[%add3A_76] : memref<160000xi32, #tpu.memory_space<hbm>> -> memref<128xi32, #tpu.memory_space<hbm>>
        tpu.wait_dma2 semaphore(%run_scoped3A : memref<!tpu.dma_semaphore, #tpu.memory_space<semaphore_mem>>) src(%dma_wait3A_107 : memref<128xi32, #tpu.memory_space<hbm>>) dst(%arg6 : memref<128xi32, #tpu.memory_space<vmem>>)
        tpu.yield
      }) : () -> ()
      %gt3A_82 = arith.constant 0 : i32
      %gt3A_83 = arith.cmpi sgt, %scan3A_62, %gt3A_82 : i32
      %convert_element_type3A_84 = arith.extui %gt3A_83 : i1 to i32
      %cond3A_85 = arith.constant 0 : i32
      %cond3A_86 = arith.cmpi ne, %convert_element_type3A_84, %cond3A_85 : i32
      scf.if %cond3A_86 {
        %dma_wait3A_104 = arith.constant 0 : i32
        %dma_wait3A_105 = tpu.memref_slice %arg4[%add3A_76, %dma_wait3A_104] : memref<160000x256xf32, #tpu.memory_space<hbm>> -> memref<128x256xf32, #tpu.memory_space<hbm>>
        %dma_wait3A_106 = arith.constant 0 : i32
        %dma_wait3A_107 = tpu.memref_slice %arg4[%add3A_76, %dma_wait3A_106] : memref<160000x256xf32, #tpu.memory_space<hbm>> -> memref<128x256xf32, #tpu.memory_space<hbm>>
        tpu.wait_dma2 semaphore(%arg12 : memref<!tpu.dma_semaphore, #tpu.memory_space<semaphore_mem>>) src(%arg8 : memref<128x256xf32, #tpu.memory_space<vmem>>) dst(%dma_wait3A_107 : memref<128x256xf32, #tpu.memory_space<hbm>>)
      } else {
      }
      %dma_start3A_87 = arith.constant 0 : i32
      %dma_start3A_88 = arith.constant 0 : i32
      %dma_start3A_89 = tpu.memref_slice %arg2[%dma_start3A_87, %dma_start3A_88] : memref<10000x256xf32, #tpu.memory_space<hbm>> -> memref<10000x256xf32, #tpu.memory_space<hbm>>
      tpu.enqueue_indirect_dma source(%dma_start3A_89 : memref<10000x256xf32, #tpu.memory_space<hbm>>) target(%arg8 : memref<128x256xf32, #tpu.memory_space<vmem>>) offsets(%arg6 : memref<128xi32, #tpu.memory_space<vmem>>) semaphore(%arg10 : memref<!tpu.dma_semaphore, #tpu.memory_space<semaphore_mem>>)
      %dma_wait3A_90 = arith.constant 0 : i32
      %dma_wait3A_91 = arith.constant 0 : i32
      %dma_wait3A_92 = tpu.memref_slice %arg2[%dma_wait3A_90, %dma_wait3A_91] : memref<10000x256xf32, #tpu.memory_space<hbm>> -> memref<10000x256xf32, #tpu.memory_space<hbm>>
      tpu.wait_indirect_dma semaphore(%arg9 : memref<!tpu.dma_semaphore, #tpu.memory_space<semaphore_mem>>) src(%dma_wait3A_92 : memref<10000x256xf32, #tpu.memory_space<hbm>>) dst(%arg7 : memref<128x256xf32, #tpu.memory_space<vmem>>)
      %dma_start3A_93 = arith.constant 0 : i32
      %dma_start3A_94 = tpu.memref_slice %arg4[%add3A_69, %dma_start3A_93] : memref<160000x256xf32, #tpu.memory_space<hbm>> -> memref<128x256xf32, #tpu.memory_space<hbm>>
      %dma_start3A_95 = arith.constant 0 : i32
      %dma_start3A_96 = tpu.memref_slice %arg4[%add3A_69, %dma_start3A_95] : memref<160000x256xf32, #tpu.memory_space<hbm>> -> memref<128x256xf32, #tpu.memory_space<hbm>>
      tpu.enqueue_dma source(%arg7 : memref<128x256xf32, #tpu.memory_space<vmem>>) target(%dma_start3A_96 : memref<128x256xf32, #tpu.memory_space<hbm>>) target_semaphore(%arg11 : memref<!tpu.dma_semaphore, #tpu.memory_space<semaphore_mem>>)
      %dma_wait3A_97 = arith.constant 0 : i32
      %dma_wait3A_98 = arith.constant 0 : i32
      %dma_wait3A_99 = tpu.memref_slice %arg2[%dma_wait3A_97, %dma_wait3A_98] : memref<10000x256xf32, #tpu.memory_space<hbm>> -> memref<10000x256xf32, #tpu.memory_space<hbm>>
      tpu.wait_indirect_dma semaphore(%arg10 : memref<!tpu.dma_semaphore, #tpu.memory_space<semaphore_mem>>) src(%dma_wait3A_99 : memref<10000x256xf32, #tpu.memory_space<hbm>>) dst(%arg8 : memref<128x256xf32, #tpu.memory_space<vmem>>)
      %dma_start3A_100 = arith.constant 0 : i32
      %dma_start3A_101 = tpu.memref_slice %arg4[%add3A_76, %dma_start3A_100] : memref<160000x256xf32, #tpu.memory_space<hbm>> -> memref<128x256xf32, #tpu.memory_space<hbm>>
      %dma_start3A_102 = arith.constant 0 : i32
      %dma_start3A_103 = tpu.memref_slice %arg4[%add3A_76, %dma_start3A_102] : memref<160000x256xf32, #tpu.memory_space<hbm>> -> memref<128x256xf32, #tpu.memory_space<hbm>>
      tpu.enqueue_dma source(%arg8 : memref<128x256xf32, #tpu.memory_space<vmem>>) target(%dma_start3A_103 : memref<128x256xf32, #tpu.memory_space<hbm>>) target_semaphore(%arg12 : memref<!tpu.dma_semaphore, #tpu.memory_space<semaphore_mem>>)
    }
    %scan3A_7 = arith.constant 19 : i32
    %add3A_8 = arith.constant 4608 : i32
    %add3A_9 = arith.addi %mul3A_2, %add3A_8 : i32
    %add3A_10 = arith.constant 0 : i32
    %add3A_11 = arith.addi %add3A_9, %add3A_10 : i32
    %dma_wait3A = arith.constant 0 : i32
    %dma_wait3A_12 = tpu.memref_slice %arg4[%add3A_11, %dma_wait3A] : memref<160000x256xf32, #tpu.memory_space<hbm>> -> memref<128x256xf32, #tpu.memory_space<hbm>>
    %dma_wait3A_13 = arith.constant 0 : i32
    %dma_wait3A_14 = tpu.memref_slice %arg4[%add3A_11, %dma_wait3A_13] : memref<160000x256xf32, #tpu.memory_space<hbm>> -> memref<128x256xf32, #tpu.memory_space<hbm>>
    tpu.wait_dma2 semaphore(%arg11 : memref<!tpu.dma_semaphore, #tpu.memory_space<semaphore_mem>>) src(%arg7 : memref<128x256xf32, #tpu.memory_space<vmem>>) dst(%dma_wait3A_14 : memref<128x256xf32, #tpu.memory_space<hbm>>)
    %add3A_15 = arith.constant 128 : i32
    %add3A_16 = arith.addi %add3A_9, %add3A_15 : i32
    %dma_wait3A_17 = arith.constant 0 : i32
    %dma_wait3A_18 = tpu.memref_slice %arg4[%add3A_16, %dma_wait3A_17] : memref<160000x256xf32, #tpu.memory_space<hbm>> -> memref<128x256xf32, #tpu.memory_space<hbm>>
    %dma_wait3A_19 = arith.constant 0 : i32
    %dma_wait3A_20 = tpu.memref_slice %arg4[%add3A_16, %dma_wait3A_19] : memref<160000x256xf32, #tpu.memory_space<hbm>> -> memref<128x256xf32, #tpu.memory_space<hbm>>
    tpu.wait_dma2 semaphore(%arg12 : memref<!tpu.dma_semaphore, #tpu.memory_space<semaphore_mem>>) src(%arg8 : memref<128x256xf32, #tpu.memory_space<vmem>>) dst(%dma_wait3A_20 : memref<128x256xf32, #tpu.memory_space<hbm>>)
    %add3A_21 = arith.constant 4864 : i32
    %add3A_22 = arith.addi %mul3A_2, %add3A_21 : i32
    %add3A_23 = arith.constant 0 : i32
    %add3A_24 = arith.addi %add3A_22, %add3A_23 : i32
    "tpu.region"() ({
      %run_scoped3A = tpu.sem_alloc : memref<!tpu.dma_semaphore, #tpu.memory_space<semaphore_mem>>
      %dma_start3A_62 = arith.constant 0 : i32
      %dma_start3A_63 = tpu.memref_slice %arg5[%dma_start3A_62] : memref<128xi32, #tpu.memory_space<vmem>> -> memref<128xi32, #tpu.memory_space<vmem>>
      %dma_start3A_64 = tpu.memref_slice %arg3[%add3A_24] : memref<160000xi32, #tpu.memory_space<hbm>> -> memref<128xi32, #tpu.memory_space<hbm>>
      %dma_start3A_65 = arith.constant 0 : i32
      %dma_start3A_66 = tpu.memref_slice %arg5[%dma_start3A_65] : memref<128xi32, #tpu.memory_space<vmem>> -> memref<128xi32, #tpu.memory_space<vmem>>
      %dma_start3A_67 = tpu.memref_slice %arg3[%add3A_24] : memref<160000xi32, #tpu.memory_space<hbm>> -> memref<128xi32, #tpu.memory_space<hbm>>
      tpu.enqueue_dma source(%dma_start3A_67 : memref<128xi32, #tpu.memory_space<hbm>>) target(%dma_start3A_66 : memref<128xi32, #tpu.memory_space<vmem>>) target_semaphore(%run_scoped3A : memref<!tpu.dma_semaphore, #tpu.memory_space<semaphore_mem>>)
      %dma_wait3A_68 = arith.constant 0 : i32
      %dma_wait3A_69 = tpu.memref_slice %arg5[%dma_wait3A_68] : memref<128xi32, #tpu.memory_space<vmem>> -> memref<128xi32, #tpu.memory_space<vmem>>
      %dma_wait3A_70 = tpu.memref_slice %arg3[%add3A_24] : memref<160000xi32, #tpu.memory_space<hbm>> -> memref<128xi32, #tpu.memory_space<hbm>>
      %dma_wait3A_71 = arith.constant 0 : i32
      %dma_wait3A_72 = tpu.memref_slice %arg5[%dma_wait3A_71] : memref<128xi32, #tpu.memory_space<vmem>> -> memref<128xi32, #tpu.memory_space<vmem>>
      %dma_wait3A_73 = tpu.memref_slice %arg3[%add3A_24] : memref<160000xi32, #tpu.memory_space<hbm>> -> memref<128xi32, #tpu.memory_space<hbm>>
      tpu.wait_dma2 semaphore(%run_scoped3A : memref<!tpu.dma_semaphore, #tpu.memory_space<semaphore_mem>>) src(%dma_wait3A_73 : memref<128xi32, #tpu.memory_space<hbm>>) dst(%dma_wait3A_72 : memref<128xi32, #tpu.memory_space<vmem>>)
      tpu.yield
    }) : () -> ()
    %dma_start3A = arith.constant 0 : i32
    %dma_start3A_25 = arith.constant 0 : i32
    %dma_start3A_26 = tpu.memref_slice %arg7[%dma_start3A, %dma_start3A_25] : memref<128x256xf32, #tpu.memory_space<vmem>> -> memref<128x256xf32, #tpu.memory_space<vmem>>
    %dma_start3A_27 = arith.constant 0 : i32
    %dma_start3A_28 = tpu.memref_slice %arg5[%dma_start3A_27] : memref<128xi32, #tpu.memory_space<vmem>> -> memref<128xi32, #tpu.memory_space<vmem>>
    %dma_start3A_29 = arith.constant 0 : i32
    %dma_start3A_30 = arith.constant 0 : i32
    %dma_start3A_31 = tpu.memref_slice %arg2[%dma_start3A_29, %dma_start3A_30] : memref<10000x256xf32, #tpu.memory_space<hbm>> -> memref<10000x256xf32, #tpu.memory_space<hbm>>
    tpu.enqueue_indirect_dma source(%dma_start3A_31 : memref<10000x256xf32, #tpu.memory_space<hbm>>) target(%dma_start3A_26 : memref<128x256xf32, #tpu.memory_space<vmem>>) offsets(%dma_start3A_28 : memref<128xi32, #tpu.memory_space<vmem>>) semaphore(%arg9 : memref<!tpu.dma_semaphore, #tpu.memory_space<semaphore_mem>>)
    %dma_wait3A_32 = arith.constant 0 : i32
    %dma_wait3A_33 = arith.constant 0 : i32
    %dma_wait3A_34 = tpu.memref_slice %arg7[%dma_wait3A_32, %dma_wait3A_33] : memref<128x256xf32, #tpu.memory_space<vmem>> -> memref<128x256xf32, #tpu.memory_space<vmem>>
    %dma_wait3A_35 = arith.constant 0 : i32
    %dma_wait3A_36 = tpu.memref_slice %arg5[%dma_wait3A_35] : memref<128xi32, #tpu.memory_space<vmem>> -> memref<128xi32, #tpu.memory_space<vmem>>
    %dma_wait3A_37 = arith.constant 0 : i32
    %dma_wait3A_38 = arith.constant 0 : i32
    %dma_wait3A_39 = tpu.memref_slice %arg2[%dma_wait3A_37, %dma_wait3A_38] : memref<10000x256xf32, #tpu.memory_space<hbm>> -> memref<10000x256xf32, #tpu.memory_space<hbm>>
    tpu.wait_indirect_dma semaphore(%arg9 : memref<!tpu.dma_semaphore, #tpu.memory_space<semaphore_mem>>) src(%dma_wait3A_39 : memref<10000x256xf32, #tpu.memory_space<hbm>>) dst(%dma_wait3A_34 : memref<128x256xf32, #tpu.memory_space<vmem>>)
    %add3A_40 = arith.constant 0 : i32
    %add3A_41 = arith.addi %add3A_22, %add3A_40 : i32
    "tpu.region"() ({
      %run_scoped3A = tpu.sem_alloc : memref<!tpu.dma_semaphore, #tpu.memory_space<semaphore_mem>>
      %dma_start3A_62 = arith.constant 0 : i32
      %dma_start3A_63 = arith.constant 0 : i32
      %dma_start3A_64 = tpu.memref_slice %arg7[%dma_start3A_62, %dma_start3A_63] : memref<128x256xf32, #tpu.memory_space<vmem>> -> memref<128x256xf32, #tpu.memory_space<vmem>>
      %dma_start3A_65 = arith.constant 0 : i32
      %dma_start3A_66 = tpu.memref_slice %arg4[%add3A_41, %dma_start3A_65] : memref<160000x256xf32, #tpu.memory_space<hbm>> -> memref<128x256xf32, #tpu.memory_space<hbm>>
      %dma_start3A_67 = arith.constant 0 : i32
      %dma_start3A_68 = tpu.memref_slice %arg4[%add3A_41, %dma_start3A_67] : memref<160000x256xf32, #tpu.memory_space<hbm>> -> memref<128x256xf32, #tpu.memory_space<hbm>>
      %dma_start3A_69 = arith.constant 0 : i32
      %dma_start3A_70 = arith.constant 0 : i32
      %dma_start3A_71 = tpu.memref_slice %arg7[%dma_start3A_69, %dma_start3A_70] : memref<128x256xf32, #tpu.memory_space<vmem>> -> memref<128x256xf32, #tpu.memory_space<vmem>>
      tpu.enqueue_dma source(%dma_start3A_71 : memref<128x256xf32, #tpu.memory_space<vmem>>) target(%dma_start3A_68 : memref<128x256xf32, #tpu.memory_space<hbm>>) target_semaphore(%run_scoped3A : memref<!tpu.dma_semaphore, #tpu.memory_space<semaphore_mem>>)
      %dma_wait3A_72 = arith.constant 0 : i32
      %dma_wait3A_73 = arith.constant 0 : i32
      %dma_wait3A_74 = tpu.memref_slice %arg7[%dma_wait3A_72, %dma_wait3A_73] : memref<128x256xf32, #tpu.memory_space<vmem>> -> memref<128x256xf32, #tpu.memory_space<vmem>>
      %dma_wait3A_75 = arith.constant 0 : i32
      %dma_wait3A_76 = tpu.memref_slice %arg4[%add3A_41, %dma_wait3A_75] : memref<160000x256xf32, #tpu.memory_space<hbm>> -> memref<128x256xf32, #tpu.memory_space<hbm>>
      %dma_wait3A_77 = arith.constant 0 : i32
      %dma_wait3A_78 = tpu.memref_slice %arg4[%add3A_41, %dma_wait3A_77] : memref<160000x256xf32, #tpu.memory_space<hbm>> -> memref<128x256xf32, #tpu.memory_space<hbm>>
      %dma_wait3A_79 = arith.constant 0 : i32
      %dma_wait3A_80 = arith.constant 0 : i32
      %dma_wait3A_81 = tpu.memref_slice %arg7[%dma_wait3A_79, %dma_wait3A_80] : memref<128x256xf32, #tpu.memory_space<vmem>> -> memref<128x256xf32, #tpu.memory_space<vmem>>
      tpu.wait_dma2 semaphore(%run_scoped3A : memref<!tpu.dma_semaphore, #tpu.memory_space<semaphore_mem>>) src(%dma_wait3A_81 : memref<128x256xf32, #tpu.memory_space<vmem>>) dst(%dma_wait3A_78 : memref<128x256xf32, #tpu.memory_space<hbm>>)
      tpu.yield
    }) : () -> ()
    %add3A_42 = arith.constant 128 : i32
    %add3A_43 = arith.addi %add3A_22, %add3A_42 : i32
    "tpu.region"() ({
      %run_scoped3A = tpu.sem_alloc : memref<!tpu.dma_semaphore, #tpu.memory_space<semaphore_mem>>
      %dma_start3A_62 = arith.constant 0 : i32
      %dma_start3A_63 = tpu.memref_slice %arg5[%dma_start3A_62] : memref<128xi32, #tpu.memory_space<vmem>> -> memref<8xi32, #tpu.memory_space<vmem>>
      %dma_start3A_64 = tpu.memref_slice %arg3[%add3A_43] : memref<160000xi32, #tpu.memory_space<hbm>> -> memref<8xi32, #tpu.memory_space<hbm>>
      %dma_start3A_65 = arith.constant 0 : i32
      %dma_start3A_66 = tpu.memref_slice %arg5[%dma_start3A_65] : memref<128xi32, #tpu.memory_space<vmem>> -> memref<8xi32, #tpu.memory_space<vmem>>
      %dma_start3A_67 = tpu.memref_slice %arg3[%add3A_43] : memref<160000xi32, #tpu.memory_space<hbm>> -> memref<8xi32, #tpu.memory_space<hbm>>
      tpu.enqueue_dma source(%dma_start3A_67 : memref<8xi32, #tpu.memory_space<hbm>>) target(%dma_start3A_66 : memref<8xi32, #tpu.memory_space<vmem>>) target_semaphore(%run_scoped3A : memref<!tpu.dma_semaphore, #tpu.memory_space<semaphore_mem>>)
      %dma_wait3A_68 = arith.constant 0 : i32
      %dma_wait3A_69 = tpu.memref_slice %arg5[%dma_wait3A_68] : memref<128xi32, #tpu.memory_space<vmem>> -> memref<8xi32, #tpu.memory_space<vmem>>
      %dma_wait3A_70 = tpu.memref_slice %arg3[%add3A_43] : memref<160000xi32, #tpu.memory_space<hbm>> -> memref<8xi32, #tpu.memory_space<hbm>>
      %dma_wait3A_71 = arith.constant 0 : i32
      %dma_wait3A_72 = tpu.memref_slice %arg5[%dma_wait3A_71] : memref<128xi32, #tpu.memory_space<vmem>> -> memref<8xi32, #tpu.memory_space<vmem>>
      %dma_wait3A_73 = tpu.memref_slice %arg3[%add3A_43] : memref<160000xi32, #tpu.memory_space<hbm>> -> memref<8xi32, #tpu.memory_space<hbm>>
      tpu.wait_dma2 semaphore(%run_scoped3A : memref<!tpu.dma_semaphore, #tpu.memory_space<semaphore_mem>>) src(%dma_wait3A_73 : memref<8xi32, #tpu.memory_space<hbm>>) dst(%dma_wait3A_72 : memref<8xi32, #tpu.memory_space<vmem>>)
      tpu.yield
    }) : () -> ()
    %dma_start3A_44 = arith.constant 0 : i32
    %dma_start3A_45 = arith.constant 0 : i32
    %dma_start3A_46 = tpu.memref_slice %arg7[%dma_start3A_44, %dma_start3A_45] : memref<128x256xf32, #tpu.memory_space<vmem>> -> memref<8x256xf32, #tpu.memory_space<vmem>>
    %dma_start3A_47 = arith.constant 0 : i32
    %dma_start3A_48 = tpu.memref_slice %arg5[%dma_start3A_47] : memref<128xi32, #tpu.memory_space<vmem>> -> memref<8xi32, #tpu.memory_space<vmem>>
    %dma_start3A_49 = arith.constant 0 : i32
    %dma_start3A_50 = arith.constant 0 : i32
    %dma_start3A_51 = tpu.memref_slice %arg2[%dma_start3A_49, %dma_start3A_50] : memref<10000x256xf32, #tpu.memory_space<hbm>> -> memref<10000x256xf32, #tpu.memory_space<hbm>>
    tpu.enqueue_indirect_dma source(%dma_start3A_51 : memref<10000x256xf32, #tpu.memory_space<hbm>>) target(%dma_start3A_46 : memref<8x256xf32, #tpu.memory_space<vmem>>) offsets(%dma_start3A_48 : memref<8xi32, #tpu.memory_space<vmem>>) semaphore(%arg9 : memref<!tpu.dma_semaphore, #tpu.memory_space<semaphore_mem>>)
    %dma_wait3A_52 = arith.constant 0 : i32
    %dma_wait3A_53 = arith.constant 0 : i32
    %dma_wait3A_54 = tpu.memref_slice %arg7[%dma_wait3A_52, %dma_wait3A_53] : memref<128x256xf32, #tpu.memory_space<vmem>> -> memref<8x256xf32, #tpu.memory_space<vmem>>
    %dma_wait3A_55 = arith.constant 0 : i32
    %dma_wait3A_56 = tpu.memref_slice %arg5[%dma_wait3A_55] : memref<128xi32, #tpu.memory_space<vmem>> -> memref<8xi32, #tpu.memory_space<vmem>>
    %dma_wait3A_57 = arith.constant 0 : i32
    %dma_wait3A_58 = arith.constant 0 : i32
    %dma_wait3A_59 = tpu.memref_slice %arg2[%dma_wait3A_57, %dma_wait3A_58] : memref<10000x256xf32, #tpu.memory_space<hbm>> -> memref<10000x256xf32, #tpu.memory_space<hbm>>
    tpu.wait_indirect_dma semaphore(%arg9 : memref<!tpu.dma_semaphore, #tpu.memory_space<semaphore_mem>>) src(%dma_wait3A_59 : memref<10000x256xf32, #tpu.memory_space<hbm>>) dst(%dma_wait3A_54 : memref<8x256xf32, #tpu.memory_space<vmem>>)
    %add3A_60 = arith.constant 128 : i32
    %add3A_61 = arith.addi %add3A_22, %add3A_60 : i32
    "tpu.region"() ({
      %run_scoped3A = tpu.sem_alloc : memref<!tpu.dma_semaphore, #tpu.memory_space<semaphore_mem>>
      %dma_start3A_62 = arith.constant 0 : i32
      %dma_start3A_63 = arith.constant 0 : i32
      %dma_start3A_64 = tpu.memref_slice %arg7[%dma_start3A_62, %dma_start3A_63] : memref<128x256xf32, #tpu.memory_space<vmem>> -> memref<8x256xf32, #tpu.memory_space<vmem>>
      %dma_start3A_65 = arith.constant 0 : i32
      %dma_start3A_66 = tpu.memref_slice %arg4[%add3A_61, %dma_start3A_65] : memref<160000x256xf32, #tpu.memory_space<hbm>> -> memref<8x256xf32, #tpu.memory_space<hbm>>
      %dma_start3A_67 = arith.constant 0 : i32
      %dma_start3A_68 = tpu.memref_slice %arg4[%add3A_61, %dma_start3A_67] : memref<160000x256xf32, #tpu.memory_space<hbm>> -> memref<8x256xf32, #tpu.memory_space<hbm>>
      %dma_start3A_69 = arith.constant 0 : i32
      %dma_start3A_70 = arith.constant 0 : i32
      %dma_start3A_71 = tpu.memref_slice %arg7[%dma_start3A_69, %dma_start3A_70] : memref<128x256xf32, #tpu.memory_space<vmem>> -> memref<8x256xf32, #tpu.memory_space<vmem>>
      tpu.enqueue_dma source(%dma_start3A_71 : memref<8x256xf32, #tpu.memory_space<vmem>>) target(%dma_start3A_68 : memref<8x256xf32, #tpu.memory_space<hbm>>) target_semaphore(%run_scoped3A : memref<!tpu.dma_semaphore, #tpu.memory_space<semaphore_mem>>)
      %dma_wait3A_72 = arith.constant 0 : i32
      %dma_wait3A_73 = arith.constant 0 : i32
      %dma_wait3A_74 = tpu.memref_slice %arg7[%dma_wait3A_72, %dma_wait3A_73] : memref<128x256xf32, #tpu.memory_space<vmem>> -> memref<8x256xf32, #tpu.memory_space<vmem>>
      %dma_wait3A_75 = arith.constant 0 : i32
      %dma_wait3A_76 = tpu.memref_slice %arg4[%add3A_61, %dma_wait3A_75] : memref<160000x256xf32, #tpu.memory_space<hbm>> -> memref<8x256xf32, #tpu.memory_space<hbm>>
      %dma_wait3A_77 = arith.constant 0 : i32
      %dma_wait3A_78 = tpu.memref_slice %arg4[%add3A_61, %dma_wait3A_77] : memref<160000x256xf32, #tpu.memory_space<hbm>> -> memref<8x256xf32, #tpu.memory_space<hbm>>
      %dma_wait3A_79 = arith.constant 0 : i32
      %dma_wait3A_80 = arith.constant 0 : i32
      %dma_wait3A_81 = tpu.memref_slice %arg7[%dma_wait3A_79, %dma_wait3A_80] : memref<128x256xf32, #tpu.memory_space<vmem>> -> memref<8x256xf32, #tpu.memory_space<vmem>>
      tpu.wait_dma2 semaphore(%run_scoped3A : memref<!tpu.dma_semaphore, #tpu.memory_space<semaphore_mem>>) src(%dma_wait3A_81 : memref<8x256xf32, #tpu.memory_space<vmem>>) dst(%dma_wait3A_78 : memref<8x256xf32, #tpu.memory_space<hbm>>)
      tpu.yield
    }) : () -> ()
    return
  }
}

#map = affine_map<(d0, d1) -> (0, 0)>
#map1 = affine_map<(d0, d1) -> (0)>
module attributes {stable_mosaic.version = 14 : i64} {
  func.func @k(%arg0: i32, %arg1: i32, %arg2: memref<10000x256xf32, #tpu.memory_space<hbm>>, %arg3: memref<160000xi32, #tpu.memory_space<hbm>>, %arg4: memref<160000x256xf32, #tpu.memory_space<hbm>>, %arg5: memref<128xi32, #tpu.memory_space<vmem>>, %arg6: memref<128xi32, #tpu.memory_space<vmem>>, %arg7: memref<128x256xf32, #tpu.memory_space<vmem>>, %arg8: memref<128x256xf32, #tpu.memory_space<vmem>>, %arg9: memref<!tpu.dma_semaphore, #tpu.memory_space<semaphore_mem>>, %arg10: memref<!tpu.dma_semaphore, #tpu.memory_space<semaphore_mem>>, %arg11: memref<!tpu.dma_semaphore, #tpu.memory_space<semaphore_mem>>, %arg12: memref<!tpu.dma_semaphore, #tpu.memory_space<semaphore_mem>>) attributes {dimension_semantics = [#tpu.dimension_semantics<core_parallel>, #tpu.dimension_semantics<subcore_parallel>], iteration_bounds = array<i64: 2, 16>, scalar_prefetch = 0 : i64, scratch_operands = 8 : i64, tpu.core_type = #tpu.core_type<sc_vector_subcore>, window_params = [{transform_indices = #map}, {transform_indices = #map1}, {transform_indices = #map}]} {
    %mul3A = arith.constant 2 : i32
    %mul3A_0 = arith.muli %arg1, %mul3A : i32
    %add3A = arith.addi %mul3A_0, %arg0 : i32
    %mul3A_1 = arith.constant 5000 : i32
    %mul3A_2 = arith.muli %add3A, %mul3A_1 : i32
    %scan3A = arith.constant 0 : i32
    %scan3A_3 = arith.constant 0 : i32
    %scan3A_4 = arith.constant 19 : i32
    %scan3A_5 = arith.addi %scan3A_3, %scan3A_4 : i32
    %scan3A_6 = arith.constant 1 : i32
    scf.for %scan3A_62 = %scan3A_3 to %scan3A_5 step %scan3A_6  : i32 {
      %mul3A_63 = arith.constant 2 : i32
      %mul3A_64 = arith.muli %mul3A_63, %scan3A_62 : i32
      %add3A_65 = arith.constant 0 : i32
      %add3A_66 = arith.addi %mul3A_64, %add3A_65 : i32
      %mul3A_67 = arith.constant 128 : i32
      %mul3A_68 = arith.muli %add3A_66, %mul3A_67 : i32
      %add3A_69 = arith.addi %mul3A_2, %mul3A_68 : i32
      %mul3A_70 = arith.constant 2 : i32
      %mul3A_71 = arith.muli %mul3A_70, %scan3A_62 : i32
      %add3A_72 = arith.constant 1 : i32
      %add3A_73 = arith.addi %mul3A_71, %add3A_72 : i32
      %mul3A_74 = arith.constant 128 : i32
      %mul3A_75 = arith.muli %add3A_73, %mul3A_74 : i32
      %add3A_76 = arith.addi %mul3A_2, %mul3A_75 : i32
      "tpu.region"() ({
        %run_scoped3A = tpu.sem_alloc : memref<!tpu.dma_semaphore, #tpu.memory_space<semaphore_mem>>
        %dma_start3A_104 = tpu.memref_slice %arg3[%add3A_69] : memref<160000xi32, #tpu.memory_space<hbm>> -> memref<128xi32, #tpu.memory_space<hbm>>
        %dma_start3A_105 = tpu.memref_slice %arg3[%add3A_69] : memref<160000xi32, #tpu.memory_space<hbm>> -> memref<128xi32, #tpu.memory_space<hbm>>
        tpu.enqueue_dma source(%dma_start3A_105 : memref<128xi32, #tpu.memory_space<hbm>>) target(%arg5 : memref<128xi32, #tpu.memory_space<vmem>>) target_semaphore(%run_scoped3A : memref<!tpu.dma_semaphore, #tpu.memory_space<semaphore_mem>>)
        %dma_wait3A_106 = tpu.memref_slice %arg3[%add3A_69] : memref<160000xi32, #tpu.memory_space<hbm>> -> memref<128xi32, #tpu.memory_space<hbm>>
        %dma_wait3A_107 = tpu.memref_slice %arg3[%add3A_69] : memref<160000xi32, #tpu.memory_space<hbm>> -> memref<128xi32, #tpu.memory_space<hbm>>
        tpu.wait_dma2 semaphore(%run_scoped3A : memref<!tpu.dma_semaphore, #tpu.memory_space<semaphore_mem>>) src(%dma_wait3A_107 : memref<128xi32, #tpu.memory_space<hbm>>) dst(%arg5 : memref<128xi32, #tpu.memory_space<vmem>>)
        tpu.yield
      }) : () -> ()
      %gt3A = arith.constant 0 : i32
      %gt3A_77 = arith.cmpi sgt, %scan3A_62, %gt3A : i32
      %convert_element_type3A = arith.extui %gt3A_77 : i1 to i32
      %cond3A = arith.constant 0 : i32
      %cond3A_78 = arith.cmpi ne, %convert_element_type3A, %cond3A : i32
      scf.if %cond3A_78 {
        %dma_wait3A_104 = arith.constant 0 : i32
        %dma_wait3A_105 = tpu.memref_slice %arg4[%add3A_69, %dma_wait3A_104] : memref<160000x256xf32, #tpu.memory_space<hbm>> -> memref<128x256xf32, #tpu.memory_space<hbm>>
        %dma_wait3A_106 = arith.constant 0 : i32
        %dma_wait3A_107 = tpu.memref_slice %arg4[%add3A_69, %dma_wait3A_106] : memref<160000x256xf32, #tpu.memory_space<hbm>> -> memref<128x256xf32, #tpu.memory_space<hbm>>
        tpu.wait_dma2 semaphore(%arg11 : memref<!tpu.dma_semaphore, #tpu.memory_space<semaphore_mem>>) src(%arg7 : memref<128x256xf32, #tpu.memory_space<vmem>>) dst(%dma_wait3A_107 : memref<128x256xf32, #tpu.memory_space<hbm>>)
      } else {
      }
      %dma_start3A_79 = arith.constant 0 : i32
      %dma_start3A_80 = arith.constant 0 : i32
      %dma_start3A_81 = tpu.memref_slice %arg2[%dma_start3A_79, %dma_start3A_80] : memref<10000x256xf32, #tpu.memory_space<hbm>> -> memref<10000x256xf32, #tpu.memory_space<hbm>>
      tpu.enqueue_indirect_dma source(%dma_start3A_81 : memref<10000x256xf32, #tpu.memory_space<hbm>>) target(%arg7 : memref<128x256xf32, #tpu.memory_space<vmem>>) offsets(%arg5 : memref<128xi32, #tpu.memory_space<vmem>>) semaphore(%arg9 : memref<!tpu.dma_semaphore, #tpu.memory_space<semaphore_mem>>)
      "tpu.region"() ({
        %run_scoped3A = tpu.sem_alloc : memref<!tpu.dma_semaphore, #tpu.memory_space<semaphore_mem>>
        %dma_start3A_104 = tpu.memref_slice %arg3[%add3A_76] : memref<160000xi32, #tpu.memory_space<hbm>> -> memref<128xi32, #tpu.memory_space<hbm>>
        %dma_start3A_105 = tpu.memref_slice %arg3[%add3A_76] : memref<160000xi32, #tpu.memory_space<hbm>> -> memref<128xi32, #tpu.memory_space<hbm>>
        tpu.enqueue_dma source(%dma_start3A_105 : memref<128xi32, #tpu.memory_space<hbm>>) target(%arg6 : memref<128xi32, #tpu.memory_space<vmem>>) target_semaphore(%run_scoped3A : memref<!tpu.dma_semaphore, #tpu.memory_space<semaphore_mem>>)
        %dma_wait3A_106 = tpu.memref_slice %arg3[%add3A_76] : memref<160000xi32, #tpu.memory_space<hbm>> -> memref<128xi32, #tpu.memory_space<hbm>>
        %dma_wait3A_107 = tpu.memref_slice %arg3[%add3A_76] : memref<160000xi32, #tpu.memory_space<hbm>> -> memref<128xi32, #tpu.memory_space<hbm>>
        tpu.wait_dma2 semaphore(%run_scoped3A : memref<!tpu.dma_semaphore, #tpu.memory_space<semaphore_mem>>) src(%dma_wait3A_107 : memref<128xi32, #tpu.memory_space<hbm>>) dst(%arg6 : memref<128xi32, #tpu.memory_space<vmem>>)
        tpu.yield
      }) : () -> ()
      %gt3A_82 = arith.constant 0 : i32
      %gt3A_83 = arith.cmpi sgt, %scan3A_62, %gt3A_82 : i32
      %convert_element_type3A_84 = arith.extui %gt3A_83 : i1 to i32
      %cond3A_85 = arith.constant 0 : i32
      %cond3A_86 = arith.cmpi ne, %convert_element_type3A_84, %cond3A_85 : i32
      scf.if %cond3A_86 {
        %dma_wait3A_104 = arith.constant 0 : i32
        %dma_wait3A_105 = tpu.memref_slice %arg4[%add3A_76, %dma_wait3A_104] : memref<160000x256xf32, #tpu.memory_space<hbm>> -> memref<128x256xf32, #tpu.memory_space<hbm>>
        %dma_wait3A_106 = arith.constant 0 : i32
        %dma_wait3A_107 = tpu.memref_slice %arg4[%add3A_76, %dma_wait3A_106] : memref<160000x256xf32, #tpu.memory_space<hbm>> -> memref<128x256xf32, #tpu.memory_space<hbm>>
        tpu.wait_dma2 semaphore(%arg12 : memref<!tpu.dma_semaphore, #tpu.memory_space<semaphore_mem>>) src(%arg8 : memref<128x256xf32, #tpu.memory_space<vmem>>) dst(%dma_wait3A_107 : memref<128x256xf32, #tpu.memory_space<hbm>>)
      } else {
      }
      %dma_start3A_87 = arith.constant 0 : i32
      %dma_start3A_88 = arith.constant 0 : i32
      %dma_start3A_89 = tpu.memref_slice %arg2[%dma_start3A_87, %dma_start3A_88] : memref<10000x256xf32, #tpu.memory_space<hbm>> -> memref<10000x256xf32, #tpu.memory_space<hbm>>
      tpu.enqueue_indirect_dma source(%dma_start3A_89 : memref<10000x256xf32, #tpu.memory_space<hbm>>) target(%arg8 : memref<128x256xf32, #tpu.memory_space<vmem>>) offsets(%arg6 : memref<128xi32, #tpu.memory_space<vmem>>) semaphore(%arg10 : memref<!tpu.dma_semaphore, #tpu.memory_space<semaphore_mem>>)
      %dma_wait3A_90 = arith.constant 0 : i32
      %dma_wait3A_91 = arith.constant 0 : i32
      %dma_wait3A_92 = tpu.memref_slice %arg2[%dma_wait3A_90, %dma_wait3A_91] : memref<10000x256xf32, #tpu.memory_space<hbm>> -> memref<10000x256xf32, #tpu.memory_space<hbm>>
      tpu.wait_indirect_dma semaphore(%arg9 : memref<!tpu.dma_semaphore, #tpu.memory_space<semaphore_mem>>) src(%dma_wait3A_92 : memref<10000x256xf32, #tpu.memory_space<hbm>>) dst(%arg7 : memref<128x256xf32, #tpu.memory_space<vmem>>)
      %dma_start3A_93 = arith.constant 0 : i32
      %dma_start3A_94 = tpu.memref_slice %arg4[%add3A_69, %dma_start3A_93] : memref<160000x256xf32, #tpu.memory_space<hbm>> -> memref<128x256xf32, #tpu.memory_space<hbm>>
      %dma_start3A_95 = arith.constant 0 : i32
      %dma_start3A_96 = tpu.memref_slice %arg4[%add3A_69, %dma_start3A_95] : memref<160000x256xf32, #tpu.memory_space<hbm>> -> memref<128x256xf32, #tpu.memory_space<hbm>>
      tpu.enqueue_dma source(%arg7 : memref<128x256xf32, #tpu.memory_space<vmem>>) target(%dma_start3A_96 : memref<128x256xf32, #tpu.memory_space<hbm>>) target_semaphore(%arg11 : memref<!tpu.dma_semaphore, #tpu.memory_space<semaphore_mem>>)
      %dma_wait3A_97 = arith.constant 0 : i32
      %dma_wait3A_98 = arith.constant 0 : i32
      %dma_wait3A_99 = tpu.memref_slice %arg2[%dma_wait3A_97, %dma_wait3A_98] : memref<10000x256xf32, #tpu.memory_space<hbm>> -> memref<10000x256xf32, #tpu.memory_space<hbm>>
      tpu.wait_indirect_dma semaphore(%arg10 : memref<!tpu.dma_semaphore, #tpu.memory_space<semaphore_mem>>) src(%dma_wait3A_99 : memref<10000x256xf32, #tpu.memory_space<hbm>>) dst(%arg8 : memref<128x256xf32, #tpu.memory_space<vmem>>)
      %dma_start3A_100 = arith.constant 0 : i32
      %dma_start3A_101 = tpu.memref_slice %arg4[%add3A_76, %dma_start3A_100] : memref<160000x256xf32, #tpu.memory_space<hbm>> -> memref<128x256xf32, #tpu.memory_space<hbm>>
      %dma_start3A_102 = arith.constant 0 : i32
      %dma_start3A_103 = tpu.memref_slice %arg4[%add3A_76, %dma_start3A_102] : memref<160000x256xf32, #tpu.memory_space<hbm>> -> memref<128x256xf32, #tpu.memory_space<hbm>>
      tpu.enqueue_dma source(%arg8 : memref<128x256xf32, #tpu.memory_space<vmem>>) target(%dma_start3A_103 : memref<128x256xf32, #tpu.memory_space<hbm>>) target_semaphore(%arg12 : memref<!tpu.dma_semaphore, #tpu.memory_space<semaphore_mem>>)
    }
    %scan3A_7 = arith.constant 19 : i32
    %add3A_8 = arith.constant 4608 : i32
    %add3A_9 = arith.addi %mul3A_2, %add3A_8 : i32
    %add3A_10 = arith.constant 0 : i32
    %add3A_11 = arith.addi %add3A_9, %add3A_10 : i32
    %dma_wait3A = arith.constant 0 : i32
    %dma_wait3A_12 = tpu.memref_slice %arg4[%add3A_11, %dma_wait3A] : memref<160000x256xf32, #tpu.memory_space<hbm>> -> memref<128x256xf32, #tpu.memory_space<hbm>>
    %dma_wait3A_13 = arith.constant 0 : i32
    %dma_wait3A_14 = tpu.memref_slice %arg4[%add3A_11, %dma_wait3A_13] : memref<160000x256xf32, #tpu.memory_space<hbm>> -> memref<128x256xf32, #tpu.memory_space<hbm>>
    tpu.wait_dma2 semaphore(%arg11 : memref<!tpu.dma_semaphore, #tpu.memory_space<semaphore_mem>>) src(%arg7 : memref<128x256xf32, #tpu.memory_space<vmem>>) dst(%dma_wait3A_14 : memref<128x256xf32, #tpu.memory_space<hbm>>)
    %add3A_15 = arith.constant 128 : i32
    %add3A_16 = arith.addi %add3A_9, %add3A_15 : i32
    %dma_wait3A_17 = arith.constant 0 : i32
    %dma_wait3A_18 = tpu.memref_slice %arg4[%add3A_16, %dma_wait3A_17] : memref<160000x256xf32, #tpu.memory_space<hbm>> -> memref<128x256xf32, #tpu.memory_space<hbm>>
    %dma_wait3A_19 = arith.constant 0 : i32
    %dma_wait3A_20 = tpu.memref_slice %arg4[%add3A_16, %dma_wait3A_19] : memref<160000x256xf32, #tpu.memory_space<hbm>> -> memref<128x256xf32, #tpu.memory_space<hbm>>
    tpu.wait_dma2 semaphore(%arg12 : memref<!tpu.dma_semaphore, #tpu.memory_space<semaphore_mem>>) src(%arg8 : memref<128x256xf32, #tpu.memory_space<vmem>>) dst(%dma_wait3A_20 : memref<128x256xf32, #tpu.memory_space<hbm>>)
    %add3A_21 = arith.constant 4864 : i32
    %add3A_22 = arith.addi %mul3A_2, %add3A_21 : i32
    %add3A_23 = arith.constant 0 : i32
    %add3A_24 = arith.addi %add3A_22, %add3A_23 : i32
    "tpu.region"() ({
      %run_scoped3A = tpu.sem_alloc : memref<!tpu.dma_semaphore, #tpu.memory_space<semaphore_mem>>
      %dma_start3A_62 = arith.constant 0 : i32
      %dma_start3A_63 = tpu.memref_slice %arg5[%dma_start3A_62] : memref<128xi32, #tpu.memory_space<vmem>> -> memref<128xi32, #tpu.memory_space<vmem>>
      %dma_start3A_64 = tpu.memref_slice %arg3[%add3A_24] : memref<160000xi32, #tpu.memory_space<hbm>> -> memref<128xi32, #tpu.memory_space<hbm>>
      %dma_start3A_65 = arith.constant 0 : i32
      %dma_start3A_66 = tpu.memref_slice %arg5[%dma_start3A_65] : memref<128xi32, #tpu.memory_space<vmem>> -> memref<128xi32, #tpu.memory_space<vmem>>
      %dma_start3A_67 = tpu.memref_slice %arg3[%add3A_24] : memref<160000xi32, #tpu.memory_space<hbm>> -> memref<128xi32, #tpu.memory_space<hbm>>
      tpu.enqueue_dma source(%dma_start3A_67 : memref<128xi32, #tpu.memory_space<hbm>>) target(%dma_start3A_66 : memref<128xi32, #tpu.memory_space<vmem>>) target_semaphore(%run_scoped3A : memref<!tpu.dma_semaphore, #tpu.memory_space<semaphore_mem>>)
      %dma_wait3A_68 = arith.constant 0 : i32
      %dma_wait3A_69 = tpu.memref_slice %arg5[%dma_wait3A_68] : memref<128xi32, #tpu.memory_space<vmem>> -> memref<128xi32, #tpu.memory_space<vmem>>
      %dma_wait3A_70 = tpu.memref_slice %arg3[%add3A_24] : memref<160000xi32, #tpu.memory_space<hbm>> -> memref<128xi32, #tpu.memory_space<hbm>>
      %dma_wait3A_71 = arith.constant 0 : i32
      %dma_wait3A_72 = tpu.memref_slice %arg5[%dma_wait3A_71] : memref<128xi32, #tpu.memory_space<vmem>> -> memref<128xi32, #tpu.memory_space<vmem>>
      %dma_wait3A_73 = tpu.memref_slice %arg3[%add3A_24] : memref<160000xi32, #tpu.memory_space<hbm>> -> memref<128xi32, #tpu.memory_space<hbm>>
      tpu.wait_dma2 semaphore(%run_scoped3A : memref<!tpu.dma_semaphore, #tpu.memory_space<semaphore_mem>>) src(%dma_wait3A_73 : memref<128xi32, #tpu.memory_space<hbm>>) dst(%dma_wait3A_72 : memref<128xi32, #tpu.memory_space<vmem>>)
      tpu.yield
    }) : () -> ()
    %dma_start3A = arith.constant 0 : i32
    %dma_start3A_25 = arith.constant 0 : i32
    %dma_start3A_26 = tpu.memref_slice %arg7[%dma_start3A, %dma_start3A_25] : memref<128x256xf32, #tpu.memory_space<vmem>> -> memref<128x256xf32, #tpu.memory_space<vmem>>
    %dma_start3A_27 = arith.constant 0 : i32
    %dma_start3A_28 = tpu.memref_slice %arg5[%dma_start3A_27] : memref<128xi32, #tpu.memory_space<vmem>> -> memref<128xi32, #tpu.memory_space<vmem>>
    %dma_start3A_29 = arith.constant 0 : i32
    %dma_start3A_30 = arith.constant 0 : i32
    %dma_start3A_31 = tpu.memref_slice %arg2[%dma_start3A_29, %dma_start3A_30] : memref<10000x256xf32, #tpu.memory_space<hbm>> -> memref<10000x256xf32, #tpu.memory_space<hbm>>
    tpu.enqueue_indirect_dma source(%dma_start3A_31 : memref<10000x256xf32, #tpu.memory_space<hbm>>) target(%dma_start3A_26 : memref<128x256xf32, #tpu.memory_space<vmem>>) offsets(%dma_start3A_28 : memref<128xi32, #tpu.memory_space<vmem>>) semaphore(%arg9 : memref<!tpu.dma_semaphore, #tpu.memory_space<semaphore_mem>>)
    %dma_wait3A_32 = arith.constant 0 : i32
    %dma_wait3A_33 = arith.constant 0 : i32
    %dma_wait3A_34 = tpu.memref_slice %arg7[%dma_wait3A_32, %dma_wait3A_33] : memref<128x256xf32, #tpu.memory_space<vmem>> -> memref<128x256xf32, #tpu.memory_space<vmem>>
    %dma_wait3A_35 = arith.constant 0 : i32
    %dma_wait3A_36 = tpu.memref_slice %arg5[%dma_wait3A_35] : memref<128xi32, #tpu.memory_space<vmem>> -> memref<128xi32, #tpu.memory_space<vmem>>
    %dma_wait3A_37 = arith.constant 0 : i32
    %dma_wait3A_38 = arith.constant 0 : i32
    %dma_wait3A_39 = tpu.memref_slice %arg2[%dma_wait3A_37, %dma_wait3A_38] : memref<10000x256xf32, #tpu.memory_space<hbm>> -> memref<10000x256xf32, #tpu.memory_space<hbm>>
    tpu.wait_indirect_dma semaphore(%arg9 : memref<!tpu.dma_semaphore, #tpu.memory_space<semaphore_mem>>) src(%dma_wait3A_39 : memref<10000x256xf32, #tpu.memory_space<hbm>>) dst(%dma_wait3A_34 : memref<128x256xf32, #tpu.memory_space<vmem>>)
    %add3A_40 = arith.constant 0 : i32
    %add3A_41 = arith.addi %add3A_22, %add3A_40 : i32
    "tpu.region"() ({
      %run_scoped3A = tpu.sem_alloc : memref<!tpu.dma_semaphore, #tpu.memory_space<semaphore_mem>>
      %dma_start3A_62 = arith.constant 0 : i32
      %dma_start3A_63 = arith.constant 0 : i32
      %dma_start3A_64 = tpu.memref_slice %arg7[%dma_start3A_62, %dma_start3A_63] : memref<128x256xf32, #tpu.memory_space<vmem>> -> memref<128x256xf32, #tpu.memory_space<vmem>>
      %dma_start3A_65 = arith.constant 0 : i32
      %dma_start3A_66 = tpu.memref_slice %arg4[%add3A_41, %dma_start3A_65] : memref<160000x256xf32, #tpu.memory_space<hbm>> -> memref<128x256xf32, #tpu.memory_space<hbm>>
      %dma_start3A_67 = arith.constant 0 : i32
      %dma_start3A_68 = tpu.memref_slice %arg4[%add3A_41, %dma_start3A_67] : memref<160000x256xf32, #tpu.memory_space<hbm>> -> memref<128x256xf32, #tpu.memory_space<hbm>>
      %dma_start3A_69 = arith.constant 0 : i32
      %dma_start3A_70 = arith.constant 0 : i32
      %dma_start3A_71 = tpu.memref_slice %arg7[%dma_start3A_69, %dma_start3A_70] : memref<128x256xf32, #tpu.memory_space<vmem>> -> memref<128x256xf32, #tpu.memory_space<vmem>>
      tpu.enqueue_dma source(%dma_start3A_71 : memref<128x256xf32, #tpu.memory_space<vmem>>) target(%dma_start3A_68 : memref<128x256xf32, #tpu.memory_space<hbm>>) target_semaphore(%run_scoped3A : memref<!tpu.dma_semaphore, #tpu.memory_space<semaphore_mem>>)
      %dma_wait3A_72 = arith.constant 0 : i32
      %dma_wait3A_73 = arith.constant 0 : i32
      %dma_wait3A_74 = tpu.memref_slice %arg7[%dma_wait3A_72, %dma_wait3A_73] : memref<128x256xf32, #tpu.memory_space<vmem>> -> memref<128x256xf32, #tpu.memory_space<vmem>>
      %dma_wait3A_75 = arith.constant 0 : i32
      %dma_wait3A_76 = tpu.memref_slice %arg4[%add3A_41, %dma_wait3A_75] : memref<160000x256xf32, #tpu.memory_space<hbm>> -> memref<128x256xf32, #tpu.memory_space<hbm>>
      %dma_wait3A_77 = arith.constant 0 : i32
      %dma_wait3A_78 = tpu.memref_slice %arg4[%add3A_41, %dma_wait3A_77] : memref<160000x256xf32, #tpu.memory_space<hbm>> -> memref<128x256xf32, #tpu.memory_space<hbm>>
      %dma_wait3A_79 = arith.constant 0 : i32
      %dma_wait3A_80 = arith.constant 0 : i32
      %dma_wait3A_81 = tpu.memref_slice %arg7[%dma_wait3A_79, %dma_wait3A_80] : memref<128x256xf32, #tpu.memory_space<vmem>> -> memref<128x256xf32, #tpu.memory_space<vmem>>
      tpu.wait_dma2 semaphore(%run_scoped3A : memref<!tpu.dma_semaphore, #tpu.memory_space<semaphore_mem>>) src(%dma_wait3A_81 : memref<128x256xf32, #tpu.memory_space<vmem>>) dst(%dma_wait3A_78 : memref<128x256xf32, #tpu.memory_space<hbm>>)
      tpu.yield
    }) : () -> ()
    %add3A_42 = arith.constant 128 : i32
    %add3A_43 = arith.addi %add3A_22, %add3A_42 : i32
    "tpu.region"() ({
      %run_scoped3A = tpu.sem_alloc : memref<!tpu.dma_semaphore, #tpu.memory_space<semaphore_mem>>
      %dma_start3A_62 = arith.constant 0 : i32
      %dma_start3A_63 = tpu.memref_slice %arg5[%dma_start3A_62] : memref<128xi32, #tpu.memory_space<vmem>> -> memref<8xi32, #tpu.memory_space<vmem>>
      %dma_start3A_64 = tpu.memref_slice %arg3[%add3A_43] : memref<160000xi32, #tpu.memory_space<hbm>> -> memref<8xi32, #tpu.memory_space<hbm>>
      %dma_start3A_65 = arith.constant 0 : i32
      %dma_start3A_66 = tpu.memref_slice %arg5[%dma_start3A_65] : memref<128xi32, #tpu.memory_space<vmem>> -> memref<8xi32, #tpu.memory_space<vmem>>
      %dma_start3A_67 = tpu.memref_slice %arg3[%add3A_43] : memref<160000xi32, #tpu.memory_space<hbm>> -> memref<8xi32, #tpu.memory_space<hbm>>
      tpu.enqueue_dma source(%dma_start3A_67 : memref<8xi32, #tpu.memory_space<hbm>>) target(%dma_start3A_66 : memref<8xi32, #tpu.memory_space<vmem>>) target_semaphore(%run_scoped3A : memref<!tpu.dma_semaphore, #tpu.memory_space<semaphore_mem>>)
      %dma_wait3A_68 = arith.constant 0 : i32
      %dma_wait3A_69 = tpu.memref_slice %arg5[%dma_wait3A_68] : memref<128xi32, #tpu.memory_space<vmem>> -> memref<8xi32, #tpu.memory_space<vmem>>
      %dma_wait3A_70 = tpu.memref_slice %arg3[%add3A_43] : memref<160000xi32, #tpu.memory_space<hbm>> -> memref<8xi32, #tpu.memory_space<hbm>>
      %dma_wait3A_71 = arith.constant 0 : i32
      %dma_wait3A_72 = tpu.memref_slice %arg5[%dma_wait3A_71] : memref<128xi32, #tpu.memory_space<vmem>> -> memref<8xi32, #tpu.memory_space<vmem>>
      %dma_wait3A_73 = tpu.memref_slice %arg3[%add3A_43] : memref<160000xi32, #tpu.memory_space<hbm>> -> memref<8xi32, #tpu.memory_space<hbm>>
      tpu.wait_dma2 semaphore(%run_scoped3A : memref<!tpu.dma_semaphore, #tpu.memory_space<semaphore_mem>>) src(%dma_wait3A_73 : memref<8xi32, #tpu.memory_space<hbm>>) dst(%dma_wait3A_72 : memref<8xi32, #tpu.memory_space<vmem>>)
      tpu.yield
    }) : () -> ()
    %dma_start3A_44 = arith.constant 0 : i32
    %dma_start3A_45 = arith.constant 0 : i32
    %dma_start3A_46 = tpu.memref_slice %arg7[%dma_start3A_44, %dma_start3A_45] : memref<128x256xf32, #tpu.memory_space<vmem>> -> memref<8x256xf32, #tpu.memory_space<vmem>>
    %dma_start3A_47 = arith.constant 0 : i32
    %dma_start3A_48 = tpu.memref_slice %arg5[%dma_start3A_47] : memref<128xi32, #tpu.memory_space<vmem>> -> memref<8xi32, #tpu.memory_space<vmem>>
    %dma_start3A_49 = arith.constant 0 : i32
    %dma_start3A_50 = arith.constant 0 : i32
    %dma_start3A_51 = tpu.memref_slice %arg2[%dma_start3A_49, %dma_start3A_50] : memref<10000x256xf32, #tpu.memory_space<hbm>> -> memref<10000x256xf32, #tpu.memory_space<hbm>>
    tpu.enqueue_indirect_dma source(%dma_start3A_51 : memref<10000x256xf32, #tpu.memory_space<hbm>>) target(%dma_start3A_46 : memref<8x256xf32, #tpu.memory_space<vmem>>) offsets(%dma_start3A_48 : memref<8xi32, #tpu.memory_space<vmem>>) semaphore(%arg9 : memref<!tpu.dma_semaphore, #tpu.memory_space<semaphore_mem>>)
    %dma_wait3A_52 = arith.constant 0 : i32
    %dma_wait3A_53 = arith.constant 0 : i32
    %dma_wait3A_54 = tpu.memref_slice %arg7[%dma_wait3A_52, %dma_wait3A_53] : memref<128x256xf32, #tpu.memory_space<vmem>> -> memref<8x256xf32, #tpu.memory_space<vmem>>
    %dma_wait3A_55 = arith.constant 0 : i32
    %dma_wait3A_56 = tpu.memref_slice %arg5[%dma_wait3A_55] : memref<128xi32, #tpu.memory_space<vmem>> -> memref<8xi32, #tpu.memory_space<vmem>>
    %dma_wait3A_57 = arith.constant 0 : i32
    %dma_wait3A_58 = arith.constant 0 : i32
    %dma_wait3A_59 = tpu.memref_slice %arg2[%dma_wait3A_57, %dma_wait3A_58] : memref<10000x256xf32, #tpu.memory_space<hbm>> -> memref<10000x256xf32, #tpu.memory_space<hbm>>
    tpu.wait_indirect_dma semaphore(%arg9 : memref<!tpu.dma_semaphore, #tpu.memory_space<semaphore_mem>>) src(%dma_wait3A_59 : memref<10000x256xf32, #tpu.memory_space<hbm>>) dst(%dma_wait3A_54 : memref<8x256xf32, #tpu.memory_space<vmem>>)
    %add3A_60 = arith.constant 128 : i32
    %add3A_61 = arith.addi %add3A_22, %add3A_60 : i32
    "tpu.region"() ({
      %run_scoped3A = tpu.sem_alloc : memref<!tpu.dma_semaphore, #tpu.memory_space<semaphore_mem>>
      %dma_start3A_62 = arith.constant 0 : i32
      %dma_start3A_63 = arith.constant 0 : i32
      %dma_start3A_64 = tpu.memref_slice %arg7[%dma_start3A_62, %dma_start3A_63] : memref<128x256xf32, #tpu.memory_space<vmem>> -> memref<8x256xf32, #tpu.memory_space<vmem>>
      %dma_start3A_65 = arith.constant 0 : i32
      %dma_start3A_66 = tpu.memref_slice %arg4[%add3A_61, %dma_start3A_65] : memref<160000x256xf32, #tpu.memory_space<hbm>> -> memref<8x256xf32, #tpu.memory_space<hbm>>
      %dma_start3A_67 = arith.constant 0 : i32
      %dma_start3A_68 = tpu.memref_slice %arg4[%add3A_61, %dma_start3A_67] : memref<160000x256xf32, #tpu.memory_space<hbm>> -> memref<8x256xf32, #tpu.memory_space<hbm>>
      %dma_start3A_69 = arith.constant 0 : i32
      %dma_start3A_70 = arith.constant 0 : i32
      %dma_start3A_71 = tpu.memref_slice %arg7[%dma_start3A_69, %dma_start3A_70] : memref<128x256xf32, #tpu.memory_space<vmem>> -> memref<8x256xf32, #tpu.memory_space<vmem>>
      tpu.enqueue_dma source(%dma_start3A_71 : memref<8x256xf32, #tpu.memory_space<vmem>>) target(%dma_start3A_68 : memref<8x256xf32, #tpu.memory_space<hbm>>) target_semaphore(%run_scoped3A : memref<!tpu.dma_semaphore, #tpu.memory_space<semaphore_mem>>)
      %dma_wait3A_72 = arith.constant 0 : i32
      %dma_wait3A_73 = arith.constant 0 : i32
      %dma_wait3A_74 = tpu.memref_slice %arg7[%dma_wait3A_72, %dma_wait3A_73] : memref<128x256xf32, #tpu.memory_space<vmem>> -> memref<8x256xf32, #tpu.memory_space<vmem>>
      %dma_wait3A_75 = arith.constant 0 : i32
      %dma_wait3A_76 = tpu.memref_slice %arg4[%add3A_61, %dma_wait3A_75] : memref<160000x256xf32, #tpu.memory_space<hbm>> -> memref<8x256xf32, #tpu.memory_space<hbm>>
      %dma_wait3A_77 = arith.constant 0 : i32
      %dma_wait3A_78 = tpu.memref_slice %arg4[%add3A_61, %dma_wait3A_77] : memref<160000x256xf32, #tpu.memory_space<hbm>> -> memref<8x256xf32, #tpu.memory_space<hbm>>
      %dma_wait3A_79 = arith.constant 0 : i32
      %dma_wait3A_80 = arith.constant 0 : i32
      %dma_wait3A_81 = tpu.memref_slice %arg7[%dma_wait3A_79, %dma_wait3A_80] : memref<128x256xf32, #tpu.memory_space<vmem>> -> memref<8x256xf32, #tpu.memory_space<vmem>>
      tpu.wait_dma2 semaphore(%run_scoped3A : memref<!tpu.dma_semaphore, #tpu.memory_space<semaphore_mem>>) src(%dma_wait3A_81 : memref<8x256xf32, #tpu.memory_space<vmem>>) dst(%dma_wait3A_78 : memref<8x256xf32, #tpu.memory_space<hbm>>)
      tpu.yield
    }) : () -> ()
    return
  }
}

#map = affine_map<(d0, d1) -> (0, 0)>
#map1 = affine_map<(d0, d1) -> (0)>
module attributes {stable_mosaic.version = 14 : i64} {
  func.func @k(%arg0: i32, %arg1: i32, %arg2: memref<10000x256xf32, #tpu.memory_space<hbm>>, %arg3: memref<160000xi32, #tpu.memory_space<hbm>>, %arg4: memref<160000x256xf32, #tpu.memory_space<hbm>>, %arg5: memref<128xi32, #tpu.memory_space<vmem>>, %arg6: memref<128xi32, #tpu.memory_space<vmem>>, %arg7: memref<128x256xf32, #tpu.memory_space<vmem>>, %arg8: memref<128x256xf32, #tpu.memory_space<vmem>>, %arg9: memref<!tpu.dma_semaphore, #tpu.memory_space<semaphore_mem>>, %arg10: memref<!tpu.dma_semaphore, #tpu.memory_space<semaphore_mem>>, %arg11: memref<!tpu.dma_semaphore, #tpu.memory_space<semaphore_mem>>, %arg12: memref<!tpu.dma_semaphore, #tpu.memory_space<semaphore_mem>>) attributes {dimension_semantics = [#tpu.dimension_semantics<core_parallel>, #tpu.dimension_semantics<subcore_parallel>], iteration_bounds = array<i64: 2, 16>, scalar_prefetch = 0 : i64, scratch_operands = 8 : i64, tpu.core_type = #tpu.core_type<sc_vector_subcore>, window_params = [{transform_indices = #map}, {transform_indices = #map1}, {transform_indices = #map}]} {
    %mul3A = arith.constant 2 : i32
    %mul3A_0 = arith.muli %arg1, %mul3A : i32
    %add3A = arith.addi %mul3A_0, %arg0 : i32
    %mul3A_1 = arith.constant 5000 : i32
    %mul3A_2 = arith.muli %add3A, %mul3A_1 : i32
    %scan3A = arith.constant 0 : i32
    %scan3A_3 = arith.constant 0 : i32
    %scan3A_4 = arith.constant 19 : i32
    %scan3A_5 = arith.addi %scan3A_3, %scan3A_4 : i32
    %scan3A_6 = arith.constant 1 : i32
    scf.for %scan3A_62 = %scan3A_3 to %scan3A_5 step %scan3A_6  : i32 {
      %mul3A_63 = arith.constant 2 : i32
      %mul3A_64 = arith.muli %mul3A_63, %scan3A_62 : i32
      %add3A_65 = arith.constant 0 : i32
      %add3A_66 = arith.addi %mul3A_64, %add3A_65 : i32
      %mul3A_67 = arith.constant 128 : i32
      %mul3A_68 = arith.muli %add3A_66, %mul3A_67 : i32
      %add3A_69 = arith.addi %mul3A_2, %mul3A_68 : i32
      %mul3A_70 = arith.constant 2 : i32
      %mul3A_71 = arith.muli %mul3A_70, %scan3A_62 : i32
      %add3A_72 = arith.constant 1 : i32
      %add3A_73 = arith.addi %mul3A_71, %add3A_72 : i32
      %mul3A_74 = arith.constant 128 : i32
      %mul3A_75 = arith.muli %add3A_73, %mul3A_74 : i32
      %add3A_76 = arith.addi %mul3A_2, %mul3A_75 : i32
      "tpu.region"() ({
        %run_scoped3A = tpu.sem_alloc : memref<!tpu.dma_semaphore, #tpu.memory_space<semaphore_mem>>
        %dma_start3A_104 = tpu.memref_slice %arg3[%add3A_69] : memref<160000xi32, #tpu.memory_space<hbm>> -> memref<128xi32, #tpu.memory_space<hbm>>
        %dma_start3A_105 = tpu.memref_slice %arg3[%add3A_69] : memref<160000xi32, #tpu.memory_space<hbm>> -> memref<128xi32, #tpu.memory_space<hbm>>
        tpu.enqueue_dma source(%dma_start3A_105 : memref<128xi32, #tpu.memory_space<hbm>>) target(%arg5 : memref<128xi32, #tpu.memory_space<vmem>>) target_semaphore(%run_scoped3A : memref<!tpu.dma_semaphore, #tpu.memory_space<semaphore_mem>>)
        %dma_wait3A_106 = tpu.memref_slice %arg3[%add3A_69] : memref<160000xi32, #tpu.memory_space<hbm>> -> memref<128xi32, #tpu.memory_space<hbm>>
        %dma_wait3A_107 = tpu.memref_slice %arg3[%add3A_69] : memref<160000xi32, #tpu.memory_space<hbm>> -> memref<128xi32, #tpu.memory_space<hbm>>
        tpu.wait_dma2 semaphore(%run_scoped3A : memref<!tpu.dma_semaphore, #tpu.memory_space<semaphore_mem>>) src(%dma_wait3A_107 : memref<128xi32, #tpu.memory_space<hbm>>) dst(%arg5 : memref<128xi32, #tpu.memory_space<vmem>>)
        tpu.yield
      }) : () -> ()
      %gt3A = arith.constant 0 : i32
      %gt3A_77 = arith.cmpi sgt, %scan3A_62, %gt3A : i32
      %convert_element_type3A = arith.extui %gt3A_77 : i1 to i32
      %cond3A = arith.constant 0 : i32
      %cond3A_78 = arith.cmpi ne, %convert_element_type3A, %cond3A : i32
      scf.if %cond3A_78 {
        %dma_wait3A_104 = arith.constant 0 : i32
        %dma_wait3A_105 = tpu.memref_slice %arg4[%add3A_69, %dma_wait3A_104] : memref<160000x256xf32, #tpu.memory_space<hbm>> -> memref<128x256xf32, #tpu.memory_space<hbm>>
        %dma_wait3A_106 = arith.constant 0 : i32
        %dma_wait3A_107 = tpu.memref_slice %arg4[%add3A_69, %dma_wait3A_106] : memref<160000x256xf32, #tpu.memory_space<hbm>> -> memref<128x256xf32, #tpu.memory_space<hbm>>
        tpu.wait_dma2 semaphore(%arg11 : memref<!tpu.dma_semaphore, #tpu.memory_space<semaphore_mem>>) src(%arg7 : memref<128x256xf32, #tpu.memory_space<vmem>>) dst(%dma_wait3A_107 : memref<128x256xf32, #tpu.memory_space<hbm>>)
      } else {
      }
      %dma_start3A_79 = arith.constant 0 : i32
      %dma_start3A_80 = arith.constant 0 : i32
      %dma_start3A_81 = tpu.memref_slice %arg2[%dma_start3A_79, %dma_start3A_80] : memref<10000x256xf32, #tpu.memory_space<hbm>> -> memref<10000x256xf32, #tpu.memory_space<hbm>>
      tpu.enqueue_indirect_dma source(%dma_start3A_81 : memref<10000x256xf32, #tpu.memory_space<hbm>>) target(%arg7 : memref<128x256xf32, #tpu.memory_space<vmem>>) offsets(%arg5 : memref<128xi32, #tpu.memory_space<vmem>>) semaphore(%arg9 : memref<!tpu.dma_semaphore, #tpu.memory_space<semaphore_mem>>)
      "tpu.region"() ({
        %run_scoped3A = tpu.sem_alloc : memref<!tpu.dma_semaphore, #tpu.memory_space<semaphore_mem>>
        %dma_start3A_104 = tpu.memref_slice %arg3[%add3A_76] : memref<160000xi32, #tpu.memory_space<hbm>> -> memref<128xi32, #tpu.memory_space<hbm>>
        %dma_start3A_105 = tpu.memref_slice %arg3[%add3A_76] : memref<160000xi32, #tpu.memory_space<hbm>> -> memref<128xi32, #tpu.memory_space<hbm>>
        tpu.enqueue_dma source(%dma_start3A_105 : memref<128xi32, #tpu.memory_space<hbm>>) target(%arg6 : memref<128xi32, #tpu.memory_space<vmem>>) target_semaphore(%run_scoped3A : memref<!tpu.dma_semaphore, #tpu.memory_space<semaphore_mem>>)
        %dma_wait3A_106 = tpu.memref_slice %arg3[%add3A_76] : memref<160000xi32, #tpu.memory_space<hbm>> -> memref<128xi32, #tpu.memory_space<hbm>>
        %dma_wait3A_107 = tpu.memref_slice %arg3[%add3A_76] : memref<160000xi32, #tpu.memory_space<hbm>> -> memref<128xi32, #tpu.memory_space<hbm>>
        tpu.wait_dma2 semaphore(%run_scoped3A : memref<!tpu.dma_semaphore, #tpu.memory_space<semaphore_mem>>) src(%dma_wait3A_107 : memref<128xi32, #tpu.memory_space<hbm>>) dst(%arg6 : memref<128xi32, #tpu.memory_space<vmem>>)
        tpu.yield
      }) : () -> ()
      %gt3A_82 = arith.constant 0 : i32
      %gt3A_83 = arith.cmpi sgt, %scan3A_62, %gt3A_82 : i32
      %convert_element_type3A_84 = arith.extui %gt3A_83 : i1 to i32
      %cond3A_85 = arith.constant 0 : i32
      %cond3A_86 = arith.cmpi ne, %convert_element_type3A_84, %cond3A_85 : i32
      scf.if %cond3A_86 {
        %dma_wait3A_104 = arith.constant 0 : i32
        %dma_wait3A_105 = tpu.memref_slice %arg4[%add3A_76, %dma_wait3A_104] : memref<160000x256xf32, #tpu.memory_space<hbm>> -> memref<128x256xf32, #tpu.memory_space<hbm>>
        %dma_wait3A_106 = arith.constant 0 : i32
        %dma_wait3A_107 = tpu.memref_slice %arg4[%add3A_76, %dma_wait3A_106] : memref<160000x256xf32, #tpu.memory_space<hbm>> -> memref<128x256xf32, #tpu.memory_space<hbm>>
        tpu.wait_dma2 semaphore(%arg12 : memref<!tpu.dma_semaphore, #tpu.memory_space<semaphore_mem>>) src(%arg8 : memref<128x256xf32, #tpu.memory_space<vmem>>) dst(%dma_wait3A_107 : memref<128x256xf32, #tpu.memory_space<hbm>>)
      } else {
      }
      %dma_start3A_87 = arith.constant 0 : i32
      %dma_start3A_88 = arith.constant 0 : i32
      %dma_start3A_89 = tpu.memref_slice %arg2[%dma_start3A_87, %dma_start3A_88] : memref<10000x256xf32, #tpu.memory_space<hbm>> -> memref<10000x256xf32, #tpu.memory_space<hbm>>
      tpu.enqueue_indirect_dma source(%dma_start3A_89 : memref<10000x256xf32, #tpu.memory_space<hbm>>) target(%arg8 : memref<128x256xf32, #tpu.memory_space<vmem>>) offsets(%arg6 : memref<128xi32, #tpu.memory_space<vmem>>) semaphore(%arg10 : memref<!tpu.dma_semaphore, #tpu.memory_space<semaphore_mem>>)
      %dma_wait3A_90 = arith.constant 0 : i32
      %dma_wait3A_91 = arith.constant 0 : i32
      %dma_wait3A_92 = tpu.memref_slice %arg2[%dma_wait3A_90, %dma_wait3A_91] : memref<10000x256xf32, #tpu.memory_space<hbm>> -> memref<10000x256xf32, #tpu.memory_space<hbm>>
      tpu.wait_indirect_dma semaphore(%arg9 : memref<!tpu.dma_semaphore, #tpu.memory_space<semaphore_mem>>) src(%dma_wait3A_92 : memref<10000x256xf32, #tpu.memory_space<hbm>>) dst(%arg7 : memref<128x256xf32, #tpu.memory_space<vmem>>)
      %dma_start3A_93 = arith.constant 0 : i32
      %dma_start3A_94 = tpu.memref_slice %arg4[%add3A_69, %dma_start3A_93] : memref<160000x256xf32, #tpu.memory_space<hbm>> -> memref<128x256xf32, #tpu.memory_space<hbm>>
      %dma_start3A_95 = arith.constant 0 : i32
      %dma_start3A_96 = tpu.memref_slice %arg4[%add3A_69, %dma_start3A_95] : memref<160000x256xf32, #tpu.memory_space<hbm>> -> memref<128x256xf32, #tpu.memory_space<hbm>>
      tpu.enqueue_dma source(%arg7 : memref<128x256xf32, #tpu.memory_space<vmem>>) target(%dma_start3A_96 : memref<128x256xf32, #tpu.memory_space<hbm>>) target_semaphore(%arg11 : memref<!tpu.dma_semaphore, #tpu.memory_space<semaphore_mem>>)
      %dma_wait3A_97 = arith.constant 0 : i32
      %dma_wait3A_98 = arith.constant 0 : i32
      %dma_wait3A_99 = tpu.memref_slice %arg2[%dma_wait3A_97, %dma_wait3A_98] : memref<10000x256xf32, #tpu.memory_space<hbm>> -> memref<10000x256xf32, #tpu.memory_space<hbm>>
      tpu.wait_indirect_dma semaphore(%arg10 : memref<!tpu.dma_semaphore, #tpu.memory_space<semaphore_mem>>) src(%dma_wait3A_99 : memref<10000x256xf32, #tpu.memory_space<hbm>>) dst(%arg8 : memref<128x256xf32, #tpu.memory_space<vmem>>)
      %dma_start3A_100 = arith.constant 0 : i32
      %dma_start3A_101 = tpu.memref_slice %arg4[%add3A_76, %dma_start3A_100] : memref<160000x256xf32, #tpu.memory_space<hbm>> -> memref<128x256xf32, #tpu.memory_space<hbm>>
      %dma_start3A_102 = arith.constant 0 : i32
      %dma_start3A_103 = tpu.memref_slice %arg4[%add3A_76, %dma_start3A_102] : memref<160000x256xf32, #tpu.memory_space<hbm>> -> memref<128x256xf32, #tpu.memory_space<hbm>>
      tpu.enqueue_dma source(%arg8 : memref<128x256xf32, #tpu.memory_space<vmem>>) target(%dma_start3A_103 : memref<128x256xf32, #tpu.memory_space<hbm>>) target_semaphore(%arg12 : memref<!tpu.dma_semaphore, #tpu.memory_space<semaphore_mem>>)
    }
    %scan3A_7 = arith.constant 19 : i32
    %add3A_8 = arith.constant 4608 : i32
    %add3A_9 = arith.addi %mul3A_2, %add3A_8 : i32
    %add3A_10 = arith.constant 0 : i32
    %add3A_11 = arith.addi %add3A_9, %add3A_10 : i32
    %dma_wait3A = arith.constant 0 : i32
    %dma_wait3A_12 = tpu.memref_slice %arg4[%add3A_11, %dma_wait3A] : memref<160000x256xf32, #tpu.memory_space<hbm>> -> memref<128x256xf32, #tpu.memory_space<hbm>>
    %dma_wait3A_13 = arith.constant 0 : i32
    %dma_wait3A_14 = tpu.memref_slice %arg4[%add3A_11, %dma_wait3A_13] : memref<160000x256xf32, #tpu.memory_space<hbm>> -> memref<128x256xf32, #tpu.memory_space<hbm>>
    tpu.wait_dma2 semaphore(%arg11 : memref<!tpu.dma_semaphore, #tpu.memory_space<semaphore_mem>>) src(%arg7 : memref<128x256xf32, #tpu.memory_space<vmem>>) dst(%dma_wait3A_14 : memref<128x256xf32, #tpu.memory_space<hbm>>)
    %add3A_15 = arith.constant 128 : i32
    %add3A_16 = arith.addi %add3A_9, %add3A_15 : i32
    %dma_wait3A_17 = arith.constant 0 : i32
    %dma_wait3A_18 = tpu.memref_slice %arg4[%add3A_16, %dma_wait3A_17] : memref<160000x256xf32, #tpu.memory_space<hbm>> -> memref<128x256xf32, #tpu.memory_space<hbm>>
    %dma_wait3A_19 = arith.constant 0 : i32
    %dma_wait3A_20 = tpu.memref_slice %arg4[%add3A_16, %dma_wait3A_19] : memref<160000x256xf32, #tpu.memory_space<hbm>> -> memref<128x256xf32, #tpu.memory_space<hbm>>
    tpu.wait_dma2 semaphore(%arg12 : memref<!tpu.dma_semaphore, #tpu.memory_space<semaphore_mem>>) src(%arg8 : memref<128x256xf32, #tpu.memory_space<vmem>>) dst(%dma_wait3A_20 : memref<128x256xf32, #tpu.memory_space<hbm>>)
    %add3A_21 = arith.constant 4864 : i32
    %add3A_22 = arith.addi %mul3A_2, %add3A_21 : i32
    %add3A_23 = arith.constant 0 : i32
    %add3A_24 = arith.addi %add3A_22, %add3A_23 : i32
    "tpu.region"() ({
      %run_scoped3A = tpu.sem_alloc : memref<!tpu.dma_semaphore, #tpu.memory_space<semaphore_mem>>
      %dma_start3A_62 = arith.constant 0 : i32
      %dma_start3A_63 = tpu.memref_slice %arg5[%dma_start3A_62] : memref<128xi32, #tpu.memory_space<vmem>> -> memref<128xi32, #tpu.memory_space<vmem>>
      %dma_start3A_64 = tpu.memref_slice %arg3[%add3A_24] : memref<160000xi32, #tpu.memory_space<hbm>> -> memref<128xi32, #tpu.memory_space<hbm>>
      %dma_start3A_65 = arith.constant 0 : i32
      %dma_start3A_66 = tpu.memref_slice %arg5[%dma_start3A_65] : memref<128xi32, #tpu.memory_space<vmem>> -> memref<128xi32, #tpu.memory_space<vmem>>
      %dma_start3A_67 = tpu.memref_slice %arg3[%add3A_24] : memref<160000xi32, #tpu.memory_space<hbm>> -> memref<128xi32, #tpu.memory_space<hbm>>
      tpu.enqueue_dma source(%dma_start3A_67 : memref<128xi32, #tpu.memory_space<hbm>>) target(%dma_start3A_66 : memref<128xi32, #tpu.memory_space<vmem>>) target_semaphore(%run_scoped3A : memref<!tpu.dma_semaphore, #tpu.memory_space<semaphore_mem>>)
      %dma_wait3A_68 = arith.constant 0 : i32
      %dma_wait3A_69 = tpu.memref_slice %arg5[%dma_wait3A_68] : memref<128xi32, #tpu.memory_space<vmem>> -> memref<128xi32, #tpu.memory_space<vmem>>
      %dma_wait3A_70 = tpu.memref_slice %arg3[%add3A_24] : memref<160000xi32, #tpu.memory_space<hbm>> -> memref<128xi32, #tpu.memory_space<hbm>>
      %dma_wait3A_71 = arith.constant 0 : i32
      %dma_wait3A_72 = tpu.memref_slice %arg5[%dma_wait3A_71] : memref<128xi32, #tpu.memory_space<vmem>> -> memref<128xi32, #tpu.memory_space<vmem>>
      %dma_wait3A_73 = tpu.memref_slice %arg3[%add3A_24] : memref<160000xi32, #tpu.memory_space<hbm>> -> memref<128xi32, #tpu.memory_space<hbm>>
      tpu.wait_dma2 semaphore(%run_scoped3A : memref<!tpu.dma_semaphore, #tpu.memory_space<semaphore_mem>>) src(%dma_wait3A_73 : memref<128xi32, #tpu.memory_space<hbm>>) dst(%dma_wait3A_72 : memref<128xi32, #tpu.memory_space<vmem>>)
      tpu.yield
    }) : () -> ()
    %dma_start3A = arith.constant 0 : i32
    %dma_start3A_25 = arith.constant 0 : i32
    %dma_start3A_26 = tpu.memref_slice %arg7[%dma_start3A, %dma_start3A_25] : memref<128x256xf32, #tpu.memory_space<vmem>> -> memref<128x256xf32, #tpu.memory_space<vmem>>
    %dma_start3A_27 = arith.constant 0 : i32
    %dma_start3A_28 = tpu.memref_slice %arg5[%dma_start3A_27] : memref<128xi32, #tpu.memory_space<vmem>> -> memref<128xi32, #tpu.memory_space<vmem>>
    %dma_start3A_29 = arith.constant 0 : i32
    %dma_start3A_30 = arith.constant 0 : i32
    %dma_start3A_31 = tpu.memref_slice %arg2[%dma_start3A_29, %dma_start3A_30] : memref<10000x256xf32, #tpu.memory_space<hbm>> -> memref<10000x256xf32, #tpu.memory_space<hbm>>
    tpu.enqueue_indirect_dma source(%dma_start3A_31 : memref<10000x256xf32, #tpu.memory_space<hbm>>) target(%dma_start3A_26 : memref<128x256xf32, #tpu.memory_space<vmem>>) offsets(%dma_start3A_28 : memref<128xi32, #tpu.memory_space<vmem>>) semaphore(%arg9 : memref<!tpu.dma_semaphore, #tpu.memory_space<semaphore_mem>>)
    %dma_wait3A_32 = arith.constant 0 : i32
    %dma_wait3A_33 = arith.constant 0 : i32
    %dma_wait3A_34 = tpu.memref_slice %arg7[%dma_wait3A_32, %dma_wait3A_33] : memref<128x256xf32, #tpu.memory_space<vmem>> -> memref<128x256xf32, #tpu.memory_space<vmem>>
    %dma_wait3A_35 = arith.constant 0 : i32
    %dma_wait3A_36 = tpu.memref_slice %arg5[%dma_wait3A_35] : memref<128xi32, #tpu.memory_space<vmem>> -> memref<128xi32, #tpu.memory_space<vmem>>
    %dma_wait3A_37 = arith.constant 0 : i32
    %dma_wait3A_38 = arith.constant 0 : i32
    %dma_wait3A_39 = tpu.memref_slice %arg2[%dma_wait3A_37, %dma_wait3A_38] : memref<10000x256xf32, #tpu.memory_space<hbm>> -> memref<10000x256xf32, #tpu.memory_space<hbm>>
    tpu.wait_indirect_dma semaphore(%arg9 : memref<!tpu.dma_semaphore, #tpu.memory_space<semaphore_mem>>) src(%dma_wait3A_39 : memref<10000x256xf32, #tpu.memory_space<hbm>>) dst(%dma_wait3A_34 : memref<128x256xf32, #tpu.memory_space<vmem>>)
    %add3A_40 = arith.constant 0 : i32
    %add3A_41 = arith.addi %add3A_22, %add3A_40 : i32
    "tpu.region"() ({
      %run_scoped3A = tpu.sem_alloc : memref<!tpu.dma_semaphore, #tpu.memory_space<semaphore_mem>>
      %dma_start3A_62 = arith.constant 0 : i32
      %dma_start3A_63 = arith.constant 0 : i32
      %dma_start3A_64 = tpu.memref_slice %arg7[%dma_start3A_62, %dma_start3A_63] : memref<128x256xf32, #tpu.memory_space<vmem>> -> memref<128x256xf32, #tpu.memory_space<vmem>>
      %dma_start3A_65 = arith.constant 0 : i32
      %dma_start3A_66 = tpu.memref_slice %arg4[%add3A_41, %dma_start3A_65] : memref<160000x256xf32, #tpu.memory_space<hbm>> -> memref<128x256xf32, #tpu.memory_space<hbm>>
      %dma_start3A_67 = arith.constant 0 : i32
      %dma_start3A_68 = tpu.memref_slice %arg4[%add3A_41, %dma_start3A_67] : memref<160000x256xf32, #tpu.memory_space<hbm>> -> memref<128x256xf32, #tpu.memory_space<hbm>>
      %dma_start3A_69 = arith.constant 0 : i32
      %dma_start3A_70 = arith.constant 0 : i32
      %dma_start3A_71 = tpu.memref_slice %arg7[%dma_start3A_69, %dma_start3A_70] : memref<128x256xf32, #tpu.memory_space<vmem>> -> memref<128x256xf32, #tpu.memory_space<vmem>>
      tpu.enqueue_dma source(%dma_start3A_71 : memref<128x256xf32, #tpu.memory_space<vmem>>) target(%dma_start3A_68 : memref<128x256xf32, #tpu.memory_space<hbm>>) target_semaphore(%run_scoped3A : memref<!tpu.dma_semaphore, #tpu.memory_space<semaphore_mem>>)
      %dma_wait3A_72 = arith.constant 0 : i32
      %dma_wait3A_73 = arith.constant 0 : i32
      %dma_wait3A_74 = tpu.memref_slice %arg7[%dma_wait3A_72, %dma_wait3A_73] : memref<128x256xf32, #tpu.memory_space<vmem>> -> memref<128x256xf32, #tpu.memory_space<vmem>>
      %dma_wait3A_75 = arith.constant 0 : i32
      %dma_wait3A_76 = tpu.memref_slice %arg4[%add3A_41, %dma_wait3A_75] : memref<160000x256xf32, #tpu.memory_space<hbm>> -> memref<128x256xf32, #tpu.memory_space<hbm>>
      %dma_wait3A_77 = arith.constant 0 : i32
      %dma_wait3A_78 = tpu.memref_slice %arg4[%add3A_41, %dma_wait3A_77] : memref<160000x256xf32, #tpu.memory_space<hbm>> -> memref<128x256xf32, #tpu.memory_space<hbm>>
      %dma_wait3A_79 = arith.constant 0 : i32
      %dma_wait3A_80 = arith.constant 0 : i32
      %dma_wait3A_81 = tpu.memref_slice %arg7[%dma_wait3A_79, %dma_wait3A_80] : memref<128x256xf32, #tpu.memory_space<vmem>> -> memref<128x256xf32, #tpu.memory_space<vmem>>
      tpu.wait_dma2 semaphore(%run_scoped3A : memref<!tpu.dma_semaphore, #tpu.memory_space<semaphore_mem>>) src(%dma_wait3A_81 : memref<128x256xf32, #tpu.memory_space<vmem>>) dst(%dma_wait3A_78 : memref<128x256xf32, #tpu.memory_space<hbm>>)
      tpu.yield
    }) : () -> ()
    %add3A_42 = arith.constant 128 : i32
    %add3A_43 = arith.addi %add3A_22, %add3A_42 : i32
    "tpu.region"() ({
      %run_scoped3A = tpu.sem_alloc : memref<!tpu.dma_semaphore, #tpu.memory_space<semaphore_mem>>
      %dma_start3A_62 = arith.constant 0 : i32
      %dma_start3A_63 = tpu.memref_slice %arg5[%dma_start3A_62] : memref<128xi32, #tpu.memory_space<vmem>> -> memref<8xi32, #tpu.memory_space<vmem>>
      %dma_start3A_64 = tpu.memref_slice %arg3[%add3A_43] : memref<160000xi32, #tpu.memory_space<hbm>> -> memref<8xi32, #tpu.memory_space<hbm>>
      %dma_start3A_65 = arith.constant 0 : i32
      %dma_start3A_66 = tpu.memref_slice %arg5[%dma_start3A_65] : memref<128xi32, #tpu.memory_space<vmem>> -> memref<8xi32, #tpu.memory_space<vmem>>
      %dma_start3A_67 = tpu.memref_slice %arg3[%add3A_43] : memref<160000xi32, #tpu.memory_space<hbm>> -> memref<8xi32, #tpu.memory_space<hbm>>
      tpu.enqueue_dma source(%dma_start3A_67 : memref<8xi32, #tpu.memory_space<hbm>>) target(%dma_start3A_66 : memref<8xi32, #tpu.memory_space<vmem>>) target_semaphore(%run_scoped3A : memref<!tpu.dma_semaphore, #tpu.memory_space<semaphore_mem>>)
      %dma_wait3A_68 = arith.constant 0 : i32
      %dma_wait3A_69 = tpu.memref_slice %arg5[%dma_wait3A_68] : memref<128xi32, #tpu.memory_space<vmem>> -> memref<8xi32, #tpu.memory_space<vmem>>
      %dma_wait3A_70 = tpu.memref_slice %arg3[%add3A_43] : memref<160000xi32, #tpu.memory_space<hbm>> -> memref<8xi32, #tpu.memory_space<hbm>>
      %dma_wait3A_71 = arith.constant 0 : i32
      %dma_wait3A_72 = tpu.memref_slice %arg5[%dma_wait3A_71] : memref<128xi32, #tpu.memory_space<vmem>> -> memref<8xi32, #tpu.memory_space<vmem>>
      %dma_wait3A_73 = tpu.memref_slice %arg3[%add3A_43] : memref<160000xi32, #tpu.memory_space<hbm>> -> memref<8xi32, #tpu.memory_space<hbm>>
      tpu.wait_dma2 semaphore(%run_scoped3A : memref<!tpu.dma_semaphore, #tpu.memory_space<semaphore_mem>>) src(%dma_wait3A_73 : memref<8xi32, #tpu.memory_space<hbm>>) dst(%dma_wait3A_72 : memref<8xi32, #tpu.memory_space<vmem>>)
      tpu.yield
    }) : () -> ()
    %dma_start3A_44 = arith.constant 0 : i32
    %dma_start3A_45 = arith.constant 0 : i32
    %dma_start3A_46 = tpu.memref_slice %arg7[%dma_start3A_44, %dma_start3A_45] : memref<128x256xf32, #tpu.memory_space<vmem>> -> memref<8x256xf32, #tpu.memory_space<vmem>>
    %dma_start3A_47 = arith.constant 0 : i32
    %dma_start3A_48 = tpu.memref_slice %arg5[%dma_start3A_47] : memref<128xi32, #tpu.memory_space<vmem>> -> memref<8xi32, #tpu.memory_space<vmem>>
    %dma_start3A_49 = arith.constant 0 : i32
    %dma_start3A_50 = arith.constant 0 : i32
    %dma_start3A_51 = tpu.memref_slice %arg2[%dma_start3A_49, %dma_start3A_50] : memref<10000x256xf32, #tpu.memory_space<hbm>> -> memref<10000x256xf32, #tpu.memory_space<hbm>>
    tpu.enqueue_indirect_dma source(%dma_start3A_51 : memref<10000x256xf32, #tpu.memory_space<hbm>>) target(%dma_start3A_46 : memref<8x256xf32, #tpu.memory_space<vmem>>) offsets(%dma_start3A_48 : memref<8xi32, #tpu.memory_space<vmem>>) semaphore(%arg9 : memref<!tpu.dma_semaphore, #tpu.memory_space<semaphore_mem>>)
    %dma_wait3A_52 = arith.constant 0 : i32
    %dma_wait3A_53 = arith.constant 0 : i32
    %dma_wait3A_54 = tpu.memref_slice %arg7[%dma_wait3A_52, %dma_wait3A_53] : memref<128x256xf32, #tpu.memory_space<vmem>> -> memref<8x256xf32, #tpu.memory_space<vmem>>
    %dma_wait3A_55 = arith.constant 0 : i32
    %dma_wait3A_56 = tpu.memref_slice %arg5[%dma_wait3A_55] : memref<128xi32, #tpu.memory_space<vmem>> -> memref<8xi32, #tpu.memory_space<vmem>>
    %dma_wait3A_57 = arith.constant 0 : i32
    %dma_wait3A_58 = arith.constant 0 : i32
    %dma_wait3A_59 = tpu.memref_slice %arg2[%dma_wait3A_57, %dma_wait3A_58] : memref<10000x256xf32, #tpu.memory_space<hbm>> -> memref<10000x256xf32, #tpu.memory_space<hbm>>
    tpu.wait_indirect_dma semaphore(%arg9 : memref<!tpu.dma_semaphore, #tpu.memory_space<semaphore_mem>>) src(%dma_wait3A_59 : memref<10000x256xf32, #tpu.memory_space<hbm>>) dst(%dma_wait3A_54 : memref<8x256xf32, #tpu.memory_space<vmem>>)
    %add3A_60 = arith.constant 128 : i32
    %add3A_61 = arith.addi %add3A_22, %add3A_60 : i32
    "tpu.region"() ({
      %run_scoped3A = tpu.sem_alloc : memref<!tpu.dma_semaphore, #tpu.memory_space<semaphore_mem>>
      %dma_start3A_62 = arith.constant 0 : i32
      %dma_start3A_63 = arith.constant 0 : i32
      %dma_start3A_64 = tpu.memref_slice %arg7[%dma_start3A_62, %dma_start3A_63] : memref<128x256xf32, #tpu.memory_space<vmem>> -> memref<8x256xf32, #tpu.memory_space<vmem>>
      %dma_start3A_65 = arith.constant 0 : i32
      %dma_start3A_66 = tpu.memref_slice %arg4[%add3A_61, %dma_start3A_65] : memref<160000x256xf32, #tpu.memory_space<hbm>> -> memref<8x256xf32, #tpu.memory_space<hbm>>
      %dma_start3A_67 = arith.constant 0 : i32
      %dma_start3A_68 = tpu.memref_slice %arg4[%add3A_61, %dma_start3A_67] : memref<160000x256xf32, #tpu.memory_space<hbm>> -> memref<8x256xf32, #tpu.memory_space<hbm>>
      %dma_start3A_69 = arith.constant 0 : i32
      %dma_start3A_70 = arith.constant 0 : i32
      %dma_start3A_71 = tpu.memref_slice %arg7[%dma_start3A_69, %dma_start3A_70] : memref<128x256xf32, #tpu.memory_space<vmem>> -> memref<8x256xf32, #tpu.memory_space<vmem>>
      tpu.enqueue_dma source(%dma_start3A_71 : memref<8x256xf32, #tpu.memory_space<vmem>>) target(%dma_start3A_68 : memref<8x256xf32, #tpu.memory_space<hbm>>) target_semaphore(%run_scoped3A : memref<!tpu.dma_semaphore, #tpu.memory_space<semaphore_mem>>)
      %dma_wait3A_72 = arith.constant 0 : i32
      %dma_wait3A_73 = arith.constant 0 : i32
      %dma_wait3A_74 = tpu.memref_slice %arg7[%dma_wait3A_72, %dma_wait3A_73] : memref<128x256xf32, #tpu.memory_space<vmem>> -> memref<8x256xf32, #tpu.memory_space<vmem>>
      %dma_wait3A_75 = arith.constant 0 : i32
      %dma_wait3A_76 = tpu.memref_slice %arg4[%add3A_61, %dma_wait3A_75] : memref<160000x256xf32, #tpu.memory_space<hbm>> -> memref<8x256xf32, #tpu.memory_space<hbm>>
      %dma_wait3A_77 = arith.constant 0 : i32
      %dma_wait3A_78 = tpu.memref_slice %arg4[%add3A_61, %dma_wait3A_77] : memref<160000x256xf32, #tpu.memory_space<hbm>> -> memref<8x256xf32, #tpu.memory_space<hbm>>
      %dma_wait3A_79 = arith.constant 0 : i32
      %dma_wait3A_80 = arith.constant 0 : i32
      %dma_wait3A_81 = tpu.memref_slice %arg7[%dma_wait3A_79, %dma_wait3A_80] : memref<128x256xf32, #tpu.memory_space<vmem>> -> memref<8x256xf32, #tpu.memory_space<vmem>>
      tpu.wait_dma2 semaphore(%run_scoped3A : memref<!tpu.dma_semaphore, #tpu.memory_space<semaphore_mem>>) src(%dma_wait3A_81 : memref<8x256xf32, #tpu.memory_space<vmem>>) dst(%dma_wait3A_78 : memref<8x256xf32, #tpu.memory_space<hbm>>)
      tpu.yield
    }) : () -> ()
    return
  }
}

#map = affine_map<(d0, d1) -> (0, 0)>
#map1 = affine_map<(d0, d1) -> (0)>
module attributes {stable_mosaic.version = 14 : i64} {
  func.func @k(%arg0: i32, %arg1: i32, %arg2: memref<10000x256xf32, #tpu.memory_space<hbm>>, %arg3: memref<160000xi32, #tpu.memory_space<hbm>>, %arg4: memref<160000x256xf32, #tpu.memory_space<hbm>>, %arg5: memref<128xi32, #tpu.memory_space<vmem>>, %arg6: memref<128xi32, #tpu.memory_space<vmem>>, %arg7: memref<128x256xf32, #tpu.memory_space<vmem>>, %arg8: memref<128x256xf32, #tpu.memory_space<vmem>>, %arg9: memref<!tpu.dma_semaphore, #tpu.memory_space<semaphore_mem>>, %arg10: memref<!tpu.dma_semaphore, #tpu.memory_space<semaphore_mem>>, %arg11: memref<!tpu.dma_semaphore, #tpu.memory_space<semaphore_mem>>, %arg12: memref<!tpu.dma_semaphore, #tpu.memory_space<semaphore_mem>>) attributes {dimension_semantics = [#tpu.dimension_semantics<core_parallel>, #tpu.dimension_semantics<subcore_parallel>], iteration_bounds = array<i64: 2, 16>, scalar_prefetch = 0 : i64, scratch_operands = 8 : i64, tpu.core_type = #tpu.core_type<sc_vector_subcore>, window_params = [{transform_indices = #map}, {transform_indices = #map1}, {transform_indices = #map}]} {
    %mul3A = arith.constant 2 : i32
    %mul3A_0 = arith.muli %arg1, %mul3A : i32
    %add3A = arith.addi %mul3A_0, %arg0 : i32
    %mul3A_1 = arith.constant 5000 : i32
    %mul3A_2 = arith.muli %add3A, %mul3A_1 : i32
    %scan3A = arith.constant 0 : i32
    %scan3A_3 = arith.constant 0 : i32
    %scan3A_4 = arith.constant 19 : i32
    %scan3A_5 = arith.addi %scan3A_3, %scan3A_4 : i32
    %scan3A_6 = arith.constant 1 : i32
    scf.for %scan3A_62 = %scan3A_3 to %scan3A_5 step %scan3A_6  : i32 {
      %mul3A_63 = arith.constant 2 : i32
      %mul3A_64 = arith.muli %mul3A_63, %scan3A_62 : i32
      %add3A_65 = arith.constant 0 : i32
      %add3A_66 = arith.addi %mul3A_64, %add3A_65 : i32
      %mul3A_67 = arith.constant 128 : i32
      %mul3A_68 = arith.muli %add3A_66, %mul3A_67 : i32
      %add3A_69 = arith.addi %mul3A_2, %mul3A_68 : i32
      %mul3A_70 = arith.constant 2 : i32
      %mul3A_71 = arith.muli %mul3A_70, %scan3A_62 : i32
      %add3A_72 = arith.constant 1 : i32
      %add3A_73 = arith.addi %mul3A_71, %add3A_72 : i32
      %mul3A_74 = arith.constant 128 : i32
      %mul3A_75 = arith.muli %add3A_73, %mul3A_74 : i32
      %add3A_76 = arith.addi %mul3A_2, %mul3A_75 : i32
      "tpu.region"() ({
        %run_scoped3A = tpu.sem_alloc : memref<!tpu.dma_semaphore, #tpu.memory_space<semaphore_mem>>
        %dma_start3A_104 = tpu.memref_slice %arg3[%add3A_69] : memref<160000xi32, #tpu.memory_space<hbm>> -> memref<128xi32, #tpu.memory_space<hbm>>
        %dma_start3A_105 = tpu.memref_slice %arg3[%add3A_69] : memref<160000xi32, #tpu.memory_space<hbm>> -> memref<128xi32, #tpu.memory_space<hbm>>
        tpu.enqueue_dma source(%dma_start3A_105 : memref<128xi32, #tpu.memory_space<hbm>>) target(%arg5 : memref<128xi32, #tpu.memory_space<vmem>>) target_semaphore(%run_scoped3A : memref<!tpu.dma_semaphore, #tpu.memory_space<semaphore_mem>>)
        %dma_wait3A_106 = tpu.memref_slice %arg3[%add3A_69] : memref<160000xi32, #tpu.memory_space<hbm>> -> memref<128xi32, #tpu.memory_space<hbm>>
        %dma_wait3A_107 = tpu.memref_slice %arg3[%add3A_69] : memref<160000xi32, #tpu.memory_space<hbm>> -> memref<128xi32, #tpu.memory_space<hbm>>
        tpu.wait_dma2 semaphore(%run_scoped3A : memref<!tpu.dma_semaphore, #tpu.memory_space<semaphore_mem>>) src(%dma_wait3A_107 : memref<128xi32, #tpu.memory_space<hbm>>) dst(%arg5 : memref<128xi32, #tpu.memory_space<vmem>>)
        tpu.yield
      }) : () -> ()
      %gt3A = arith.constant 0 : i32
      %gt3A_77 = arith.cmpi sgt, %scan3A_62, %gt3A : i32
      %convert_element_type3A = arith.extui %gt3A_77 : i1 to i32
      %cond3A = arith.constant 0 : i32
      %cond3A_78 = arith.cmpi ne, %convert_element_type3A, %cond3A : i32
      scf.if %cond3A_78 {
        %dma_wait3A_104 = arith.constant 0 : i32
        %dma_wait3A_105 = tpu.memref_slice %arg4[%add3A_69, %dma_wait3A_104] : memref<160000x256xf32, #tpu.memory_space<hbm>> -> memref<128x256xf32, #tpu.memory_space<hbm>>
        %dma_wait3A_106 = arith.constant 0 : i32
        %dma_wait3A_107 = tpu.memref_slice %arg4[%add3A_69, %dma_wait3A_106] : memref<160000x256xf32, #tpu.memory_space<hbm>> -> memref<128x256xf32, #tpu.memory_space<hbm>>
        tpu.wait_dma2 semaphore(%arg11 : memref<!tpu.dma_semaphore, #tpu.memory_space<semaphore_mem>>) src(%arg7 : memref<128x256xf32, #tpu.memory_space<vmem>>) dst(%dma_wait3A_107 : memref<128x256xf32, #tpu.memory_space<hbm>>)
      } else {
      }
      %dma_start3A_79 = arith.constant 0 : i32
      %dma_start3A_80 = arith.constant 0 : i32
      %dma_start3A_81 = tpu.memref_slice %arg2[%dma_start3A_79, %dma_start3A_80] : memref<10000x256xf32, #tpu.memory_space<hbm>> -> memref<10000x256xf32, #tpu.memory_space<hbm>>
      tpu.enqueue_indirect_dma source(%dma_start3A_81 : memref<10000x256xf32, #tpu.memory_space<hbm>>) target(%arg7 : memref<128x256xf32, #tpu.memory_space<vmem>>) offsets(%arg5 : memref<128xi32, #tpu.memory_space<vmem>>) semaphore(%arg9 : memref<!tpu.dma_semaphore, #tpu.memory_space<semaphore_mem>>)
      "tpu.region"() ({
        %run_scoped3A = tpu.sem_alloc : memref<!tpu.dma_semaphore, #tpu.memory_space<semaphore_mem>>
        %dma_start3A_104 = tpu.memref_slice %arg3[%add3A_76] : memref<160000xi32, #tpu.memory_space<hbm>> -> memref<128xi32, #tpu.memory_space<hbm>>
        %dma_start3A_105 = tpu.memref_slice %arg3[%add3A_76] : memref<160000xi32, #tpu.memory_space<hbm>> -> memref<128xi32, #tpu.memory_space<hbm>>
        tpu.enqueue_dma source(%dma_start3A_105 : memref<128xi32, #tpu.memory_space<hbm>>) target(%arg6 : memref<128xi32, #tpu.memory_space<vmem>>) target_semaphore(%run_scoped3A : memref<!tpu.dma_semaphore, #tpu.memory_space<semaphore_mem>>)
        %dma_wait3A_106 = tpu.memref_slice %arg3[%add3A_76] : memref<160000xi32, #tpu.memory_space<hbm>> -> memref<128xi32, #tpu.memory_space<hbm>>
        %dma_wait3A_107 = tpu.memref_slice %arg3[%add3A_76] : memref<160000xi32, #tpu.memory_space<hbm>> -> memref<128xi32, #tpu.memory_space<hbm>>
        tpu.wait_dma2 semaphore(%run_scoped3A : memref<!tpu.dma_semaphore, #tpu.memory_space<semaphore_mem>>) src(%dma_wait3A_107 : memref<128xi32, #tpu.memory_space<hbm>>) dst(%arg6 : memref<128xi32, #tpu.memory_space<vmem>>)
        tpu.yield
      }) : () -> ()
      %gt3A_82 = arith.constant 0 : i32
      %gt3A_83 = arith.cmpi sgt, %scan3A_62, %gt3A_82 : i32
      %convert_element_type3A_84 = arith.extui %gt3A_83 : i1 to i32
      %cond3A_85 = arith.constant 0 : i32
      %cond3A_86 = arith.cmpi ne, %convert_element_type3A_84, %cond3A_85 : i32
      scf.if %cond3A_86 {
        %dma_wait3A_104 = arith.constant 0 : i32
        %dma_wait3A_105 = tpu.memref_slice %arg4[%add3A_76, %dma_wait3A_104] : memref<160000x256xf32, #tpu.memory_space<hbm>> -> memref<128x256xf32, #tpu.memory_space<hbm>>
        %dma_wait3A_106 = arith.constant 0 : i32
        %dma_wait3A_107 = tpu.memref_slice %arg4[%add3A_76, %dma_wait3A_106] : memref<160000x256xf32, #tpu.memory_space<hbm>> -> memref<128x256xf32, #tpu.memory_space<hbm>>
        tpu.wait_dma2 semaphore(%arg12 : memref<!tpu.dma_semaphore, #tpu.memory_space<semaphore_mem>>) src(%arg8 : memref<128x256xf32, #tpu.memory_space<vmem>>) dst(%dma_wait3A_107 : memref<128x256xf32, #tpu.memory_space<hbm>>)
      } else {
      }
      %dma_start3A_87 = arith.constant 0 : i32
      %dma_start3A_88 = arith.constant 0 : i32
      %dma_start3A_89 = tpu.memref_slice %arg2[%dma_start3A_87, %dma_start3A_88] : memref<10000x256xf32, #tpu.memory_space<hbm>> -> memref<10000x256xf32, #tpu.memory_space<hbm>>
      tpu.enqueue_indirect_dma source(%dma_start3A_89 : memref<10000x256xf32, #tpu.memory_space<hbm>>) target(%arg8 : memref<128x256xf32, #tpu.memory_space<vmem>>) offsets(%arg6 : memref<128xi32, #tpu.memory_space<vmem>>) semaphore(%arg10 : memref<!tpu.dma_semaphore, #tpu.memory_space<semaphore_mem>>)
      %dma_wait3A_90 = arith.constant 0 : i32
      %dma_wait3A_91 = arith.constant 0 : i32
      %dma_wait3A_92 = tpu.memref_slice %arg2[%dma_wait3A_90, %dma_wait3A_91] : memref<10000x256xf32, #tpu.memory_space<hbm>> -> memref<10000x256xf32, #tpu.memory_space<hbm>>
      tpu.wait_indirect_dma semaphore(%arg9 : memref<!tpu.dma_semaphore, #tpu.memory_space<semaphore_mem>>) src(%dma_wait3A_92 : memref<10000x256xf32, #tpu.memory_space<hbm>>) dst(%arg7 : memref<128x256xf32, #tpu.memory_space<vmem>>)
      %dma_start3A_93 = arith.constant 0 : i32
      %dma_start3A_94 = tpu.memref_slice %arg4[%add3A_69, %dma_start3A_93] : memref<160000x256xf32, #tpu.memory_space<hbm>> -> memref<128x256xf32, #tpu.memory_space<hbm>>
      %dma_start3A_95 = arith.constant 0 : i32
      %dma_start3A_96 = tpu.memref_slice %arg4[%add3A_69, %dma_start3A_95] : memref<160000x256xf32, #tpu.memory_space<hbm>> -> memref<128x256xf32, #tpu.memory_space<hbm>>
      tpu.enqueue_dma source(%arg7 : memref<128x256xf32, #tpu.memory_space<vmem>>) target(%dma_start3A_96 : memref<128x256xf32, #tpu.memory_space<hbm>>) target_semaphore(%arg11 : memref<!tpu.dma_semaphore, #tpu.memory_space<semaphore_mem>>)
      %dma_wait3A_97 = arith.constant 0 : i32
      %dma_wait3A_98 = arith.constant 0 : i32
      %dma_wait3A_99 = tpu.memref_slice %arg2[%dma_wait3A_97, %dma_wait3A_98] : memref<10000x256xf32, #tpu.memory_space<hbm>> -> memref<10000x256xf32, #tpu.memory_space<hbm>>
      tpu.wait_indirect_dma semaphore(%arg10 : memref<!tpu.dma_semaphore, #tpu.memory_space<semaphore_mem>>) src(%dma_wait3A_99 : memref<10000x256xf32, #tpu.memory_space<hbm>>) dst(%arg8 : memref<128x256xf32, #tpu.memory_space<vmem>>)
      %dma_start3A_100 = arith.constant 0 : i32
      %dma_start3A_101 = tpu.memref_slice %arg4[%add3A_76, %dma_start3A_100] : memref<160000x256xf32, #tpu.memory_space<hbm>> -> memref<128x256xf32, #tpu.memory_space<hbm>>
      %dma_start3A_102 = arith.constant 0 : i32
      %dma_start3A_103 = tpu.memref_slice %arg4[%add3A_76, %dma_start3A_102] : memref<160000x256xf32, #tpu.memory_space<hbm>> -> memref<128x256xf32, #tpu.memory_space<hbm>>
      tpu.enqueue_dma source(%arg8 : memref<128x256xf32, #tpu.memory_space<vmem>>) target(%dma_start3A_103 : memref<128x256xf32, #tpu.memory_space<hbm>>) target_semaphore(%arg12 : memref<!tpu.dma_semaphore, #tpu.memory_space<semaphore_mem>>)
    }
    %scan3A_7 = arith.constant 19 : i32
    %add3A_8 = arith.constant 4608 : i32
    %add3A_9 = arith.addi %mul3A_2, %add3A_8 : i32
    %add3A_10 = arith.constant 0 : i32
    %add3A_11 = arith.addi %add3A_9, %add3A_10 : i32
    %dma_wait3A = arith.constant 0 : i32
    %dma_wait3A_12 = tpu.memref_slice %arg4[%add3A_11, %dma_wait3A] : memref<160000x256xf32, #tpu.memory_space<hbm>> -> memref<128x256xf32, #tpu.memory_space<hbm>>
    %dma_wait3A_13 = arith.constant 0 : i32
    %dma_wait3A_14 = tpu.memref_slice %arg4[%add3A_11, %dma_wait3A_13] : memref<160000x256xf32, #tpu.memory_space<hbm>> -> memref<128x256xf32, #tpu.memory_space<hbm>>
    tpu.wait_dma2 semaphore(%arg11 : memref<!tpu.dma_semaphore, #tpu.memory_space<semaphore_mem>>) src(%arg7 : memref<128x256xf32, #tpu.memory_space<vmem>>) dst(%dma_wait3A_14 : memref<128x256xf32, #tpu.memory_space<hbm>>)
    %add3A_15 = arith.constant 128 : i32
    %add3A_16 = arith.addi %add3A_9, %add3A_15 : i32
    %dma_wait3A_17 = arith.constant 0 : i32
    %dma_wait3A_18 = tpu.memref_slice %arg4[%add3A_16, %dma_wait3A_17] : memref<160000x256xf32, #tpu.memory_space<hbm>> -> memref<128x256xf32, #tpu.memory_space<hbm>>
    %dma_wait3A_19 = arith.constant 0 : i32
    %dma_wait3A_20 = tpu.memref_slice %arg4[%add3A_16, %dma_wait3A_19] : memref<160000x256xf32, #tpu.memory_space<hbm>> -> memref<128x256xf32, #tpu.memory_space<hbm>>
    tpu.wait_dma2 semaphore(%arg12 : memref<!tpu.dma_semaphore, #tpu.memory_space<semaphore_mem>>) src(%arg8 : memref<128x256xf32, #tpu.memory_space<vmem>>) dst(%dma_wait3A_20 : memref<128x256xf32, #tpu.memory_space<hbm>>)
    %add3A_21 = arith.constant 4864 : i32
    %add3A_22 = arith.addi %mul3A_2, %add3A_21 : i32
    %add3A_23 = arith.constant 0 : i32
    %add3A_24 = arith.addi %add3A_22, %add3A_23 : i32
    "tpu.region"() ({
      %run_scoped3A = tpu.sem_alloc : memref<!tpu.dma_semaphore, #tpu.memory_space<semaphore_mem>>
      %dma_start3A_62 = arith.constant 0 : i32
      %dma_start3A_63 = tpu.memref_slice %arg5[%dma_start3A_62] : memref<128xi32, #tpu.memory_space<vmem>> -> memref<128xi32, #tpu.memory_space<vmem>>
      %dma_start3A_64 = tpu.memref_slice %arg3[%add3A_24] : memref<160000xi32, #tpu.memory_space<hbm>> -> memref<128xi32, #tpu.memory_space<hbm>>
      %dma_start3A_65 = arith.constant 0 : i32
      %dma_start3A_66 = tpu.memref_slice %arg5[%dma_start3A_65] : memref<128xi32, #tpu.memory_space<vmem>> -> memref<128xi32, #tpu.memory_space<vmem>>
      %dma_start3A_67 = tpu.memref_slice %arg3[%add3A_24] : memref<160000xi32, #tpu.memory_space<hbm>> -> memref<128xi32, #tpu.memory_space<hbm>>
      tpu.enqueue_dma source(%dma_start3A_67 : memref<128xi32, #tpu.memory_space<hbm>>) target(%dma_start3A_66 : memref<128xi32, #tpu.memory_space<vmem>>) target_semaphore(%run_scoped3A : memref<!tpu.dma_semaphore, #tpu.memory_space<semaphore_mem>>)
      %dma_wait3A_68 = arith.constant 0 : i32
      %dma_wait3A_69 = tpu.memref_slice %arg5[%dma_wait3A_68] : memref<128xi32, #tpu.memory_space<vmem>> -> memref<128xi32, #tpu.memory_space<vmem>>
      %dma_wait3A_70 = tpu.memref_slice %arg3[%add3A_24] : memref<160000xi32, #tpu.memory_space<hbm>> -> memref<128xi32, #tpu.memory_space<hbm>>
      %dma_wait3A_71 = arith.constant 0 : i32
      %dma_wait3A_72 = tpu.memref_slice %arg5[%dma_wait3A_71] : memref<128xi32, #tpu.memory_space<vmem>> -> memref<128xi32, #tpu.memory_space<vmem>>
      %dma_wait3A_73 = tpu.memref_slice %arg3[%add3A_24] : memref<160000xi32, #tpu.memory_space<hbm>> -> memref<128xi32, #tpu.memory_space<hbm>>
      tpu.wait_dma2 semaphore(%run_scoped3A : memref<!tpu.dma_semaphore, #tpu.memory_space<semaphore_mem>>) src(%dma_wait3A_73 : memref<128xi32, #tpu.memory_space<hbm>>) dst(%dma_wait3A_72 : memref<128xi32, #tpu.memory_space<vmem>>)
      tpu.yield
    }) : () -> ()
    %dma_start3A = arith.constant 0 : i32
    %dma_start3A_25 = arith.constant 0 : i32
    %dma_start3A_26 = tpu.memref_slice %arg7[%dma_start3A, %dma_start3A_25] : memref<128x256xf32, #tpu.memory_space<vmem>> -> memref<128x256xf32, #tpu.memory_space<vmem>>
    %dma_start3A_27 = arith.constant 0 : i32
    %dma_start3A_28 = tpu.memref_slice %arg5[%dma_start3A_27] : memref<128xi32, #tpu.memory_space<vmem>> -> memref<128xi32, #tpu.memory_space<vmem>>
    %dma_start3A_29 = arith.constant 0 : i32
    %dma_start3A_30 = arith.constant 0 : i32
    %dma_start3A_31 = tpu.memref_slice %arg2[%dma_start3A_29, %dma_start3A_30] : memref<10000x256xf32, #tpu.memory_space<hbm>> -> memref<10000x256xf32, #tpu.memory_space<hbm>>
    tpu.enqueue_indirect_dma source(%dma_start3A_31 : memref<10000x256xf32, #tpu.memory_space<hbm>>) target(%dma_start3A_26 : memref<128x256xf32, #tpu.memory_space<vmem>>) offsets(%dma_start3A_28 : memref<128xi32, #tpu.memory_space<vmem>>) semaphore(%arg9 : memref<!tpu.dma_semaphore, #tpu.memory_space<semaphore_mem>>)
    %dma_wait3A_32 = arith.constant 0 : i32
    %dma_wait3A_33 = arith.constant 0 : i32
    %dma_wait3A_34 = tpu.memref_slice %arg7[%dma_wait3A_32, %dma_wait3A_33] : memref<128x256xf32, #tpu.memory_space<vmem>> -> memref<128x256xf32, #tpu.memory_space<vmem>>
    %dma_wait3A_35 = arith.constant 0 : i32
    %dma_wait3A_36 = tpu.memref_slice %arg5[%dma_wait3A_35] : memref<128xi32, #tpu.memory_space<vmem>> -> memref<128xi32, #tpu.memory_space<vmem>>
    %dma_wait3A_37 = arith.constant 0 : i32
    %dma_wait3A_38 = arith.constant 0 : i32
    %dma_wait3A_39 = tpu.memref_slice %arg2[%dma_wait3A_37, %dma_wait3A_38] : memref<10000x256xf32, #tpu.memory_space<hbm>> -> memref<10000x256xf32, #tpu.memory_space<hbm>>
    tpu.wait_indirect_dma semaphore(%arg9 : memref<!tpu.dma_semaphore, #tpu.memory_space<semaphore_mem>>) src(%dma_wait3A_39 : memref<10000x256xf32, #tpu.memory_space<hbm>>) dst(%dma_wait3A_34 : memref<128x256xf32, #tpu.memory_space<vmem>>)
    %add3A_40 = arith.constant 0 : i32
    %add3A_41 = arith.addi %add3A_22, %add3A_40 : i32
    "tpu.region"() ({
      %run_scoped3A = tpu.sem_alloc : memref<!tpu.dma_semaphore, #tpu.memory_space<semaphore_mem>>
      %dma_start3A_62 = arith.constant 0 : i32
      %dma_start3A_63 = arith.constant 0 : i32
      %dma_start3A_64 = tpu.memref_slice %arg7[%dma_start3A_62, %dma_start3A_63] : memref<128x256xf32, #tpu.memory_space<vmem>> -> memref<128x256xf32, #tpu.memory_space<vmem>>
      %dma_start3A_65 = arith.constant 0 : i32
      %dma_start3A_66 = tpu.memref_slice %arg4[%add3A_41, %dma_start3A_65] : memref<160000x256xf32, #tpu.memory_space<hbm>> -> memref<128x256xf32, #tpu.memory_space<hbm>>
      %dma_start3A_67 = arith.constant 0 : i32
      %dma_start3A_68 = tpu.memref_slice %arg4[%add3A_41, %dma_start3A_67] : memref<160000x256xf32, #tpu.memory_space<hbm>> -> memref<128x256xf32, #tpu.memory_space<hbm>>
      %dma_start3A_69 = arith.constant 0 : i32
      %dma_start3A_70 = arith.constant 0 : i32
      %dma_start3A_71 = tpu.memref_slice %arg7[%dma_start3A_69, %dma_start3A_70] : memref<128x256xf32, #tpu.memory_space<vmem>> -> memref<128x256xf32, #tpu.memory_space<vmem>>
      tpu.enqueue_dma source(%dma_start3A_71 : memref<128x256xf32, #tpu.memory_space<vmem>>) target(%dma_start3A_68 : memref<128x256xf32, #tpu.memory_space<hbm>>) target_semaphore(%run_scoped3A : memref<!tpu.dma_semaphore, #tpu.memory_space<semaphore_mem>>)
      %dma_wait3A_72 = arith.constant 0 : i32
      %dma_wait3A_73 = arith.constant 0 : i32
      %dma_wait3A_74 = tpu.memref_slice %arg7[%dma_wait3A_72, %dma_wait3A_73] : memref<128x256xf32, #tpu.memory_space<vmem>> -> memref<128x256xf32, #tpu.memory_space<vmem>>
      %dma_wait3A_75 = arith.constant 0 : i32
      %dma_wait3A_76 = tpu.memref_slice %arg4[%add3A_41, %dma_wait3A_75] : memref<160000x256xf32, #tpu.memory_space<hbm>> -> memref<128x256xf32, #tpu.memory_space<hbm>>
      %dma_wait3A_77 = arith.constant 0 : i32
      %dma_wait3A_78 = tpu.memref_slice %arg4[%add3A_41, %dma_wait3A_77] : memref<160000x256xf32, #tpu.memory_space<hbm>> -> memref<128x256xf32, #tpu.memory_space<hbm>>
      %dma_wait3A_79 = arith.constant 0 : i32
      %dma_wait3A_80 = arith.constant 0 : i32
      %dma_wait3A_81 = tpu.memref_slice %arg7[%dma_wait3A_79, %dma_wait3A_80] : memref<128x256xf32, #tpu.memory_space<vmem>> -> memref<128x256xf32, #tpu.memory_space<vmem>>
      tpu.wait_dma2 semaphore(%run_scoped3A : memref<!tpu.dma_semaphore, #tpu.memory_space<semaphore_mem>>) src(%dma_wait3A_81 : memref<128x256xf32, #tpu.memory_space<vmem>>) dst(%dma_wait3A_78 : memref<128x256xf32, #tpu.memory_space<hbm>>)
      tpu.yield
    }) : () -> ()
    %add3A_42 = arith.constant 128 : i32
    %add3A_43 = arith.addi %add3A_22, %add3A_42 : i32
    "tpu.region"() ({
      %run_scoped3A = tpu.sem_alloc : memref<!tpu.dma_semaphore, #tpu.memory_space<semaphore_mem>>
      %dma_start3A_62 = arith.constant 0 : i32
      %dma_start3A_63 = tpu.memref_slice %arg5[%dma_start3A_62] : memref<128xi32, #tpu.memory_space<vmem>> -> memref<8xi32, #tpu.memory_space<vmem>>
      %dma_start3A_64 = tpu.memref_slice %arg3[%add3A_43] : memref<160000xi32, #tpu.memory_space<hbm>> -> memref<8xi32, #tpu.memory_space<hbm>>
      %dma_start3A_65 = arith.constant 0 : i32
      %dma_start3A_66 = tpu.memref_slice %arg5[%dma_start3A_65] : memref<128xi32, #tpu.memory_space<vmem>> -> memref<8xi32, #tpu.memory_space<vmem>>
      %dma_start3A_67 = tpu.memref_slice %arg3[%add3A_43] : memref<160000xi32, #tpu.memory_space<hbm>> -> memref<8xi32, #tpu.memory_space<hbm>>
      tpu.enqueue_dma source(%dma_start3A_67 : memref<8xi32, #tpu.memory_space<hbm>>) target(%dma_start3A_66 : memref<8xi32, #tpu.memory_space<vmem>>) target_semaphore(%run_scoped3A : memref<!tpu.dma_semaphore, #tpu.memory_space<semaphore_mem>>)
      %dma_wait3A_68 = arith.constant 0 : i32
      %dma_wait3A_69 = tpu.memref_slice %arg5[%dma_wait3A_68] : memref<128xi32, #tpu.memory_space<vmem>> -> memref<8xi32, #tpu.memory_space<vmem>>
      %dma_wait3A_70 = tpu.memref_slice %arg3[%add3A_43] : memref<160000xi32, #tpu.memory_space<hbm>> -> memref<8xi32, #tpu.memory_space<hbm>>
      %dma_wait3A_71 = arith.constant 0 : i32
      %dma_wait3A_72 = tpu.memref_slice %arg5[%dma_wait3A_71] : memref<128xi32, #tpu.memory_space<vmem>> -> memref<8xi32, #tpu.memory_space<vmem>>
      %dma_wait3A_73 = tpu.memref_slice %arg3[%add3A_43] : memref<160000xi32, #tpu.memory_space<hbm>> -> memref<8xi32, #tpu.memory_space<hbm>>
      tpu.wait_dma2 semaphore(%run_scoped3A : memref<!tpu.dma_semaphore, #tpu.memory_space<semaphore_mem>>) src(%dma_wait3A_73 : memref<8xi32, #tpu.memory_space<hbm>>) dst(%dma_wait3A_72 : memref<8xi32, #tpu.memory_space<vmem>>)
      tpu.yield
    }) : () -> ()
    %dma_start3A_44 = arith.constant 0 : i32
    %dma_start3A_45 = arith.constant 0 : i32
    %dma_start3A_46 = tpu.memref_slice %arg7[%dma_start3A_44, %dma_start3A_45] : memref<128x256xf32, #tpu.memory_space<vmem>> -> memref<8x256xf32, #tpu.memory_space<vmem>>
    %dma_start3A_47 = arith.constant 0 : i32
    %dma_start3A_48 = tpu.memref_slice %arg5[%dma_start3A_47] : memref<128xi32, #tpu.memory_space<vmem>> -> memref<8xi32, #tpu.memory_space<vmem>>
    %dma_start3A_49 = arith.constant 0 : i32
    %dma_start3A_50 = arith.constant 0 : i32
    %dma_start3A_51 = tpu.memref_slice %arg2[%dma_start3A_49, %dma_start3A_50] : memref<10000x256xf32, #tpu.memory_space<hbm>> -> memref<10000x256xf32, #tpu.memory_space<hbm>>
    tpu.enqueue_indirect_dma source(%dma_start3A_51 : memref<10000x256xf32, #tpu.memory_space<hbm>>) target(%dma_start3A_46 : memref<8x256xf32, #tpu.memory_space<vmem>>) offsets(%dma_start3A_48 : memref<8xi32, #tpu.memory_space<vmem>>) semaphore(%arg9 : memref<!tpu.dma_semaphore, #tpu.memory_space<semaphore_mem>>)
    %dma_wait3A_52 = arith.constant 0 : i32
    %dma_wait3A_53 = arith.constant 0 : i32
    %dma_wait3A_54 = tpu.memref_slice %arg7[%dma_wait3A_52, %dma_wait3A_53] : memref<128x256xf32, #tpu.memory_space<vmem>> -> memref<8x256xf32, #tpu.memory_space<vmem>>
    %dma_wait3A_55 = arith.constant 0 : i32
    %dma_wait3A_56 = tpu.memref_slice %arg5[%dma_wait3A_55] : memref<128xi32, #tpu.memory_space<vmem>> -> memref<8xi32, #tpu.memory_space<vmem>>
    %dma_wait3A_57 = arith.constant 0 : i32
    %dma_wait3A_58 = arith.constant 0 : i32
    %dma_wait3A_59 = tpu.memref_slice %arg2[%dma_wait3A_57, %dma_wait3A_58] : memref<10000x256xf32, #tpu.memory_space<hbm>> -> memref<10000x256xf32, #tpu.memory_space<hbm>>
    tpu.wait_indirect_dma semaphore(%arg9 : memref<!tpu.dma_semaphore, #tpu.memory_space<semaphore_mem>>) src(%dma_wait3A_59 : memref<10000x256xf32, #tpu.memory_space<hbm>>) dst(%dma_wait3A_54 : memref<8x256xf32, #tpu.memory_space<vmem>>)
    %add3A_60 = arith.constant 128 : i32
    %add3A_61 = arith.addi %add3A_22, %add3A_60 : i32
    "tpu.region"() ({
      %run_scoped3A = tpu.sem_alloc : memref<!tpu.dma_semaphore, #tpu.memory_space<semaphore_mem>>
      %dma_start3A_62 = arith.constant 0 : i32
      %dma_start3A_63 = arith.constant 0 : i32
      %dma_start3A_64 = tpu.memref_slice %arg7[%dma_start3A_62, %dma_start3A_63] : memref<128x256xf32, #tpu.memory_space<vmem>> -> memref<8x256xf32, #tpu.memory_space<vmem>>
      %dma_start3A_65 = arith.constant 0 : i32
      %dma_start3A_66 = tpu.memref_slice %arg4[%add3A_61, %dma_start3A_65] : memref<160000x256xf32, #tpu.memory_space<hbm>> -> memref<8x256xf32, #tpu.memory_space<hbm>>
      %dma_start3A_67 = arith.constant 0 : i32
      %dma_start3A_68 = tpu.memref_slice %arg4[%add3A_61, %dma_start3A_67] : memref<160000x256xf32, #tpu.memory_space<hbm>> -> memref<8x256xf32, #tpu.memory_space<hbm>>
      %dma_start3A_69 = arith.constant 0 : i32
      %dma_start3A_70 = arith.constant 0 : i32
      %dma_start3A_71 = tpu.memref_slice %arg7[%dma_start3A_69, %dma_start3A_70] : memref<128x256xf32, #tpu.memory_space<vmem>> -> memref<8x256xf32, #tpu.memory_space<vmem>>
      tpu.enqueue_dma source(%dma_start3A_71 : memref<8x256xf32, #tpu.memory_space<vmem>>) target(%dma_start3A_68 : memref<8x256xf32, #tpu.memory_space<hbm>>) target_semaphore(%run_scoped3A : memref<!tpu.dma_semaphore, #tpu.memory_space<semaphore_mem>>)
      %dma_wait3A_72 = arith.constant 0 : i32
      %dma_wait3A_73 = arith.constant 0 : i32
      %dma_wait3A_74 = tpu.memref_slice %arg7[%dma_wait3A_72, %dma_wait3A_73] : memref<128x256xf32, #tpu.memory_space<vmem>> -> memref<8x256xf32, #tpu.memory_space<vmem>>
      %dma_wait3A_75 = arith.constant 0 : i32
      %dma_wait3A_76 = tpu.memref_slice %arg4[%add3A_61, %dma_wait3A_75] : memref<160000x256xf32, #tpu.memory_space<hbm>> -> memref<8x256xf32, #tpu.memory_space<hbm>>
      %dma_wait3A_77 = arith.constant 0 : i32
      %dma_wait3A_78 = tpu.memref_slice %arg4[%add3A_61, %dma_wait3A_77] : memref<160000x256xf32, #tpu.memory_space<hbm>> -> memref<8x256xf32, #tpu.memory_space<hbm>>
      %dma_wait3A_79 = arith.constant 0 : i32
      %dma_wait3A_80 = arith.constant 0 : i32
      %dma_wait3A_81 = tpu.memref_slice %arg7[%dma_wait3A_79, %dma_wait3A_80] : memref<128x256xf32, #tpu.memory_space<vmem>> -> memref<8x256xf32, #tpu.memory_space<vmem>>
      tpu.wait_dma2 semaphore(%run_scoped3A : memref<!tpu.dma_semaphore, #tpu.memory_space<semaphore_mem>>) src(%dma_wait3A_81 : memref<8x256xf32, #tpu.memory_space<vmem>>) dst(%dma_wait3A_78 : memref<8x256xf32, #tpu.memory_space<hbm>>)
      tpu.yield
    }) : () -> ()
    return
  }
}

#map = affine_map<(d0, d1) -> (0, 0)>
#map1 = affine_map<(d0, d1) -> (0)>
module attributes {stable_mosaic.version = 14 : i64} {
  func.func @k(%arg0: i32, %arg1: i32, %arg2: memref<10000x256xf32, #tpu.memory_space<hbm>>, %arg3: memref<160000xi32, #tpu.memory_space<hbm>>, %arg4: memref<160000x256xf32, #tpu.memory_space<hbm>>, %arg5: memref<128xi32, #tpu.memory_space<vmem>>, %arg6: memref<128xi32, #tpu.memory_space<vmem>>, %arg7: memref<128x256xf32, #tpu.memory_space<vmem>>, %arg8: memref<128x256xf32, #tpu.memory_space<vmem>>, %arg9: memref<!tpu.dma_semaphore, #tpu.memory_space<semaphore_mem>>, %arg10: memref<!tpu.dma_semaphore, #tpu.memory_space<semaphore_mem>>, %arg11: memref<!tpu.dma_semaphore, #tpu.memory_space<semaphore_mem>>, %arg12: memref<!tpu.dma_semaphore, #tpu.memory_space<semaphore_mem>>) attributes {dimension_semantics = [#tpu.dimension_semantics<core_parallel>, #tpu.dimension_semantics<subcore_parallel>], iteration_bounds = array<i64: 2, 16>, scalar_prefetch = 0 : i64, scratch_operands = 8 : i64, tpu.core_type = #tpu.core_type<sc_vector_subcore>, window_params = [{transform_indices = #map}, {transform_indices = #map1}, {transform_indices = #map}]} {
    %mul3A = arith.constant 2 : i32
    %mul3A_0 = arith.muli %arg1, %mul3A : i32
    %add3A = arith.addi %mul3A_0, %arg0 : i32
    %mul3A_1 = arith.constant 5000 : i32
    %mul3A_2 = arith.muli %add3A, %mul3A_1 : i32
    %scan3A = arith.constant 0 : i32
    %scan3A_3 = arith.constant 0 : i32
    %scan3A_4 = arith.constant 19 : i32
    %scan3A_5 = arith.addi %scan3A_3, %scan3A_4 : i32
    %scan3A_6 = arith.constant 1 : i32
    scf.for %scan3A_62 = %scan3A_3 to %scan3A_5 step %scan3A_6  : i32 {
      %mul3A_63 = arith.constant 2 : i32
      %mul3A_64 = arith.muli %mul3A_63, %scan3A_62 : i32
      %add3A_65 = arith.constant 0 : i32
      %add3A_66 = arith.addi %mul3A_64, %add3A_65 : i32
      %mul3A_67 = arith.constant 128 : i32
      %mul3A_68 = arith.muli %add3A_66, %mul3A_67 : i32
      %add3A_69 = arith.addi %mul3A_2, %mul3A_68 : i32
      %mul3A_70 = arith.constant 2 : i32
      %mul3A_71 = arith.muli %mul3A_70, %scan3A_62 : i32
      %add3A_72 = arith.constant 1 : i32
      %add3A_73 = arith.addi %mul3A_71, %add3A_72 : i32
      %mul3A_74 = arith.constant 128 : i32
      %mul3A_75 = arith.muli %add3A_73, %mul3A_74 : i32
      %add3A_76 = arith.addi %mul3A_2, %mul3A_75 : i32
      "tpu.region"() ({
        %run_scoped3A = tpu.sem_alloc : memref<!tpu.dma_semaphore, #tpu.memory_space<semaphore_mem>>
        %dma_start3A_104 = tpu.memref_slice %arg3[%add3A_69] : memref<160000xi32, #tpu.memory_space<hbm>> -> memref<128xi32, #tpu.memory_space<hbm>>
        %dma_start3A_105 = tpu.memref_slice %arg3[%add3A_69] : memref<160000xi32, #tpu.memory_space<hbm>> -> memref<128xi32, #tpu.memory_space<hbm>>
        tpu.enqueue_dma source(%dma_start3A_105 : memref<128xi32, #tpu.memory_space<hbm>>) target(%arg5 : memref<128xi32, #tpu.memory_space<vmem>>) target_semaphore(%run_scoped3A : memref<!tpu.dma_semaphore, #tpu.memory_space<semaphore_mem>>)
        %dma_wait3A_106 = tpu.memref_slice %arg3[%add3A_69] : memref<160000xi32, #tpu.memory_space<hbm>> -> memref<128xi32, #tpu.memory_space<hbm>>
        %dma_wait3A_107 = tpu.memref_slice %arg3[%add3A_69] : memref<160000xi32, #tpu.memory_space<hbm>> -> memref<128xi32, #tpu.memory_space<hbm>>
        tpu.wait_dma2 semaphore(%run_scoped3A : memref<!tpu.dma_semaphore, #tpu.memory_space<semaphore_mem>>) src(%dma_wait3A_107 : memref<128xi32, #tpu.memory_space<hbm>>) dst(%arg5 : memref<128xi32, #tpu.memory_space<vmem>>)
        tpu.yield
      }) : () -> ()
      %gt3A = arith.constant 0 : i32
      %gt3A_77 = arith.cmpi sgt, %scan3A_62, %gt3A : i32
      %convert_element_type3A = arith.extui %gt3A_77 : i1 to i32
      %cond3A = arith.constant 0 : i32
      %cond3A_78 = arith.cmpi ne, %convert_element_type3A, %cond3A : i32
      scf.if %cond3A_78 {
        %dma_wait3A_104 = arith.constant 0 : i32
        %dma_wait3A_105 = tpu.memref_slice %arg4[%add3A_69, %dma_wait3A_104] : memref<160000x256xf32, #tpu.memory_space<hbm>> -> memref<128x256xf32, #tpu.memory_space<hbm>>
        %dma_wait3A_106 = arith.constant 0 : i32
        %dma_wait3A_107 = tpu.memref_slice %arg4[%add3A_69, %dma_wait3A_106] : memref<160000x256xf32, #tpu.memory_space<hbm>> -> memref<128x256xf32, #tpu.memory_space<hbm>>
        tpu.wait_dma2 semaphore(%arg11 : memref<!tpu.dma_semaphore, #tpu.memory_space<semaphore_mem>>) src(%arg7 : memref<128x256xf32, #tpu.memory_space<vmem>>) dst(%dma_wait3A_107 : memref<128x256xf32, #tpu.memory_space<hbm>>)
      } else {
      }
      %dma_start3A_79 = arith.constant 0 : i32
      %dma_start3A_80 = arith.constant 0 : i32
      %dma_start3A_81 = tpu.memref_slice %arg2[%dma_start3A_79, %dma_start3A_80] : memref<10000x256xf32, #tpu.memory_space<hbm>> -> memref<10000x256xf32, #tpu.memory_space<hbm>>
      tpu.enqueue_indirect_dma source(%dma_start3A_81 : memref<10000x256xf32, #tpu.memory_space<hbm>>) target(%arg7 : memref<128x256xf32, #tpu.memory_space<vmem>>) offsets(%arg5 : memref<128xi32, #tpu.memory_space<vmem>>) semaphore(%arg9 : memref<!tpu.dma_semaphore, #tpu.memory_space<semaphore_mem>>)
      "tpu.region"() ({
        %run_scoped3A = tpu.sem_alloc : memref<!tpu.dma_semaphore, #tpu.memory_space<semaphore_mem>>
        %dma_start3A_104 = tpu.memref_slice %arg3[%add3A_76] : memref<160000xi32, #tpu.memory_space<hbm>> -> memref<128xi32, #tpu.memory_space<hbm>>
        %dma_start3A_105 = tpu.memref_slice %arg3[%add3A_76] : memref<160000xi32, #tpu.memory_space<hbm>> -> memref<128xi32, #tpu.memory_space<hbm>>
        tpu.enqueue_dma source(%dma_start3A_105 : memref<128xi32, #tpu.memory_space<hbm>>) target(%arg6 : memref<128xi32, #tpu.memory_space<vmem>>) target_semaphore(%run_scoped3A : memref<!tpu.dma_semaphore, #tpu.memory_space<semaphore_mem>>)
        %dma_wait3A_106 = tpu.memref_slice %arg3[%add3A_76] : memref<160000xi32, #tpu.memory_space<hbm>> -> memref<128xi32, #tpu.memory_space<hbm>>
        %dma_wait3A_107 = tpu.memref_slice %arg3[%add3A_76] : memref<160000xi32, #tpu.memory_space<hbm>> -> memref<128xi32, #tpu.memory_space<hbm>>
        tpu.wait_dma2 semaphore(%run_scoped3A : memref<!tpu.dma_semaphore, #tpu.memory_space<semaphore_mem>>) src(%dma_wait3A_107 : memref<128xi32, #tpu.memory_space<hbm>>) dst(%arg6 : memref<128xi32, #tpu.memory_space<vmem>>)
        tpu.yield
      }) : () -> ()
      %gt3A_82 = arith.constant 0 : i32
      %gt3A_83 = arith.cmpi sgt, %scan3A_62, %gt3A_82 : i32
      %convert_element_type3A_84 = arith.extui %gt3A_83 : i1 to i32
      %cond3A_85 = arith.constant 0 : i32
      %cond3A_86 = arith.cmpi ne, %convert_element_type3A_84, %cond3A_85 : i32
      scf.if %cond3A_86 {
        %dma_wait3A_104 = arith.constant 0 : i32
        %dma_wait3A_105 = tpu.memref_slice %arg4[%add3A_76, %dma_wait3A_104] : memref<160000x256xf32, #tpu.memory_space<hbm>> -> memref<128x256xf32, #tpu.memory_space<hbm>>
        %dma_wait3A_106 = arith.constant 0 : i32
        %dma_wait3A_107 = tpu.memref_slice %arg4[%add3A_76, %dma_wait3A_106] : memref<160000x256xf32, #tpu.memory_space<hbm>> -> memref<128x256xf32, #tpu.memory_space<hbm>>
        tpu.wait_dma2 semaphore(%arg12 : memref<!tpu.dma_semaphore, #tpu.memory_space<semaphore_mem>>) src(%arg8 : memref<128x256xf32, #tpu.memory_space<vmem>>) dst(%dma_wait3A_107 : memref<128x256xf32, #tpu.memory_space<hbm>>)
      } else {
      }
      %dma_start3A_87 = arith.constant 0 : i32
      %dma_start3A_88 = arith.constant 0 : i32
      %dma_start3A_89 = tpu.memref_slice %arg2[%dma_start3A_87, %dma_start3A_88] : memref<10000x256xf32, #tpu.memory_space<hbm>> -> memref<10000x256xf32, #tpu.memory_space<hbm>>
      tpu.enqueue_indirect_dma source(%dma_start3A_89 : memref<10000x256xf32, #tpu.memory_space<hbm>>) target(%arg8 : memref<128x256xf32, #tpu.memory_space<vmem>>) offsets(%arg6 : memref<128xi32, #tpu.memory_space<vmem>>) semaphore(%arg10 : memref<!tpu.dma_semaphore, #tpu.memory_space<semaphore_mem>>)
      %dma_wait3A_90 = arith.constant 0 : i32
      %dma_wait3A_91 = arith.constant 0 : i32
      %dma_wait3A_92 = tpu.memref_slice %arg2[%dma_wait3A_90, %dma_wait3A_91] : memref<10000x256xf32, #tpu.memory_space<hbm>> -> memref<10000x256xf32, #tpu.memory_space<hbm>>
      tpu.wait_indirect_dma semaphore(%arg9 : memref<!tpu.dma_semaphore, #tpu.memory_space<semaphore_mem>>) src(%dma_wait3A_92 : memref<10000x256xf32, #tpu.memory_space<hbm>>) dst(%arg7 : memref<128x256xf32, #tpu.memory_space<vmem>>)
      %dma_start3A_93 = arith.constant 0 : i32
      %dma_start3A_94 = tpu.memref_slice %arg4[%add3A_69, %dma_start3A_93] : memref<160000x256xf32, #tpu.memory_space<hbm>> -> memref<128x256xf32, #tpu.memory_space<hbm>>
      %dma_start3A_95 = arith.constant 0 : i32
      %dma_start3A_96 = tpu.memref_slice %arg4[%add3A_69, %dma_start3A_95] : memref<160000x256xf32, #tpu.memory_space<hbm>> -> memref<128x256xf32, #tpu.memory_space<hbm>>
      tpu.enqueue_dma source(%arg7 : memref<128x256xf32, #tpu.memory_space<vmem>>) target(%dma_start3A_96 : memref<128x256xf32, #tpu.memory_space<hbm>>) target_semaphore(%arg11 : memref<!tpu.dma_semaphore, #tpu.memory_space<semaphore_mem>>)
      %dma_wait3A_97 = arith.constant 0 : i32
      %dma_wait3A_98 = arith.constant 0 : i32
      %dma_wait3A_99 = tpu.memref_slice %arg2[%dma_wait3A_97, %dma_wait3A_98] : memref<10000x256xf32, #tpu.memory_space<hbm>> -> memref<10000x256xf32, #tpu.memory_space<hbm>>
      tpu.wait_indirect_dma semaphore(%arg10 : memref<!tpu.dma_semaphore, #tpu.memory_space<semaphore_mem>>) src(%dma_wait3A_99 : memref<10000x256xf32, #tpu.memory_space<hbm>>) dst(%arg8 : memref<128x256xf32, #tpu.memory_space<vmem>>)
      %dma_start3A_100 = arith.constant 0 : i32
      %dma_start3A_101 = tpu.memref_slice %arg4[%add3A_76, %dma_start3A_100] : memref<160000x256xf32, #tpu.memory_space<hbm>> -> memref<128x256xf32, #tpu.memory_space<hbm>>
      %dma_start3A_102 = arith.constant 0 : i32
      %dma_start3A_103 = tpu.memref_slice %arg4[%add3A_76, %dma_start3A_102] : memref<160000x256xf32, #tpu.memory_space<hbm>> -> memref<128x256xf32, #tpu.memory_space<hbm>>
      tpu.enqueue_dma source(%arg8 : memref<128x256xf32, #tpu.memory_space<vmem>>) target(%dma_start3A_103 : memref<128x256xf32, #tpu.memory_space<hbm>>) target_semaphore(%arg12 : memref<!tpu.dma_semaphore, #tpu.memory_space<semaphore_mem>>)
    }
    %scan3A_7 = arith.constant 19 : i32
    %add3A_8 = arith.constant 4608 : i32
    %add3A_9 = arith.addi %mul3A_2, %add3A_8 : i32
    %add3A_10 = arith.constant 0 : i32
    %add3A_11 = arith.addi %add3A_9, %add3A_10 : i32
    %dma_wait3A = arith.constant 0 : i32
    %dma_wait3A_12 = tpu.memref_slice %arg4[%add3A_11, %dma_wait3A] : memref<160000x256xf32, #tpu.memory_space<hbm>> -> memref<128x256xf32, #tpu.memory_space<hbm>>
    %dma_wait3A_13 = arith.constant 0 : i32
    %dma_wait3A_14 = tpu.memref_slice %arg4[%add3A_11, %dma_wait3A_13] : memref<160000x256xf32, #tpu.memory_space<hbm>> -> memref<128x256xf32, #tpu.memory_space<hbm>>
    tpu.wait_dma2 semaphore(%arg11 : memref<!tpu.dma_semaphore, #tpu.memory_space<semaphore_mem>>) src(%arg7 : memref<128x256xf32, #tpu.memory_space<vmem>>) dst(%dma_wait3A_14 : memref<128x256xf32, #tpu.memory_space<hbm>>)
    %add3A_15 = arith.constant 128 : i32
    %add3A_16 = arith.addi %add3A_9, %add3A_15 : i32
    %dma_wait3A_17 = arith.constant 0 : i32
    %dma_wait3A_18 = tpu.memref_slice %arg4[%add3A_16, %dma_wait3A_17] : memref<160000x256xf32, #tpu.memory_space<hbm>> -> memref<128x256xf32, #tpu.memory_space<hbm>>
    %dma_wait3A_19 = arith.constant 0 : i32
    %dma_wait3A_20 = tpu.memref_slice %arg4[%add3A_16, %dma_wait3A_19] : memref<160000x256xf32, #tpu.memory_space<hbm>> -> memref<128x256xf32, #tpu.memory_space<hbm>>
    tpu.wait_dma2 semaphore(%arg12 : memref<!tpu.dma_semaphore, #tpu.memory_space<semaphore_mem>>) src(%arg8 : memref<128x256xf32, #tpu.memory_space<vmem>>) dst(%dma_wait3A_20 : memref<128x256xf32, #tpu.memory_space<hbm>>)
    %add3A_21 = arith.constant 4864 : i32
    %add3A_22 = arith.addi %mul3A_2, %add3A_21 : i32
    %add3A_23 = arith.constant 0 : i32
    %add3A_24 = arith.addi %add3A_22, %add3A_23 : i32
    "tpu.region"() ({
      %run_scoped3A = tpu.sem_alloc : memref<!tpu.dma_semaphore, #tpu.memory_space<semaphore_mem>>
      %dma_start3A_62 = arith.constant 0 : i32
      %dma_start3A_63 = tpu.memref_slice %arg5[%dma_start3A_62] : memref<128xi32, #tpu.memory_space<vmem>> -> memref<128xi32, #tpu.memory_space<vmem>>
      %dma_start3A_64 = tpu.memref_slice %arg3[%add3A_24] : memref<160000xi32, #tpu.memory_space<hbm>> -> memref<128xi32, #tpu.memory_space<hbm>>
      %dma_start3A_65 = arith.constant 0 : i32
      %dma_start3A_66 = tpu.memref_slice %arg5[%dma_start3A_65] : memref<128xi32, #tpu.memory_space<vmem>> -> memref<128xi32, #tpu.memory_space<vmem>>
      %dma_start3A_67 = tpu.memref_slice %arg3[%add3A_24] : memref<160000xi32, #tpu.memory_space<hbm>> -> memref<128xi32, #tpu.memory_space<hbm>>
      tpu.enqueue_dma source(%dma_start3A_67 : memref<128xi32, #tpu.memory_space<hbm>>) target(%dma_start3A_66 : memref<128xi32, #tpu.memory_space<vmem>>) target_semaphore(%run_scoped3A : memref<!tpu.dma_semaphore, #tpu.memory_space<semaphore_mem>>)
      %dma_wait3A_68 = arith.constant 0 : i32
      %dma_wait3A_69 = tpu.memref_slice %arg5[%dma_wait3A_68] : memref<128xi32, #tpu.memory_space<vmem>> -> memref<128xi32, #tpu.memory_space<vmem>>
      %dma_wait3A_70 = tpu.memref_slice %arg3[%add3A_24] : memref<160000xi32, #tpu.memory_space<hbm>> -> memref<128xi32, #tpu.memory_space<hbm>>
      %dma_wait3A_71 = arith.constant 0 : i32
      %dma_wait3A_72 = tpu.memref_slice %arg5[%dma_wait3A_71] : memref<128xi32, #tpu.memory_space<vmem>> -> memref<128xi32, #tpu.memory_space<vmem>>
      %dma_wait3A_73 = tpu.memref_slice %arg3[%add3A_24] : memref<160000xi32, #tpu.memory_space<hbm>> -> memref<128xi32, #tpu.memory_space<hbm>>
      tpu.wait_dma2 semaphore(%run_scoped3A : memref<!tpu.dma_semaphore, #tpu.memory_space<semaphore_mem>>) src(%dma_wait3A_73 : memref<128xi32, #tpu.memory_space<hbm>>) dst(%dma_wait3A_72 : memref<128xi32, #tpu.memory_space<vmem>>)
      tpu.yield
    }) : () -> ()
    %dma_start3A = arith.constant 0 : i32
    %dma_start3A_25 = arith.constant 0 : i32
    %dma_start3A_26 = tpu.memref_slice %arg7[%dma_start3A, %dma_start3A_25] : memref<128x256xf32, #tpu.memory_space<vmem>> -> memref<128x256xf32, #tpu.memory_space<vmem>>
    %dma_start3A_27 = arith.constant 0 : i32
    %dma_start3A_28 = tpu.memref_slice %arg5[%dma_start3A_27] : memref<128xi32, #tpu.memory_space<vmem>> -> memref<128xi32, #tpu.memory_space<vmem>>
    %dma_start3A_29 = arith.constant 0 : i32
    %dma_start3A_30 = arith.constant 0 : i32
    %dma_start3A_31 = tpu.memref_slice %arg2[%dma_start3A_29, %dma_start3A_30] : memref<10000x256xf32, #tpu.memory_space<hbm>> -> memref<10000x256xf32, #tpu.memory_space<hbm>>
    tpu.enqueue_indirect_dma source(%dma_start3A_31 : memref<10000x256xf32, #tpu.memory_space<hbm>>) target(%dma_start3A_26 : memref<128x256xf32, #tpu.memory_space<vmem>>) offsets(%dma_start3A_28 : memref<128xi32, #tpu.memory_space<vmem>>) semaphore(%arg9 : memref<!tpu.dma_semaphore, #tpu.memory_space<semaphore_mem>>)
    %dma_wait3A_32 = arith.constant 0 : i32
    %dma_wait3A_33 = arith.constant 0 : i32
    %dma_wait3A_34 = tpu.memref_slice %arg7[%dma_wait3A_32, %dma_wait3A_33] : memref<128x256xf32, #tpu.memory_space<vmem>> -> memref<128x256xf32, #tpu.memory_space<vmem>>
    %dma_wait3A_35 = arith.constant 0 : i32
    %dma_wait3A_36 = tpu.memref_slice %arg5[%dma_wait3A_35] : memref<128xi32, #tpu.memory_space<vmem>> -> memref<128xi32, #tpu.memory_space<vmem>>
    %dma_wait3A_37 = arith.constant 0 : i32
    %dma_wait3A_38 = arith.constant 0 : i32
    %dma_wait3A_39 = tpu.memref_slice %arg2[%dma_wait3A_37, %dma_wait3A_38] : memref<10000x256xf32, #tpu.memory_space<hbm>> -> memref<10000x256xf32, #tpu.memory_space<hbm>>
    tpu.wait_indirect_dma semaphore(%arg9 : memref<!tpu.dma_semaphore, #tpu.memory_space<semaphore_mem>>) src(%dma_wait3A_39 : memref<10000x256xf32, #tpu.memory_space<hbm>>) dst(%dma_wait3A_34 : memref<128x256xf32, #tpu.memory_space<vmem>>)
    %add3A_40 = arith.constant 0 : i32
    %add3A_41 = arith.addi %add3A_22, %add3A_40 : i32
    "tpu.region"() ({
      %run_scoped3A = tpu.sem_alloc : memref<!tpu.dma_semaphore, #tpu.memory_space<semaphore_mem>>
      %dma_start3A_62 = arith.constant 0 : i32
      %dma_start3A_63 = arith.constant 0 : i32
      %dma_start3A_64 = tpu.memref_slice %arg7[%dma_start3A_62, %dma_start3A_63] : memref<128x256xf32, #tpu.memory_space<vmem>> -> memref<128x256xf32, #tpu.memory_space<vmem>>
      %dma_start3A_65 = arith.constant 0 : i32
      %dma_start3A_66 = tpu.memref_slice %arg4[%add3A_41, %dma_start3A_65] : memref<160000x256xf32, #tpu.memory_space<hbm>> -> memref<128x256xf32, #tpu.memory_space<hbm>>
      %dma_start3A_67 = arith.constant 0 : i32
      %dma_start3A_68 = tpu.memref_slice %arg4[%add3A_41, %dma_start3A_67] : memref<160000x256xf32, #tpu.memory_space<hbm>> -> memref<128x256xf32, #tpu.memory_space<hbm>>
      %dma_start3A_69 = arith.constant 0 : i32
      %dma_start3A_70 = arith.constant 0 : i32
      %dma_start3A_71 = tpu.memref_slice %arg7[%dma_start3A_69, %dma_start3A_70] : memref<128x256xf32, #tpu.memory_space<vmem>> -> memref<128x256xf32, #tpu.memory_space<vmem>>
      tpu.enqueue_dma source(%dma_start3A_71 : memref<128x256xf32, #tpu.memory_space<vmem>>) target(%dma_start3A_68 : memref<128x256xf32, #tpu.memory_space<hbm>>) target_semaphore(%run_scoped3A : memref<!tpu.dma_semaphore, #tpu.memory_space<semaphore_mem>>)
      %dma_wait3A_72 = arith.constant 0 : i32
      %dma_wait3A_73 = arith.constant 0 : i32
      %dma_wait3A_74 = tpu.memref_slice %arg7[%dma_wait3A_72, %dma_wait3A_73] : memref<128x256xf32, #tpu.memory_space<vmem>> -> memref<128x256xf32, #tpu.memory_space<vmem>>
      %dma_wait3A_75 = arith.constant 0 : i32
      %dma_wait3A_76 = tpu.memref_slice %arg4[%add3A_41, %dma_wait3A_75] : memref<160000x256xf32, #tpu.memory_space<hbm>> -> memref<128x256xf32, #tpu.memory_space<hbm>>
      %dma_wait3A_77 = arith.constant 0 : i32
      %dma_wait3A_78 = tpu.memref_slice %arg4[%add3A_41, %dma_wait3A_77] : memref<160000x256xf32, #tpu.memory_space<hbm>> -> memref<128x256xf32, #tpu.memory_space<hbm>>
      %dma_wait3A_79 = arith.constant 0 : i32
      %dma_wait3A_80 = arith.constant 0 : i32
      %dma_wait3A_81 = tpu.memref_slice %arg7[%dma_wait3A_79, %dma_wait3A_80] : memref<128x256xf32, #tpu.memory_space<vmem>> -> memref<128x256xf32, #tpu.memory_space<vmem>>
      tpu.wait_dma2 semaphore(%run_scoped3A : memref<!tpu.dma_semaphore, #tpu.memory_space<semaphore_mem>>) src(%dma_wait3A_81 : memref<128x256xf32, #tpu.memory_space<vmem>>) dst(%dma_wait3A_78 : memref<128x256xf32, #tpu.memory_space<hbm>>)
      tpu.yield
    }) : () -> ()
    %add3A_42 = arith.constant 128 : i32
    %add3A_43 = arith.addi %add3A_22, %add3A_42 : i32
    "tpu.region"() ({
      %run_scoped3A = tpu.sem_alloc : memref<!tpu.dma_semaphore, #tpu.memory_space<semaphore_mem>>
      %dma_start3A_62 = arith.constant 0 : i32
      %dma_start3A_63 = tpu.memref_slice %arg5[%dma_start3A_62] : memref<128xi32, #tpu.memory_space<vmem>> -> memref<8xi32, #tpu.memory_space<vmem>>
      %dma_start3A_64 = tpu.memref_slice %arg3[%add3A_43] : memref<160000xi32, #tpu.memory_space<hbm>> -> memref<8xi32, #tpu.memory_space<hbm>>
      %dma_start3A_65 = arith.constant 0 : i32
      %dma_start3A_66 = tpu.memref_slice %arg5[%dma_start3A_65] : memref<128xi32, #tpu.memory_space<vmem>> -> memref<8xi32, #tpu.memory_space<vmem>>
      %dma_start3A_67 = tpu.memref_slice %arg3[%add3A_43] : memref<160000xi32, #tpu.memory_space<hbm>> -> memref<8xi32, #tpu.memory_space<hbm>>
      tpu.enqueue_dma source(%dma_start3A_67 : memref<8xi32, #tpu.memory_space<hbm>>) target(%dma_start3A_66 : memref<8xi32, #tpu.memory_space<vmem>>) target_semaphore(%run_scoped3A : memref<!tpu.dma_semaphore, #tpu.memory_space<semaphore_mem>>)
      %dma_wait3A_68 = arith.constant 0 : i32
      %dma_wait3A_69 = tpu.memref_slice %arg5[%dma_wait3A_68] : memref<128xi32, #tpu.memory_space<vmem>> -> memref<8xi32, #tpu.memory_space<vmem>>
      %dma_wait3A_70 = tpu.memref_slice %arg3[%add3A_43] : memref<160000xi32, #tpu.memory_space<hbm>> -> memref<8xi32, #tpu.memory_space<hbm>>
      %dma_wait3A_71 = arith.constant 0 : i32
      %dma_wait3A_72 = tpu.memref_slice %arg5[%dma_wait3A_71] : memref<128xi32, #tpu.memory_space<vmem>> -> memref<8xi32, #tpu.memory_space<vmem>>
      %dma_wait3A_73 = tpu.memref_slice %arg3[%add3A_43] : memref<160000xi32, #tpu.memory_space<hbm>> -> memref<8xi32, #tpu.memory_space<hbm>>
      tpu.wait_dma2 semaphore(%run_scoped3A : memref<!tpu.dma_semaphore, #tpu.memory_space<semaphore_mem>>) src(%dma_wait3A_73 : memref<8xi32, #tpu.memory_space<hbm>>) dst(%dma_wait3A_72 : memref<8xi32, #tpu.memory_space<vmem>>)
      tpu.yield
    }) : () -> ()
    %dma_start3A_44 = arith.constant 0 : i32
    %dma_start3A_45 = arith.constant 0 : i32
    %dma_start3A_46 = tpu.memref_slice %arg7[%dma_start3A_44, %dma_start3A_45] : memref<128x256xf32, #tpu.memory_space<vmem>> -> memref<8x256xf32, #tpu.memory_space<vmem>>
    %dma_start3A_47 = arith.constant 0 : i32
    %dma_start3A_48 = tpu.memref_slice %arg5[%dma_start3A_47] : memref<128xi32, #tpu.memory_space<vmem>> -> memref<8xi32, #tpu.memory_space<vmem>>
    %dma_start3A_49 = arith.constant 0 : i32
    %dma_start3A_50 = arith.constant 0 : i32
    %dma_start3A_51 = tpu.memref_slice %arg2[%dma_start3A_49, %dma_start3A_50] : memref<10000x256xf32, #tpu.memory_space<hbm>> -> memref<10000x256xf32, #tpu.memory_space<hbm>>
    tpu.enqueue_indirect_dma source(%dma_start3A_51 : memref<10000x256xf32, #tpu.memory_space<hbm>>) target(%dma_start3A_46 : memref<8x256xf32, #tpu.memory_space<vmem>>) offsets(%dma_start3A_48 : memref<8xi32, #tpu.memory_space<vmem>>) semaphore(%arg9 : memref<!tpu.dma_semaphore, #tpu.memory_space<semaphore_mem>>)
    %dma_wait3A_52 = arith.constant 0 : i32
    %dma_wait3A_53 = arith.constant 0 : i32
    %dma_wait3A_54 = tpu.memref_slice %arg7[%dma_wait3A_52, %dma_wait3A_53] : memref<128x256xf32, #tpu.memory_space<vmem>> -> memref<8x256xf32, #tpu.memory_space<vmem>>
    %dma_wait3A_55 = arith.constant 0 : i32
    %dma_wait3A_56 = tpu.memref_slice %arg5[%dma_wait3A_55] : memref<128xi32, #tpu.memory_space<vmem>> -> memref<8xi32, #tpu.memory_space<vmem>>
    %dma_wait3A_57 = arith.constant 0 : i32
    %dma_wait3A_58 = arith.constant 0 : i32
    %dma_wait3A_59 = tpu.memref_slice %arg2[%dma_wait3A_57, %dma_wait3A_58] : memref<10000x256xf32, #tpu.memory_space<hbm>> -> memref<10000x256xf32, #tpu.memory_space<hbm>>
    tpu.wait_indirect_dma semaphore(%arg9 : memref<!tpu.dma_semaphore, #tpu.memory_space<semaphore_mem>>) src(%dma_wait3A_59 : memref<10000x256xf32, #tpu.memory_space<hbm>>) dst(%dma_wait3A_54 : memref<8x256xf32, #tpu.memory_space<vmem>>)
    %add3A_60 = arith.constant 128 : i32
    %add3A_61 = arith.addi %add3A_22, %add3A_60 : i32
    "tpu.region"() ({
      %run_scoped3A = tpu.sem_alloc : memref<!tpu.dma_semaphore, #tpu.memory_space<semaphore_mem>>
      %dma_start3A_62 = arith.constant 0 : i32
      %dma_start3A_63 = arith.constant 0 : i32
      %dma_start3A_64 = tpu.memref_slice %arg7[%dma_start3A_62, %dma_start3A_63] : memref<128x256xf32, #tpu.memory_space<vmem>> -> memref<8x256xf32, #tpu.memory_space<vmem>>
      %dma_start3A_65 = arith.constant 0 : i32
      %dma_start3A_66 = tpu.memref_slice %arg4[%add3A_61, %dma_start3A_65] : memref<160000x256xf32, #tpu.memory_space<hbm>> -> memref<8x256xf32, #tpu.memory_space<hbm>>
      %dma_start3A_67 = arith.constant 0 : i32
      %dma_start3A_68 = tpu.memref_slice %arg4[%add3A_61, %dma_start3A_67] : memref<160000x256xf32, #tpu.memory_space<hbm>> -> memref<8x256xf32, #tpu.memory_space<hbm>>
      %dma_start3A_69 = arith.constant 0 : i32
      %dma_start3A_70 = arith.constant 0 : i32
      %dma_start3A_71 = tpu.memref_slice %arg7[%dma_start3A_69, %dma_start3A_70] : memref<128x256xf32, #tpu.memory_space<vmem>> -> memref<8x256xf32, #tpu.memory_space<vmem>>
      tpu.enqueue_dma source(%dma_start3A_71 : memref<8x256xf32, #tpu.memory_space<vmem>>) target(%dma_start3A_68 : memref<8x256xf32, #tpu.memory_space<hbm>>) target_semaphore(%run_scoped3A : memref<!tpu.dma_semaphore, #tpu.memory_space<semaphore_mem>>)
      %dma_wait3A_72 = arith.constant 0 : i32
      %dma_wait3A_73 = arith.constant 0 : i32
      %dma_wait3A_74 = tpu.memref_slice %arg7[%dma_wait3A_72, %dma_wait3A_73] : memref<128x256xf32, #tpu.memory_space<vmem>> -> memref<8x256xf32, #tpu.memory_space<vmem>>
      %dma_wait3A_75 = arith.constant 0 : i32
      %dma_wait3A_76 = tpu.memref_slice %arg4[%add3A_61, %dma_wait3A_75] : memref<160000x256xf32, #tpu.memory_space<hbm>> -> memref<8x256xf32, #tpu.memory_space<hbm>>
      %dma_wait3A_77 = arith.constant 0 : i32
      %dma_wait3A_78 = tpu.memref_slice %arg4[%add3A_61, %dma_wait3A_77] : memref<160000x256xf32, #tpu.memory_space<hbm>> -> memref<8x256xf32, #tpu.memory_space<hbm>>
      %dma_wait3A_79 = arith.constant 0 : i32
      %dma_wait3A_80 = arith.constant 0 : i32
      %dma_wait3A_81 = tpu.memref_slice %arg7[%dma_wait3A_79, %dma_wait3A_80] : memref<128x256xf32, #tpu.memory_space<vmem>> -> memref<8x256xf32, #tpu.memory_space<vmem>>
      tpu.wait_dma2 semaphore(%run_scoped3A : memref<!tpu.dma_semaphore, #tpu.memory_space<semaphore_mem>>) src(%dma_wait3A_81 : memref<8x256xf32, #tpu.memory_space<vmem>>) dst(%dma_wait3A_78 : memref<8x256xf32, #tpu.memory_space<hbm>>)
      tpu.yield
    }) : () -> ()
    return
  }
}

#map = affine_map<(d0, d1) -> (0, 0)>
#map1 = affine_map<(d0, d1) -> (0)>
module attributes {stable_mosaic.version = 14 : i64} {
  func.func @k(%arg0: i32, %arg1: i32, %arg2: memref<10000x256xf32, #tpu.memory_space<hbm>>, %arg3: memref<160000xi32, #tpu.memory_space<hbm>>, %arg4: memref<160000x256xf32, #tpu.memory_space<hbm>>, %arg5: memref<128xi32, #tpu.memory_space<vmem>>, %arg6: memref<128xi32, #tpu.memory_space<vmem>>, %arg7: memref<128x256xf32, #tpu.memory_space<vmem>>, %arg8: memref<128x256xf32, #tpu.memory_space<vmem>>, %arg9: memref<!tpu.dma_semaphore, #tpu.memory_space<semaphore_mem>>, %arg10: memref<!tpu.dma_semaphore, #tpu.memory_space<semaphore_mem>>, %arg11: memref<!tpu.dma_semaphore, #tpu.memory_space<semaphore_mem>>, %arg12: memref<!tpu.dma_semaphore, #tpu.memory_space<semaphore_mem>>) attributes {dimension_semantics = [#tpu.dimension_semantics<core_parallel>, #tpu.dimension_semantics<subcore_parallel>], iteration_bounds = array<i64: 2, 16>, scalar_prefetch = 0 : i64, scratch_operands = 8 : i64, tpu.core_type = #tpu.core_type<sc_vector_subcore>, window_params = [{transform_indices = #map}, {transform_indices = #map1}, {transform_indices = #map}]} {
    %mul3A = arith.constant 2 : i32
    %mul3A_0 = arith.muli %arg1, %mul3A : i32
    %add3A = arith.addi %mul3A_0, %arg0 : i32
    %mul3A_1 = arith.constant 5000 : i32
    %mul3A_2 = arith.muli %add3A, %mul3A_1 : i32
    %scan3A = arith.constant 0 : i32
    %scan3A_3 = arith.constant 0 : i32
    %scan3A_4 = arith.constant 19 : i32
    %scan3A_5 = arith.addi %scan3A_3, %scan3A_4 : i32
    %scan3A_6 = arith.constant 1 : i32
    scf.for %scan3A_62 = %scan3A_3 to %scan3A_5 step %scan3A_6  : i32 {
      %mul3A_63 = arith.constant 2 : i32
      %mul3A_64 = arith.muli %mul3A_63, %scan3A_62 : i32
      %add3A_65 = arith.constant 0 : i32
      %add3A_66 = arith.addi %mul3A_64, %add3A_65 : i32
      %mul3A_67 = arith.constant 128 : i32
      %mul3A_68 = arith.muli %add3A_66, %mul3A_67 : i32
      %add3A_69 = arith.addi %mul3A_2, %mul3A_68 : i32
      %mul3A_70 = arith.constant 2 : i32
      %mul3A_71 = arith.muli %mul3A_70, %scan3A_62 : i32
      %add3A_72 = arith.constant 1 : i32
      %add3A_73 = arith.addi %mul3A_71, %add3A_72 : i32
      %mul3A_74 = arith.constant 128 : i32
      %mul3A_75 = arith.muli %add3A_73, %mul3A_74 : i32
      %add3A_76 = arith.addi %mul3A_2, %mul3A_75 : i32
      "tpu.region"() ({
        %run_scoped3A = tpu.sem_alloc : memref<!tpu.dma_semaphore, #tpu.memory_space<semaphore_mem>>
        %dma_start3A_104 = tpu.memref_slice %arg3[%add3A_69] : memref<160000xi32, #tpu.memory_space<hbm>> -> memref<128xi32, #tpu.memory_space<hbm>>
        %dma_start3A_105 = tpu.memref_slice %arg3[%add3A_69] : memref<160000xi32, #tpu.memory_space<hbm>> -> memref<128xi32, #tpu.memory_space<hbm>>
        tpu.enqueue_dma source(%dma_start3A_105 : memref<128xi32, #tpu.memory_space<hbm>>) target(%arg5 : memref<128xi32, #tpu.memory_space<vmem>>) target_semaphore(%run_scoped3A : memref<!tpu.dma_semaphore, #tpu.memory_space<semaphore_mem>>)
        %dma_wait3A_106 = tpu.memref_slice %arg3[%add3A_69] : memref<160000xi32, #tpu.memory_space<hbm>> -> memref<128xi32, #tpu.memory_space<hbm>>
        %dma_wait3A_107 = tpu.memref_slice %arg3[%add3A_69] : memref<160000xi32, #tpu.memory_space<hbm>> -> memref<128xi32, #tpu.memory_space<hbm>>
        tpu.wait_dma2 semaphore(%run_scoped3A : memref<!tpu.dma_semaphore, #tpu.memory_space<semaphore_mem>>) src(%dma_wait3A_107 : memref<128xi32, #tpu.memory_space<hbm>>) dst(%arg5 : memref<128xi32, #tpu.memory_space<vmem>>)
        tpu.yield
      }) : () -> ()
      %gt3A = arith.constant 0 : i32
      %gt3A_77 = arith.cmpi sgt, %scan3A_62, %gt3A : i32
      %convert_element_type3A = arith.extui %gt3A_77 : i1 to i32
      %cond3A = arith.constant 0 : i32
      %cond3A_78 = arith.cmpi ne, %convert_element_type3A, %cond3A : i32
      scf.if %cond3A_78 {
        %dma_wait3A_104 = arith.constant 0 : i32
        %dma_wait3A_105 = tpu.memref_slice %arg4[%add3A_69, %dma_wait3A_104] : memref<160000x256xf32, #tpu.memory_space<hbm>> -> memref<128x256xf32, #tpu.memory_space<hbm>>
        %dma_wait3A_106 = arith.constant 0 : i32
        %dma_wait3A_107 = tpu.memref_slice %arg4[%add3A_69, %dma_wait3A_106] : memref<160000x256xf32, #tpu.memory_space<hbm>> -> memref<128x256xf32, #tpu.memory_space<hbm>>
        tpu.wait_dma2 semaphore(%arg11 : memref<!tpu.dma_semaphore, #tpu.memory_space<semaphore_mem>>) src(%arg7 : memref<128x256xf32, #tpu.memory_space<vmem>>) dst(%dma_wait3A_107 : memref<128x256xf32, #tpu.memory_space<hbm>>)
      } else {
      }
      %dma_start3A_79 = arith.constant 0 : i32
      %dma_start3A_80 = arith.constant 0 : i32
      %dma_start3A_81 = tpu.memref_slice %arg2[%dma_start3A_79, %dma_start3A_80] : memref<10000x256xf32, #tpu.memory_space<hbm>> -> memref<10000x256xf32, #tpu.memory_space<hbm>>
      tpu.enqueue_indirect_dma source(%dma_start3A_81 : memref<10000x256xf32, #tpu.memory_space<hbm>>) target(%arg7 : memref<128x256xf32, #tpu.memory_space<vmem>>) offsets(%arg5 : memref<128xi32, #tpu.memory_space<vmem>>) semaphore(%arg9 : memref<!tpu.dma_semaphore, #tpu.memory_space<semaphore_mem>>)
      "tpu.region"() ({
        %run_scoped3A = tpu.sem_alloc : memref<!tpu.dma_semaphore, #tpu.memory_space<semaphore_mem>>
        %dma_start3A_104 = tpu.memref_slice %arg3[%add3A_76] : memref<160000xi32, #tpu.memory_space<hbm>> -> memref<128xi32, #tpu.memory_space<hbm>>
        %dma_start3A_105 = tpu.memref_slice %arg3[%add3A_76] : memref<160000xi32, #tpu.memory_space<hbm>> -> memref<128xi32, #tpu.memory_space<hbm>>
        tpu.enqueue_dma source(%dma_start3A_105 : memref<128xi32, #tpu.memory_space<hbm>>) target(%arg6 : memref<128xi32, #tpu.memory_space<vmem>>) target_semaphore(%run_scoped3A : memref<!tpu.dma_semaphore, #tpu.memory_space<semaphore_mem>>)
        %dma_wait3A_106 = tpu.memref_slice %arg3[%add3A_76] : memref<160000xi32, #tpu.memory_space<hbm>> -> memref<128xi32, #tpu.memory_space<hbm>>
        %dma_wait3A_107 = tpu.memref_slice %arg3[%add3A_76] : memref<160000xi32, #tpu.memory_space<hbm>> -> memref<128xi32, #tpu.memory_space<hbm>>
        tpu.wait_dma2 semaphore(%run_scoped3A : memref<!tpu.dma_semaphore, #tpu.memory_space<semaphore_mem>>) src(%dma_wait3A_107 : memref<128xi32, #tpu.memory_space<hbm>>) dst(%arg6 : memref<128xi32, #tpu.memory_space<vmem>>)
        tpu.yield
      }) : () -> ()
      %gt3A_82 = arith.constant 0 : i32
      %gt3A_83 = arith.cmpi sgt, %scan3A_62, %gt3A_82 : i32
      %convert_element_type3A_84 = arith.extui %gt3A_83 : i1 to i32
      %cond3A_85 = arith.constant 0 : i32
      %cond3A_86 = arith.cmpi ne, %convert_element_type3A_84, %cond3A_85 : i32
      scf.if %cond3A_86 {
        %dma_wait3A_104 = arith.constant 0 : i32
        %dma_wait3A_105 = tpu.memref_slice %arg4[%add3A_76, %dma_wait3A_104] : memref<160000x256xf32, #tpu.memory_space<hbm>> -> memref<128x256xf32, #tpu.memory_space<hbm>>
        %dma_wait3A_106 = arith.constant 0 : i32
        %dma_wait3A_107 = tpu.memref_slice %arg4[%add3A_76, %dma_wait3A_106] : memref<160000x256xf32, #tpu.memory_space<hbm>> -> memref<128x256xf32, #tpu.memory_space<hbm>>
        tpu.wait_dma2 semaphore(%arg12 : memref<!tpu.dma_semaphore, #tpu.memory_space<semaphore_mem>>) src(%arg8 : memref<128x256xf32, #tpu.memory_space<vmem>>) dst(%dma_wait3A_107 : memref<128x256xf32, #tpu.memory_space<hbm>>)
      } else {
      }
      %dma_start3A_87 = arith.constant 0 : i32
      %dma_start3A_88 = arith.constant 0 : i32
      %dma_start3A_89 = tpu.memref_slice %arg2[%dma_start3A_87, %dma_start3A_88] : memref<10000x256xf32, #tpu.memory_space<hbm>> -> memref<10000x256xf32, #tpu.memory_space<hbm>>
      tpu.enqueue_indirect_dma source(%dma_start3A_89 : memref<10000x256xf32, #tpu.memory_space<hbm>>) target(%arg8 : memref<128x256xf32, #tpu.memory_space<vmem>>) offsets(%arg6 : memref<128xi32, #tpu.memory_space<vmem>>) semaphore(%arg10 : memref<!tpu.dma_semaphore, #tpu.memory_space<semaphore_mem>>)
      %dma_wait3A_90 = arith.constant 0 : i32
      %dma_wait3A_91 = arith.constant 0 : i32
      %dma_wait3A_92 = tpu.memref_slice %arg2[%dma_wait3A_90, %dma_wait3A_91] : memref<10000x256xf32, #tpu.memory_space<hbm>> -> memref<10000x256xf32, #tpu.memory_space<hbm>>
      tpu.wait_indirect_dma semaphore(%arg9 : memref<!tpu.dma_semaphore, #tpu.memory_space<semaphore_mem>>) src(%dma_wait3A_92 : memref<10000x256xf32, #tpu.memory_space<hbm>>) dst(%arg7 : memref<128x256xf32, #tpu.memory_space<vmem>>)
      %dma_start3A_93 = arith.constant 0 : i32
      %dma_start3A_94 = tpu.memref_slice %arg4[%add3A_69, %dma_start3A_93] : memref<160000x256xf32, #tpu.memory_space<hbm>> -> memref<128x256xf32, #tpu.memory_space<hbm>>
      %dma_start3A_95 = arith.constant 0 : i32
      %dma_start3A_96 = tpu.memref_slice %arg4[%add3A_69, %dma_start3A_95] : memref<160000x256xf32, #tpu.memory_space<hbm>> -> memref<128x256xf32, #tpu.memory_space<hbm>>
      tpu.enqueue_dma source(%arg7 : memref<128x256xf32, #tpu.memory_space<vmem>>) target(%dma_start3A_96 : memref<128x256xf32, #tpu.memory_space<hbm>>) target_semaphore(%arg11 : memref<!tpu.dma_semaphore, #tpu.memory_space<semaphore_mem>>)
      %dma_wait3A_97 = arith.constant 0 : i32
      %dma_wait3A_98 = arith.constant 0 : i32
      %dma_wait3A_99 = tpu.memref_slice %arg2[%dma_wait3A_97, %dma_wait3A_98] : memref<10000x256xf32, #tpu.memory_space<hbm>> -> memref<10000x256xf32, #tpu.memory_space<hbm>>
      tpu.wait_indirect_dma semaphore(%arg10 : memref<!tpu.dma_semaphore, #tpu.memory_space<semaphore_mem>>) src(%dma_wait3A_99 : memref<10000x256xf32, #tpu.memory_space<hbm>>) dst(%arg8 : memref<128x256xf32, #tpu.memory_space<vmem>>)
      %dma_start3A_100 = arith.constant 0 : i32
      %dma_start3A_101 = tpu.memref_slice %arg4[%add3A_76, %dma_start3A_100] : memref<160000x256xf32, #tpu.memory_space<hbm>> -> memref<128x256xf32, #tpu.memory_space<hbm>>
      %dma_start3A_102 = arith.constant 0 : i32
      %dma_start3A_103 = tpu.memref_slice %arg4[%add3A_76, %dma_start3A_102] : memref<160000x256xf32, #tpu.memory_space<hbm>> -> memref<128x256xf32, #tpu.memory_space<hbm>>
      tpu.enqueue_dma source(%arg8 : memref<128x256xf32, #tpu.memory_space<vmem>>) target(%dma_start3A_103 : memref<128x256xf32, #tpu.memory_space<hbm>>) target_semaphore(%arg12 : memref<!tpu.dma_semaphore, #tpu.memory_space<semaphore_mem>>)
    }
    %scan3A_7 = arith.constant 19 : i32
    %add3A_8 = arith.constant 4608 : i32
    %add3A_9 = arith.addi %mul3A_2, %add3A_8 : i32
    %add3A_10 = arith.constant 0 : i32
    %add3A_11 = arith.addi %add3A_9, %add3A_10 : i32
    %dma_wait3A = arith.constant 0 : i32
    %dma_wait3A_12 = tpu.memref_slice %arg4[%add3A_11, %dma_wait3A] : memref<160000x256xf32, #tpu.memory_space<hbm>> -> memref<128x256xf32, #tpu.memory_space<hbm>>
    %dma_wait3A_13 = arith.constant 0 : i32
    %dma_wait3A_14 = tpu.memref_slice %arg4[%add3A_11, %dma_wait3A_13] : memref<160000x256xf32, #tpu.memory_space<hbm>> -> memref<128x256xf32, #tpu.memory_space<hbm>>
    tpu.wait_dma2 semaphore(%arg11 : memref<!tpu.dma_semaphore, #tpu.memory_space<semaphore_mem>>) src(%arg7 : memref<128x256xf32, #tpu.memory_space<vmem>>) dst(%dma_wait3A_14 : memref<128x256xf32, #tpu.memory_space<hbm>>)
    %add3A_15 = arith.constant 128 : i32
    %add3A_16 = arith.addi %add3A_9, %add3A_15 : i32
    %dma_wait3A_17 = arith.constant 0 : i32
    %dma_wait3A_18 = tpu.memref_slice %arg4[%add3A_16, %dma_wait3A_17] : memref<160000x256xf32, #tpu.memory_space<hbm>> -> memref<128x256xf32, #tpu.memory_space<hbm>>
    %dma_wait3A_19 = arith.constant 0 : i32
    %dma_wait3A_20 = tpu.memref_slice %arg4[%add3A_16, %dma_wait3A_19] : memref<160000x256xf32, #tpu.memory_space<hbm>> -> memref<128x256xf32, #tpu.memory_space<hbm>>
    tpu.wait_dma2 semaphore(%arg12 : memref<!tpu.dma_semaphore, #tpu.memory_space<semaphore_mem>>) src(%arg8 : memref<128x256xf32, #tpu.memory_space<vmem>>) dst(%dma_wait3A_20 : memref<128x256xf32, #tpu.memory_space<hbm>>)
    %add3A_21 = arith.constant 4864 : i32
    %add3A_22 = arith.addi %mul3A_2, %add3A_21 : i32
    %add3A_23 = arith.constant 0 : i32
    %add3A_24 = arith.addi %add3A_22, %add3A_23 : i32
    "tpu.region"() ({
      %run_scoped3A = tpu.sem_alloc : memref<!tpu.dma_semaphore, #tpu.memory_space<semaphore_mem>>
      %dma_start3A_62 = arith.constant 0 : i32
      %dma_start3A_63 = tpu.memref_slice %arg5[%dma_start3A_62] : memref<128xi32, #tpu.memory_space<vmem>> -> memref<128xi32, #tpu.memory_space<vmem>>
      %dma_start3A_64 = tpu.memref_slice %arg3[%add3A_24] : memref<160000xi32, #tpu.memory_space<hbm>> -> memref<128xi32, #tpu.memory_space<hbm>>
      %dma_start3A_65 = arith.constant 0 : i32
      %dma_start3A_66 = tpu.memref_slice %arg5[%dma_start3A_65] : memref<128xi32, #tpu.memory_space<vmem>> -> memref<128xi32, #tpu.memory_space<vmem>>
      %dma_start3A_67 = tpu.memref_slice %arg3[%add3A_24] : memref<160000xi32, #tpu.memory_space<hbm>> -> memref<128xi32, #tpu.memory_space<hbm>>
      tpu.enqueue_dma source(%dma_start3A_67 : memref<128xi32, #tpu.memory_space<hbm>>) target(%dma_start3A_66 : memref<128xi32, #tpu.memory_space<vmem>>) target_semaphore(%run_scoped3A : memref<!tpu.dma_semaphore, #tpu.memory_space<semaphore_mem>>)
      %dma_wait3A_68 = arith.constant 0 : i32
      %dma_wait3A_69 = tpu.memref_slice %arg5[%dma_wait3A_68] : memref<128xi32, #tpu.memory_space<vmem>> -> memref<128xi32, #tpu.memory_space<vmem>>
      %dma_wait3A_70 = tpu.memref_slice %arg3[%add3A_24] : memref<160000xi32, #tpu.memory_space<hbm>> -> memref<128xi32, #tpu.memory_space<hbm>>
      %dma_wait3A_71 = arith.constant 0 : i32
      %dma_wait3A_72 = tpu.memref_slice %arg5[%dma_wait3A_71] : memref<128xi32, #tpu.memory_space<vmem>> -> memref<128xi32, #tpu.memory_space<vmem>>
      %dma_wait3A_73 = tpu.memref_slice %arg3[%add3A_24] : memref<160000xi32, #tpu.memory_space<hbm>> -> memref<128xi32, #tpu.memory_space<hbm>>
      tpu.wait_dma2 semaphore(%run_scoped3A : memref<!tpu.dma_semaphore, #tpu.memory_space<semaphore_mem>>) src(%dma_wait3A_73 : memref<128xi32, #tpu.memory_space<hbm>>) dst(%dma_wait3A_72 : memref<128xi32, #tpu.memory_space<vmem>>)
      tpu.yield
    }) : () -> ()
    %dma_start3A = arith.constant 0 : i32
    %dma_start3A_25 = arith.constant 0 : i32
    %dma_start3A_26 = tpu.memref_slice %arg7[%dma_start3A, %dma_start3A_25] : memref<128x256xf32, #tpu.memory_space<vmem>> -> memref<128x256xf32, #tpu.memory_space<vmem>>
    %dma_start3A_27 = arith.constant 0 : i32
    %dma_start3A_28 = tpu.memref_slice %arg5[%dma_start3A_27] : memref<128xi32, #tpu.memory_space<vmem>> -> memref<128xi32, #tpu.memory_space<vmem>>
    %dma_start3A_29 = arith.constant 0 : i32
    %dma_start3A_30 = arith.constant 0 : i32
    %dma_start3A_31 = tpu.memref_slice %arg2[%dma_start3A_29, %dma_start3A_30] : memref<10000x256xf32, #tpu.memory_space<hbm>> -> memref<10000x256xf32, #tpu.memory_space<hbm>>
    tpu.enqueue_indirect_dma source(%dma_start3A_31 : memref<10000x256xf32, #tpu.memory_space<hbm>>) target(%dma_start3A_26 : memref<128x256xf32, #tpu.memory_space<vmem>>) offsets(%dma_start3A_28 : memref<128xi32, #tpu.memory_space<vmem>>) semaphore(%arg9 : memref<!tpu.dma_semaphore, #tpu.memory_space<semaphore_mem>>)
    %dma_wait3A_32 = arith.constant 0 : i32
    %dma_wait3A_33 = arith.constant 0 : i32
    %dma_wait3A_34 = tpu.memref_slice %arg7[%dma_wait3A_32, %dma_wait3A_33] : memref<128x256xf32, #tpu.memory_space<vmem>> -> memref<128x256xf32, #tpu.memory_space<vmem>>
    %dma_wait3A_35 = arith.constant 0 : i32
    %dma_wait3A_36 = tpu.memref_slice %arg5[%dma_wait3A_35] : memref<128xi32, #tpu.memory_space<vmem>> -> memref<128xi32, #tpu.memory_space<vmem>>
    %dma_wait3A_37 = arith.constant 0 : i32
    %dma_wait3A_38 = arith.constant 0 : i32
    %dma_wait3A_39 = tpu.memref_slice %arg2[%dma_wait3A_37, %dma_wait3A_38] : memref<10000x256xf32, #tpu.memory_space<hbm>> -> memref<10000x256xf32, #tpu.memory_space<hbm>>
    tpu.wait_indirect_dma semaphore(%arg9 : memref<!tpu.dma_semaphore, #tpu.memory_space<semaphore_mem>>) src(%dma_wait3A_39 : memref<10000x256xf32, #tpu.memory_space<hbm>>) dst(%dma_wait3A_34 : memref<128x256xf32, #tpu.memory_space<vmem>>)
    %add3A_40 = arith.constant 0 : i32
    %add3A_41 = arith.addi %add3A_22, %add3A_40 : i32
    "tpu.region"() ({
      %run_scoped3A = tpu.sem_alloc : memref<!tpu.dma_semaphore, #tpu.memory_space<semaphore_mem>>
      %dma_start3A_62 = arith.constant 0 : i32
      %dma_start3A_63 = arith.constant 0 : i32
      %dma_start3A_64 = tpu.memref_slice %arg7[%dma_start3A_62, %dma_start3A_63] : memref<128x256xf32, #tpu.memory_space<vmem>> -> memref<128x256xf32, #tpu.memory_space<vmem>>
      %dma_start3A_65 = arith.constant 0 : i32
      %dma_start3A_66 = tpu.memref_slice %arg4[%add3A_41, %dma_start3A_65] : memref<160000x256xf32, #tpu.memory_space<hbm>> -> memref<128x256xf32, #tpu.memory_space<hbm>>
      %dma_start3A_67 = arith.constant 0 : i32
      %dma_start3A_68 = tpu.memref_slice %arg4[%add3A_41, %dma_start3A_67] : memref<160000x256xf32, #tpu.memory_space<hbm>> -> memref<128x256xf32, #tpu.memory_space<hbm>>
      %dma_start3A_69 = arith.constant 0 : i32
      %dma_start3A_70 = arith.constant 0 : i32
      %dma_start3A_71 = tpu.memref_slice %arg7[%dma_start3A_69, %dma_start3A_70] : memref<128x256xf32, #tpu.memory_space<vmem>> -> memref<128x256xf32, #tpu.memory_space<vmem>>
      tpu.enqueue_dma source(%dma_start3A_71 : memref<128x256xf32, #tpu.memory_space<vmem>>) target(%dma_start3A_68 : memref<128x256xf32, #tpu.memory_space<hbm>>) target_semaphore(%run_scoped3A : memref<!tpu.dma_semaphore, #tpu.memory_space<semaphore_mem>>)
      %dma_wait3A_72 = arith.constant 0 : i32
      %dma_wait3A_73 = arith.constant 0 : i32
      %dma_wait3A_74 = tpu.memref_slice %arg7[%dma_wait3A_72, %dma_wait3A_73] : memref<128x256xf32, #tpu.memory_space<vmem>> -> memref<128x256xf32, #tpu.memory_space<vmem>>
      %dma_wait3A_75 = arith.constant 0 : i32
      %dma_wait3A_76 = tpu.memref_slice %arg4[%add3A_41, %dma_wait3A_75] : memref<160000x256xf32, #tpu.memory_space<hbm>> -> memref<128x256xf32, #tpu.memory_space<hbm>>
      %dma_wait3A_77 = arith.constant 0 : i32
      %dma_wait3A_78 = tpu.memref_slice %arg4[%add3A_41, %dma_wait3A_77] : memref<160000x256xf32, #tpu.memory_space<hbm>> -> memref<128x256xf32, #tpu.memory_space<hbm>>
      %dma_wait3A_79 = arith.constant 0 : i32
      %dma_wait3A_80 = arith.constant 0 : i32
      %dma_wait3A_81 = tpu.memref_slice %arg7[%dma_wait3A_79, %dma_wait3A_80] : memref<128x256xf32, #tpu.memory_space<vmem>> -> memref<128x256xf32, #tpu.memory_space<vmem>>
      tpu.wait_dma2 semaphore(%run_scoped3A : memref<!tpu.dma_semaphore, #tpu.memory_space<semaphore_mem>>) src(%dma_wait3A_81 : memref<128x256xf32, #tpu.memory_space<vmem>>) dst(%dma_wait3A_78 : memref<128x256xf32, #tpu.memory_space<hbm>>)
      tpu.yield
    }) : () -> ()
    %add3A_42 = arith.constant 128 : i32
    %add3A_43 = arith.addi %add3A_22, %add3A_42 : i32
    "tpu.region"() ({
      %run_scoped3A = tpu.sem_alloc : memref<!tpu.dma_semaphore, #tpu.memory_space<semaphore_mem>>
      %dma_start3A_62 = arith.constant 0 : i32
      %dma_start3A_63 = tpu.memref_slice %arg5[%dma_start3A_62] : memref<128xi32, #tpu.memory_space<vmem>> -> memref<8xi32, #tpu.memory_space<vmem>>
      %dma_start3A_64 = tpu.memref_slice %arg3[%add3A_43] : memref<160000xi32, #tpu.memory_space<hbm>> -> memref<8xi32, #tpu.memory_space<hbm>>
      %dma_start3A_65 = arith.constant 0 : i32
      %dma_start3A_66 = tpu.memref_slice %arg5[%dma_start3A_65] : memref<128xi32, #tpu.memory_space<vmem>> -> memref<8xi32, #tpu.memory_space<vmem>>
      %dma_start3A_67 = tpu.memref_slice %arg3[%add3A_43] : memref<160000xi32, #tpu.memory_space<hbm>> -> memref<8xi32, #tpu.memory_space<hbm>>
      tpu.enqueue_dma source(%dma_start3A_67 : memref<8xi32, #tpu.memory_space<hbm>>) target(%dma_start3A_66 : memref<8xi32, #tpu.memory_space<vmem>>) target_semaphore(%run_scoped3A : memref<!tpu.dma_semaphore, #tpu.memory_space<semaphore_mem>>)
      %dma_wait3A_68 = arith.constant 0 : i32
      %dma_wait3A_69 = tpu.memref_slice %arg5[%dma_wait3A_68] : memref<128xi32, #tpu.memory_space<vmem>> -> memref<8xi32, #tpu.memory_space<vmem>>
      %dma_wait3A_70 = tpu.memref_slice %arg3[%add3A_43] : memref<160000xi32, #tpu.memory_space<hbm>> -> memref<8xi32, #tpu.memory_space<hbm>>
      %dma_wait3A_71 = arith.constant 0 : i32
      %dma_wait3A_72 = tpu.memref_slice %arg5[%dma_wait3A_71] : memref<128xi32, #tpu.memory_space<vmem>> -> memref<8xi32, #tpu.memory_space<vmem>>
      %dma_wait3A_73 = tpu.memref_slice %arg3[%add3A_43] : memref<160000xi32, #tpu.memory_space<hbm>> -> memref<8xi32, #tpu.memory_space<hbm>>
      tpu.wait_dma2 semaphore(%run_scoped3A : memref<!tpu.dma_semaphore, #tpu.memory_space<semaphore_mem>>) src(%dma_wait3A_73 : memref<8xi32, #tpu.memory_space<hbm>>) dst(%dma_wait3A_72 : memref<8xi32, #tpu.memory_space<vmem>>)
      tpu.yield
    }) : () -> ()
    %dma_start3A_44 = arith.constant 0 : i32
    %dma_start3A_45 = arith.constant 0 : i32
    %dma_start3A_46 = tpu.memref_slice %arg7[%dma_start3A_44, %dma_start3A_45] : memref<128x256xf32, #tpu.memory_space<vmem>> -> memref<8x256xf32, #tpu.memory_space<vmem>>
    %dma_start3A_47 = arith.constant 0 : i32
    %dma_start3A_48 = tpu.memref_slice %arg5[%dma_start3A_47] : memref<128xi32, #tpu.memory_space<vmem>> -> memref<8xi32, #tpu.memory_space<vmem>>
    %dma_start3A_49 = arith.constant 0 : i32
    %dma_start3A_50 = arith.constant 0 : i32
    %dma_start3A_51 = tpu.memref_slice %arg2[%dma_start3A_49, %dma_start3A_50] : memref<10000x256xf32, #tpu.memory_space<hbm>> -> memref<10000x256xf32, #tpu.memory_space<hbm>>
    tpu.enqueue_indirect_dma source(%dma_start3A_51 : memref<10000x256xf32, #tpu.memory_space<hbm>>) target(%dma_start3A_46 : memref<8x256xf32, #tpu.memory_space<vmem>>) offsets(%dma_start3A_48 : memref<8xi32, #tpu.memory_space<vmem>>) semaphore(%arg9 : memref<!tpu.dma_semaphore, #tpu.memory_space<semaphore_mem>>)
    %dma_wait3A_52 = arith.constant 0 : i32
    %dma_wait3A_53 = arith.constant 0 : i32
    %dma_wait3A_54 = tpu.memref_slice %arg7[%dma_wait3A_52, %dma_wait3A_53] : memref<128x256xf32, #tpu.memory_space<vmem>> -> memref<8x256xf32, #tpu.memory_space<vmem>>
    %dma_wait3A_55 = arith.constant 0 : i32
    %dma_wait3A_56 = tpu.memref_slice %arg5[%dma_wait3A_55] : memref<128xi32, #tpu.memory_space<vmem>> -> memref<8xi32, #tpu.memory_space<vmem>>
    %dma_wait3A_57 = arith.constant 0 : i32
    %dma_wait3A_58 = arith.constant 0 : i32
    %dma_wait3A_59 = tpu.memref_slice %arg2[%dma_wait3A_57, %dma_wait3A_58] : memref<10000x256xf32, #tpu.memory_space<hbm>> -> memref<10000x256xf32, #tpu.memory_space<hbm>>
    tpu.wait_indirect_dma semaphore(%arg9 : memref<!tpu.dma_semaphore, #tpu.memory_space<semaphore_mem>>) src(%dma_wait3A_59 : memref<10000x256xf32, #tpu.memory_space<hbm>>) dst(%dma_wait3A_54 : memref<8x256xf32, #tpu.memory_space<vmem>>)
    %add3A_60 = arith.constant 128 : i32
    %add3A_61 = arith.addi %add3A_22, %add3A_60 : i32
    "tpu.region"() ({
      %run_scoped3A = tpu.sem_alloc : memref<!tpu.dma_semaphore, #tpu.memory_space<semaphore_mem>>
      %dma_start3A_62 = arith.constant 0 : i32
      %dma_start3A_63 = arith.constant 0 : i32
      %dma_start3A_64 = tpu.memref_slice %arg7[%dma_start3A_62, %dma_start3A_63] : memref<128x256xf32, #tpu.memory_space<vmem>> -> memref<8x256xf32, #tpu.memory_space<vmem>>
      %dma_start3A_65 = arith.constant 0 : i32
      %dma_start3A_66 = tpu.memref_slice %arg4[%add3A_61, %dma_start3A_65] : memref<160000x256xf32, #tpu.memory_space<hbm>> -> memref<8x256xf32, #tpu.memory_space<hbm>>
      %dma_start3A_67 = arith.constant 0 : i32
      %dma_start3A_68 = tpu.memref_slice %arg4[%add3A_61, %dma_start3A_67] : memref<160000x256xf32, #tpu.memory_space<hbm>> -> memref<8x256xf32, #tpu.memory_space<hbm>>
      %dma_start3A_69 = arith.constant 0 : i32
      %dma_start3A_70 = arith.constant 0 : i32
      %dma_start3A_71 = tpu.memref_slice %arg7[%dma_start3A_69, %dma_start3A_70] : memref<128x256xf32, #tpu.memory_space<vmem>> -> memref<8x256xf32, #tpu.memory_space<vmem>>
      tpu.enqueue_dma source(%dma_start3A_71 : memref<8x256xf32, #tpu.memory_space<vmem>>) target(%dma_start3A_68 : memref<8x256xf32, #tpu.memory_space<hbm>>) target_semaphore(%run_scoped3A : memref<!tpu.dma_semaphore, #tpu.memory_space<semaphore_mem>>)
      %dma_wait3A_72 = arith.constant 0 : i32
      %dma_wait3A_73 = arith.constant 0 : i32
      %dma_wait3A_74 = tpu.memref_slice %arg7[%dma_wait3A_72, %dma_wait3A_73] : memref<128x256xf32, #tpu.memory_space<vmem>> -> memref<8x256xf32, #tpu.memory_space<vmem>>
      %dma_wait3A_75 = arith.constant 0 : i32
      %dma_wait3A_76 = tpu.memref_slice %arg4[%add3A_61, %dma_wait3A_75] : memref<160000x256xf32, #tpu.memory_space<hbm>> -> memref<8x256xf32, #tpu.memory_space<hbm>>
      %dma_wait3A_77 = arith.constant 0 : i32
      %dma_wait3A_78 = tpu.memref_slice %arg4[%add3A_61, %dma_wait3A_77] : memref<160000x256xf32, #tpu.memory_space<hbm>> -> memref<8x256xf32, #tpu.memory_space<hbm>>
      %dma_wait3A_79 = arith.constant 0 : i32
      %dma_wait3A_80 = arith.constant 0 : i32
      %dma_wait3A_81 = tpu.memref_slice %arg7[%dma_wait3A_79, %dma_wait3A_80] : memref<128x256xf32, #tpu.memory_space<vmem>> -> memref<8x256xf32, #tpu.memory_space<vmem>>
      tpu.wait_dma2 semaphore(%run_scoped3A : memref<!tpu.dma_semaphore, #tpu.memory_space<semaphore_mem>>) src(%dma_wait3A_81 : memref<8x256xf32, #tpu.memory_space<vmem>>) dst(%dma_wait3A_78 : memref<8x256xf32, #tpu.memory_space<hbm>>)
      tpu.yield
    }) : () -> ()
    return
  }
}

module attributes {stable_mosaic.version = 14 : i64} {
  func.func @_embed_body(%arg0: i32, %arg1: memref<2000x92xbf16, #tpu.memory_space<vmem>>, %arg2: memref<92x128xbf16, #tpu.memory_space<vmem>>, %arg3: memref<1x128xf32, #tpu.memory_space<vmem>>, %arg4: memref<2000x128xf32, #tpu.memory_space<vmem>>) attributes {dimension_semantics = [#tpu.dimension_semantics<arbitrary>], iteration_bounds = array<i64: 5>, scalar_prefetch = 0 : i64, scratch_operands = 0 : i64, tpu.core_type = #tpu.core_type<tc>, window_params = [{transform_indices = @transform_0, window_bounds = array<i64: 2000, 92>}, {pipeline_mode = #tpu.pipeline_mode<synchronous>, transform_indices = @transform_1, window_bounds = array<i64: 92, 128>}, {pipeline_mode = #tpu.pipeline_mode<synchronous>, transform_indices = @transform_2, window_bounds = array<i64: 1, 128>}, {transform_indices = @transform_3, window_bounds = array<i64: 2000, 128>}]} {
    %get3A = arith.constant 0 : index
    %get3A_0 = arith.constant 0 : index
    %get3A_1 = vector.load %arg1[%get3A, %get3A_0] : memref<2000x92xbf16, #tpu.memory_space<vmem>>, vector<2000x92xbf16>
    %get3A_2 = arith.constant 0 : index
    %get3A_3 = arith.constant 0 : index
    %get3A_4 = vector.load %arg2[%get3A_2, %get3A_3] : memref<92x128xbf16, #tpu.memory_space<vmem>>, vector<92x128xbf16>
    %dot_general3A = arith.constant dense<0.000000e+00> : vector<2000x128xf32>
    %dot_general3A_5 = tpu.matmul %get3A_1, %get3A_4, %dot_general3A {dimension_numbers = #tpu.dot_dimension_numbers<[1], [0], [0], [1], [0, 0, 1, 1], [], []>, transpose_lhs_hint = false} : vector<2000x92xbf16>, vector<92x128xbf16>, vector<2000x128xf32> -> vector<2000x128xf32>
    %get3A_6 = arith.constant 0 : index
    %get3A_7 = arith.constant 0 : index
    %get3A_8 = vector.load %arg3[%get3A_6, %get3A_7] : memref<1x128xf32, #tpu.memory_space<vmem>>, vector<1x128xf32>
    %add3A = vector.broadcast %get3A_8 : vector<1x128xf32> to vector<2000x128xf32>
    %add3A_9 = arith.addf %dot_general3A_5, %add3A : vector<2000x128xf32>
    %swap3A = arith.constant 0 : index
    %swap3A_10 = arith.constant 0 : index
    %swap3A_11 = vector.load %arg4[%swap3A, %swap3A_10] : memref<2000x128xf32, #tpu.memory_space<vmem>>, vector<2000x128xf32>
    tpu.vector_store %arg4[%swap3A, %swap3A_10], %add3A_9 {strides = array<i32>} : memref<2000x128xf32, #tpu.memory_space<vmem>>, vector<2000x128xf32>,
    return
  }
  func.func @transform_0(%arg0: i32) -> (i32, i32) {
    %c0_i32 = arith.constant 0 : i32
    %c0_i32_0 = arith.constant 0 : i32
    return %arg0, %c0_i32 : i32, i32
  }
  func.func @transform_1(%arg0: i32) -> (i32, i32) {
    %c0_i32 = arith.constant 0 : i32
    %c0_i32_0 = arith.constant 0 : i32
    %c0_i32_1 = arith.constant 0 : i32
    return %c0_i32, %c0_i32_0 : i32, i32
  }
  func.func @transform_2(%arg0: i32) -> (i32, i32) {
    %c0_i32 = arith.constant 0 : i32
    %c0_i32_0 = arith.constant 0 : i32
    %c0_i32_1 = arith.constant 0 : i32
    return %c0_i32, %c0_i32_0 : i32, i32
  }
  func.func @transform_3(%arg0: i32) -> (i32, i32) {
    %c0_i32 = arith.constant 0 : i32
    %c0_i32_0 = arith.constant 0 : i32
    return %arg0, %c0_i32 : i32, i32
  }
}

module attributes {stable_mosaic.version = 14 : i64} {
  func.func @_sy_body(%arg0: i32, %arg1: memref<1000x128xbf16, #tpu.memory_space<vmem>>, %arg2: memref<128x512xbf16, #tpu.memory_space<vmem>>, %arg3: memref<1x256xf32, #tpu.memory_space<vmem>>, %arg4: memref<1000x256xf32, #tpu.memory_space<vmem>>, %arg5: memref<1000x256xf32, #tpu.memory_space<vmem>>) attributes {dimension_semantics = [#tpu.dimension_semantics<arbitrary>], iteration_bounds = array<i64: 10>, scalar_prefetch = 0 : i64, scratch_operands = 0 : i64, tpu.core_type = #tpu.core_type<tc>, window_params = [{transform_indices = @transform_0, window_bounds = array<i64: 1000, 128>}, {pipeline_mode = #tpu.pipeline_mode<synchronous>, transform_indices = @transform_1, window_bounds = array<i64: 128, 512>}, {pipeline_mode = #tpu.pipeline_mode<synchronous>, transform_indices = @transform_2, window_bounds = array<i64: 1, 256>}, {transform_indices = @transform_3, window_bounds = array<i64: 1000, 256>}, {transform_indices = @transform_4, window_bounds = array<i64: 1000, 256>}]} {
    %get3A = arith.constant 0 : index
    %get3A_0 = arith.constant 0 : index
    %get3A_1 = vector.load %arg1[%get3A, %get3A_0] : memref<1000x128xbf16, #tpu.memory_space<vmem>>, vector<1000x128xbf16>
    %get3A_2 = arith.constant 0 : index
    %get3A_3 = arith.constant 0 : index
    %get3A_4 = vector.load %arg2[%get3A_2, %get3A_3] : memref<128x512xbf16, #tpu.memory_space<vmem>>, vector<128x512xbf16>
    %dot_general3A = arith.constant dense<0.000000e+00> : vector<1000x512xf32>
    %dot_general3A_5 = tpu.matmul %get3A_1, %get3A_4, %dot_general3A {dimension_numbers = #tpu.dot_dimension_numbers<[1], [0], [0], [1], [0, 0, 1, 1], [], []>, transpose_lhs_hint = false} : vector<1000x128xbf16>, vector<128x512xbf16>, vector<1000x512xf32> -> vector<1000x512xf32>
    %slice3A = vector.extract_strided_slice %dot_general3A_5 {offsets = [0, 0], sizes = [1000, 256], strides = [1, 1]} : vector<1000x512xf32> to vector<1000x256xf32>
    %get3A_6 = arith.constant 0 : index
    %get3A_7 = arith.constant 0 : index
    %get3A_8 = vector.load %arg3[%get3A_6, %get3A_7] : memref<1x256xf32, #tpu.memory_space<vmem>>, vector<1x256xf32>
    %add3A = vector.broadcast %get3A_8 : vector<1x256xf32> to vector<1000x256xf32>
    %add3A_9 = arith.addf %slice3A, %add3A : vector<1000x256xf32>
    %swap3A = arith.constant 0 : index
    %swap3A_10 = arith.constant 0 : index
    %swap3A_11 = vector.load %arg4[%swap3A, %swap3A_10] : memref<1000x256xf32, #tpu.memory_space<vmem>>, vector<1000x256xf32>
    tpu.vector_store %arg4[%swap3A, %swap3A_10], %add3A_9 {strides = array<i32>} : memref<1000x256xf32, #tpu.memory_space<vmem>>, vector<1000x256xf32>,
    %slice3A_12 = vector.extract_strided_slice %dot_general3A_5 {offsets = [0, 256], sizes = [1000, 256], strides = [1, 1]} : vector<1000x512xf32> to vector<1000x256xf32>
    %swap3A_13 = arith.constant 0 : index
    %swap3A_14 = arith.constant 0 : index
    %swap3A_15 = vector.load %arg5[%swap3A_13, %swap3A_14] : memref<1000x256xf32, #tpu.memory_space<vmem>>, vector<1000x256xf32>
    tpu.vector_store %arg5[%swap3A_13, %swap3A_14], %slice3A_12 {strides = array<i32>} : memref<1000x256xf32, #tpu.memory_space<vmem>>, vector<1000x256xf32>,
    return
  }
  func.func @transform_0(%arg0: i32) -> (i32, i32) {
    %c0_i32 = arith.constant 0 : i32
    %c0_i32_0 = arith.constant 0 : i32
    return %arg0, %c0_i32 : i32, i32
  }
  func.func @transform_1(%arg0: i32) -> (i32, i32) {
    %c0_i32 = arith.constant 0 : i32
    %c0_i32_0 = arith.constant 0 : i32
    %c0_i32_1 = arith.constant 0 : i32
    return %c0_i32, %c0_i32_0 : i32, i32
  }
  func.func @transform_2(%arg0: i32) -> (i32, i32) {
    %c0_i32 = arith.constant 0 : i32
    %c0_i32_0 = arith.constant 0 : i32
    %c0_i32_1 = arith.constant 0 : i32
    return %c0_i32, %c0_i32_0 : i32, i32
  }
  func.func @transform_3(%arg0: i32) -> (i32, i32) {
    %c0_i32 = arith.constant 0 : i32
    %c0_i32_0 = arith.constant 0 : i32
    return %arg0, %c0_i32 : i32, i32
  }
  func.func @transform_4(%arg0: i32) -> (i32, i32) {
    %c0_i32 = arith.constant 0 : i32
    %c0_i32_0 = arith.constant 0 : i32
    return %arg0, %c0_i32 : i32, i32
  }
}

module attributes {stable_mosaic.version = 14 : i64} {
  func.func @_stats_body(%arg0: i32, %arg1: memref<6400x256xf32, #tpu.memory_space<vmem>>, %arg2: memref<6400x16xbf16, #tpu.memory_space<vmem>>, %arg3: memref<200x256xf32, #tpu.memory_space<vmem>>, %arg4: memref<16x256xbf16, #tpu.memory_space<vmem>>, %arg5: memref<1x256xf32, #tpu.memory_space<vmem>>, %arg6: memref<1x256xf32, #tpu.memory_space<vmem>>) attributes {dimension_semantics = [#tpu.dimension_semantics<arbitrary>], iteration_bounds = array<i64: 25>, scalar_prefetch = 0 : i64, scratch_operands = 0 : i64, tpu.core_type = #tpu.core_type<tc>, window_params = [{transform_indices = @transform_0, window_bounds = array<i64: 6400, 256>}, {transform_indices = @transform_1, window_bounds = array<i64: 6400, 16>}, {transform_indices = @transform_2, window_bounds = array<i64: 200, 256>}, {pipeline_mode = #tpu.pipeline_mode<synchronous>, transform_indices = @transform_3, window_bounds = array<i64: 16, 256>}, {pipeline_mode = #tpu.pipeline_mode<synchronous>, transform_indices = @transform_4, window_bounds = array<i64: 1, 256>}, {pipeline_mode = #tpu.pipeline_mode<synchronous>, transform_indices = @transform_5, window_bounds = array<i64: 1, 256>}]} {
    %get3A = arith.constant 0 : index
    %get3A_0 = arith.constant 0 : index
    %get3A_1 = vector.load %arg2[%get3A, %get3A_0] : memref<6400x16xbf16, #tpu.memory_space<vmem>>, vector<6400x16xbf16>
    %get3A_2 = arith.constant 0 : index
    %get3A_3 = arith.constant 0 : index
    %get3A_4 = vector.load %arg4[%get3A_2, %get3A_3] : memref<16x256xbf16, #tpu.memory_space<vmem>>, vector<16x256xbf16>
    %dot_general3A = arith.constant dense<0.000000e+00> : vector<6400x256xf32>
    %dot_general3A_5 = tpu.matmul %get3A_1, %get3A_4, %dot_general3A {dimension_numbers = #tpu.dot_dimension_numbers<[1], [0], [0], [1], [0, 0, 1, 1], [], []>, transpose_lhs_hint = false} : vector<6400x16xbf16>, vector<16x256xbf16>, vector<6400x256xf32> -> vector<6400x256xf32>
    %get3A_6 = arith.constant 0 : index
    %get3A_7 = arith.constant 0 : index
    %get3A_8 = vector.load %arg3[%get3A_6, %get3A_7] : memref<200x256xf32, #tpu.memory_space<vmem>>, vector<200x256xf32>
    %broadcast_in_dim3A = vector.shape_cast %get3A_8 : vector<200x256xf32> to vector<200x1x256xf32>
    %broadcast_in_dim3A_9 = vector.shape_cast %broadcast_in_dim3A : vector<200x1x256xf32> to vector<200x1x256xf32>
    %broadcast_in_dim3A_10 = vector.broadcast %broadcast_in_dim3A_9 : vector<200x1x256xf32> to vector<200x32x256xf32>
    %reshape3A = vector.shape_cast %broadcast_in_dim3A_10 : vector<200x32x256xf32> to vector<6400x256xf32>
    %get3A_11 = arith.constant 0 : index
    %get3A_12 = arith.constant 0 : index
    %get3A_13 = vector.load %arg1[%get3A_11, %get3A_12] : memref<6400x256xf32, #tpu.memory_space<vmem>>, vector<6400x256xf32>
    %add3A = arith.addf %reshape3A, %get3A_13 : vector<6400x256xf32>
    %add3A_14 = arith.addf %add3A, %dot_general3A_5 : vector<6400x256xf32>
    %reduce_sum3A = arith.constant dense<0.000000e+00> : vector<256xf32>
    %reduce_sum3A_15 = vector.multi_reduction <add>, %add3A_14, %reduce_sum3A [0] : vector<6400x256xf32> to vector<256xf32>
    %broadcast_in_dim3A_16 = vector.shape_cast %reduce_sum3A_15 : vector<256xf32> to vector<1x256xf32>
    %mul3A = arith.mulf %add3A_14, %add3A_14 : vector<6400x256xf32>
    %reduce_sum3A_17 = arith.constant dense<0.000000e+00> : vector<256xf32>
    %reduce_sum3A_18 = vector.multi_reduction <add>, %mul3A, %reduce_sum3A_17 [0] : vector<6400x256xf32> to vector<256xf32>
    %broadcast_in_dim3A_19 = vector.shape_cast %reduce_sum3A_18 : vector<256xf32> to vector<1x256xf32>
    %eq3A = arith.constant 0 : i32
    %eq3A_20 = arith.cmpi eq, %arg0, %eq3A : i32
    %convert_element_type3A = arith.extui %eq3A_20 : i1 to i32
    %cond3A = arith.constant 0 : i32
    %cond3A_21 = arith.cmpi ne, %convert_element_type3A, %cond3A : i32
    scf.if %cond3A_21 {
      %swap3A = arith.constant 0 : index
      %swap3A_26 = arith.constant 0 : index
      %swap3A_27 = vector.load %arg5[%swap3A, %swap3A_26] : memref<1x256xf32, #tpu.memory_space<vmem>>, vector<1x256xf32>
      tpu.vector_store %arg5[%swap3A, %swap3A_26], %broadcast_in_dim3A_16 {strides = array<i32>} : memref<1x256xf32, #tpu.memory_space<vmem>>, vector<1x256xf32>,
      %swap3A_28 = arith.constant 0 : index
      %swap3A_29 = arith.constant 0 : index
      %swap3A_30 = vector.load %arg6[%swap3A_28, %swap3A_29] : memref<1x256xf32, #tpu.memory_space<vmem>>, vector<1x256xf32>
      tpu.vector_store %arg6[%swap3A_28, %swap3A_29], %broadcast_in_dim3A_19 {strides = array<i32>} : memref<1x256xf32, #tpu.memory_space<vmem>>, vector<1x256xf32>,
    } else {
    }
    %ne3A = arith.constant 0 : i32
    %ne3A_22 = arith.cmpi ne, %arg0, %ne3A : i32
    %convert_element_type3A_23 = arith.extui %ne3A_22 : i1 to i32
    %cond3A_24 = arith.constant 0 : i32
    %cond3A_25 = arith.cmpi ne, %convert_element_type3A_23, %cond3A_24 : i32
    scf.if %cond3A_25 {
      %get3A_26 = arith.constant 0 : index
      %get3A_27 = arith.constant 0 : index
      %get3A_28 = vector.load %arg5[%get3A_26, %get3A_27] : memref<1x256xf32, #tpu.memory_space<vmem>>, vector<1x256xf32>
      %add3A_29 = arith.addf %get3A_28, %broadcast_in_dim3A_16 : vector<1x256xf32>
      %swap3A = arith.constant 0 : index
      %swap3A_30 = arith.constant 0 : index
      %swap3A_31 = vector.load %arg5[%swap3A, %swap3A_30] : memref<1x256xf32, #tpu.memory_space<vmem>>, vector<1x256xf32>
      tpu.vector_store %arg5[%swap3A, %swap3A_30], %add3A_29 {strides = array<i32>} : memref<1x256xf32, #tpu.memory_space<vmem>>, vector<1x256xf32>,
      %get3A_32 = arith.constant 0 : index
      %get3A_33 = arith.constant 0 : index
      %get3A_34 = vector.load %arg6[%get3A_32, %get3A_33] : memref<1x256xf32, #tpu.memory_space<vmem>>, vector<1x256xf32>
      %add3A_35 = arith.addf %get3A_34, %broadcast_in_dim3A_19 : vector<1x256xf32>
      %swap3A_36 = arith.constant 0 : index
      %swap3A_37 = arith.constant 0 : index
      %swap3A_38 = vector.load %arg6[%swap3A_36, %swap3A_37] : memref<1x256xf32, #tpu.memory_space<vmem>>, vector<1x256xf32>
      tpu.vector_store %arg6[%swap3A_36, %swap3A_37], %add3A_35 {strides = array<i32>} : memref<1x256xf32, #tpu.memory_space<vmem>>, vector<1x256xf32>,
    } else {
    }
    return
  }
  func.func @transform_0(%arg0: i32) -> (i32, i32) {
    %c0_i32 = arith.constant 0 : i32
    %c0_i32_0 = arith.constant 0 : i32
    return %arg0, %c0_i32 : i32, i32
  }
  func.func @transform_1(%arg0: i32) -> (i32, i32) {
    %add3A = arith.constant 0 : i32
    %add3A_0 = arith.addi %arg0, %add3A : i32
    %c0_i32 = arith.constant 0 : i32
    %c0_i32_1 = arith.constant 0 : i32
    return %add3A_0, %c0_i32 : i32, i32
  }
  func.func @transform_2(%arg0: i32) -> (i32, i32) {
    %add3A = arith.constant 0 : i32
    %add3A_0 = arith.addi %arg0, %add3A : i32
    %c0_i32 = arith.constant 0 : i32
    %c0_i32_1 = arith.constant 0 : i32
    return %add3A_0, %c0_i32 : i32, i32
  }
  func.func @transform_3(%arg0: i32) -> (i32, i32) {
    %c0_i32 = arith.constant 0 : i32
    %c0_i32_0 = arith.constant 0 : i32
    %c0_i32_1 = arith.constant 0 : i32
    return %c0_i32, %c0_i32_0 : i32, i32
  }
  func.func @transform_4(%arg0: i32) -> (i32, i32) {
    %c0_i32 = arith.constant 0 : i32
    %c0_i32_0 = arith.constant 0 : i32
    %c0_i32_1 = arith.constant 0 : i32
    return %c0_i32, %c0_i32_0 : i32, i32
  }
  func.func @transform_5(%arg0: i32) -> (i32, i32) {
    %c0_i32 = arith.constant 0 : i32
    %c0_i32_0 = arith.constant 0 : i32
    %c0_i32_1 = arith.constant 0 : i32
    return %c0_i32, %c0_i32_0 : i32, i32
  }
}

module attributes {stable_mosaic.version = 14 : i64} {
  func.func @_stats_body(%arg0: i32, %arg1: memref<6400x256xf32, #tpu.memory_space<vmem>>, %arg2: memref<6400x16xbf16, #tpu.memory_space<vmem>>, %arg3: memref<200x256xf32, #tpu.memory_space<vmem>>, %arg4: memref<16x256xbf16, #tpu.memory_space<vmem>>, %arg5: memref<1x256xf32, #tpu.memory_space<vmem>>, %arg6: memref<1x256xf32, #tpu.memory_space<vmem>>) attributes {dimension_semantics = [#tpu.dimension_semantics<arbitrary>], iteration_bounds = array<i64: 25>, scalar_prefetch = 0 : i64, scratch_operands = 0 : i64, tpu.core_type = #tpu.core_type<tc>, window_params = [{transform_indices = @transform_0, window_bounds = array<i64: 6400, 256>}, {transform_indices = @transform_1, window_bounds = array<i64: 6400, 16>}, {transform_indices = @transform_2, window_bounds = array<i64: 200, 256>}, {pipeline_mode = #tpu.pipeline_mode<synchronous>, transform_indices = @transform_3, window_bounds = array<i64: 16, 256>}, {pipeline_mode = #tpu.pipeline_mode<synchronous>, transform_indices = @transform_4, window_bounds = array<i64: 1, 256>}, {pipeline_mode = #tpu.pipeline_mode<synchronous>, transform_indices = @transform_5, window_bounds = array<i64: 1, 256>}]} {
    %get3A = arith.constant 0 : index
    %get3A_0 = arith.constant 0 : index
    %get3A_1 = vector.load %arg2[%get3A, %get3A_0] : memref<6400x16xbf16, #tpu.memory_space<vmem>>, vector<6400x16xbf16>
    %get3A_2 = arith.constant 0 : index
    %get3A_3 = arith.constant 0 : index
    %get3A_4 = vector.load %arg4[%get3A_2, %get3A_3] : memref<16x256xbf16, #tpu.memory_space<vmem>>, vector<16x256xbf16>
    %dot_general3A = arith.constant dense<0.000000e+00> : vector<6400x256xf32>
    %dot_general3A_5 = tpu.matmul %get3A_1, %get3A_4, %dot_general3A {dimension_numbers = #tpu.dot_dimension_numbers<[1], [0], [0], [1], [0, 0, 1, 1], [], []>, transpose_lhs_hint = false} : vector<6400x16xbf16>, vector<16x256xbf16>, vector<6400x256xf32> -> vector<6400x256xf32>
    %get3A_6 = arith.constant 0 : index
    %get3A_7 = arith.constant 0 : index
    %get3A_8 = vector.load %arg3[%get3A_6, %get3A_7] : memref<200x256xf32, #tpu.memory_space<vmem>>, vector<200x256xf32>
    %broadcast_in_dim3A = vector.shape_cast %get3A_8 : vector<200x256xf32> to vector<200x1x256xf32>
    %broadcast_in_dim3A_9 = vector.shape_cast %broadcast_in_dim3A : vector<200x1x256xf32> to vector<200x1x256xf32>
    %broadcast_in_dim3A_10 = vector.broadcast %broadcast_in_dim3A_9 : vector<200x1x256xf32> to vector<200x32x256xf32>
    %reshape3A = vector.shape_cast %broadcast_in_dim3A_10 : vector<200x32x256xf32> to vector<6400x256xf32>
    %get3A_11 = arith.constant 0 : index
    %get3A_12 = arith.constant 0 : index
    %get3A_13 = vector.load %arg1[%get3A_11, %get3A_12] : memref<6400x256xf32, #tpu.memory_space<vmem>>, vector<6400x256xf32>
    %add3A = arith.addf %reshape3A, %get3A_13 : vector<6400x256xf32>
    %add3A_14 = arith.addf %add3A, %dot_general3A_5 : vector<6400x256xf32>
    %reduce_sum3A = arith.constant dense<0.000000e+00> : vector<256xf32>
    %reduce_sum3A_15 = vector.multi_reduction <add>, %add3A_14, %reduce_sum3A [0] : vector<6400x256xf32> to vector<256xf32>
    %broadcast_in_dim3A_16 = vector.shape_cast %reduce_sum3A_15 : vector<256xf32> to vector<1x256xf32>
    %mul3A = arith.mulf %add3A_14, %add3A_14 : vector<6400x256xf32>
    %reduce_sum3A_17 = arith.constant dense<0.000000e+00> : vector<256xf32>
    %reduce_sum3A_18 = vector.multi_reduction <add>, %mul3A, %reduce_sum3A_17 [0] : vector<6400x256xf32> to vector<256xf32>
    %broadcast_in_dim3A_19 = vector.shape_cast %reduce_sum3A_18 : vector<256xf32> to vector<1x256xf32>
    %eq3A = arith.constant 0 : i32
    %eq3A_20 = arith.cmpi eq, %arg0, %eq3A : i32
    %convert_element_type3A = arith.extui %eq3A_20 : i1 to i32
    %cond3A = arith.constant 0 : i32
    %cond3A_21 = arith.cmpi ne, %convert_element_type3A, %cond3A : i32
    scf.if %cond3A_21 {
      %swap3A = arith.constant 0 : index
      %swap3A_26 = arith.constant 0 : index
      %swap3A_27 = vector.load %arg5[%swap3A, %swap3A_26] : memref<1x256xf32, #tpu.memory_space<vmem>>, vector<1x256xf32>
      tpu.vector_store %arg5[%swap3A, %swap3A_26], %broadcast_in_dim3A_16 {strides = array<i32>} : memref<1x256xf32, #tpu.memory_space<vmem>>, vector<1x256xf32>,
      %swap3A_28 = arith.constant 0 : index
      %swap3A_29 = arith.constant 0 : index
      %swap3A_30 = vector.load %arg6[%swap3A_28, %swap3A_29] : memref<1x256xf32, #tpu.memory_space<vmem>>, vector<1x256xf32>
      tpu.vector_store %arg6[%swap3A_28, %swap3A_29], %broadcast_in_dim3A_19 {strides = array<i32>} : memref<1x256xf32, #tpu.memory_space<vmem>>, vector<1x256xf32>,
    } else {
    }
    %ne3A = arith.constant 0 : i32
    %ne3A_22 = arith.cmpi ne, %arg0, %ne3A : i32
    %convert_element_type3A_23 = arith.extui %ne3A_22 : i1 to i32
    %cond3A_24 = arith.constant 0 : i32
    %cond3A_25 = arith.cmpi ne, %convert_element_type3A_23, %cond3A_24 : i32
    scf.if %cond3A_25 {
      %get3A_26 = arith.constant 0 : index
      %get3A_27 = arith.constant 0 : index
      %get3A_28 = vector.load %arg5[%get3A_26, %get3A_27] : memref<1x256xf32, #tpu.memory_space<vmem>>, vector<1x256xf32>
      %add3A_29 = arith.addf %get3A_28, %broadcast_in_dim3A_16 : vector<1x256xf32>
      %swap3A = arith.constant 0 : index
      %swap3A_30 = arith.constant 0 : index
      %swap3A_31 = vector.load %arg5[%swap3A, %swap3A_30] : memref<1x256xf32, #tpu.memory_space<vmem>>, vector<1x256xf32>
      tpu.vector_store %arg5[%swap3A, %swap3A_30], %add3A_29 {strides = array<i32>} : memref<1x256xf32, #tpu.memory_space<vmem>>, vector<1x256xf32>,
      %get3A_32 = arith.constant 0 : index
      %get3A_33 = arith.constant 0 : index
      %get3A_34 = vector.load %arg6[%get3A_32, %get3A_33] : memref<1x256xf32, #tpu.memory_space<vmem>>, vector<1x256xf32>
      %add3A_35 = arith.addf %get3A_34, %broadcast_in_dim3A_19 : vector<1x256xf32>
      %swap3A_36 = arith.constant 0 : index
      %swap3A_37 = arith.constant 0 : index
      %swap3A_38 = vector.load %arg6[%swap3A_36, %swap3A_37] : memref<1x256xf32, #tpu.memory_space<vmem>>, vector<1x256xf32>
      tpu.vector_store %arg6[%swap3A_36, %swap3A_37], %add3A_35 {strides = array<i32>} : memref<1x256xf32, #tpu.memory_space<vmem>>, vector<1x256xf32>,
    } else {
    }
    return
  }
  func.func @transform_0(%arg0: i32) -> (i32, i32) {
    %c0_i32 = arith.constant 0 : i32
    %c0_i32_0 = arith.constant 0 : i32
    return %arg0, %c0_i32 : i32, i32
  }
  func.func @transform_1(%arg0: i32) -> (i32, i32) {
    %add3A = arith.constant 25 : i32
    %add3A_0 = arith.addi %arg0, %add3A : i32
    %c0_i32 = arith.constant 0 : i32
    %c0_i32_1 = arith.constant 0 : i32
    return %add3A_0, %c0_i32 : i32, i32
  }
  func.func @transform_2(%arg0: i32) -> (i32, i32) {
    %add3A = arith.constant 25 : i32
    %add3A_0 = arith.addi %arg0, %add3A : i32
    %c0_i32 = arith.constant 0 : i32
    %c0_i32_1 = arith.constant 0 : i32
    return %add3A_0, %c0_i32 : i32, i32
  }
  func.func @transform_3(%arg0: i32) -> (i32, i32) {
    %c0_i32 = arith.constant 0 : i32
    %c0_i32_0 = arith.constant 0 : i32
    %c0_i32_1 = arith.constant 0 : i32
    return %c0_i32, %c0_i32_0 : i32, i32
  }
  func.func @transform_4(%arg0: i32) -> (i32, i32) {
    %c0_i32 = arith.constant 0 : i32
    %c0_i32_0 = arith.constant 0 : i32
    %c0_i32_1 = arith.constant 0 : i32
    return %c0_i32, %c0_i32_0 : i32, i32
  }
  func.func @transform_5(%arg0: i32) -> (i32, i32) {
    %c0_i32 = arith.constant 0 : i32
    %c0_i32_0 = arith.constant 0 : i32
    %c0_i32_1 = arith.constant 0 : i32
    return %c0_i32, %c0_i32_0 : i32, i32
  }
}

module attributes {stable_mosaic.version = 14 : i64} {
  func.func @_apply_body(%arg0: i32, %arg1: memref<6400x256xf32, #tpu.memory_space<vmem>>, %arg2: memref<6400x16xbf16, #tpu.memory_space<vmem>>, %arg3: memref<200x256xf32, #tpu.memory_space<vmem>>, %arg4: memref<16x256xbf16, #tpu.memory_space<vmem>>, %arg5: memref<2x256xf32, #tpu.memory_space<vmem>>, %arg6: memref<200x128xf32, #tpu.memory_space<vmem>>) attributes {dimension_semantics = [#tpu.dimension_semantics<arbitrary>], iteration_bounds = array<i64: 25>, scalar_prefetch = 0 : i64, scratch_operands = 0 : i64, tpu.core_type = #tpu.core_type<tc>, window_params = [{transform_indices = @transform_0, window_bounds = array<i64: 6400, 256>}, {transform_indices = @transform_1, window_bounds = array<i64: 6400, 16>}, {transform_indices = @transform_2, window_bounds = array<i64: 200, 256>}, {pipeline_mode = #tpu.pipeline_mode<synchronous>, transform_indices = @transform_3, window_bounds = array<i64: 16, 256>}, {pipeline_mode = #tpu.pipeline_mode<synchronous>, transform_indices = @transform_4, window_bounds = array<i64: 2, 256>}, {transform_indices = @transform_5, window_bounds = array<i64: 200, 128>}]} {
    %get3A = arith.constant 0 : index
    %get3A_0 = arith.constant 0 : index
    %get3A_1 = vector.load %arg2[%get3A, %get3A_0] : memref<6400x16xbf16, #tpu.memory_space<vmem>>, vector<6400x16xbf16>
    %get3A_2 = arith.constant 0 : index
    %get3A_3 = arith.constant 0 : index
    %get3A_4 = vector.load %arg4[%get3A_2, %get3A_3] : memref<16x256xbf16, #tpu.memory_space<vmem>>, vector<16x256xbf16>
    %dot_general3A = arith.constant dense<0.000000e+00> : vector<6400x256xf32>
    %dot_general3A_5 = tpu.matmul %get3A_1, %get3A_4, %dot_general3A {dimension_numbers = #tpu.dot_dimension_numbers<[1], [0], [0], [1], [0, 0, 1, 1], [], []>, transpose_lhs_hint = false} : vector<6400x16xbf16>, vector<16x256xbf16>, vector<6400x256xf32> -> vector<6400x256xf32>
    %get3A_6 = arith.constant 0 : index
    %get3A_7 = arith.constant 0 : index
    %get3A_8 = vector.load %arg3[%get3A_6, %get3A_7] : memref<200x256xf32, #tpu.memory_space<vmem>>, vector<200x256xf32>
    %broadcast_in_dim3A = vector.shape_cast %get3A_8 : vector<200x256xf32> to vector<200x1x256xf32>
    %broadcast_in_dim3A_9 = vector.shape_cast %broadcast_in_dim3A : vector<200x1x256xf32> to vector<200x1x256xf32>
    %broadcast_in_dim3A_10 = vector.broadcast %broadcast_in_dim3A_9 : vector<200x1x256xf32> to vector<200x32x256xf32>
    %reshape3A = vector.shape_cast %broadcast_in_dim3A_10 : vector<200x32x256xf32> to vector<6400x256xf32>
    %get3A_11 = arith.constant 0 : index
    %get3A_12 = arith.constant 0 : index
    %get3A_13 = vector.load %arg1[%get3A_11, %get3A_12] : memref<6400x256xf32, #tpu.memory_space<vmem>>, vector<6400x256xf32>
    %add3A = arith.addf %reshape3A, %get3A_13 : vector<6400x256xf32>
    %add3A_14 = arith.addf %add3A, %dot_general3A_5 : vector<6400x256xf32>
    %get3A_15 = arith.constant 0 : index
    %get3A_16 = arith.constant 0 : index
    %get3A_17 = vector.load %arg5[%get3A_15, %get3A_16] : memref<2x256xf32, #tpu.memory_space<vmem>>, vector<1x256xf32>
    %mul3A = vector.broadcast %get3A_17 : vector<1x256xf32> to vector<6400x256xf32>
    %mul3A_18 = arith.mulf %mul3A, %add3A_14 : vector<6400x256xf32>
    %get3A_19 = arith.constant 1 : index
    %get3A_20 = arith.constant 0 : index
    %get3A_21 = vector.load %arg5[%get3A_19, %get3A_20] : memref<2x256xf32, #tpu.memory_space<vmem>>, vector<1x256xf32>
    %add3A_22 = vector.broadcast %get3A_21 : vector<1x256xf32> to vector<6400x256xf32>
    %add3A_23 = arith.addf %mul3A_18, %add3A_22 : vector<6400x256xf32>
    %slice3A = vector.extract_strided_slice %add3A_23 {offsets = [0, 0], sizes = [6400, 128], strides = [1, 1]} : vector<6400x256xf32> to vector<6400x128xf32>
    %neg3A = arith.constant 0.000000e+00 : f32
    %neg3A_24 = vector.broadcast %neg3A : f32 to vector<6400x128xf32>
    %neg3A_25 = arith.subf %neg3A_24, %slice3A : vector<6400x128xf32>
    %exp3A = math.exp %neg3A_25 : vector<6400x128xf32>
    %add3A_26 = arith.constant 1.000000e+00 : f32
    %add3A_27 = vector.broadcast %add3A_26 : f32 to vector<6400x128xf32>
    %add3A_28 = arith.addf %add3A_27, %exp3A : vector<6400x128xf32>
    %div3A = arith.constant 1.000000e+00 : f32
    %div3A_29 = vector.broadcast %div3A : f32 to vector<6400x128xf32>
    %div3A_30 = arith.divf %div3A_29, %add3A_28 : vector<6400x128xf32>
    %slice3A_31 = vector.extract_strided_slice %add3A_23 {offsets = [0, 128], sizes = [6400, 128], strides = [1, 1]} : vector<6400x256xf32> to vector<6400x128xf32>
    %abs3A = math.absf %slice3A_31 : vector<6400x128xf32>
    %neg3A_32 = arith.constant 0.000000e+00 : f32
    %neg3A_33 = vector.broadcast %neg3A_32 : f32 to vector<6400x128xf32>
    %neg3A_34 = arith.subf %neg3A_33, %abs3A : vector<6400x128xf32>
    %exp3A_35 = math.exp %neg3A_34 : vector<6400x128xf32>
    %log1p3A = math.log1p %exp3A_35 : vector<6400x128xf32>
    %max3A = arith.constant 0.000000e+00 : f32
    %max3A_36 = vector.broadcast %max3A : f32 to vector<6400x128xf32>
    %max3A_37 = arith.maximumf %slice3A_31, %max3A_36 : vector<6400x128xf32>
    %add3A_38 = arith.addf %log1p3A, %max3A_37 : vector<6400x128xf32>
    %mul3A_39 = arith.mulf %div3A_30, %add3A_38 : vector<6400x128xf32>
    %reshape3A_40 = vector.shape_cast %mul3A_39 : vector<6400x128xf32> to vector<200x32x128xf32>
    %reduce_sum3A = arith.constant dense<0.000000e+00> : vector<200x128xf32>
    %reduce_sum3A_41 = vector.multi_reduction <add>, %reshape3A_40, %reduce_sum3A [1] : vector<200x32x128xf32> to vector<200x128xf32>
    %swap3A = arith.constant 0 : index
    %swap3A_42 = arith.constant 0 : index
    %swap3A_43 = vector.load %arg6[%swap3A, %swap3A_42] : memref<200x128xf32, #tpu.memory_space<vmem>>, vector<200x128xf32>
    tpu.vector_store %arg6[%swap3A, %swap3A_42], %reduce_sum3A_41 {strides = array<i32>} : memref<200x128xf32, #tpu.memory_space<vmem>>, vector<200x128xf32>,
    return
  }
  func.func @transform_0(%arg0: i32) -> (i32, i32) {
    %c0_i32 = arith.constant 0 : i32
    %c0_i32_0 = arith.constant 0 : i32
    return %arg0, %c0_i32 : i32, i32
  }
  func.func @transform_1(%arg0: i32) -> (i32, i32) {
    %add3A = arith.constant 25 : i32
    %add3A_0 = arith.addi %arg0, %add3A : i32
    %c0_i32 = arith.constant 0 : i32
    %c0_i32_1 = arith.constant 0 : i32
    return %add3A_0, %c0_i32 : i32, i32
  }
  func.func @transform_2(%arg0: i32) -> (i32, i32) {
    %add3A = arith.constant 25 : i32
    %add3A_0 = arith.addi %arg0, %add3A : i32
    %c0_i32 = arith.constant 0 : i32
    %c0_i32_1 = arith.constant 0 : i32
    return %add3A_0, %c0_i32 : i32, i32
  }
  func.func @transform_3(%arg0: i32) -> (i32, i32) {
    %c0_i32 = arith.constant 0 : i32
    %c0_i32_0 = arith.constant 0 : i32
    %c0_i32_1 = arith.constant 0 : i32
    return %c0_i32, %c0_i32_0 : i32, i32
  }
  func.func @transform_4(%arg0: i32) -> (i32, i32) {
    %c0_i32 = arith.constant 0 : i32
    %c0_i32_0 = arith.constant 0 : i32
    %c0_i32_1 = arith.constant 0 : i32
    return %c0_i32, %c0_i32_0 : i32, i32
  }
  func.func @transform_5(%arg0: i32) -> (i32, i32) {
    %c0_i32 = arith.constant 0 : i32
    %c0_i32_0 = arith.constant 0 : i32
    return %arg0, %c0_i32 : i32, i32
  }
}

module attributes {stable_mosaic.version = 14 : i64} {
  func.func @_apply_body(%arg0: i32, %arg1: memref<6400x256xf32, #tpu.memory_space<vmem>>, %arg2: memref<6400x16xbf16, #tpu.memory_space<vmem>>, %arg3: memref<200x256xf32, #tpu.memory_space<vmem>>, %arg4: memref<16x256xbf16, #tpu.memory_space<vmem>>, %arg5: memref<2x256xf32, #tpu.memory_space<vmem>>, %arg6: memref<200x128xf32, #tpu.memory_space<vmem>>) attributes {dimension_semantics = [#tpu.dimension_semantics<arbitrary>], iteration_bounds = array<i64: 25>, scalar_prefetch = 0 : i64, scratch_operands = 0 : i64, tpu.core_type = #tpu.core_type<tc>, window_params = [{transform_indices = @transform_0, window_bounds = array<i64: 6400, 256>}, {transform_indices = @transform_1, window_bounds = array<i64: 6400, 16>}, {transform_indices = @transform_2, window_bounds = array<i64: 200, 256>}, {pipeline_mode = #tpu.pipeline_mode<synchronous>, transform_indices = @transform_3, window_bounds = array<i64: 16, 256>}, {pipeline_mode = #tpu.pipeline_mode<synchronous>, transform_indices = @transform_4, window_bounds = array<i64: 2, 256>}, {transform_indices = @transform_5, window_bounds = array<i64: 200, 128>}]} {
    %get3A = arith.constant 0 : index
    %get3A_0 = arith.constant 0 : index
    %get3A_1 = vector.load %arg2[%get3A, %get3A_0] : memref<6400x16xbf16, #tpu.memory_space<vmem>>, vector<6400x16xbf16>
    %get3A_2 = arith.constant 0 : index
    %get3A_3 = arith.constant 0 : index
    %get3A_4 = vector.load %arg4[%get3A_2, %get3A_3] : memref<16x256xbf16, #tpu.memory_space<vmem>>, vector<16x256xbf16>
    %dot_general3A = arith.constant dense<0.000000e+00> : vector<6400x256xf32>
    %dot_general3A_5 = tpu.matmul %get3A_1, %get3A_4, %dot_general3A {dimension_numbers = #tpu.dot_dimension_numbers<[1], [0], [0], [1], [0, 0, 1, 1], [], []>, transpose_lhs_hint = false} : vector<6400x16xbf16>, vector<16x256xbf16>, vector<6400x256xf32> -> vector<6400x256xf32>
    %get3A_6 = arith.constant 0 : index
    %get3A_7 = arith.constant 0 : index
    %get3A_8 = vector.load %arg3[%get3A_6, %get3A_7] : memref<200x256xf32, #tpu.memory_space<vmem>>, vector<200x256xf32>
    %broadcast_in_dim3A = vector.shape_cast %get3A_8 : vector<200x256xf32> to vector<200x1x256xf32>
    %broadcast_in_dim3A_9 = vector.shape_cast %broadcast_in_dim3A : vector<200x1x256xf32> to vector<200x1x256xf32>
    %broadcast_in_dim3A_10 = vector.broadcast %broadcast_in_dim3A_9 : vector<200x1x256xf32> to vector<200x32x256xf32>
    %reshape3A = vector.shape_cast %broadcast_in_dim3A_10 : vector<200x32x256xf32> to vector<6400x256xf32>
    %get3A_11 = arith.constant 0 : index
    %get3A_12 = arith.constant 0 : index
    %get3A_13 = vector.load %arg1[%get3A_11, %get3A_12] : memref<6400x256xf32, #tpu.memory_space<vmem>>, vector<6400x256xf32>
    %add3A = arith.addf %reshape3A, %get3A_13 : vector<6400x256xf32>
    %add3A_14 = arith.addf %add3A, %dot_general3A_5 : vector<6400x256xf32>
    %get3A_15 = arith.constant 0 : index
    %get3A_16 = arith.constant 0 : index
    %get3A_17 = vector.load %arg5[%get3A_15, %get3A_16] : memref<2x256xf32, #tpu.memory_space<vmem>>, vector<1x256xf32>
    %mul3A = vector.broadcast %get3A_17 : vector<1x256xf32> to vector<6400x256xf32>
    %mul3A_18 = arith.mulf %mul3A, %add3A_14 : vector<6400x256xf32>
    %get3A_19 = arith.constant 1 : index
    %get3A_20 = arith.constant 0 : index
    %get3A_21 = vector.load %arg5[%get3A_19, %get3A_20] : memref<2x256xf32, #tpu.memory_space<vmem>>, vector<1x256xf32>
    %add3A_22 = vector.broadcast %get3A_21 : vector<1x256xf32> to vector<6400x256xf32>
    %add3A_23 = arith.addf %mul3A_18, %add3A_22 : vector<6400x256xf32>
    %slice3A = vector.extract_strided_slice %add3A_23 {offsets = [0, 0], sizes = [6400, 128], strides = [1, 1]} : vector<6400x256xf32> to vector<6400x128xf32>
    %neg3A = arith.constant 0.000000e+00 : f32
    %neg3A_24 = vector.broadcast %neg3A : f32 to vector<6400x128xf32>
    %neg3A_25 = arith.subf %neg3A_24, %slice3A : vector<6400x128xf32>
    %exp3A = math.exp %neg3A_25 : vector<6400x128xf32>
    %add3A_26 = arith.constant 1.000000e+00 : f32
    %add3A_27 = vector.broadcast %add3A_26 : f32 to vector<6400x128xf32>
    %add3A_28 = arith.addf %add3A_27, %exp3A : vector<6400x128xf32>
    %div3A = arith.constant 1.000000e+00 : f32
    %div3A_29 = vector.broadcast %div3A : f32 to vector<6400x128xf32>
    %div3A_30 = arith.divf %div3A_29, %add3A_28 : vector<6400x128xf32>
    %slice3A_31 = vector.extract_strided_slice %add3A_23 {offsets = [0, 128], sizes = [6400, 128], strides = [1, 1]} : vector<6400x256xf32> to vector<6400x128xf32>
    %abs3A = math.absf %slice3A_31 : vector<6400x128xf32>
    %neg3A_32 = arith.constant 0.000000e+00 : f32
    %neg3A_33 = vector.broadcast %neg3A_32 : f32 to vector<6400x128xf32>
    %neg3A_34 = arith.subf %neg3A_33, %abs3A : vector<6400x128xf32>
    %exp3A_35 = math.exp %neg3A_34 : vector<6400x128xf32>
    %log1p3A = math.log1p %exp3A_35 : vector<6400x128xf32>
    %max3A = arith.constant 0.000000e+00 : f32
    %max3A_36 = vector.broadcast %max3A : f32 to vector<6400x128xf32>
    %max3A_37 = arith.maximumf %slice3A_31, %max3A_36 : vector<6400x128xf32>
    %add3A_38 = arith.addf %log1p3A, %max3A_37 : vector<6400x128xf32>
    %mul3A_39 = arith.mulf %div3A_30, %add3A_38 : vector<6400x128xf32>
    %reshape3A_40 = vector.shape_cast %mul3A_39 : vector<6400x128xf32> to vector<200x32x128xf32>
    %reduce_sum3A = arith.constant dense<0.000000e+00> : vector<200x128xf32>
    %reduce_sum3A_41 = vector.multi_reduction <add>, %reshape3A_40, %reduce_sum3A [1] : vector<200x32x128xf32> to vector<200x128xf32>
    %swap3A = arith.constant 0 : index
    %swap3A_42 = arith.constant 0 : index
    %swap3A_43 = vector.load %arg6[%swap3A, %swap3A_42] : memref<200x128xf32, #tpu.memory_space<vmem>>, vector<200x128xf32>
    tpu.vector_store %arg6[%swap3A, %swap3A_42], %reduce_sum3A_41 {strides = array<i32>} : memref<200x128xf32, #tpu.memory_space<vmem>>, vector<200x128xf32>,
    return
  }
  func.func @transform_0(%arg0: i32) -> (i32, i32) {
    %c0_i32 = arith.constant 0 : i32
    %c0_i32_0 = arith.constant 0 : i32
    return %arg0, %c0_i32 : i32, i32
  }
  func.func @transform_1(%arg0: i32) -> (i32, i32) {
    %add3A = arith.constant 0 : i32
    %add3A_0 = arith.addi %arg0, %add3A : i32
    %c0_i32 = arith.constant 0 : i32
    %c0_i32_1 = arith.constant 0 : i32
    return %add3A_0, %c0_i32 : i32, i32
  }
  func.func @transform_2(%arg0: i32) -> (i32, i32) {
    %add3A = arith.constant 0 : i32
    %add3A_0 = arith.addi %arg0, %add3A : i32
    %c0_i32 = arith.constant 0 : i32
    %c0_i32_1 = arith.constant 0 : i32
    return %add3A_0, %c0_i32 : i32, i32
  }
  func.func @transform_3(%arg0: i32) -> (i32, i32) {
    %c0_i32 = arith.constant 0 : i32
    %c0_i32_0 = arith.constant 0 : i32
    %c0_i32_1 = arith.constant 0 : i32
    return %c0_i32, %c0_i32_0 : i32, i32
  }
  func.func @transform_4(%arg0: i32) -> (i32, i32) {
    %c0_i32 = arith.constant 0 : i32
    %c0_i32_0 = arith.constant 0 : i32
    %c0_i32_1 = arith.constant 0 : i32
    return %c0_i32, %c0_i32_0 : i32, i32
  }
  func.func @transform_5(%arg0: i32) -> (i32, i32) {
    %c0_i32 = arith.constant 0 : i32
    %c0_i32_0 = arith.constant 0 : i32
    return %arg0, %c0_i32 : i32, i32
  }
}

module attributes {stable_mosaic.version = 14 : i64} {
  func.func @_resid_body(%arg0: i32, %arg1: memref<1000x128xf32, #tpu.memory_space<vmem>>, %arg2: memref<1000x128xf32, #tpu.memory_space<vmem>>, %arg3: memref<2x128xf32, #tpu.memory_space<vmem>>, %arg4: memref<1000x128xf32, #tpu.memory_space<vmem>>) attributes {dimension_semantics = [#tpu.dimension_semantics<arbitrary>], iteration_bounds = array<i64: 10>, scalar_prefetch = 0 : i64, scratch_operands = 0 : i64, tpu.core_type = #tpu.core_type<tc>, window_params = [{transform_indices = @transform_0, window_bounds = array<i64: 1000, 128>}, {transform_indices = @transform_1, window_bounds = array<i64: 1000, 128>}, {pipeline_mode = #tpu.pipeline_mode<synchronous>, transform_indices = @transform_2, window_bounds = array<i64: 2, 128>}, {transform_indices = @transform_3, window_bounds = array<i64: 1000, 128>}]} {
    %get3A = arith.constant 0 : index
    %get3A_0 = arith.constant 0 : index
    %get3A_1 = vector.load %arg1[%get3A, %get3A_0] : memref<1000x128xf32, #tpu.memory_space<vmem>>, vector<1000x128xf32>
    %get3A_2 = arith.constant 0 : index
    %get3A_3 = arith.constant 0 : index
    %get3A_4 = vector.load %arg3[%get3A_2, %get3A_3] : memref<2x128xf32, #tpu.memory_space<vmem>>, vector<1x128xf32>
    %get3A_5 = arith.constant 0 : index
    %get3A_6 = arith.constant 0 : index
    %get3A_7 = vector.load %arg2[%get3A_5, %get3A_6] : memref<1000x128xf32, #tpu.memory_space<vmem>>, vector<1000x128xf32>
    %mul3A = vector.broadcast %get3A_4 : vector<1x128xf32> to vector<1000x128xf32>
    %mul3A_8 = arith.mulf %mul3A, %get3A_7 : vector<1000x128xf32>
    %add3A = arith.addf %get3A_1, %mul3A_8 : vector<1000x128xf32>
    %get3A_9 = arith.constant 1 : index
    %get3A_10 = arith.constant 0 : index
    %get3A_11 = vector.load %arg3[%get3A_9, %get3A_10] : memref<2x128xf32, #tpu.memory_space<vmem>>, vector<1x128xf32>
    %add3A_12 = vector.broadcast %get3A_11 : vector<1x128xf32> to vector<1000x128xf32>
    %add3A_13 = arith.addf %add3A, %add3A_12 : vector<1000x128xf32>
    %abs3A = math.absf %add3A_13 : vector<1000x128xf32>
    %neg3A = arith.constant 0.000000e+00 : f32
    %neg3A_14 = vector.broadcast %neg3A : f32 to vector<1000x128xf32>
    %neg3A_15 = arith.subf %neg3A_14, %abs3A : vector<1000x128xf32>
    %exp3A = math.exp %neg3A_15 : vector<1000x128xf32>
    %log1p3A = math.log1p %exp3A : vector<1000x128xf32>
    %max3A = arith.constant 0.000000e+00 : f32
    %max3A_16 = vector.broadcast %max3A : f32 to vector<1000x128xf32>
    %max3A_17 = arith.maximumf %add3A_13, %max3A_16 : vector<1000x128xf32>
    %add3A_18 = arith.addf %log1p3A, %max3A_17 : vector<1000x128xf32>
    %swap3A = arith.constant 0 : index
    %swap3A_19 = arith.constant 0 : index
    %swap3A_20 = vector.load %arg4[%swap3A, %swap3A_19] : memref<1000x128xf32, #tpu.memory_space<vmem>>, vector<1000x128xf32>
    tpu.vector_store %arg4[%swap3A, %swap3A_19], %add3A_18 {strides = array<i32>} : memref<1000x128xf32, #tpu.memory_space<vmem>>, vector<1000x128xf32>,
    return
  }
  func.func @transform_0(%arg0: i32) -> (i32, i32) {
    %c0_i32 = arith.constant 0 : i32
    %c0_i32_0 = arith.constant 0 : i32
    return %arg0, %c0_i32 : i32, i32
  }
  func.func @transform_1(%arg0: i32) -> (i32, i32) {
    %c0_i32 = arith.constant 0 : i32
    %c0_i32_0 = arith.constant 0 : i32
    return %arg0, %c0_i32 : i32, i32
  }
  func.func @transform_2(%arg0: i32) -> (i32, i32) {
    %c0_i32 = arith.constant 0 : i32
    %c0_i32_0 = arith.constant 0 : i32
    %c0_i32_1 = arith.constant 0 : i32
    return %c0_i32, %c0_i32_0 : i32, i32
  }
  func.func @transform_3(%arg0: i32) -> (i32, i32) {
    %c0_i32 = arith.constant 0 : i32
    %c0_i32_0 = arith.constant 0 : i32
    return %arg0, %c0_i32 : i32, i32
  }
}

module attributes {stable_mosaic.version = 14 : i64} {
  func.func @_final_body(%arg0: i32, %arg1: memref<10000x128xf32, #tpu.memory_space<vmem>>, %arg2: memref<10000x128xf32, #tpu.memory_space<vmem>>, %arg3: memref<2x128xf32, #tpu.memory_space<vmem>>, %arg4: memref<128x128xbf16, #tpu.memory_space<vmem>>, %arg5: memref<1x128xf32, #tpu.memory_space<vmem>>, %arg6: memref<128x1xbf16, #tpu.memory_space<vmem>>, %arg7: memref<1x1xf32, #tpu.memory_space<vmem>>, %arg8: memref<100x1xf32, #tpu.memory_space<vmem>>) attributes {dimension_semantics = [#tpu.dimension_semantics<arbitrary>], iteration_bounds = array<i64: 1>, scalar_prefetch = 0 : i64, scratch_operands = 0 : i64, tpu.core_type = #tpu.core_type<tc>, window_params = [{pipeline_mode = #tpu.pipeline_mode<synchronous>, transform_indices = @transform_0, window_bounds = array<i64: 10000, 128>}, {pipeline_mode = #tpu.pipeline_mode<synchronous>, transform_indices = @transform_1, window_bounds = array<i64: 10000, 128>}, {pipeline_mode = #tpu.pipeline_mode<synchronous>, transform_indices = @transform_2, window_bounds = array<i64: 2, 128>}, {pipeline_mode = #tpu.pipeline_mode<synchronous>, transform_indices = @transform_3, window_bounds = array<i64: 128, 128>}, {pipeline_mode = #tpu.pipeline_mode<synchronous>, transform_indices = @transform_4, window_bounds = array<i64: 1, 128>}, {pipeline_mode = #tpu.pipeline_mode<synchronous>, transform_indices = @transform_5, window_bounds = array<i64: 128, 1>}, {pipeline_mode = #tpu.pipeline_mode<synchronous>, transform_indices = @transform_6, window_bounds = array<i64: 1, 1>}, {pipeline_mode = #tpu.pipeline_mode<synchronous>, transform_indices = @transform_7, window_bounds = array<i64: 100, 1>}]} {
    %get3A = arith.constant 0 : index
    %get3A_0 = arith.constant 0 : index
    %get3A_1 = vector.load %arg1[%get3A, %get3A_0] : memref<10000x128xf32, #tpu.memory_space<vmem>>, vector<10000x128xf32>
    %get3A_2 = arith.constant 0 : index
    %get3A_3 = arith.constant 0 : index
    %get3A_4 = vector.load %arg3[%get3A_2, %get3A_3] : memref<2x128xf32, #tpu.memory_space<vmem>>, vector<1x128xf32>
    %get3A_5 = arith.constant 0 : index
    %get3A_6 = arith.constant 0 : index
    %get3A_7 = vector.load %arg2[%get3A_5, %get3A_6] : memref<10000x128xf32, #tpu.memory_space<vmem>>, vector<10000x128xf32>
    %mul3A = vector.broadcast %get3A_4 : vector<1x128xf32> to vector<10000x128xf32>
    %mul3A_8 = arith.mulf %mul3A, %get3A_7 : vector<10000x128xf32>
    %add3A = arith.addf %get3A_1, %mul3A_8 : vector<10000x128xf32>
    %get3A_9 = arith.constant 1 : index
    %get3A_10 = arith.constant 0 : index
    %get3A_11 = vector.load %arg3[%get3A_9, %get3A_10] : memref<2x128xf32, #tpu.memory_space<vmem>>, vector<1x128xf32>
    %add3A_12 = vector.broadcast %get3A_11 : vector<1x128xf32> to vector<10000x128xf32>
    %add3A_13 = arith.addf %add3A, %add3A_12 : vector<10000x128xf32>
    %abs3A = math.absf %add3A_13 : vector<10000x128xf32>
    %neg3A = arith.constant 0.000000e+00 : f32
    %neg3A_14 = vector.broadcast %neg3A : f32 to vector<10000x128xf32>
    %neg3A_15 = arith.subf %neg3A_14, %abs3A : vector<10000x128xf32>
    %exp3A = math.exp %neg3A_15 : vector<10000x128xf32>
    %log1p3A = math.log1p %exp3A : vector<10000x128xf32>
    %max3A = arith.constant 0.000000e+00 : f32
    %max3A_16 = vector.broadcast %max3A : f32 to vector<10000x128xf32>
    %max3A_17 = arith.maximumf %add3A_13, %max3A_16 : vector<10000x128xf32>
    %add3A_18 = arith.addf %log1p3A, %max3A_17 : vector<10000x128xf32>
    %reshape3A = vector.shape_cast %add3A_18 : vector<10000x128xf32> to vector<100x100x128xf32>
    %reduce_sum3A = arith.constant dense<0.000000e+00> : vector<100x128xf32>
    %reduce_sum3A_19 = vector.multi_reduction <add>, %reshape3A, %reduce_sum3A [1] : vector<100x100x128xf32> to vector<100x128xf32>
    %div3A = arith.constant 1.000000e+02 : f32
    %div3A_20 = vector.broadcast %div3A : f32 to vector<100x128xf32>
    %div3A_21 = arith.divf %reduce_sum3A_19, %div3A_20 : vector<100x128xf32>
    %abs3A_22 = math.absf %div3A_21 : vector<100x128xf32>
    %neg3A_23 = arith.constant 0.000000e+00 : f32
    %neg3A_24 = vector.broadcast %neg3A_23 : f32 to vector<100x128xf32>
    %neg3A_25 = arith.subf %neg3A_24, %abs3A_22 : vector<100x128xf32>
    %exp3A_26 = math.exp %neg3A_25 : vector<100x128xf32>
    %log1p3A_27 = math.log1p %exp3A_26 : vector<100x128xf32>
    %max3A_28 = arith.constant 0.000000e+00 : f32
    %max3A_29 = vector.broadcast %max3A_28 : f32 to vector<100x128xf32>
    %max3A_30 = arith.maximumf %div3A_21, %max3A_29 : vector<100x128xf32>
    %add3A_31 = arith.addf %log1p3A_27, %max3A_30 : vector<100x128xf32>
    %convert_element_type3A = arith.truncf %add3A_31 : vector<100x128xf32> to vector<100x128xbf16>
    %get3A_32 = arith.constant 0 : index
    %get3A_33 = arith.constant 0 : index
    %get3A_34 = vector.load %arg4[%get3A_32, %get3A_33] : memref<128x128xbf16, #tpu.memory_space<vmem>>, vector<128x128xbf16>
    %dot_general3A = arith.constant dense<0.000000e+00> : vector<100x128xf32>
    %dot_general3A_35 = tpu.matmul %convert_element_type3A, %get3A_34, %dot_general3A {dimension_numbers = #tpu.dot_dimension_numbers<[1], [0], [0], [1], [0, 0, 1, 1], [], []>, transpose_lhs_hint = false} : vector<100x128xbf16>, vector<128x128xbf16>, vector<100x128xf32> -> vector<100x128xf32>
    %get3A_36 = arith.constant 0 : index
    %get3A_37 = arith.constant 0 : index
    %get3A_38 = vector.load %arg5[%get3A_36, %get3A_37] : memref<1x128xf32, #tpu.memory_space<vmem>>, vector<1x128xf32>
    %add3A_39 = vector.broadcast %get3A_38 : vector<1x128xf32> to vector<100x128xf32>
    %add3A_40 = arith.addf %dot_general3A_35, %add3A_39 : vector<100x128xf32>
    %abs3A_41 = math.absf %add3A_40 : vector<100x128xf32>
    %neg3A_42 = arith.constant 0.000000e+00 : f32
    %neg3A_43 = vector.broadcast %neg3A_42 : f32 to vector<100x128xf32>
    %neg3A_44 = arith.subf %neg3A_43, %abs3A_41 : vector<100x128xf32>
    %exp3A_45 = math.exp %neg3A_44 : vector<100x128xf32>
    %log1p3A_46 = math.log1p %exp3A_45 : vector<100x128xf32>
    %max3A_47 = arith.constant 0.000000e+00 : f32
    %max3A_48 = vector.broadcast %max3A_47 : f32 to vector<100x128xf32>
    %max3A_49 = arith.maximumf %add3A_40, %max3A_48 : vector<100x128xf32>
    %add3A_50 = arith.addf %log1p3A_46, %max3A_49 : vector<100x128xf32>
    %convert_element_type3A_51 = arith.truncf %add3A_50 : vector<100x128xf32> to vector<100x128xbf16>
    %get3A_52 = arith.constant 0 : index
    %get3A_53 = arith.constant 0 : index
    %get3A_54 = vector.load %arg6[%get3A_52, %get3A_53] : memref<128x1xbf16, #tpu.memory_space<vmem>>, vector<128x1xbf16>
    %dot_general3A_55 = arith.constant dense<0.000000e+00> : vector<100x1xf32>
    %dot_general3A_56 = tpu.matmul %convert_element_type3A_51, %get3A_54, %dot_general3A_55 {dimension_numbers = #tpu.dot_dimension_numbers<[1], [0], [0], [1], [0, 0, 1, 1], [], []>, transpose_lhs_hint = false} : vector<100x128xbf16>, vector<128x1xbf16>, vector<100x1xf32> -> vector<100x1xf32>
    %get3A_57 = arith.constant 0 : index
    %get3A_58 = arith.constant 0 : index
    %get3A_59 = vector.load %arg7[%get3A_57, %get3A_58] : memref<1x1xf32, #tpu.memory_space<vmem>>, vector<1x1xf32>
    %add3A_60 = vector.broadcast %get3A_59 : vector<1x1xf32> to vector<100x1xf32>
    %add3A_61 = arith.addf %dot_general3A_56, %add3A_60 : vector<100x1xf32>
    %swap3A = arith.constant 0 : index
    %swap3A_62 = arith.constant 0 : index
    %swap3A_63 = vector.load %arg8[%swap3A, %swap3A_62] : memref<100x1xf32, #tpu.memory_space<vmem>>, vector<100x1xf32>
    tpu.vector_store %arg8[%swap3A, %swap3A_62], %add3A_61 {strides = array<i32>} : memref<100x1xf32, #tpu.memory_space<vmem>>, vector<100x1xf32>,
    return
  }
  func.func @transform_0(%arg0: i32) -> (i32, i32) {
    %c0_i32 = arith.constant 0 : i32
    %c0_i32_0 = arith.constant 0 : i32
    %c0_i32_1 = arith.constant 0 : i32
    return %c0_i32, %c0_i32_0 : i32, i32
  }
  func.func @transform_1(%arg0: i32) -> (i32, i32) {
    %c0_i32 = arith.constant 0 : i32
    %c0_i32_0 = arith.constant 0 : i32
    %c0_i32_1 = arith.constant 0 : i32
    return %c0_i32, %c0_i32_0 : i32, i32
  }
  func.func @transform_2(%arg0: i32) -> (i32, i32) {
    %c0_i32 = arith.constant 0 : i32
    %c0_i32_0 = arith.constant 0 : i32
    %c0_i32_1 = arith.constant 0 : i32
    return %c0_i32, %c0_i32_0 : i32, i32
  }
  func.func @transform_3(%arg0: i32) -> (i32, i32) {
    %c0_i32 = arith.constant 0 : i32
    %c0_i32_0 = arith.constant 0 : i32
    %c0_i32_1 = arith.constant 0 : i32
    return %c0_i32, %c0_i32_0 : i32, i32
  }
  func.func @transform_4(%arg0: i32) -> (i32, i32) {
    %c0_i32 = arith.constant 0 : i32
    %c0_i32_0 = arith.constant 0 : i32
    %c0_i32_1 = arith.constant 0 : i32
    return %c0_i32, %c0_i32_0 : i32, i32
  }
  func.func @transform_5(%arg0: i32) -> (i32, i32) {
    %c0_i32 = arith.constant 0 : i32
    %c0_i32_0 = arith.constant 0 : i32
    %c0_i32_1 = arith.constant 0 : i32
    return %c0_i32, %c0_i32_0 : i32, i32
  }
  func.func @transform_6(%arg0: i32) -> (i32, i32) {
    %c0_i32 = arith.constant 0 : i32
    %c0_i32_0 = arith.constant 0 : i32
    %c0_i32_1 = arith.constant 0 : i32
    return %c0_i32, %c0_i32_0 : i32, i32
  }
  func.func @transform_7(%arg0: i32) -> (i32, i32) {
    %c0_i32 = arith.constant 0 : i32
    %c0_i32_0 = arith.constant 0 : i32
    %c0_i32_1 = arith.constant 0 : i32
    return %c0_i32, %c0_i32_0 : i32, i32
  }
}

</mosaic_0001>

<sc_bundles>
// kernel: kernel.27.cloned.1.call-start
scs
__scs_entry_jumppad:
0x0: {  	(pc) =	sbr.rel $0x88, $3  }
0x1: {  	(tag) =	ssettag $0x0;
	lr =	simm.s32 $0x1  }
0x2: {  	[smem:$0x3F92] =	sst lr;
	_ =	strace $0xD0000000  }
0x3: {  	_ = 	snop  }
0x4: {  	_ = 	snop  }
0x5: {  	_ = 	snop  }
0x6: {  	_ = 	snop  }
0x7: {  	_ = 	snop  }
__scs_overlays_trampoline_lowered:
0x8: {  	[smem:$0x3FA1] =	sst s0  }
0x9: {  	[smem:$0x3FA2] =	sst s1  }
0xa: {  	[smem:$0x3FA3] =	sst s2  }
0xb: {  	[smem:$0x3FA4] =	sst s3  }
0xc: {  	[smem:$0x3FA5] =	sst s4  }
0xd: {  	[smem:$0x3FA6] =	sst s5  }
0xe: {  	[smem:$0x3FA7] =	sst s6  }
0xf: {  	[smem:$0x3FA8] =	sst s7  }
0x10: {  	[smem:$0x3FA9] =	sst s8  }
0x11: {  	[smem:$0x3FAA] =	sst s9;
	s0 =	simm.s32 @!p0 $0x0  }
0x12: {  	s1 =	sld [smem:$0x3F90];
	s0 =	simm.s32 @p0 $0x1  }
0x13: {  	[smem:$0x3FAB] =	sst s0;
	s0 =	simm.s32 @!p1 $0x0  }
0x14: {  	s2 =	sld [smem:$0x3F8F];
	s0 =	simm.s32 @p1 $0x1  }
0x15: {  	[smem:$0x3FAC] =	sst s0;
	s0 =	simm.s32 @!p2 $0x0  }
0x16: {  	s3 =	sld [smem:$0x3FDB];
	s0 =	simm.s32 @p2 $0x1  }
0x17: {  	s4 =	simm.s32 $0x1BF5;
	[smem:$0x3FAE] =	sst s0  }
0x18: {  	s0 =	sld [smem:$0x3F91];
	_ =	swait.ge [sflag:s4], $0x0  }
0x19: {  	s7 =	sld [smem:$0x3F92]  }
0x1a: {  	s8 =	sadd.s32 $0xFFFFE003, lr  }
0x1b: {  	s9 =	sadd.s32 $0xFFFFFEF7, lr;
	s5 =	simm.s32 $0xFFFFFFFF;
	p2 =	slt.u32 s8, $0xFFFFF086  }
0x1c: {  	p1 =	slt.u32 s9, $0xF7A;
	s5 =	simm.s32 @!p2 $0x0  }
0x1d: {  	s5 =	simm.s32 @p1 $0x1;
	p0 =	seq.s32 s7, s2  }
0x1e: {  	s7 =	smul.u32 @!p0 $0xF7A, s2;
	p2 =	seq.s32 @!p0 s5, $0x0  }
0x1f: {  	s9 =	smul.u32 $0xF7A, s1;
	s8 =	simm.s32 @!p0 $0x1BF5;
	p2 =	por !p2, p0  }
0x20: {  	[sflag:s8] =	ssyncset.s32 @!p0 $0xFFFFF086;
	s6 =	sadd.s32 @!p0 s3, s7;
	s7 =	simm.s32 @!p0 $0x108  }
0x21: {  	s3 =	sadd.s32 s3, s9;
	s6 =	sadd.s32 @!p0 $0x88, s6;
	s7 =	simm.s32 @p2 $0x1082  }
0x22: {  	[simem:s7], [sflag:s8] =	dma.local @!p0 [hbm:s6], $0xF7A  }
0x23: {  	s9 =	sor.u32 $0xD0000000, s2;
	s6 =	simm.s32 $0x108;
	_ =	swait.ge @!p0 [sflag:s8], $0x0  }
0x24: {  	s3 =	sadd.s32 $0x88, s3;
	s6 =	simm.s32 @!p1 $0x1082;
	[sflag:s4] =	ssyncset.s32 $0xFFFFF086  }
0x25: {  	[simem:s6], [sflag:s4] =	dma.local [hbm:s3], $0xF7A  }
0x26: {  	[smem:$0x3F92] =	sst s1;
	(tag) =	ssettag s2;
	_ =	strace s9  }
0x27: {  	s1 =	sld [smem:$0x3FA2]  }
0x28: {  	s2 =	sld [smem:$0x3FA3]  }
0x29: {  	s4 =	sld [smem:$0x3FA5]  }
0x2a: {  	p0 =	seq.s32 s5, $0x0;
	s5 =	sld [smem:$0x3FA6]  }
0x2b: {  	s6 =	sld [smem:$0x3FA7]  }
0x2c: {  	s7 =	sld [smem:$0x3FA8]  }
0x2d: {  	s3 =	simm.s32 $0x108;
	s8 =	sld [smem:$0x3FA9]  }
0x2e: {  	s3 =	simm.s32 @!p0 $0x1082;
	s9 =	sld [smem:$0x3FAA]  }
0x2f: {  	lr =	sadd.s32 s0, s3;
	s0 =	sld [smem:$0x3FA1]  }
0x30: {  	s3 =	sld [smem:$0x3FA4]  }
0x31: {  	[smem:$0x3FAD] =	sst s10  }
0x32: {  	s10 =	sld [smem:$0x3FAB];
	_ =	sdelay $0x3  }
0x33: {  	p0 =	seq.s32 s10, $0x1;
	s10 =	sld [smem:$0x3FAD];
	_ =	sdelay $0x3  }
0x34: {  	[smem:$0x3FAD] =	sst s10  }
0x35: {  	s10 =	sld [smem:$0x3FAC];
	_ =	sdelay $0x3  }
0x36: {  	p1 =	seq.s32 s10, $0x1;
	s10 =	sld [smem:$0x3FAD];
	_ =	sdelay $0x3  }
0x37: {  	[smem:$0x3FAD] =	sst s10  }
0x38: {  	s10 =	sld [smem:$0x3FAE]  }
0x39: {  	_ = 	snop;
	(pc) =	sbr.ind lr, $3  }
0x3a: {  	_ = 	snop  }
0x3b: {  	_ = 	snop  }
0x3c: {  	p2 =	seq.s32 s10, $0x1;
	s10 =	sld [smem:$0x3FAD]  }
0x3d: {  	_ =	shalt  }
0x3e: {  	_ =	shalt  }
0x3f: {  	_ =	shalt  }
0x40: {  	_ =	shalt  }
0x41: {  	_ =	shalt  }
0x42: {  	_ =	shalt  }
0x43: {  	_ =	shalt  }
0x44: {  	_ =	shalt  }
0x45: {  	_ =	shalt  }
0x46: {  	_ =	shalt  }
0x47: {  	_ =	shalt  }
0x48: {  	_ =	shalt  }
0x49: {  	_ =	shalt  }
0x4a: {  	_ =	shalt  }
0x4b: {  	_ =	shalt  }
0x4c: {  	_ =	shalt  }
0x4d: {  	_ =	shalt  }
0x4e: {  	_ =	shalt  }
0x4f: {  	_ =	shalt  }
0x50: {  	_ =	shalt  }
0x51: {  	_ =	shalt  }
0x52: {  	_ =	shalt  }
0x53: {  	_ =	shalt  }
0x54: {  	_ =	shalt  }
0x55: {  	_ =	shalt  }
0x56: {  	_ =	shalt  }
0x57: {  	_ =	shalt  }
0x58: {  	_ =	shalt  }
0x59: {  	_ =	shalt  }
0x5a: {  	_ =	shalt  }
0x5b: {  	_ =	shalt  }
0x5c: {  	_ =	shalt  }
0x5d: {  	_ =	shalt  }
0x5e: {  	_ =	shalt  }
0x5f: {  	_ =	shalt  }
0x60: {  	_ =	shalt  }
0x61: {  	_ =	shalt  }
0x62: {  	_ =	shalt  }
0x63: {  	_ =	shalt  }
0x64: {  	_ =	shalt  }
0x65: {  	_ =	shalt  }
0x66: {  	_ =	shalt  }
0x67: {  	_ =	shalt  }
0x68: {  	_ =	shalt  }
0x69: {  	_ =	shalt  }
0x6a: {  	_ =	shalt  }
0x6b: {  	_ =	shalt  }
0x6c: {  	_ =	shalt  }
0x6d: {  	_ =	shalt  }
0x6e: {  	_ =	shalt  }
0x6f: {  	_ =	shalt  }
0x70: {  	_ =	shalt  }
0x71: {  	_ =	shalt  }
0x72: {  	_ =	shalt  }
0x73: {  	_ =	shalt  }
0x74: {  	_ =	shalt  }
0x75: {  	_ =	shalt  }
0x76: {  	_ =	shalt  }
0x77: {  	_ =	shalt  }
0x78: {  	_ =	shalt  }
0x79: {  	_ =	shalt  }
0x7a: {  	_ =	shalt  }
0x7b: {  	_ =	shalt  }
0x7c: {  	_ =	shalt  }
0x7d: {  	_ =	shalt  }
0x7e: {  	_ =	shalt  }
0x7f: {  	_ =	shalt  }
0x80: {  	_ =	shalt  }
0x81: {  	_ =	shalt  }
0x82: {  	_ =	shalt  }
0x83: {  	_ =	shalt  }
0x84: {  	_ =	shalt  }
0x85: {  	_ =	shalt  }
0x86: {  	_ =	shalt  }
0x87: {  	_ =	shalt  }
.Lfunc_end0:
.L_simem_size_0:
called_computation_lowered:
.L_overlay_start_0:
0x88: {  	s2 =	sld [smem:$0x3FD9]  }
0x89: {  	s3 =	sld [smem:$0x3FFE];
	_ =	sdelay $0x1  }
0x8a: {  	s1 =	srdreg.scid  }
0x8b: {  	s0 =	sand.u32 $0x1, s1  }
0x8c: {  	s16 =	sshll.u32 s0, $0xA;
	s2 =	sadd.s32 s3, s2  }
0x8d: {  	s2 =	sadd.s32 s2, s16  }
0x8e: {  	[smem:$0x3FB9] =	sst s2  }
0x8f: {  	_ = 	snop  }
0x90: {  	(tm) =	ssettm $0x1  }
0x91: {  	s17 =	sld [smem:$0x3FFB];
	_ =	sdelay $0x3  }
0x92: {  	_ =	strace s17  }
0x93: {  	s2 =	sld [smem:$0x3FFC];
	_ =	sdelay $0x3  }
0x94: {  	_ =	strace s2  }
0x95: {  	s2 =	sld [smem:$0x3FFD];
	_ =	sdelay $0x3  }
0x96: {  	_ =	strace s2  }
0x97: {  	_ =	strace $0x8FFFFFFF  }
0x98: {  	s18 =	sld [smem:$0x3FDB];
	_ =	sdelay $0x1  }
0x99: {  	s19 =	simm.s32 $_scs_section_size  }
0x9a: {  	s4 =	simm.s32 $_size__tile_overlayer_lowered;
	s5 =	simm.s32 $_tile_overlayer_lowered  }
0x9b: {  	s22 =	simm.s32 $0x1BFF;
	s21 =	sshll.u32 s5, $0x1;
	s2 =	sadd.s32 s19, s18  }
0x9c: {  	s6 =	simm.s32 $0x0;
	s20 =	sshll.u32 s4, $0x1;
	s4 =	sadd.s32 s21, s2  }
0x9d: {  	[timem:s6], [sflag:s22] =	dma.local [hbm:s4], s20  }
0x9e: {  	_ =	swait.ge [sflag:s22], s20  }
0x9f: {  	s3 =	ssub.s32 $0x0, s20;
	[sflag:s22] =	ssyncset.done $0x0  }
0xa0: {  	[sflag:s22] =	ssyncadd.s32 s3;
	_ =	sdelay $0x1  }
0xa1: {  	s23 =	simm.s32 $0x1B8B  }
0xa2: {  	_ =	swait.ge [sflag:s23], $0x1  }
0xa3: {  	[sflag:s23] =	ssyncset.done $0x0  }
0xa4: {  	s25 =	simm.s32 $0x1B8E;
	s24 =	sld [smem:$0x3FFE];
	[sflag:s23] =	ssyncadd.s32 $0xFFFFFFFF  }
0xa5: {  	s26 =	simm.s32 $execute0_lowered;
	[smem:$0x3FD2] =	sst s25  }
0xa6: {  	s4 =	sshll.u32 s26, $0x1;
	_ =	strace $0x80000046;
	[dreg:$0x1] =	wrdreg $0xFFFFFFFF  }
0xa7: {  	s28 =	simm.s32 $_size_execute0_lowered;
	s2 =	sadd.s32 s2, s4;
	[dreg:$0x0] =	wrdreg $0x0  }
0xa8: {  	s4 =	sshll.u32 s28, $0x1;
	[dreg:$0x2] =	wrdreg s2  }
0xa9: {  	[dreg:$0x3] =	wrdreg s4  }
0xaa: {  	[dreg:$0x4] =	wrdreg $0xC0  }
0xab: {  	_ =	task [dreg:s6], $0x5FFFF  }
0xac: {  	[dreg:$0x1] =	wrdreg $0xFFFFFFFF  }
0xad: {  	[dreg:$0x0] =	wrdreg $0x60  }
0xae: {  	[dreg:$0x2] =	wrdreg s24  }
0xaf: {  	[dreg:$0x3] =	wrdreg $0x9  }
0xb0: {  	_ =	task.clear_ibuf [dreg:s6], $0x4FFFF;
	_ =	strace $0x90000046  }
0xb1: {  	s29 =	simm.s32 $0x9;
	_ =	strace $0x80000048  }
0xb2: {  	_ =	swait.ge [sflag:s29], $0x1  }
0xb3: {  	[sflag:s29] =	ssyncadd.s32 $0xFFFFFFFF  }
0xb4: {  	_ =	strace $0x90000048  }
0xb5: {  	_ =	sfence  }
0xb6: {  	s30 =	sld [smem:$0x0];
	_ =	sdelay $0x2  }
0xb7: {  	s31 =	sshll.u32 s1, $0xD;
	s1 =	sshrl.u32 s1, $0x2  }
0xb8: {  	s3 =	sand.u32 $0x4000, s31;
	s1 =	sadd.s32 s1, s30  }
0xb9: {  	s0 =	sor.u32 s3, s0;
	s1 =	sshll.u32 s1, $0x11  }
0xba: {  	s0 =	sor.u32 s1, s0  }
0xbb: {  	s0 =	sadd.s32 $0x8F2B, s0  }
0xbc: {  	[sflag:s0] =	ssyncadd.remote.s32 $0x1  }
0xbd: {  	_ =	sfence.sel $0xFFFF  }
0xbe: {  	[dreg:$0x0] =	wrdreg $0xFFFFFFFF;
	(pc) =	sbr.abs _section_cstart, $3  }
0xbf: {  	[dreg:$0x1] =	wrdreg $0xFFFFFFFF  }
0xc0: {  	_ =	task.clear_ibuf [dreg:s6], $0x2FFFF;
	_ =	strace $0x9FFFFFFF  }
0xc1: {  	(tm) =	ssettm $0x7FFFFFFF  }
tec
execute0_lowered:
.L_overlay_start_1:
0x0: {  	(tag) =	ssettag $0x1  }
0x1: {  	s0 =	srdreg.scid;
	s10 =	stileid.u32  }
0x2: {  	s1 =	rddreg [dreg:$0x0];
	s2 =	simm.s32 $0x0;
	s11 =	simm.s32 $0x8900  }
0x3: {  	s13 =	simm.s32 $0x9100;
	s14 =	simm.s32 $0x9900;
	s15 =	simm.s32 $0xA100  }
0x4: {  	s16 =	simm.s32 $0xA900;
	s17 =	simm.s32 $0xB100;
	s18 =	simm.s32 $0xB900  }
0x5: {  	s19 =	simm.s32 $0xC100;
	s3 =	sshll.u32 s10, $0x1;
	s23 =	smul.u32 $0x4E200, s10  }
0x6: {  	[smem:$0x7FF] =	sst s2;
	s24 =	smul.u32 $0x2710, s10;
	s10 =	simm.s32 $0x80  }
0x7: {  	s20 =	simm.s32 $0xC900;
	_ =	strace $0x80000047;
	[dreg:$0x3] =	wrdreg s10  }
0x8: {  	s21 =	simm.s32 $0xD100;
	s28 =	simm.s32 $0x7900;
	[dreg:$0x4] =	wrdreg s11  }
0x9: {  	s29 =	simm.s32 $0x8100;
	s30 =	simm.s32 $0x1;
	[dreg:$0x5] =	wrdreg s13  }
0xa: {  	s31 =	simm.s32 $0x2;
	s0 =	sand.u32 $0x1, s0;
	[dreg:$0x6] =	wrdreg s14  }
0xb: {  	s5 =	sadd.s32 $0x31600, s1;
	s3 =	sor.u32 s0, s3;
	[dreg:$0x7] =	wrdreg s15  }
0xc: {  	s6 =	ssub.s32 $0x2, s0;
	s26 =	smul.u32 $0x1388, s0;
	[dreg:$0x8] =	wrdreg s16  }
0xd: {  	s0 =	smul.u32 $0x27100, s0;
	s11 =	simm.s32 $0x5;
	[dreg:$0x9] =	wrdreg s17  }
0xe: {  	s13 =	simm.s32 $0x900;
	s14 =	simm.s32 $0x1100;
	[dreg:$0xa] =	wrdreg s18  }
0xf: {  	s15 =	simm.s32 $0x1900;
	s16 =	simm.s32 $0x2100;
	[dreg:$0xb] =	wrdreg s19  }
0x10: {  	s17 =	simm.s32 $0x2900;
	[dreg:$0xc] =	wrdreg s20;
	s18 =	simm.s32 $0x3100  }
0x11: {  	[dreg:$0xd] =	wrdreg s21;
	s19 =	simm.s32 $0x3900;
	s20 =	simm.s32 $0x4100  }
0x12: {  	s21 =	simm.s32 $0x4900;
	s4 =	smul.u32 $0x1388, s3;
	s8 =	sshrl.u32 s6, $0x1  }
0x13: {  	s3 =	sadd.s32 $0x37600, s1;
	s1 =	sadd.s32 $0xD3A00, s1;
	s6 =	ssub.s32 s6, s8  }
0x14: {  	s7 =	sadd.s32 $0x1300, s4;
	s4 =	sadd.s32 $0x1380, s4;
	s6 =	smax.u32 s6, $0x1  }
0x15: {  	s9 =	sshrl.u32 s7, $0x3;
	s7 =	sshll.u32 s7, $0x5;
	s25 =	sshrl.u32 s4, $0x3  }
0x16: {  	s4 =	sshll.u32 s4, $0x5;
	[dreg:$0x17] =	wrdreg s6;
	s22 =	sadd.s32 s5, s9  }
0x17: {  	s7 =	sadd.s32 s1, s7;
	s4 =	sadd.s32 s1, s4;
	[dreg:$0x13] =	wrdreg s22  }
0x18: {  	s1 =	sadd.s32 s23, s1;
	s23 =	simm.s32 $0xE100;
	[dreg:$0x14] =	wrdreg s7  }
0x19: {  	s7 =	sadd.s32 s5, s25;
	[dreg:$0x16] =	wrdreg s4;
	s0 =	sadd.s32 s0, s1  }
0x1a: {  	s22 =	simm.s32 $0xD900;
	[dreg:$0xf] =	wrdreg s23;
	s25 =	simm.s32 $0xF100  }
0x1b: {  	s23 =	simm.s32 $0x5900;
	s1 =	simm.s32 $0x3;
	[dreg:$0x15] =	wrdreg s7  }
0x1c: {  	s4 =	simm.s32 $0x0;
	s7 =	sadd.s32 s26, s24;
	[dreg:$0x2] =	wrdreg s0  }
0x1d: {  	[dreg:$0xe] =	wrdreg s22;
	s24 =	simm.s32 $0xE900;
	s22 =	simm.s32 $0x5100  }
0x1e: {  	[dreg:$0x11] =	wrdreg s25;
	s26 =	simm.s32 $0xF900;
	s25 =	simm.s32 $0x6900  }
0x1f: {  	s8 =	sadd.s32 $0x80, s7;
	s12 =	sshrl.u32 s7, $0x3;
	[dreg:$0x10] =	wrdreg s24  }
0x20: {  	v2 =	vlaneseq.u32;
	s24 =	simm.s32 $0x6100;
	[dreg:$0x12] =	wrdreg s26;
	s9 =	sshrl.u32 s8, $0x3  }
0x21: {  	vm0 =	vmmov $0xffff;
	v1 =	vshrl.u32 v2, $0x3;
	s26 =	simm.s32 $0x7100;
	s0 =	sadd.s32 s9, s5;
	s5 =	sadd.s32 s12, s5  }
0x22: {  	v0 =	vand.u32 $0x7, v2;
	v2 =	vor.u32 $0x8, v2;
	v1 =	vmul.u32 $0x8, v1;
	s12 =	simm.s32 $0x100;
	[dreg:$0x18] =	wrdreg s0;
	s0 =	simm.s32 $0x4  }
.LBB2_1:
0x23: {  	s10 =	smov.u32 s5;
	s9 =	rddreg [dreg:$0x18];
	s7 =	simm.s32 $0x0  }
.LBB2_2:
0x24: {  	[tilespmem:s2], [sflag:$0x5] =	stream.linear.gather [hbm4b:s10+s2], $0x80, $0x38;
	[tilespmem:$0x10100] =	vst v63  }
0x25: {  	_ =	swait.ge [sflag:s11], $0x80  }
0x26: {  	p0 =	seq.s32 s7, $0x0;
	[sflag:s11] =	ssyncset.done $0x0  }
0x27: {  	s8 =	simm.s32 @!p0 $0x3;
	[sflag:s11] =	ssyncadd.s32 $0xFFFFFF80  }
0x28: {  	_ =	swait.ge @!p0 [sflag:s8], $0x8000  }
0x29: {  	[sflag:s8] =	ssyncset.done @!p0 $0x0  }
0x2a: {  	[sflag:s8] =	ssyncadd.s32 @!p0 $0xFFFF8000  }
0x2b: {  	v3 =	vld [tilespmem:$0x0];
	_ =	sdelay $0x4  }
0x2c: {  	v4 =	vshll.u32 v3, $0x1  }
0x2d: {  	v3 =	vand.u32 $0x7, v3;
	v4 =	vand.u32 $0xFFFFFFF0, v4  }
0x2e: {  	v3 =	vor.u32 v3, v4  }
0x2f: {  	v4 =	vperm.xlane v3, v0;
	_ =	sdelay $0x1  }
0x30: {  	v3 =	vperm.xlane v3, v2;
	v4 =	vadd.s32 v1, v4;
	_ =	sdelay $0x1  }
0x31: {  	v3 =	vadd.s32 v1, v3;
	_ =	sdelay $0x2  }
0x32: {  	[tilespmem:s12], [sflag:$0x1] =	stream.indirect_vreg.gather [hbm4b:s3+s2], $0x80, v4, vm0, $0xb8;
	[tilespmem:$0x10100] =	vst v63  }
0x33: {  	_ = 	snop  }
0x34: {  	[tilespmem:s13], [sflag:$0x1] =	stream.indirect_vreg.gather [hbm4b:s3+s2], $0x80, v3, vm0, $0xb8;
	[tilespmem:$0x10100] =	vst v63  }
0x35: {  	v3 =	vld [tilespmem:$0x10];
	_ =	sdelay $0x4  }
0x36: {  	v49 =	vshll.u32 v3, $0x1  }
0x37: {  	v3 =	vand.u32 $0x7, v3;
	v4 =	vand.u32 $0xFFFFFFF0, v49  }
0x38: {  	v3 =	vor.u32 v3, v4  }
0x39: {  	v4 =	vperm.xlane v3, v0;
	_ =	sdelay $0x1  }
0x3a: {  	v3 =	vperm.xlane v3, v2;
	v4 =	vadd.s32 v1, v4;
	_ =	sdelay $0x1  }
0x3b: {  	v3 =	vadd.s32 v1, v3;
	_ =	sdelay $0x2  }
0x3c: {  	[tilespmem:s14], [sflag:$0x1] =	stream.indirect_vreg.gather [hbm4b:s3+s2], $0x80, v4, vm0, $0xb8;
	[tilespmem:$0x10100] =	vst v63  }
0x3d: {  	_ = 	snop  }
0x3e: {  	[tilespmem:s15], [sflag:$0x1] =	stream.indirect_vreg.gather [hbm4b:s3+s2], $0x80, v3, vm0, $0xb8;
	[tilespmem:$0x10100] =	vst v63  }
0x3f: {  	v3 =	vld [tilespmem:$0x20];
	_ =	sdelay $0x4  }
0x40: {  	v50 =	vshll.u32 v3, $0x1  }
0x41: {  	v3 =	vand.u32 $0x7, v3;
	v4 =	vand.u32 $0xFFFFFFF0, v50  }
0x42: {  	v3 =	vor.u32 v3, v4  }
0x43: {  	v4 =	vperm.xlane v3, v0;
	_ =	sdelay $0x1  }
0x44: {  	v3 =	vperm.xlane v3, v2;
	v4 =	vadd.s32 v1, v4;
	_ =	sdelay $0x1  }
0x45: {  	v3 =	vadd.s32 v1, v3;
	_ =	sdelay $0x2  }
0x46: {  	[tilespmem:s16], [sflag:$0x1] =	stream.indirect_vreg.gather [hbm4b:s3+s2], $0x80, v4, vm0, $0xb8;
	[tilespmem:$0x10100] =	vst v63  }
0x47: {  	_ = 	snop  }
0x48: {  	[tilespmem:s17], [sflag:$0x1] =	stream.indirect_vreg.gather [hbm4b:s3+s2], $0x80, v3, vm0, $0xb8;
	[tilespmem:$0x10100] =	vst v63  }
0x49: {  	v3 =	vld [tilespmem:$0x30];
	_ =	sdelay $0x4  }
0x4a: {  	v51 =	vshll.u32 v3, $0x1  }
0x4b: {  	v3 =	vand.u32 $0x7, v3;
	v4 =	vand.u32 $0xFFFFFFF0, v51  }
0x4c: {  	v3 =	vor.u32 v3, v4  }
0x4d: {  	v4 =	vperm.xlane v3, v0;
	_ =	sdelay $0x1  }
0x4e: {  	v3 =	vperm.xlane v3, v2;
	v4 =	vadd.s32 v1, v4;
	_ =	sdelay $0x1  }
0x4f: {  	v3 =	vadd.s32 v1, v3;
	_ =	sdelay $0x2  }
0x50: {  	[tilespmem:s18], [sflag:$0x1] =	stream.indirect_vreg.gather [hbm4b:s3+s2], $0x80, v4, vm0, $0xb8;
	[tilespmem:$0x10100] =	vst v63  }
0x51: {  	_ = 	snop  }
0x52: {  	[tilespmem:s19], [sflag:$0x1] =	stream.indirect_vreg.gather [hbm4b:s3+s2], $0x80, v3, vm0, $0xb8;
	[tilespmem:$0x10100] =	vst v63  }
0x53: {  	v3 =	vld [tilespmem:$0x40];
	_ =	sdelay $0x4  }
0x54: {  	v52 =	vshll.u32 v3, $0x1  }
0x55: {  	v3 =	vand.u32 $0x7, v3;
	v4 =	vand.u32 $0xFFFFFFF0, v52  }
0x56: {  	v3 =	vor.u32 v3, v4  }
0x57: {  	v4 =	vperm.xlane v3, v0;
	_ =	sdelay $0x1  }
0x58: {  	v3 =	vperm.xlane v3, v2;
	v4 =	vadd.s32 v1, v4;
	_ =	sdelay $0x1  }
0x59: {  	v3 =	vadd.s32 v1, v3;
	_ =	sdelay $0x2  }
0x5a: {  	[tilespmem:s20], [sflag:$0x1] =	stream.indirect_vreg.gather [hbm4b:s3+s2], $0x80, v4, vm0, $0xb8;
	[tilespmem:$0x10100] =	vst v63  }
0x5b: {  	_ = 	snop  }
0x5c: {  	[tilespmem:s21], [sflag:$0x1] =	stream.indirect_vreg.gather [hbm4b:s3+s2], $0x80, v3, vm0, $0xb8;
	[tilespmem:$0x10100] =	vst v63  }
0x5d: {  	v3 =	vld [tilespmem:$0x50];
	_ =	sdelay $0x4  }
0x5e: {  	v53 =	vshll.u32 v3, $0x1  }
0x5f: {  	v3 =	vand.u32 $0x7, v3;
	v4 =	vand.u32 $0xFFFFFFF0, v53  }
0x60: {  	v3 =	vor.u32 v3, v4  }
0x61: {  	v4 =	vperm.xlane v3, v0;
	_ =	sdelay $0x1  }
0x62: {  	v3 =	vperm.xlane v3, v2;
	v4 =	vadd.s32 v1, v4;
	_ =	sdelay $0x1  }
0x63: {  	v3 =	vadd.s32 v1, v3;
	_ =	sdelay $0x2  }
0x64: {  	[tilespmem:s22], [sflag:$0x1] =	stream.indirect_vreg.gather [hbm4b:s3+s2], $0x80, v4, vm0, $0xb8;
	[tilespmem:$0x10100] =	vst v63  }
0x65: {  	_ = 	snop  }
0x66: {  	[tilespmem:s23], [sflag:$0x1] =	stream.indirect_vreg.gather [hbm4b:s3+s2], $0x80, v3, vm0, $0xb8;
	[tilespmem:$0x10100] =	vst v63  }
0x67: {  	v3 =	vld [tilespmem:$0x60];
	_ =	sdelay $0x4  }
0x68: {  	v54 =	vshll.u32 v3, $0x1  }
0x69: {  	v3 =	vand.u32 $0x7, v3;
	v4 =	vand.u32 $0xFFFFFFF0, v54  }
0x6a: {  	v3 =	vor.u32 v3, v4  }
0x6b: {  	v4 =	vperm.xlane v3, v0;
	_ =	sdelay $0x1  }
0x6c: {  	v3 =	vperm.xlane v3, v2;
	v4 =	vadd.s32 v1, v4;
	_ =	sdelay $0x1  }
0x6d: {  	v3 =	vadd.s32 v1, v3;
	_ =	sdelay $0x2  }
0x6e: {  	[tilespmem:s24], [sflag:$0x1] =	stream.indirect_vreg.gather [hbm4b:s3+s2], $0x80, v4, vm0, $0xb8;
	[tilespmem:$0x10100] =	vst v63  }
0x6f: {  	_ = 	snop  }
0x70: {  	[tilespmem:s25], [sflag:$0x1] =	stream.indirect_vreg.gather [hbm4b:s3+s2], $0x80, v3, vm0, $0xb8;
	[tilespmem:$0x10100] =	vst v63  }
0x71: {  	v3 =	vld [tilespmem:$0x70];
	_ =	sdelay $0x4  }
0x72: {  	v55 =	vshll.u32 v3, $0x1  }
0x73: {  	v3 =	vand.u32 $0x7, v3;
	v4 =	vand.u32 $0xFFFFFFF0, v55  }
0x74: {  	v3 =	vor.u32 v3, v4  }
0x75: {  	v4 =	vperm.xlane v3, v0;
	_ =	sdelay $0x1  }
0x76: {  	v3 =	vperm.xlane v3, v2;
	v4 =	vadd.s32 v1, v4;
	_ =	sdelay $0x1  }
0x77: {  	v3 =	vadd.s32 v1, v3;
	_ =	sdelay $0x2  }
0x78: {  	[tilespmem:s26], [sflag:$0x1] =	stream.indirect_vreg.gather [hbm4b:s3+s2], $0x80, v4, vm0, $0xb8;
	[tilespmem:$0x10100] =	vst v63  }
0x79: {  	_ = 	snop  }
0x7a: {  	[tilespmem:s28], [sflag:$0x1] =	stream.indirect_vreg.gather [hbm4b:s3+s2], $0x80, v3, vm0, $0xb8;
	[tilespmem:$0x10100] =	vst v63  }
0x7b: {  	s6 =	rddreg [dreg:$0x3]  }
0x7c: {  	[tilespmem:s6], [sflag:$0x5] =	stream.linear.gather [hbm4b:s9+s2], $0x80, $0x38;
	[tilespmem:$0x10100] =	vst v63  }
0x7d: {  	_ =	swait.ge [sflag:s11], $0x80  }
0x7e: {  	[sflag:s11] =	ssyncset.done $0x0  }
0x7f: {  	s8 =	simm.s32 @!p0 $0x4;
	[sflag:s11] =	ssyncadd.s32 $0xFFFFFF80  }
0x80: {  	_ =	swait.ge @!p0 [sflag:s8], $0x8000  }
0x81: {  	[sflag:s8] =	ssyncset.done @!p0 $0x0  }
0x82: {  	[sflag:s8] =	ssyncadd.s32 @!p0 $0xFFFF8000  }
0x83: {  	v3 =	vld [tilespmem:$0x80];
	_ =	sdelay $0x4  }
0x84: {  	v56 =	vshll.u32 v3, $0x1  }
0x85: {  	v3 =	vand.u32 $0x7, v3;
	v4 =	vand.u32 $0xFFFFFFF0, v56  }
0x86: {  	v3 =	vor.u32 v3, v4  }
0x87: {  	v4 =	vperm.xlane v3, v0;
	_ =	sdelay $0x1  }
0x88: {  	v3 =	vperm.xlane v3, v2;
	v4 =	vadd.s32 v1, v4;
	_ =	sdelay $0x1  }
0x89: {  	v3 =	vadd.s32 v1, v3;
	_ =	sdelay $0x2  }
0x8a: {  	[tilespmem:s29], [sflag:$0x2] =	stream.indirect_vreg.gather [hbm4b:s3+s2], $0x80, v4, vm0, $0xb8;
	[tilespmem:$0x10100] =	vst v63  }
0x8b: {  	s6 =	rddreg [dreg:$0x4]  }
0x8c: {  	[tilespmem:s6], [sflag:$0x2] =	stream.indirect_vreg.gather [hbm4b:s3+s2], $0x80, v3, vm0, $0xb8;
	[tilespmem:$0x10100] =	vst v63  }
0x8d: {  	v3 =	vld [tilespmem:$0x90];
	_ =	sdelay $0x4  }
0x8e: {  	v57 =	vshll.u32 v3, $0x1  }
0x8f: {  	v3 =	vand.u32 $0x7, v3;
	v4 =	vand.u32 $0xFFFFFFF0, v57  }
0x90: {  	v3 =	vor.u32 v3, v4  }
0x91: {  	v4 =	vperm.xlane v3, v0;
	_ =	sdelay $0x1  }
0x92: {  	v3 =	vperm.xlane v3, v2;
	v4 =	vadd.s32 v1, v4;
	_ =	sdelay $0x1  }
0x93: {  	v3 =	vadd.s32 v1, v3;
	_ =	sdelay $0x1  }
0x94: {  	s8 =	rddreg [dreg:$0x5]  }
0x95: {  	[tilespmem:s8], [sflag:$0x2] =	stream.indirect_vreg.gather [hbm4b:s3+s2], $0x80, v4, vm0, $0xb8;
	[tilespmem:$0x10100] =	vst v63  }
0x96: {  	s6 =	rddreg [dreg:$0x6]  }
0x97: {  	[tilespmem:s6], [sflag:$0x2] =	stream.indirect_vreg.gather [hbm4b:s3+s2], $0x80, v3, vm0, $0xb8;
	[tilespmem:$0x10100] =	vst v63  }
0x98: {  	v3 =	vld [tilespmem:$0xA0];
	_ =	sdelay $0x4  }
0x99: {  	v58 =	vshll.u32 v3, $0x1  }
0x9a: {  	v3 =	vand.u32 $0x7, v3;
	v4 =	vand.u32 $0xFFFFFFF0, v58  }
0x9b: {  	v3 =	vor.u32 v3, v4  }
0x9c: {  	v4 =	vperm.xlane v3, v0;
	_ =	sdelay $0x1  }
0x9d: {  	v3 =	vperm.xlane v3, v2;
	v4 =	vadd.s32 v1, v4;
	_ =	sdelay $0x1  }
0x9e: {  	v3 =	vadd.s32 v1, v3;
	_ =	sdelay $0x1  }
0x9f: {  	s6 =	rddreg [dreg:$0x7]  }
0xa0: {  	[tilespmem:s6], [sflag:$0x2] =	stream.indirect_vreg.gather [hbm4b:s3+s2], $0x80, v4, vm0, $0xb8;
	[tilespmem:$0x10100] =	vst v63  }
0xa1: {  	s8 =	rddreg [dreg:$0x8]  }
0xa2: {  	[tilespmem:s8], [sflag:$0x2] =	stream.indirect_vreg.gather [hbm4b:s3+s2], $0x80, v3, vm0, $0xb8;
	[tilespmem:$0x10100] =	vst v63  }
0xa3: {  	v3 =	vld [tilespmem:$0xB0];
	_ =	sdelay $0x4  }
0xa4: {  	v59 =	vshll.u32 v3, $0x1  }
0xa5: {  	v3 =	vand.u32 $0x7, v3;
	v4 =	vand.u32 $0xFFFFFFF0, v59  }
0xa6: {  	v3 =	vor.u32 v3, v4  }
0xa7: {  	v4 =	vperm.xlane v3, v0;
	_ =	sdelay $0x1  }
0xa8: {  	v3 =	vperm.xlane v3, v2;
	v4 =	vadd.s32 v1, v4;
	_ =	sdelay $0x1  }
0xa9: {  	v3 =	vadd.s32 v1, v3;
	_ =	sdelay $0x1  }
0xaa: {  	s6 =	rddreg [dreg:$0x9]  }
0xab: {  	[tilespmem:s6], [sflag:$0x2] =	stream.indirect_vreg.gather [hbm4b:s3+s2], $0x80, v4, vm0, $0xb8;
	[tilespmem:$0x10100] =	vst v63  }
0xac: {  	s8 =	rddreg [dreg:$0xa]  }
0xad: {  	[tilespmem:s8], [sflag:$0x2] =	stream.indirect_vreg.gather [hbm4b:s3+s2], $0x80, v3, vm0, $0xb8;
	[tilespmem:$0x10100] =	vst v63  }
0xae: {  	v3 =	vld [tilespmem:$0xC0];
	_ =	sdelay $0x4  }
0xaf: {  	v60 =	vshll.u32 v3, $0x1  }
0xb0: {  	v3 =	vand.u32 $0x7, v3;
	v4 =	vand.u32 $0xFFFFFFF0, v60  }
0xb1: {  	v3 =	vor.u32 v3, v4  }
0xb2: {  	v4 =	vperm.xlane v3, v0;
	_ =	sdelay $0x1  }
0xb3: {  	v3 =	vperm.xlane v3, v2;
	v4 =	vadd.s32 v1, v4;
	_ =	sdelay $0x1  }
0xb4: {  	v3 =	vadd.s32 v1, v3;
	_ =	sdelay $0x1  }
0xb5: {  	s6 =	rddreg [dreg:$0xb]  }
0xb6: {  	[tilespmem:s6], [sflag:$0x2] =	stream.indirect_vreg.gather [hbm4b:s3+s2], $0x80, v4, vm0, $0xb8;
	[tilespmem:$0x10100] =	vst v63  }
0xb7: {  	s8 =	rddreg [dreg:$0xc]  }
0xb8: {  	[tilespmem:s8], [sflag:$0x2] =	stream.indirect_vreg.gather [hbm4b:s3+s2], $0x80, v3, vm0, $0xb8;
	[tilespmem:$0x10100] =	vst v63  }
0xb9: {  	v3 =	vld [tilespmem:$0xD0];
	_ =	sdelay $0x4  }
0xba: {  	v61 =	vshll.u32 v3, $0x1  }
0xbb: {  	v3 =	vand.u32 $0x7, v3;
	v4 =	vand.u32 $0xFFFFFFF0, v61  }
0xbc: {  	v3 =	vor.u32 v3, v4  }
0xbd: {  	v4 =	vperm.xlane v3, v0;
	_ =	sdelay $0x1  }
0xbe: {  	v3 =	vperm.xlane v3, v2;
	v4 =	vadd.s32 v1, v4;
	_ =	sdelay $0x1  }
0xbf: {  	v3 =	vadd.s32 v1, v3;
	_ =	sdelay $0x1  }
0xc0: {  	s6 =	rddreg [dreg:$0xd]  }
0xc1: {  	[tilespmem:s6], [sflag:$0x2] =	stream.indirect_vreg.gather [hbm4b:s3+s2], $0x80, v4, vm0, $0xb8;
	[tilespmem:$0x10100] =	vst v63  }
0xc2: {  	s8 =	rddreg [dreg:$0xe]  }
0xc3: {  	[tilespmem:s8], [sflag:$0x2] =	stream.indirect_vreg.gather [hbm4b:s3+s2], $0x80, v3, vm0, $0xb8;
	[tilespmem:$0x10100] =	vst v63  }
0xc4: {  	v3 =	vld [tilespmem:$0xE0];
	_ =	sdelay $0x4  }
0xc5: {  	v62 =	vshll.u32 v3, $0x1  }
0xc6: {  	v3 =	vand.u32 $0x7, v3;
	v4 =	vand.u32 $0xFFFFFFF0, v62  }
0xc7: {  	v3 =	vor.u32 v3, v4  }
0xc8: {  	v4 =	vperm.xlane v3, v0;
	_ =	sdelay $0x1  }
0xc9: {  	v3 =	vperm.xlane v3, v2;
	v4 =	vadd.s32 v1, v4;
	_ =	sdelay $0x1  }
0xca: {  	v3 =	vadd.s32 v1, v3;
	_ =	sdelay $0x1  }
0xcb: {  	s6 =	rddreg [dreg:$0xf]  }
0xcc: {  	[tilespmem:s6], [sflag:$0x2] =	stream.indirect_vreg.gather [hbm4b:s3+s2], $0x80, v4, vm0, $0xb8;
	[tilespmem:$0x10100] =	vst v63  }
0xcd: {  	s8 =	rddreg [dreg:$0x10]  }
0xce: {  	[tilespmem:s8], [sflag:$0x2] =	stream.indirect_vreg.gather [hbm4b:s3+s2], $0x80, v3, vm0, $0xb8;
	[tilespmem:$0x10100] =	vst v63  }
0xcf: {  	v3 =	vld [tilespmem:$0xF0];
	_ =	sdelay $0x4  }
0xd0: {  	v63 =	vshll.u32 v3, $0x1  }
0xd1: {  	v3 =	vand.u32 $0x7, v3;
	v4 =	vand.u32 $0xFFFFFFF0, v63  }
0xd2: {  	v3 =	vor.u32 v3, v4  }
0xd3: {  	v4 =	vperm.xlane v3, v0;
	_ =	sdelay $0x1  }
0xd4: {  	v3 =	vperm.xlane v3, v2;
	v4 =	vadd.s32 v1, v4;
	_ =	sdelay $0x1  }
0xd5: {  	v3 =	vadd.s32 v1, v3;
	_ =	sdelay $0x1  }
0xd6: {  	s6 =	rddreg [dreg:$0x11]  }
0xd7: {  	[tilespmem:s6], [sflag:$0x2] =	stream.indirect_vreg.gather [hbm4b:s3+s2], $0x80, v4, vm0, $0xb8;
	[tilespmem:$0x10100] =	vst v63  }
0xd8: {  	s8 =	rddreg [dreg:$0x12]  }
0xd9: {  	[tilespmem:s8], [sflag:$0x2] =	stream.indirect_vreg.gather [hbm4b:s3+s2], $0x80, v3, vm0, $0xb8;
	[tilespmem:$0x10100] =	vst v63  }
0xda: {  	_ =	swait.ge [sflag:s30], $0x8000  }
0xdb: {  	s8 =	rddreg [dreg:$0x2];
	[sflag:s30] =	ssyncset.done $0x0  }
0xdc: {  	[sflag:s30] =	ssyncadd.s32 $0xFFFF8000;
	s6 =	sadd.s32 s7, s8;
	s7 =	sadd.s32 $0x2000, s7  }
0xdd: {  	[hbm4b:s6+s2] =	stream.linear.scatter [tilespmem:s12], [sflag:$0x3], $0x8000, $0x38;
	[tilespmem:$0x10100] =	vst v63  }
0xde: {  	p0 =	sne.s32 s7, $0x26000  }
.Ltmp0:
0xdf: {  	_ = 	snop;
	(pc) =	sbr.rel @p0 .LBB2_2-.Ltmp0, $4  }
0xe0: {  	_ =	swait.ge [sflag:s31], $0x8000  }
0xe1: {  	s10 =	sadd.s32 $0x20, s10;
	[sflag:s31] =	ssyncset.done $0x0  }
0xe2: {  	s9 =	sadd.s32 $0x20, s9;
	s6 =	sadd.s32 $0x1000, s6;
	[sflag:s31] =	ssyncadd.s32 $0xFFFF8000  }
0xe3: {  	[hbm4b:s6+s2] =	stream.linear.scatter [tilespmem:s29], [sflag:$0x4], $0x8000, $0x38;
	[tilespmem:$0x10100] =	vst v63  }
0xe4: {  	_ =	swait.ge [sflag:s1], $0x8000  }
0xe5: {  	[sflag:s1] =	ssyncset.done $0x0  }
0xe6: {  	[sflag:s1] =	ssyncadd.s32 $0xFFFF8000  }
0xe7: {  	_ =	swait.ge [sflag:s0], $0x8000  }
0xe8: {  	[sflag:s0] =	ssyncset.done $0x0  }
0xe9: {  	s6 =	rddreg [dreg:$0x13];
	[sflag:s0] =	ssyncadd.s32 $0xFFFF8000  }
0xea: {  	[tilespmem:s2], [sflag:$0x5] =	stream.linear.gather [hbm4b:s6+s2], $0x80, $0x38;
	[tilespmem:$0x10100] =	vst v63  }
0xeb: {  	_ =	swait.ge [sflag:s11], $0x80  }
0xec: {  	[sflag:s11] =	ssyncset.done $0x0  }
0xed: {  	[sflag:s11] =	ssyncadd.s32 $0xFFFFFF80  }
0xee: {  	v3 =	vld [tilespmem:$0x0];
	_ =	sdelay $0x4  }
0xef: {  	v4 =	vshll.u32 v3, $0x1  }
0xf0: {  	v3 =	vand.u32 $0x7, v3;
	v4 =	vand.u32 $0xFFFFFFF0, v4  }
0xf1: {  	v3 =	vor.u32 v3, v4  }
0xf2: {  	v4 =	vperm.xlane v3, v0;
	_ =	sdelay $0x1  }
0xf3: {  	v3 =	vperm.xlane v3, v2;
	v4 =	vadd.s32 v1, v4;
	_ =	sdelay $0x1  }
0xf4: {  	v3 =	vadd.s32 v1, v3;
	_ =	sdelay $0x2  }
0xf5: {  	[tilespmem:s12], [sflag:$0x1] =	stream.indirect_vreg.gather [hbm4b:s3+s2], $0x80, v4, vm0, $0xb8;
	[tilespmem:$0x10100] =	vst v63  }
0xf6: {  	_ = 	snop  }
0xf7: {  	[tilespmem:s13], [sflag:$0x1] =	stream.indirect_vreg.gather [hbm4b:s3+s2], $0x80, v3, vm0, $0xb8;
	[tilespmem:$0x10100] =	vst v63  }
0xf8: {  	v3 =	vld [tilespmem:$0x10];
	_ =	sdelay $0x4  }
0xf9: {  	v56 =	vshll.u32 v3, $0x1  }
0xfa: {  	v3 =	vand.u32 $0x7, v3;
	v4 =	vand.u32 $0xFFFFFFF0, v56  }
0xfb: {  	v3 =	vor.u32 v3, v4  }
0xfc: {  	v4 =	vperm.xlane v3, v0;
	_ =	sdelay $0x1  }
0xfd: {  	v3 =	vperm.xlane v3, v2;
	v4 =	vadd.s32 v1, v4;
	_ =	sdelay $0x1  }
0xfe: {  	v3 =	vadd.s32 v1, v3;
	_ =	sdelay $0x2  }
0xff: {  	[tilespmem:s14], [sflag:$0x1] =	stream.indirect_vreg.gather [hbm4b:s3+s2], $0x80, v4, vm0, $0xb8;
	[tilespmem:$0x10100] =	vst v63  }
0x100: {  	_ = 	snop  }
0x101: {  	[tilespmem:s15], [sflag:$0x1] =	stream.indirect_vreg.gather [hbm4b:s3+s2], $0x80, v3, vm0, $0xb8;
	[tilespmem:$0x10100] =	vst v63  }
0x102: {  	v3 =	vld [tilespmem:$0x20];
	_ =	sdelay $0x4  }
0x103: {  	v57 =	vshll.u32 v3, $0x1  }
0x104: {  	v3 =	vand.u32 $0x7, v3;
	v4 =	vand.u32 $0xFFFFFFF0, v57  }
0x105: {  	v3 =	vor.u32 v3, v4  }
0x106: {  	v4 =	vperm.xlane v3, v0;
	_ =	sdelay $0x1  }
0x107: {  	v3 =	vperm.xlane v3, v2;
	v4 =	vadd.s32 v1, v4;
	_ =	sdelay $0x1  }
0x108: {  	v3 =	vadd.s32 v1, v3;
	_ =	sdelay $0x2  }
0x109: {  	[tilespmem:s16], [sflag:$0x1] =	stream.indirect_vreg.gather [hbm4b:s3+s2], $0x80, v4, vm0, $0xb8;
	[tilespmem:$0x10100] =	vst v63  }
0x10a: {  	_ = 	snop  }
0x10b: {  	[tilespmem:s17], [sflag:$0x1] =	stream.indirect_vreg.gather [hbm4b:s3+s2], $0x80, v3, vm0, $0xb8;
	[tilespmem:$0x10100] =	vst v63  }
0x10c: {  	v3 =	vld [tilespmem:$0x30];
	_ =	sdelay $0x4  }
0x10d: {  	v58 =	vshll.u32 v3, $0x1  }
0x10e: {  	v3 =	vand.u32 $0x7, v3;
	v4 =	vand.u32 $0xFFFFFFF0, v58  }
0x10f: {  	v3 =	vor.u32 v3, v4  }
0x110: {  	v4 =	vperm.xlane v3, v0;
	_ =	sdelay $0x1  }
0x111: {  	v3 =	vperm.xlane v3, v2;
	v4 =	vadd.s32 v1, v4;
	_ =	sdelay $0x1  }
0x112: {  	v3 =	vadd.s32 v1, v3;
	_ =	sdelay $0x2  }
0x113: {  	[tilespmem:s18], [sflag:$0x1] =	stream.indirect_vreg.gather [hbm4b:s3+s2], $0x80, v4, vm0, $0xb8;
	[tilespmem:$0x10100] =	vst v63  }
0x114: {  	_ = 	snop  }
0x115: {  	[tilespmem:s19], [sflag:$0x1] =	stream.indirect_vreg.gather [hbm4b:s3+s2], $0x80, v3, vm0, $0xb8;
	[tilespmem:$0x10100] =	vst v63  }
0x116: {  	v3 =	vld [tilespmem:$0x40];
	_ =	sdelay $0x4  }
0x117: {  	v59 =	vshll.u32 v3, $0x1  }
0x118: {  	v3 =	vand.u32 $0x7, v3;
	v4 =	vand.u32 $0xFFFFFFF0, v59  }
0x119: {  	v3 =	vor.u32 v3, v4  }
0x11a: {  	v4 =	vperm.xlane v3, v0;
	_ =	sdelay $0x1  }
0x11b: {  	v3 =	vperm.xlane v3, v2;
	v4 =	vadd.s32 v1, v4;
	_ =	sdelay $0x1  }
0x11c: {  	v3 =	vadd.s32 v1, v3;
	_ =	sdelay $0x2  }
0x11d: {  	[tilespmem:s20], [sflag:$0x1] =	stream.indirect_vreg.gather [hbm4b:s3+s2], $0x80, v4, vm0, $0xb8;
	[tilespmem:$0x10100] =	vst v63  }
0x11e: {  	_ = 	snop  }
0x11f: {  	[tilespmem:s21], [sflag:$0x1] =	stream.indirect_vreg.gather [hbm4b:s3+s2], $0x80, v3, vm0, $0xb8;
	[tilespmem:$0x10100] =	vst v63  }
0x120: {  	v3 =	vld [tilespmem:$0x50];
	_ =	sdelay $0x4  }
0x121: {  	v60 =	vshll.u32 v3, $0x1  }
0x122: {  	v3 =	vand.u32 $0x7, v3;
	v4 =	vand.u32 $0xFFFFFFF0, v60  }
0x123: {  	v3 =	vor.u32 v3, v4  }
0x124: {  	v4 =	vperm.xlane v3, v0;
	_ =	sdelay $0x1  }
0x125: {  	v3 =	vperm.xlane v3, v2;
	v4 =	vadd.s32 v1, v4;
	_ =	sdelay $0x1  }
0x126: {  	v3 =	vadd.s32 v1, v3;
	_ =	sdelay $0x2  }
0x127: {  	[tilespmem:s22], [sflag:$0x1] =	stream.indirect_vreg.gather [hbm4b:s3+s2], $0x80, v4, vm0, $0xb8;
	[tilespmem:$0x10100] =	vst v63  }
0x128: {  	_ = 	snop  }
0x129: {  	[tilespmem:s23], [sflag:$0x1] =	stream.indirect_vreg.gather [hbm4b:s3+s2], $0x80, v3, vm0, $0xb8;
	[tilespmem:$0x10100] =	vst v63  }
0x12a: {  	v3 =	vld [tilespmem:$0x60];
	_ =	sdelay $0x4  }
0x12b: {  	v61 =	vshll.u32 v3, $0x1  }
0x12c: {  	v3 =	vand.u32 $0x7, v3;
	v4 =	vand.u32 $0xFFFFFFF0, v61  }
0x12d: {  	v3 =	vor.u32 v3, v4  }
0x12e: {  	v4 =	vperm.xlane v3, v0;
	_ =	sdelay $0x1  }
0x12f: {  	v3 =	vperm.xlane v3, v2;
	v4 =	vadd.s32 v1, v4;
	_ =	sdelay $0x1  }
0x130: {  	v3 =	vadd.s32 v1, v3;
	_ =	sdelay $0x2  }
0x131: {  	[tilespmem:s24], [sflag:$0x1] =	stream.indirect_vreg.gather [hbm4b:s3+s2], $0x80, v4, vm0, $0xb8;
	[tilespmem:$0x10100] =	vst v63  }
0x132: {  	_ = 	snop  }
0x133: {  	[tilespmem:s25], [sflag:$0x1] =	stream.indirect_vreg.gather [hbm4b:s3+s2], $0x80, v3, vm0, $0xb8;
	[tilespmem:$0x10100] =	vst v63  }
0x134: {  	v3 =	vld [tilespmem:$0x70];
	_ =	sdelay $0x4  }
0x135: {  	v62 =	vshll.u32 v3, $0x1  }
0x136: {  	v3 =	vand.u32 $0x7, v3;
	v4 =	vand.u32 $0xFFFFFFF0, v62  }
0x137: {  	v3 =	vor.u32 v3, v4  }
0x138: {  	v4 =	vperm.xlane v3, v0;
	_ =	sdelay $0x1  }
0x139: {  	v3 =	vperm.xlane v3, v2;
	v4 =	vadd.s32 v1, v4;
	_ =	sdelay $0x1  }
0x13a: {  	v3 =	vadd.s32 v1, v3;
	_ =	sdelay $0x2  }
0x13b: {  	[tilespmem:s26], [sflag:$0x1] =	stream.indirect_vreg.gather [hbm4b:s3+s2], $0x80, v4, vm0, $0xb8;
	[tilespmem:$0x10100] =	vst v63  }
0x13c: {  	_ = 	snop  }
0x13d: {  	[tilespmem:s28], [sflag:$0x1] =	stream.indirect_vreg.gather [hbm4b:s3+s2], $0x80, v3, vm0, $0xb8;
	[tilespmem:$0x10100] =	vst v63  }
0x13e: {  	_ =	swait.ge [sflag:s30], $0x8000  }
0x13f: {  	[sflag:s30] =	ssyncset.done $0x0  }
0x140: {  	s7 =	rddreg [dreg:$0x14];
	[sflag:s30] =	ssyncadd.s32 $0xFFFF8000  }
0x141: {  	[hbm4b:s7+s2] =	stream.linear.scatter [tilespmem:s12], [sflag:$0x5], $0x8000, $0x38;
	[tilespmem:$0x10100] =	vst v63  }
0x142: {  	_ =	swait.ge [sflag:s11], $0x8000  }
0x143: {  	[sflag:s11] =	ssyncset.done $0x0  }
0x144: {  	s8 =	rddreg [dreg:$0x15];
	[sflag:s11] =	ssyncadd.s32 $0xFFFF8000  }
0x145: {  	[tilespmem:s2], [sflag:$0x5] =	stream.linear.gather [hbm4b:s8+s2], $0x8, $0x38;
	[tilespmem:$0x10100] =	vst v63  }
0x146: {  	_ =	swait.ge [sflag:s11], $0x8  }
0x147: {  	[sflag:s11] =	ssyncset.done $0x0  }
0x148: {  	[sflag:s11] =	ssyncadd.s32 $0xFFFFFFF8  }
0x149: {  	v3 =	vld.msk [tilespmem:$0x0], $0xff;
	_ =	sdelay $0x4  }
0x14a: {  	v63 =	vshll.u32 v3, $0x1  }
0x14b: {  	v3 =	vand.u32 $0x7, v3;
	v4 =	vand.u32 $0xFFFFFFF0, v63  }
0x14c: {  	v3 =	vor.u32 v3, v4  }
0x14d: {  	v3 =	vperm.xlane v3, v0;
	_ =	sdelay $0x1  }
0x14e: {  	v3 =	vadd.s32 v1, v3;
	_ =	sdelay $0x4  }
0x14f: {  	[tilespmem:s12], [sflag:$0x1] =	stream.indirect_vreg.gather [hbm4b:s3+s2], $0x80, v3, vm0, $0xb8;
	[tilespmem:$0x10100] =	vst v63  }
0x150: {  	_ =	swait.ge [sflag:s30], $0x800  }
0x151: {  	[sflag:s30] =	ssyncset.done $0x0  }
0x152: {  	s9 =	rddreg [dreg:$0x16];
	[sflag:s30] =	ssyncadd.s32 $0xFFFFF800  }
0x153: {  	[hbm4b:s9+s2] =	stream.linear.scatter [tilespmem:s12], [sflag:$0x5], $0x800, $0x38;
	[tilespmem:$0x10100] =	vst v63  }
0x154: {  	_ =	swait.ge [sflag:s11], $0x800  }
0x155: {  	s4 =	sadd.s32 $0x1, s4;
	s10 =	rddreg [dreg:$0x17]  }
0x156: {  	p0 =	sne.s32 s4, s10  }
.Ltmp1:
0x157: {  	_ = 	snop;
	(pc) =	sbr.rel @p0 .LBB2_1-.Ltmp1, $3  }
0x158: {  	_ =	sdelay $0x1  }
0x159: {  	[sflag:s11] =	ssyncset.done $0x0  }
0x15a: {  	[sflag:s11] =	ssyncadd.s32 $0xFFFFF800  }
0x15b: {  	_ =	sfence.sel $0x180000  }
0x15c: {  	[bflag:$0x0] =	sbarrier.arrive $0xFFFF  }
0x15d: {  	_ =	strace $0x90000047  }
0x15e: {  	s0 =	stileid.u32;
	[bflag:$0x2] =	sbarrier.arrive $0xFFFF  }
0x15f: {  	p0 =	sne.s32 s0, $0x0;
	s0 =	rddreg [dreg:$0x1]  }
0x160: {  	s0 =	sadd.s32 @!p0 $0x100000, s0  }
0x161: {  	[sflag:s0] =	ssyncadd.tile.s32 @!p0 $0x1;
	_ =	shalt  }
.Lfunc_end2:
_tile_overlayer_lowered:
.L_overlay_start_2:
0x162: {  	(tag) =	ssettag $0x2  }
0x163: {  	s0 =	rddreg [dreg:$0x0];
	s2 =	stileid.u32  }
0x164: {  	s1 =	rddreg [dreg:$0x1];
	p0 =	sne.s32 s2, $0x0  }
0x165: {  	s3 =	rddreg [dreg:$0x2];
	[bflag:$0x3] =	sbarrier.arrive $0xFFFF;
	s2 =	simm.s32 @!p0 $0x1C05  }
0x166: {  	[timem:s3], [sflag:s2] =	dma.local @!p0 [hbm:s0], s1  }
0x167: {  	s0 =	simm.s32 @!p0 $0x5  }
0x168: {  	_ =	swait.ge @!p0 [sflag:s0], s1  }
0x169: {  	s1 =	ssub.s32 @!p0 $0x0, s1;
	[sflag:s0] =	ssyncset.done @!p0 $0x0  }
0x16a: {  	[sflag:s0] =	ssyncadd.s32 @!p0 s1  }
0x16b: {  	[bflag:$0x3] =	sbarrier.arrive $0xFFFF  }
0x16c: {  	_ =	shalt  }

// kernel: kernel.30.cloned.1.call-start
scs
__scs_entry_jumppad:
0x0: {  	(pc) =	sbr.rel $0x88, $3  }
0x1: {  	(tag) =	ssettag $0x0;
	lr =	simm.s32 $0x1  }
0x2: {  	[smem:$0x3F92] =	sst lr;
	_ =	strace $0xD0000000  }
0x3: {  	_ = 	snop  }
0x4: {  	_ = 	snop  }
0x5: {  	_ = 	snop  }
0x6: {  	_ = 	snop  }
0x7: {  	_ = 	snop  }
__scs_overlays_trampoline_lowered:
0x8: {  	[smem:$0x3FA1] =	sst s0  }
0x9: {  	[smem:$0x3FA2] =	sst s1  }
0xa: {  	[smem:$0x3FA3] =	sst s2  }
0xb: {  	[smem:$0x3FA4] =	sst s3  }
0xc: {  	[smem:$0x3FA5] =	sst s4  }
0xd: {  	[smem:$0x3FA6] =	sst s5  }
0xe: {  	[smem:$0x3FA7] =	sst s6  }
0xf: {  	[smem:$0x3FA8] =	sst s7  }
0x10: {  	[smem:$0x3FA9] =	sst s8  }
0x11: {  	[smem:$0x3FAA] =	sst s9;
	s0 =	simm.s32 @!p0 $0x0  }
0x12: {  	s1 =	sld [smem:$0x3F90];
	s0 =	simm.s32 @p0 $0x1  }
0x13: {  	[smem:$0x3FAB] =	sst s0;
	s0 =	simm.s32 @!p1 $0x0  }
0x14: {  	s2 =	sld [smem:$0x3F8F];
	s0 =	simm.s32 @p1 $0x1  }
0x15: {  	[smem:$0x3FAC] =	sst s0;
	s0 =	simm.s32 @!p2 $0x0  }
0x16: {  	s3 =	sld [smem:$0x3FDB];
	s0 =	simm.s32 @p2 $0x1  }
0x17: {  	s4 =	simm.s32 $0x1BF5;
	[smem:$0x3FAE] =	sst s0  }
0x18: {  	s0 =	sld [smem:$0x3F91];
	_ =	swait.ge [sflag:s4], $0x0  }
0x19: {  	s7 =	sld [smem:$0x3F92]  }
0x1a: {  	s8 =	sadd.s32 $0xFFFFE003, lr  }
0x1b: {  	s9 =	sadd.s32 $0xFFFFFEF7, lr;
	s5 =	simm.s32 $0xFFFFFFFF;
	p2 =	slt.u32 s8, $0xFFFFF086  }
0x1c: {  	p1 =	slt.u32 s9, $0xF7A;
	s5 =	simm.s32 @!p2 $0x0  }
0x1d: {  	s5 =	simm.s32 @p1 $0x1;
	p0 =	seq.s32 s7, s2  }
0x1e: {  	s7 =	smul.u32 @!p0 $0xF7A, s2;
	p2 =	seq.s32 @!p0 s5, $0x0  }
0x1f: {  	s9 =	smul.u32 $0xF7A, s1;
	s8 =	simm.s32 @!p0 $0x1BF5;
	p2 =	por !p2, p0  }
0x20: {  	[sflag:s8] =	ssyncset.s32 @!p0 $0xFFFFF086;
	s6 =	sadd.s32 @!p0 s3, s7;
	s7 =	simm.s32 @!p0 $0x108  }
0x21: {  	s3 =	sadd.s32 s3, s9;
	s6 =	sadd.s32 @!p0 $0x88, s6;
	s7 =	simm.s32 @p2 $0x1082  }
0x22: {  	[simem:s7], [sflag:s8] =	dma.local @!p0 [hbm:s6], $0xF7A  }
0x23: {  	s9 =	sor.u32 $0xD0000000, s2;
	s6 =	simm.s32 $0x108;
	_ =	swait.ge @!p0 [sflag:s8], $0x0  }
0x24: {  	s3 =	sadd.s32 $0x88, s3;
	s6 =	simm.s32 @!p1 $0x1082;
	[sflag:s4] =	ssyncset.s32 $0xFFFFF086  }
0x25: {  	[simem:s6], [sflag:s4] =	dma.local [hbm:s3], $0xF7A  }
0x26: {  	[smem:$0x3F92] =	sst s1;
	(tag) =	ssettag s2;
	_ =	strace s9  }
0x27: {  	s1 =	sld [smem:$0x3FA2]  }
0x28: {  	s2 =	sld [smem:$0x3FA3]  }
0x29: {  	s4 =	sld [smem:$0x3FA5]  }
0x2a: {  	p0 =	seq.s32 s5, $0x0;
	s5 =	sld [smem:$0x3FA6]  }
0x2b: {  	s6 =	sld [smem:$0x3FA7]  }
0x2c: {  	s7 =	sld [smem:$0x3FA8]  }
0x2d: {  	s3 =	simm.s32 $0x108;
	s8 =	sld [smem:$0x3FA9]  }
0x2e: {  	s3 =	simm.s32 @!p0 $0x1082;
	s9 =	sld [smem:$0x3FAA]  }
0x2f: {  	lr =	sadd.s32 s0, s3;
	s0 =	sld [smem:$0x3FA1]  }
0x30: {  	s3 =	sld [smem:$0x3FA4]  }
0x31: {  	[smem:$0x3FAD] =	sst s10  }
0x32: {  	s10 =	sld [smem:$0x3FAB];
	_ =	sdelay $0x3  }
0x33: {  	p0 =	seq.s32 s10, $0x1;
	s10 =	sld [smem:$0x3FAD];
	_ =	sdelay $0x3  }
0x34: {  	[smem:$0x3FAD] =	sst s10  }
0x35: {  	s10 =	sld [smem:$0x3FAC];
	_ =	sdelay $0x3  }
0x36: {  	p1 =	seq.s32 s10, $0x1;
	s10 =	sld [smem:$0x3FAD];
	_ =	sdelay $0x3  }
0x37: {  	[smem:$0x3FAD] =	sst s10  }
0x38: {  	s10 =	sld [smem:$0x3FAE]  }
0x39: {  	_ = 	snop;
	(pc) =	sbr.ind lr, $3  }
0x3a: {  	_ = 	snop  }
0x3b: {  	_ = 	snop  }
0x3c: {  	p2 =	seq.s32 s10, $0x1;
	s10 =	sld [smem:$0x3FAD]  }
0x3d: {  	_ =	shalt  }
0x3e: {  	_ =	shalt  }
0x3f: {  	_ =	shalt  }
0x40: {  	_ =	shalt  }
0x41: {  	_ =	shalt  }
0x42: {  	_ =	shalt  }
0x43: {  	_ =	shalt  }
0x44: {  	_ =	shalt  }
0x45: {  	_ =	shalt  }
0x46: {  	_ =	shalt  }
0x47: {  	_ =	shalt  }
0x48: {  	_ =	shalt  }
0x49: {  	_ =	shalt  }
0x4a: {  	_ =	shalt  }
0x4b: {  	_ =	shalt  }
0x4c: {  	_ =	shalt  }
0x4d: {  	_ =	shalt  }
0x4e: {  	_ =	shalt  }
0x4f: {  	_ =	shalt  }
0x50: {  	_ =	shalt  }
0x51: {  	_ =	shalt  }
0x52: {  	_ =	shalt  }
0x53: {  	_ =	shalt  }
0x54: {  	_ =	shalt  }
0x55: {  	_ =	shalt  }
0x56: {  	_ =	shalt  }
0x57: {  	_ =	shalt  }
0x58: {  	_ =	shalt  }
0x59: {  	_ =	shalt  }
0x5a: {  	_ =	shalt  }
0x5b: {  	_ =	shalt  }
0x5c: {  	_ =	shalt  }
0x5d: {  	_ =	shalt  }
0x5e: {  	_ =	shalt  }
0x5f: {  	_ =	shalt  }
0x60: {  	_ =	shalt  }
0x61: {  	_ =	shalt  }
0x62: {  	_ =	shalt  }
0x63: {  	_ =	shalt  }
0x64: {  	_ =	shalt  }
0x65: {  	_ =	shalt  }
0x66: {  	_ =	shalt  }
0x67: {  	_ =	shalt  }
0x68: {  	_ =	shalt  }
0x69: {  	_ =	shalt  }
0x6a: {  	_ =	shalt  }
0x6b: {  	_ =	shalt  }
0x6c: {  	_ =	shalt  }
0x6d: {  	_ =	shalt  }
0x6e: {  	_ =	shalt  }
0x6f: {  	_ =	shalt  }
0x70: {  	_ =	shalt  }
0x71: {  	_ =	shalt  }
0x72: {  	_ =	shalt  }
0x73: {  	_ =	shalt  }
0x74: {  	_ =	shalt  }
0x75: {  	_ =	shalt  }
0x76: {  	_ =	shalt  }
0x77: {  	_ =	shalt  }
0x78: {  	_ =	shalt  }
0x79: {  	_ =	shalt  }
0x7a: {  	_ =	shalt  }
0x7b: {  	_ =	shalt  }
0x7c: {  	_ =	shalt  }
0x7d: {  	_ =	shalt  }
0x7e: {  	_ =	shalt  }
0x7f: {  	_ =	shalt  }
0x80: {  	_ =	shalt  }
0x81: {  	_ =	shalt  }
0x82: {  	_ =	shalt  }
0x83: {  	_ =	shalt  }
0x84: {  	_ =	shalt  }
0x85: {  	_ =	shalt  }
0x86: {  	_ =	shalt  }
0x87: {  	_ =	shalt  }
.Lfunc_end0:
.L_simem_size_0:
called_computation.1_lowered:
.L_overlay_start_0:
0x88: {  	s2 =	sld [smem:$0x3FD9]  }
0x89: {  	s3 =	sld [smem:$0x3FFE];
	_ =	sdelay $0x1  }
0x8a: {  	s1 =	srdreg.scid  }
0x8b: {  	s0 =	sand.u32 $0x1, s1  }
0x8c: {  	s17 =	sshll.u32 s0, $0xA;
	s2 =	sadd.s32 s3, s2  }
0x8d: {  	s2 =	sadd.s32 s2, s17  }
0x8e: {  	[smem:$0x3FB9] =	sst s2  }
0x8f: {  	_ = 	snop  }
0x90: {  	(tm) =	ssettm $0x1  }
0x91: {  	s18 =	sld [smem:$0x3FFB];
	_ =	sdelay $0x3  }
0x92: {  	_ =	strace s18  }
0x93: {  	s2 =	sld [smem:$0x3FFC];
	_ =	sdelay $0x3  }
0x94: {  	_ =	strace s2  }
0x95: {  	s2 =	sld [smem:$0x3FFD];
	_ =	sdelay $0x3  }
0x96: {  	_ =	strace s2  }
0x97: {  	_ =	strace $0x8FFFFFFF  }
0x98: {  	s19 =	sld [smem:$0x3FDB];
	_ =	sdelay $0x1  }
0x99: {  	s20 =	simm.s32 $_scs_section_size  }
0x9a: {  	s4 =	simm.s32 $_size__tile_overlayer_lowered;
	s5 =	simm.s32 $_tile_overlayer_lowered  }
0x9b: {  	s6 =	simm.s32 $0x1BFF;
	s21 =	sshll.u32 s5, $0x1;
	s3 =	sadd.s32 s20, s19  }
0x9c: {  	s22 =	simm.s32 $0x0;
	s4 =	sshll.u32 s4, $0x1;
	s5 =	sadd.s32 s21, s3  }
0x9d: {  	[timem:s22], [sflag:s6] =	dma.local [hbm:s5], s4  }
0x9e: {  	_ =	swait.ge [sflag:s6], s4  }
0x9f: {  	s4 =	ssub.s32 $0x0, s4;
	[sflag:s6] =	ssyncset.done $0x0  }
0xa0: {  	[sflag:s6] =	ssyncadd.s32 s4;
	_ =	sdelay $0x1  }
0xa1: {  	s23 =	simm.s32 $0x1B8B  }
0xa2: {  	_ =	swait.ge [sflag:s23], $0x1  }
0xa3: {  	[sflag:s23] =	ssyncset.done $0x0  }
0xa4: {  	[sflag:s23] =	ssyncadd.s32 $0xFFFFFFFF  }
0xa5: {  	s4 =	sld [smem:$0x0]  }
0xa6: {  	s5 =	sand.u32 $0xFFFFFFFE, s1  }
0xa7: {  	p0 =	sne.s32 s1, s5  }
0xa8: {  	s5 =	sshll.u32 @p0 s5, $0xE  }
0xa9: {  	s5 =	sadd.s32 @p0 $0x11B8D, s5;
	s6 =	sshll.u32 @p0 s4, $0x11  }
0xaa: {  	s5 =	sor.u32 @p0 s6, s5  }
0xab: {  	[sflag:s5] =	ssyncadd.remote.s32 @p0 $0x1;
	_ =	sdelay $0x1  }
0xac: {  	s5 =	simm.s32 @p0 $0x1B8D  }
0xad: {  	_ =	swait.eq @p0 [sflag:s5], $0x1  }
0xae: {  	[sflag:s5] =	ssyncadd.s32 @p0 $0xFFFFFFFF  }
0xaf: {  	s6 =	sshll.u32 @!p0 s1, $0xE  }
0xb0: {  	s6 =	sor.u32 @!p0 $0x4000, s6;
	s5 =	simm.s32 @!p0 $0x1B8D  }
0xb1: {  	s4 =	sshll.u32 @!p0 s4, $0x11;
	s6 =	sadd.s32 @!p0 $0x11B8D, s6;
	_ =	swait.eq @!p0 [sflag:s5], $0x1  }
0xb2: {  	s4 =	sor.u32 @!p0 s4, s6;
	[sflag:s5] =	ssyncadd.s32 @!p0 $0xFFFFFFFF  }
0xb3: {  	s25 =	simm.s32 $0x1B8E;
	s24 =	sld [smem:$0x3FFE];
	[sflag:s4] =	ssyncadd.remote.s32 @!p0 $0x1  }
0xb4: {  	s26 =	simm.s32 $execute0_lowered;
	[smem:$0x3FD2] =	sst s25  }
0xb5: {  	s5 =	sshll.u32 s26, $0x1;
	_ =	strace $0x80000049;
	[dreg:$0x1] =	wrdreg $0xFFFFFFFF  }
0xb6: {  	s28 =	simm.s32 $_size_execute0_lowered;
	s3 =	sadd.s32 s3, s5;
	[dreg:$0x0] =	wrdreg $0x0  }
0xb7: {  	s5 =	sshll.u32 s28, $0x1;
	[dreg:$0x2] =	wrdreg s3  }
0xb8: {  	[dreg:$0x3] =	wrdreg s5  }
0xb9: {  	[dreg:$0x4] =	wrdreg $0xC0  }
0xba: {  	_ =	task [dreg:s22], $0x5FFFF  }
0xbb: {  	[dreg:$0x1] =	wrdreg $0xFFFFFFFF  }
0xbc: {  	[dreg:$0x0] =	wrdreg $0x60  }
0xbd: {  	[dreg:$0x2] =	wrdreg s24  }
0xbe: {  	[dreg:$0x3] =	wrdreg $0xA  }
0xbf: {  	_ =	task.clear_ibuf [dreg:s22], $0x4FFFF;
	_ =	strace $0x90000049  }
0xc0: {  	s29 =	simm.s32 $0xA;
	_ =	strace $0x8000004B  }
0xc1: {  	_ =	swait.ge [sflag:s29], $0x1  }
0xc2: {  	[sflag:s29] =	ssyncadd.s32 $0xFFFFFFFF  }
0xc3: {  	_ =	strace $0x9000004B  }
0xc4: {  	_ =	sfence  }
0xc5: {  	s30 =	sld [smem:$0x0];
	_ =	sdelay $0x2  }
0xc6: {  	s31 =	sshll.u32 s1, $0xD;
	s1 =	sshrl.u32 s1, $0x2  }
0xc7: {  	s4 =	sand.u32 $0x4000, s31;
	s1 =	sadd.s32 s1, s30  }
0xc8: {  	s0 =	sor.u32 s4, s0;
	s1 =	sshll.u32 s1, $0x11  }
0xc9: {  	s0 =	sor.u32 s1, s0  }
0xca: {  	s0 =	sadd.s32 $0x8F2B, s0  }
0xcb: {  	[sflag:s0] =	ssyncadd.remote.s32 $0x1  }
0xcc: {  	_ =	sfence.sel $0xFFFF  }
0xcd: {  	[dreg:$0x0] =	wrdreg $0xFFFFFFFF;
	(pc) =	sbr.abs _section_cstart, $3  }
0xce: {  	[dreg:$0x1] =	wrdreg $0xFFFFFFFF  }
0xcf: {  	_ =	task.clear_ibuf [dreg:s22], $0x2FFFF;
	_ =	strace $0x9FFFFFFF  }
0xd0: {  	(tm) =	ssettm $0x7FFFFFFF  }
0xd1: {  	_ =	shalt  }
tec
execute0_lowered:
.L_overlay_start_1:
0x0: {  	(tag) =	ssettag $0x1  }
0x1: {  	s0 =	srdreg.scid;
	s10 =	stileid.u32  }
0x2: {  	s1 =	rddreg [dreg:$0x0];
	s2 =	simm.s32 $0x0;
	s11 =	simm.s32 $0x8900  }
0x3: {  	s13 =	simm.s32 $0x9100;
	s14 =	simm.s32 $0x9900;
	s15 =	simm.s32 $0xA100  }
0x4: {  	s16 =	simm.s32 $0xA900;
	s17 =	simm.s32 $0xB100;
	s18 =	simm.s32 $0xB900  }
0x5: {  	s19 =	simm.s32 $0xC100;
	s3 =	sshll.u32 s10, $0x1;
	s23 =	smul.u32 $0x4E200, s10  }
0x6: {  	[smem:$0x7FF] =	sst s2;
	s24 =	smul.u32 $0x2710, s10;
	s10 =	simm.s32 $0x80  }
0x7: {  	s20 =	simm.s32 $0xC900;
	_ =	strace $0x8000004A;
	[dreg:$0x3] =	wrdreg s10  }
0x8: {  	s21 =	simm.s32 $0xD100;
	s28 =	simm.s32 $0x7900;
	[dreg:$0x4] =	wrdreg s11  }
0x9: {  	s29 =	simm.s32 $0x8100;
	s30 =	simm.s32 $0x1;
	[dreg:$0x5] =	wrdreg s13  }
0xa: {  	s31 =	simm.s32 $0x2;
	s0 =	sand.u32 $0x1, s0;
	[dreg:$0x6] =	wrdreg s14  }
0xb: {  	s5 =	sadd.s32 $0x5B5A00, s1;
	s3 =	sor.u32 s0, s3;
	[dreg:$0x7] =	wrdreg s15  }
0xc: {  	s6 =	ssub.s32 $0x2, s0;
	s26 =	smul.u32 $0x1388, s0;
	[dreg:$0x8] =	wrdreg s16  }
0xd: {  	s0 =	smul.u32 $0x27100, s0;
	s11 =	simm.s32 $0x5;
	[dreg:$0x9] =	wrdreg s17  }
0xe: {  	s13 =	simm.s32 $0x900;
	s14 =	simm.s32 $0x1100;
	[dreg:$0xa] =	wrdreg s18  }
0xf: {  	s15 =	simm.s32 $0x1900;
	s16 =	simm.s32 $0x2100;
	[dreg:$0xb] =	wrdreg s19  }
0x10: {  	s17 =	simm.s32 $0x2900;
	[dreg:$0xc] =	wrdreg s20;
	s18 =	simm.s32 $0x3100  }
0x11: {  	[dreg:$0xd] =	wrdreg s21;
	s19 =	simm.s32 $0x3900;
	s20 =	simm.s32 $0x4100  }
0x12: {  	s21 =	simm.s32 $0x4900;
	s4 =	smul.u32 $0x1388, s3;
	s8 =	sshrl.u32 s6, $0x1  }
0x13: {  	s3 =	sadd.s32 $0x37600, s1;
	s1 =	sadd.s32 $0x5BAA00, s1;
	s6 =	ssub.s32 s6, s8  }
0x14: {  	s7 =	sadd.s32 $0x1300, s4;
	s4 =	sadd.s32 $0x1380, s4;
	s6 =	smax.u32 s6, $0x1  }
0x15: {  	s9 =	sshrl.u32 s7, $0x3;
	s7 =	sshll.u32 s7, $0x5;
	s25 =	sshrl.u32 s4, $0x3  }
0x16: {  	s4 =	sshll.u32 s4, $0x5;
	[dreg:$0x17] =	wrdreg s6;
	s22 =	sadd.s32 s5, s9  }
0x17: {  	s7 =	sadd.s32 s1, s7;
	s4 =	sadd.s32 s1, s4;
	[dreg:$0x13] =	wrdreg s22  }
0x18: {  	s1 =	sadd.s32 s23, s1;
	s23 =	simm.s32 $0xE100;
	[dreg:$0x14] =	wrdreg s7  }
0x19: {  	s7 =	sadd.s32 s5, s25;
	[dreg:$0x16] =	wrdreg s4;
	s0 =	sadd.s32 s0, s1  }
0x1a: {  	s22 =	simm.s32 $0xD900;
	[dreg:$0xf] =	wrdreg s23;
	s25 =	simm.s32 $0xF100  }
0x1b: {  	s23 =	simm.s32 $0x5900;
	s1 =	simm.s32 $0x3;
	[dreg:$0x15] =	wrdreg s7  }
0x1c: {  	s4 =	simm.s32 $0x0;
	s7 =	sadd.s32 s26, s24;
	[dreg:$0x2] =	wrdreg s0  }
0x1d: {  	[dreg:$0xe] =	wrdreg s22;
	s24 =	simm.s32 $0xE900;
	s22 =	simm.s32 $0x5100  }
0x1e: {  	[dreg:$0x11] =	wrdreg s25;
	s26 =	simm.s32 $0xF900;
	s25 =	simm.s32 $0x6900  }
0x1f: {  	s8 =	sadd.s32 $0x80, s7;
	s12 =	sshrl.u32 s7, $0x3;
	[dreg:$0x10] =	wrdreg s24  }
0x20: {  	v2 =	vlaneseq.u32;
	s24 =	simm.s32 $0x6100;
	[dreg:$0x12] =	wrdreg s26;
	s9 =	sshrl.u32 s8, $0x3  }
0x21: {  	vm0 =	vmmov $0xffff;
	v1 =	vshrl.u32 v2, $0x3;
	s26 =	simm.s32 $0x7100;
	s0 =	sadd.s32 s9, s5;
	s5 =	sadd.s32 s12, s5  }
0x22: {  	v0 =	vand.u32 $0x7, v2;
	v2 =	vor.u32 $0x8, v2;
	v1 =	vmul.u32 $0x8, v1;
	s12 =	simm.s32 $0x100;
	[dreg:$0x18] =	wrdreg s0;
	s0 =	simm.s32 $0x4  }
.LBB2_1:
0x23: {  	s10 =	smov.u32 s5;
	s9 =	rddreg [dreg:$0x18];
	s7 =	simm.s32 $0x0  }
.LBB2_2:
0x24: {  	[tilespmem:s2], [sflag:$0x5] =	stream.linear.gather [hbm4b:s10+s2], $0x80, $0x38;
	[tilespmem:$0x10100] =	vst v63  }
0x25: {  	_ =	swait.ge [sflag:s11], $0x80  }
0x26: {  	p0 =	seq.s32 s7, $0x0;
	[sflag:s11] =	ssyncset.done $0x0  }
0x27: {  	s8 =	simm.s32 @!p0 $0x3;
	[sflag:s11] =	ssyncadd.s32 $0xFFFFFF80  }
0x28: {  	_ =	swait.ge @!p0 [sflag:s8], $0x8000  }
0x29: {  	[sflag:s8] =	ssyncset.done @!p0 $0x0  }
0x2a: {  	[sflag:s8] =	ssyncadd.s32 @!p0 $0xFFFF8000  }
0x2b: {  	v3 =	vld [tilespmem:$0x0];
	_ =	sdelay $0x4  }
0x2c: {  	v4 =	vshll.u32 v3, $0x1  }
0x2d: {  	v3 =	vand.u32 $0x7, v3;
	v4 =	vand.u32 $0xFFFFFFF0, v4  }
0x2e: {  	v3 =	vor.u32 v3, v4  }
0x2f: {  	v4 =	vperm.xlane v3, v0;
	_ =	sdelay $0x1  }
0x30: {  	v3 =	vperm.xlane v3, v2;
	v4 =	vadd.s32 v1, v4;
	_ =	sdelay $0x1  }
0x31: {  	v3 =	vadd.s32 v1, v3;
	_ =	sdelay $0x2  }
0x32: {  	[tilespmem:s12], [sflag:$0x1] =	stream.indirect_vreg.gather [hbm4b:s3+s2], $0x80, v4, vm0, $0xb8;
	[tilespmem:$0x10100] =	vst v63  }
0x33: {  	_ = 	snop  }
0x34: {  	[tilespmem:s13], [sflag:$0x1] =	stream.indirect_vreg.gather [hbm4b:s3+s2], $0x80, v3, vm0, $0xb8;
	[tilespmem:$0x10100] =	vst v63  }
0x35: {  	v3 =	vld [tilespmem:$0x10];
	_ =	sdelay $0x4  }
0x36: {  	v49 =	vshll.u32 v3, $0x1  }
0x37: {  	v3 =	vand.u32 $0x7, v3;
	v4 =	vand.u32 $0xFFFFFFF0, v49  }
0x38: {  	v3 =	vor.u32 v3, v4  }
0x39: {  	v4 =	vperm.xlane v3, v0;
	_ =	sdelay $0x1  }
0x3a: {  	v3 =	vperm.xlane v3, v2;
	v4 =	vadd.s32 v1, v4;
	_ =	sdelay $0x1  }
0x3b: {  	v3 =	vadd.s32 v1, v3;
	_ =	sdelay $0x2  }
0x3c: {  	[tilespmem:s14], [sflag:$0x1] =	stream.indirect_vreg.gather [hbm4b:s3+s2], $0x80, v4, vm0, $0xb8;
	[tilespmem:$0x10100] =	vst v63  }
0x3d: {  	_ = 	snop  }
0x3e: {  	[tilespmem:s15], [sflag:$0x1] =	stream.indirect_vreg.gather [hbm4b:s3+s2], $0x80, v3, vm0, $0xb8;
	[tilespmem:$0x10100] =	vst v63  }
0x3f: {  	v3 =	vld [tilespmem:$0x20];
	_ =	sdelay $0x4  }
0x40: {  	v50 =	vshll.u32 v3, $0x1  }
0x41: {  	v3 =	vand.u32 $0x7, v3;
	v4 =	vand.u32 $0xFFFFFFF0, v50  }
0x42: {  	v3 =	vor.u32 v3, v4  }
0x43: {  	v4 =	vperm.xlane v3, v0;
	_ =	sdelay $0x1  }
0x44: {  	v3 =	vperm.xlane v3, v2;
	v4 =	vadd.s32 v1, v4;
	_ =	sdelay $0x1  }
0x45: {  	v3 =	vadd.s32 v1, v3;
	_ =	sdelay $0x2  }
0x46: {  	[tilespmem:s16], [sflag:$0x1] =	stream.indirect_vreg.gather [hbm4b:s3+s2], $0x80, v4, vm0, $0xb8;
	[tilespmem:$0x10100] =	vst v63  }
0x47: {  	_ = 	snop  }
0x48: {  	[tilespmem:s17], [sflag:$0x1] =	stream.indirect_vreg.gather [hbm4b:s3+s2], $0x80, v3, vm0, $0xb8;
	[tilespmem:$0x10100] =	vst v63  }
0x49: {  	v3 =	vld [tilespmem:$0x30];
	_ =	sdelay $0x4  }
0x4a: {  	v51 =	vshll.u32 v3, $0x1  }
0x4b: {  	v3 =	vand.u32 $0x7, v3;
	v4 =	vand.u32 $0xFFFFFFF0, v51  }
0x4c: {  	v3 =	vor.u32 v3, v4  }
0x4d: {  	v4 =	vperm.xlane v3, v0;
	_ =	sdelay $0x1  }
0x4e: {  	v3 =	vperm.xlane v3, v2;
	v4 =	vadd.s32 v1, v4;
	_ =	sdelay $0x1  }
0x4f: {  	v3 =	vadd.s32 v1, v3;
	_ =	sdelay $0x2  }
0x50: {  	[tilespmem:s18], [sflag:$0x1] =	stream.indirect_vreg.gather [hbm4b:s3+s2], $0x80, v4, vm0, $0xb8;
	[tilespmem:$0x10100] =	vst v63  }
0x51: {  	_ = 	snop  }
0x52: {  	[tilespmem:s19], [sflag:$0x1] =	stream.indirect_vreg.gather [hbm4b:s3+s2], $0x80, v3, vm0, $0xb8;
	[tilespmem:$0x10100] =	vst v63  }
0x53: {  	v3 =	vld [tilespmem:$0x40];
	_ =	sdelay $0x4  }
0x54: {  	v52 =	vshll.u32 v3, $0x1  }
0x55: {  	v3 =	vand.u32 $0x7, v3;
	v4 =	vand.u32 $0xFFFFFFF0, v52  }
0x56: {  	v3 =	vor.u32 v3, v4  }
0x57: {  	v4 =	vperm.xlane v3, v0;
	_ =	sdelay $0x1  }
0x58: {  	v3 =	vperm.xlane v3, v2;
	v4 =	vadd.s32 v1, v4;
	_ =	sdelay $0x1  }
0x59: {  	v3 =	vadd.s32 v1, v3;
	_ =	sdelay $0x2  }
0x5a: {  	[tilespmem:s20], [sflag:$0x1] =	stream.indirect_vreg.gather [hbm4b:s3+s2], $0x80, v4, vm0, $0xb8;
	[tilespmem:$0x10100] =	vst v63  }
0x5b: {  	_ = 	snop  }
0x5c: {  	[tilespmem:s21], [sflag:$0x1] =	stream.indirect_vreg.gather [hbm4b:s3+s2], $0x80, v3, vm0, $0xb8;
	[tilespmem:$0x10100] =	vst v63  }
0x5d: {  	v3 =	vld [tilespmem:$0x50];
	_ =	sdelay $0x4  }
0x5e: {  	v53 =	vshll.u32 v3, $0x1  }
0x5f: {  	v3 =	vand.u32 $0x7, v3;
	v4 =	vand.u32 $0xFFFFFFF0, v53  }
0x60: {  	v3 =	vor.u32 v3, v4  }
0x61: {  	v4 =	vperm.xlane v3, v0;
	_ =	sdelay $0x1  }
0x62: {  	v3 =	vperm.xlane v3, v2;
	v4 =	vadd.s32 v1, v4;
	_ =	sdelay $0x1  }
0x63: {  	v3 =	vadd.s32 v1, v3;
	_ =	sdelay $0x2  }
0x64: {  	[tilespmem:s22], [sflag:$0x1] =	stream.indirect_vreg.gather [hbm4b:s3+s2], $0x80, v4, vm0, $0xb8;
	[tilespmem:$0x10100] =	vst v63  }
0x65: {  	_ = 	snop  }
0x66: {  	[tilespmem:s23], [sflag:$0x1] =	stream.indirect_vreg.gather [hbm4b:s3+s2], $0x80, v3, vm0, $0xb8;
	[tilespmem:$0x10100] =	vst v63  }
0x67: {  	v3 =	vld [tilespmem:$0x60];
	_ =	sdelay $0x4  }
0x68: {  	v54 =	vshll.u32 v3, $0x1  }
0x69: {  	v3 =	vand.u32 $0x7, v3;
	v4 =	vand.u32 $0xFFFFFFF0, v54  }
0x6a: {  	v3 =	vor.u32 v3, v4  }
0x6b: {  	v4 =	vperm.xlane v3, v0;
	_ =	sdelay $0x1  }
0x6c: {  	v3 =	vperm.xlane v3, v2;
	v4 =	vadd.s32 v1, v4;
	_ =	sdelay $0x1  }
0x6d: {  	v3 =	vadd.s32 v1, v3;
	_ =	sdelay $0x2  }
0x6e: {  	[tilespmem:s24], [sflag:$0x1] =	stream.indirect_vreg.gather [hbm4b:s3+s2], $0x80, v4, vm0, $0xb8;
	[tilespmem:$0x10100] =	vst v63  }
0x6f: {  	_ = 	snop  }
0x70: {  	[tilespmem:s25], [sflag:$0x1] =	stream.indirect_vreg.gather [hbm4b:s3+s2], $0x80, v3, vm0, $0xb8;
	[tilespmem:$0x10100] =	vst v63  }
0x71: {  	v3 =	vld [tilespmem:$0x70];
	_ =	sdelay $0x4  }
0x72: {  	v55 =	vshll.u32 v3, $0x1  }
0x73: {  	v3 =	vand.u32 $0x7, v3;
	v4 =	vand.u32 $0xFFFFFFF0, v55  }
0x74: {  	v3 =	vor.u32 v3, v4  }
0x75: {  	v4 =	vperm.xlane v3, v0;
	_ =	sdelay $0x1  }
0x76: {  	v3 =	vperm.xlane v3, v2;
	v4 =	vadd.s32 v1, v4;
	_ =	sdelay $0x1  }
0x77: {  	v3 =	vadd.s32 v1, v3;
	_ =	sdelay $0x2  }
0x78: {  	[tilespmem:s26], [sflag:$0x1] =	stream.indirect_vreg.gather [hbm4b:s3+s2], $0x80, v4, vm0, $0xb8;
	[tilespmem:$0x10100] =	vst v63  }
0x79: {  	_ = 	snop  }
0x7a: {  	[tilespmem:s28], [sflag:$0x1] =	stream.indirect_vreg.gather [hbm4b:s3+s2], $0x80, v3, vm0, $0xb8;
	[tilespmem:$0x10100] =	vst v63  }
0x7b: {  	s6 =	rddreg [dreg:$0x3]  }
0x7c: {  	[tilespmem:s6], [sflag:$0x5] =	stream.linear.gather [hbm4b:s9+s2], $0x80, $0x38;
	[tilespmem:$0x10100] =	vst v63  }
0x7d: {  	_ =	swait.ge [sflag:s11], $0x80  }
0x7e: {  	[sflag:s11] =	ssyncset.done $0x0  }
0x7f: {  	s8 =	simm.s32 @!p0 $0x4;
	[sflag:s11] =	ssyncadd.s32 $0xFFFFFF80  }
0x80: {  	_ =	swait.ge @!p0 [sflag:s8], $0x8000  }
0x81: {  	[sflag:s8] =	ssyncset.done @!p0 $0x0  }
0x82: {  	[sflag:s8] =	ssyncadd.s32 @!p0 $0xFFFF8000  }
0x83: {  	v3 =	vld [tilespmem:$0x80];
	_ =	sdelay $0x4  }
0x84: {  	v56 =	vshll.u32 v3, $0x1  }
0x85: {  	v3 =	vand.u32 $0x7, v3;
	v4 =	vand.u32 $0xFFFFFFF0, v56  }
0x86: {  	v3 =	vor.u32 v3, v4  }
0x87: {  	v4 =	vperm.xlane v3, v0;
	_ =	sdelay $0x1  }
0x88: {  	v3 =	vperm.xlane v3, v2;
	v4 =	vadd.s32 v1, v4;
	_ =	sdelay $0x1  }
0x89: {  	v3 =	vadd.s32 v1, v3;
	_ =	sdelay $0x2  }
0x8a: {  	[tilespmem:s29], [sflag:$0x2] =	stream.indirect_vreg.gather [hbm4b:s3+s2], $0x80, v4, vm0, $0xb8;
	[tilespmem:$0x10100] =	vst v63  }
0x8b: {  	s6 =	rddreg [dreg:$0x4]  }
0x8c: {  	[tilespmem:s6], [sflag:$0x2] =	stream.indirect_vreg.gather [hbm4b:s3+s2], $0x80, v3, vm0, $0xb8;
	[tilespmem:$0x10100] =	vst v63  }
0x8d: {  	v3 =	vld [tilespmem:$0x90];
	_ =	sdelay $0x4  }
0x8e: {  	v57 =	vshll.u32 v3, $0x1  }
0x8f: {  	v3 =	vand.u32 $0x7, v3;
	v4 =	vand.u32 $0xFFFFFFF0, v57  }
0x90: {  	v3 =	vor.u32 v3, v4  }
0x91: {  	v4 =	vperm.xlane v3, v0;
	_ =	sdelay $0x1  }
0x92: {  	v3 =	vperm.xlane v3, v2;
	v4 =	vadd.s32 v1, v4;
	_ =	sdelay $0x1  }
0x93: {  	v3 =	vadd.s32 v1, v3;
	_ =	sdelay $0x1  }
0x94: {  	s8 =	rddreg [dreg:$0x5]  }
0x95: {  	[tilespmem:s8], [sflag:$0x2] =	stream.indirect_vreg.gather [hbm4b:s3+s2], $0x80, v4, vm0, $0xb8;
	[tilespmem:$0x10100] =	vst v63  }
0x96: {  	s6 =	rddreg [dreg:$0x6]  }
0x97: {  	[tilespmem:s6], [sflag:$0x2] =	stream.indirect_vreg.gather [hbm4b:s3+s2], $0x80, v3, vm0, $0xb8;
	[tilespmem:$0x10100] =	vst v63  }
0x98: {  	v3 =	vld [tilespmem:$0xA0];
	_ =	sdelay $0x4  }
0x99: {  	v58 =	vshll.u32 v3, $0x1  }
0x9a: {  	v3 =	vand.u32 $0x7, v3;
	v4 =	vand.u32 $0xFFFFFFF0, v58  }
0x9b: {  	v3 =	vor.u32 v3, v4  }
0x9c: {  	v4 =	vperm.xlane v3, v0;
	_ =	sdelay $0x1  }
0x9d: {  	v3 =	vperm.xlane v3, v2;
	v4 =	vadd.s32 v1, v4;
	_ =	sdelay $0x1  }
0x9e: {  	v3 =	vadd.s32 v1, v3;
	_ =	sdelay $0x1  }
0x9f: {  	s6 =	rddreg [dreg:$0x7]  }
0xa0: {  	[tilespmem:s6], [sflag:$0x2] =	stream.indirect_vreg.gather [hbm4b:s3+s2], $0x80, v4, vm0, $0xb8;
	[tilespmem:$0x10100] =	vst v63  }
0xa1: {  	s8 =	rddreg [dreg:$0x8]  }
0xa2: {  	[tilespmem:s8], [sflag:$0x2] =	stream.indirect_vreg.gather [hbm4b:s3+s2], $0x80, v3, vm0, $0xb8;
	[tilespmem:$0x10100] =	vst v63  }
0xa3: {  	v3 =	vld [tilespmem:$0xB0];
	_ =	sdelay $0x4  }
0xa4: {  	v59 =	vshll.u32 v3, $0x1  }
0xa5: {  	v3 =	vand.u32 $0x7, v3;
	v4 =	vand.u32 $0xFFFFFFF0, v59  }
0xa6: {  	v3 =	vor.u32 v3, v4  }
0xa7: {  	v4 =	vperm.xlane v3, v0;
	_ =	sdelay $0x1  }
0xa8: {  	v3 =	vperm.xlane v3, v2;
	v4 =	vadd.s32 v1, v4;
	_ =	sdelay $0x1  }
0xa9: {  	v3 =	vadd.s32 v1, v3;
	_ =	sdelay $0x1  }
0xaa: {  	s6 =	rddreg [dreg:$0x9]  }
0xab: {  	[tilespmem:s6], [sflag:$0x2] =	stream.indirect_vreg.gather [hbm4b:s3+s2], $0x80, v4, vm0, $0xb8;
	[tilespmem:$0x10100] =	vst v63  }
0xac: {  	s8 =	rddreg [dreg:$0xa]  }
0xad: {  	[tilespmem:s8], [sflag:$0x2] =	stream.indirect_vreg.gather [hbm4b:s3+s2], $0x80, v3, vm0, $0xb8;
	[tilespmem:$0x10100] =	vst v63  }
0xae: {  	v3 =	vld [tilespmem:$0xC0];
	_ =	sdelay $0x4  }
0xaf: {  	v60 =	vshll.u32 v3, $0x1  }
0xb0: {  	v3 =	vand.u32 $0x7, v3;
	v4 =	vand.u32 $0xFFFFFFF0, v60  }
0xb1: {  	v3 =	vor.u32 v3, v4  }
0xb2: {  	v4 =	vperm.xlane v3, v0;
	_ =	sdelay $0x1  }
0xb3: {  	v3 =	vperm.xlane v3, v2;
	v4 =	vadd.s32 v1, v4;
	_ =	sdelay $0x1  }
0xb4: {  	v3 =	vadd.s32 v1, v3;
	_ =	sdelay $0x1  }
0xb5: {  	s6 =	rddreg [dreg:$0xb]  }
0xb6: {  	[tilespmem:s6], [sflag:$0x2] =	stream.indirect_vreg.gather [hbm4b:s3+s2], $0x80, v4, vm0, $0xb8;
	[tilespmem:$0x10100] =	vst v63  }
0xb7: {  	s8 =	rddreg [dreg:$0xc]  }
0xb8: {  	[tilespmem:s8], [sflag:$0x2] =	stream.indirect_vreg.gather [hbm4b:s3+s2], $0x80, v3, vm0, $0xb8;
	[tilespmem:$0x10100] =	vst v63  }
0xb9: {  	v3 =	vld [tilespmem:$0xD0];
	_ =	sdelay $0x4  }
0xba: {  	v61 =	vshll.u32 v3, $0x1  }
0xbb: {  	v3 =	vand.u32 $0x7, v3;
	v4 =	vand.u32 $0xFFFFFFF0, v61  }
0xbc: {  	v3 =	vor.u32 v3, v4  }
0xbd: {  	v4 =	vperm.xlane v3, v0;
	_ =	sdelay $0x1  }
0xbe: {  	v3 =	vperm.xlane v3, v2;
	v4 =	vadd.s32 v1, v4;
	_ =	sdelay $0x1  }
0xbf: {  	v3 =	vadd.s32 v1, v3;
	_ =	sdelay $0x1  }
0xc0: {  	s6 =	rddreg [dreg:$0xd]  }
0xc1: {  	[tilespmem:s6], [sflag:$0x2] =	stream.indirect_vreg.gather [hbm4b:s3+s2], $0x80, v4, vm0, $0xb8;
	[tilespmem:$0x10100] =	vst v63  }
0xc2: {  	s8 =	rddreg [dreg:$0xe]  }
0xc3: {  	[tilespmem:s8], [sflag:$0x2] =	stream.indirect_vreg.gather [hbm4b:s3+s2], $0x80, v3, vm0, $0xb8;
	[tilespmem:$0x10100] =	vst v63  }
0xc4: {  	v3 =	vld [tilespmem:$0xE0];
	_ =	sdelay $0x4  }
0xc5: {  	v62 =	vshll.u32 v3, $0x1  }
0xc6: {  	v3 =	vand.u32 $0x7, v3;
	v4 =	vand.u32 $0xFFFFFFF0, v62  }
0xc7: {  	v3 =	vor.u32 v3, v4  }
0xc8: {  	v4 =	vperm.xlane v3, v0;
	_ =	sdelay $0x1  }
0xc9: {  	v3 =	vperm.xlane v3, v2;
	v4 =	vadd.s32 v1, v4;
	_ =	sdelay $0x1  }
0xca: {  	v3 =	vadd.s32 v1, v3;
	_ =	sdelay $0x1  }
0xcb: {  	s6 =	rddreg [dreg:$0xf]  }
0xcc: {  	[tilespmem:s6], [sflag:$0x2] =	stream.indirect_vreg.gather [hbm4b:s3+s2], $0x80, v4, vm0, $0xb8;
	[tilespmem:$0x10100] =	vst v63  }
0xcd: {  	s8 =	rddreg [dreg:$0x10]  }
0xce: {  	[tilespmem:s8], [sflag:$0x2] =	stream.indirect_vreg.gather [hbm4b:s3+s2], $0x80, v3, vm0, $0xb8;
	[tilespmem:$0x10100] =	vst v63  }
0xcf: {  	v3 =	vld [tilespmem:$0xF0];
	_ =	sdelay $0x4  }
0xd0: {  	v63 =	vshll.u32 v3, $0x1  }
0xd1: {  	v3 =	vand.u32 $0x7, v3;
	v4 =	vand.u32 $0xFFFFFFF0, v63  }
0xd2: {  	v3 =	vor.u32 v3, v4  }
0xd3: {  	v4 =	vperm.xlane v3, v0;
	_ =	sdelay $0x1  }
0xd4: {  	v3 =	vperm.xlane v3, v2;
	v4 =	vadd.s32 v1, v4;
	_ =	sdelay $0x1  }
0xd5: {  	v3 =	vadd.s32 v1, v3;
	_ =	sdelay $0x1  }
0xd6: {  	s6 =	rddreg [dreg:$0x11]  }
0xd7: {  	[tilespmem:s6], [sflag:$0x2] =	stream.indirect_vreg.gather [hbm4b:s3+s2], $0x80, v4, vm0, $0xb8;
	[tilespmem:$0x10100] =	vst v63  }
0xd8: {  	s8 =	rddreg [dreg:$0x12]  }
0xd9: {  	[tilespmem:s8], [sflag:$0x2] =	stream.indirect_vreg.gather [hbm4b:s3+s2], $0x80, v3, vm0, $0xb8;
	[tilespmem:$0x10100] =	vst v63  }
0xda: {  	_ =	swait.ge [sflag:s30], $0x8000  }
0xdb: {  	s8 =	rddreg [dreg:$0x2];
	[sflag:s30] =	ssyncset.done $0x0  }
0xdc: {  	[sflag:s30] =	ssyncadd.s32 $0xFFFF8000;
	s6 =	sadd.s32 s7, s8;
	s7 =	sadd.s32 $0x2000, s7  }
0xdd: {  	[hbm4b:s6+s2] =	stream.linear.scatter [tilespmem:s12], [sflag:$0x3], $0x8000, $0x38;
	[tilespmem:$0x10100] =	vst v63  }
0xde: {  	p0 =	sne.s32 s7, $0x26000  }
.Ltmp0:
0xdf: {  	_ = 	snop;
	(pc) =	sbr.rel @p0 .LBB2_2-.Ltmp0, $4  }
0xe0: {  	_ =	swait.ge [sflag:s31], $0x8000  }
0xe1: {  	s10 =	sadd.s32 $0x20, s10;
	[sflag:s31] =	ssyncset.done $0x0  }
0xe2: {  	s9 =	sadd.s32 $0x20, s9;
	s6 =	sadd.s32 $0x1000, s6;
	[sflag:s31] =	ssyncadd.s32 $0xFFFF8000  }
0xe3: {  	[hbm4b:s6+s2] =	stream.linear.scatter [tilespmem:s29], [sflag:$0x4], $0x8000, $0x38;
	[tilespmem:$0x10100] =	vst v63  }
0xe4: {  	_ =	swait.ge [sflag:s1], $0x8000  }
0xe5: {  	[sflag:s1] =	ssyncset.done $0x0  }
0xe6: {  	[sflag:s1] =	ssyncadd.s32 $0xFFFF8000  }
0xe7: {  	_ =	swait.ge [sflag:s0], $0x8000  }
0xe8: {  	[sflag:s0] =	ssyncset.done $0x0  }
0xe9: {  	s6 =	rddreg [dreg:$0x13];
	[sflag:s0] =	ssyncadd.s32 $0xFFFF8000  }
0xea: {  	[tilespmem:s2], [sflag:$0x5] =	stream.linear.gather [hbm4b:s6+s2], $0x80, $0x38;
	[tilespmem:$0x10100] =	vst v63  }
0xeb: {  	_ =	swait.ge [sflag:s11], $0x80  }
0xec: {  	[sflag:s11] =	ssyncset.done $0x0  }
0xed: {  	[sflag:s11] =	ssyncadd.s32 $0xFFFFFF80  }
0xee: {  	v3 =	vld [tilespmem:$0x0];
	_ =	sdelay $0x4  }
0xef: {  	v4 =	vshll.u32 v3, $0x1  }
0xf0: {  	v3 =	vand.u32 $0x7, v3;
	v4 =	vand.u32 $0xFFFFFFF0, v4  }
0xf1: {  	v3 =	vor.u32 v3, v4  }
0xf2: {  	v4 =	vperm.xlane v3, v0;
	_ =	sdelay $0x1  }
0xf3: {  	v3 =	vperm.xlane v3, v2;
	v4 =	vadd.s32 v1, v4;
	_ =	sdelay $0x1  }
0xf4: {  	v3 =	vadd.s32 v1, v3;
	_ =	sdelay $0x2  }
0xf5: {  	[tilespmem:s12], [sflag:$0x1] =	stream.indirect_vreg.gather [hbm4b:s3+s2], $0x80, v4, vm0, $0xb8;
	[tilespmem:$0x10100] =	vst v63  }
0xf6: {  	_ = 	snop  }
0xf7: {  	[tilespmem:s13], [sflag:$0x1] =	stream.indirect_vreg.gather [hbm4b:s3+s2], $0x80, v3, vm0, $0xb8;
	[tilespmem:$0x10100] =	vst v63  }
0xf8: {  	v3 =	vld [tilespmem:$0x10];
	_ =	sdelay $0x4  }
0xf9: {  	v56 =	vshll.u32 v3, $0x1  }
0xfa: {  	v3 =	vand.u32 $0x7, v3;
	v4 =	vand.u32 $0xFFFFFFF0, v56  }
0xfb: {  	v3 =	vor.u32 v3, v4  }
0xfc: {  	v4 =	vperm.xlane v3, v0;
	_ =	sdelay $0x1  }
0xfd: {  	v3 =	vperm.xlane v3, v2;
	v4 =	vadd.s32 v1, v4;
	_ =	sdelay $0x1  }
0xfe: {  	v3 =	vadd.s32 v1, v3;
	_ =	sdelay $0x2  }
0xff: {  	[tilespmem:s14], [sflag:$0x1] =	stream.indirect_vreg.gather [hbm4b:s3+s2], $0x80, v4, vm0, $0xb8;
	[tilespmem:$0x10100] =	vst v63  }
0x100: {  	_ = 	snop  }
0x101: {  	[tilespmem:s15], [sflag:$0x1] =	stream.indirect_vreg.gather [hbm4b:s3+s2], $0x80, v3, vm0, $0xb8;
	[tilespmem:$0x10100] =	vst v63  }
0x102: {  	v3 =	vld [tilespmem:$0x20];
	_ =	sdelay $0x4  }
0x103: {  	v57 =	vshll.u32 v3, $0x1  }
0x104: {  	v3 =	vand.u32 $0x7, v3;
	v4 =	vand.u32 $0xFFFFFFF0, v57  }
0x105: {  	v3 =	vor.u32 v3, v4  }
0x106: {  	v4 =	vperm.xlane v3, v0;
	_ =	sdelay $0x1  }
0x107: {  	v3 =	vperm.xlane v3, v2;
	v4 =	vadd.s32 v1, v4;
	_ =	sdelay $0x1  }
0x108: {  	v3 =	vadd.s32 v1, v3;
	_ =	sdelay $0x2  }
0x109: {  	[tilespmem:s16], [sflag:$0x1] =	stream.indirect_vreg.gather [hbm4b:s3+s2], $0x80, v4, vm0, $0xb8;
	[tilespmem:$0x10100] =	vst v63  }
0x10a: {  	_ = 	snop  }
0x10b: {  	[tilespmem:s17], [sflag:$0x1] =	stream.indirect_vreg.gather [hbm4b:s3+s2], $0x80, v3, vm0, $0xb8;
	[tilespmem:$0x10100] =	vst v63  }
0x10c: {  	v3 =	vld [tilespmem:$0x30];
	_ =	sdelay $0x4  }
0x10d: {  	v58 =	vshll.u32 v3, $0x1  }
0x10e: {  	v3 =	vand.u32 $0x7, v3;
	v4 =	vand.u32 $0xFFFFFFF0, v58  }
0x10f: {  	v3 =	vor.u32 v3, v4  }
0x110: {  	v4 =	vperm.xlane v3, v0;
	_ =	sdelay $0x1  }
0x111: {  	v3 =	vperm.xlane v3, v2;
	v4 =	vadd.s32 v1, v4;
	_ =	sdelay $0x1  }
0x112: {  	v3 =	vadd.s32 v1, v3;
	_ =	sdelay $0x2  }
0x113: {  	[tilespmem:s18], [sflag:$0x1] =	stream.indirect_vreg.gather [hbm4b:s3+s2], $0x80, v4, vm0, $0xb8;
	[tilespmem:$0x10100] =	vst v63  }
0x114: {  	_ = 	snop  }
0x115: {  	[tilespmem:s19], [sflag:$0x1] =	stream.indirect_vreg.gather [hbm4b:s3+s2], $0x80, v3, vm0, $0xb8;
	[tilespmem:$0x10100] =	vst v63  }
0x116: {  	v3 =	vld [tilespmem:$0x40];
	_ =	sdelay $0x4  }
0x117: {  	v59 =	vshll.u32 v3, $0x1  }
0x118: {  	v3 =	vand.u32 $0x7, v3;
	v4 =	vand.u32 $0xFFFFFFF0, v59  }
0x119: {  	v3 =	vor.u32 v3, v4  }
0x11a: {  	v4 =	vperm.xlane v3, v0;
	_ =	sdelay $0x1  }
0x11b: {  	v3 =	vperm.xlane v3, v2;
	v4 =	vadd.s32 v1, v4;
	_ =	sdelay $0x1  }
0x11c: {  	v3 =	vadd.s32 v1, v3;
	_ =	sdelay $0x2  }
0x11d: {  	[tilespmem:s20], [sflag:$0x1] =	stream.indirect_vreg.gather [hbm4b:s3+s2], $0x80, v4, vm0, $0xb8;
	[tilespmem:$0x10100] =	vst v63  }
0x11e: {  	_ = 	snop  }
0x11f: {  	[tilespmem:s21], [sflag:$0x1] =	stream.indirect_vreg.gather [hbm4b:s3+s2], $0x80, v3, vm0, $0xb8;
	[tilespmem:$0x10100] =	vst v63  }
0x120: {  	v3 =	vld [tilespmem:$0x50];
	_ =	sdelay $0x4  }
0x121: {  	v60 =	vshll.u32 v3, $0x1  }
0x122: {  	v3 =	vand.u32 $0x7, v3;
	v4 =	vand.u32 $0xFFFFFFF0, v60  }
0x123: {  	v3 =	vor.u32 v3, v4  }
0x124: {  	v4 =	vperm.xlane v3, v0;
	_ =	sdelay $0x1  }
0x125: {  	v3 =	vperm.xlane v3, v2;
	v4 =	vadd.s32 v1, v4;
	_ =	sdelay $0x1  }
0x126: {  	v3 =	vadd.s32 v1, v3;
	_ =	sdelay $0x2  }
0x127: {  	[tilespmem:s22], [sflag:$0x1] =	stream.indirect_vreg.gather [hbm4b:s3+s2], $0x80, v4, vm0, $0xb8;
	[tilespmem:$0x10100] =	vst v63  }
0x128: {  	_ = 	snop  }
0x129: {  	[tilespmem:s23], [sflag:$0x1] =	stream.indirect_vreg.gather [hbm4b:s3+s2], $0x80, v3, vm0, $0xb8;
	[tilespmem:$0x10100] =	vst v63  }
0x12a: {  	v3 =	vld [tilespmem:$0x60];
	_ =	sdelay $0x4  }
0x12b: {  	v61 =	vshll.u32 v3, $0x1  }
0x12c: {  	v3 =	vand.u32 $0x7, v3;
	v4 =	vand.u32 $0xFFFFFFF0, v61  }
0x12d: {  	v3 =	vor.u32 v3, v4  }
0x12e: {  	v4 =	vperm.xlane v3, v0;
	_ =	sdelay $0x1  }
0x12f: {  	v3 =	vperm.xlane v3, v2;
	v4 =	vadd.s32 v1, v4;
	_ =	sdelay $0x1  }
0x130: {  	v3 =	vadd.s32 v1, v3;
	_ =	sdelay $0x2  }
0x131: {  	[tilespmem:s24], [sflag:$0x1] =	stream.indirect_vreg.gather [hbm4b:s3+s2], $0x80, v4, vm0, $0xb8;
	[tilespmem:$0x10100] =	vst v63  }
0x132: {  	_ = 	snop  }
0x133: {  	[tilespmem:s25], [sflag:$0x1] =	stream.indirect_vreg.gather [hbm4b:s3+s2], $0x80, v3, vm0, $0xb8;
	[tilespmem:$0x10100] =	vst v63  }
0x134: {  	v3 =	vld [tilespmem:$0x70];
	_ =	sdelay $0x4  }
0x135: {  	v62 =	vshll.u32 v3, $0x1  }
0x136: {  	v3 =	vand.u32 $0x7, v3;
	v4 =	vand.u32 $0xFFFFFFF0, v62  }
0x137: {  	v3 =	vor.u32 v3, v4  }
0x138: {  	v4 =	vperm.xlane v3, v0;
	_ =	sdelay $0x1  }
0x139: {  	v3 =	vperm.xlane v3, v2;
	v4 =	vadd.s32 v1, v4;
	_ =	sdelay $0x1  }
0x13a: {  	v3 =	vadd.s32 v1, v3;
	_ =	sdelay $0x2  }
0x13b: {  	[tilespmem:s26], [sflag:$0x1] =	stream.indirect_vreg.gather [hbm4b:s3+s2], $0x80, v4, vm0, $0xb8;
	[tilespmem:$0x10100] =	vst v63  }
0x13c: {  	_ = 	snop  }
0x13d: {  	[tilespmem:s28], [sflag:$0x1] =	stream.indirect_vreg.gather [hbm4b:s3+s2], $0x80, v3, vm0, $0xb8;
	[tilespmem:$0x10100] =	vst v63  }
0x13e: {  	_ =	swait.ge [sflag:s30], $0x8000  }
0x13f: {  	[sflag:s30] =	ssyncset.done $0x0  }
0x140: {  	s7 =	rddreg [dreg:$0x14];
	[sflag:s30] =	ssyncadd.s32 $0xFFFF8000  }
0x141: {  	[hbm4b:s7+s2] =	stream.linear.scatter [tilespmem:s12], [sflag:$0x5], $0x8000, $0x38;
	[tilespmem:$0x10100] =	vst v63  }
0x142: {  	_ =	swait.ge [sflag:s11], $0x8000  }
0x143: {  	[sflag:s11] =	ssyncset.done $0x0  }
0x144: {  	s8 =	rddreg [dreg:$0x15];
	[sflag:s11] =	ssyncadd.s32 $0xFFFF8000  }
0x145: {  	[tilespmem:s2], [sflag:$0x5] =	stream.linear.gather [hbm4b:s8+s2], $0x8, $0x38;
	[tilespmem:$0x10100] =	vst v63  }
0x146: {  	_ =	swait.ge [sflag:s11], $0x8  }
0x147: {  	[sflag:s11] =	ssyncset.done $0x0  }
0x148: {  	[sflag:s11] =	ssyncadd.s32 $0xFFFFFFF8  }
0x149: {  	v3 =	vld.msk [tilespmem:$0x0], $0xff;
	_ =	sdelay $0x4  }
0x14a: {  	v63 =	vshll.u32 v3, $0x1  }
0x14b: {  	v3 =	vand.u32 $0x7, v3;
	v4 =	vand.u32 $0xFFFFFFF0, v63  }
0x14c: {  	v3 =	vor.u32 v3, v4  }
0x14d: {  	v3 =	vperm.xlane v3, v0;
	_ =	sdelay $0x1  }
0x14e: {  	v3 =	vadd.s32 v1, v3;
	_ =	sdelay $0x4  }
0x14f: {  	[tilespmem:s12], [sflag:$0x1] =	stream.indirect_vreg.gather [hbm4b:s3+s2], $0x80, v3, vm0, $0xb8;
	[tilespmem:$0x10100] =	vst v63  }
0x150: {  	_ =	swait.ge [sflag:s30], $0x800  }
0x151: {  	[sflag:s30] =	ssyncset.done $0x0  }
0x152: {  	s9 =	rddreg [dreg:$0x16];
	[sflag:s30] =	ssyncadd.s32 $0xFFFFF800  }
0x153: {  	[hbm4b:s9+s2] =	stream.linear.scatter [tilespmem:s12], [sflag:$0x5], $0x800, $0x38;
	[tilespmem:$0x10100] =	vst v63  }
0x154: {  	_ =	swait.ge [sflag:s11], $0x800  }
0x155: {  	s4 =	sadd.s32 $0x1, s4;
	s10 =	rddreg [dreg:$0x17]  }
0x156: {  	p0 =	sne.s32 s4, s10  }
.Ltmp1:
0x157: {  	_ = 	snop;
	(pc) =	sbr.rel @p0 .LBB2_1-.Ltmp1, $3  }
0x158: {  	_ =	sdelay $0x1  }
0x159: {  	[sflag:s11] =	ssyncset.done $0x0  }
0x15a: {  	[sflag:s11] =	ssyncadd.s32 $0xFFFFF800  }
0x15b: {  	_ =	sfence.sel $0x180000  }
0x15c: {  	[bflag:$0x0] =	sbarrier.arrive $0xFFFF  }
0x15d: {  	_ =	strace $0x9000004A  }
0x15e: {  	s0 =	stileid.u32;
	[bflag:$0x2] =	sbarrier.arrive $0xFFFF  }
0x15f: {  	p0 =	sne.s32 s0, $0x0;
	s0 =	rddreg [dreg:$0x1]  }
0x160: {  	s0 =	sadd.s32 @!p0 $0x100000, s0  }
0x161: {  	[sflag:s0] =	ssyncadd.tile.s32 @!p0 $0x1;
	_ =	shalt  }
.Lfunc_end2:
_tile_overlayer_lowered:
.L_overlay_start_2:
0x162: {  	(tag) =	ssettag $0x2  }
0x163: {  	s0 =	rddreg [dreg:$0x0];
	s2 =	stileid.u32  }
0x164: {  	s1 =	rddreg [dreg:$0x1];
	p0 =	sne.s32 s2, $0x0  }
0x165: {  	s3 =	rddreg [dreg:$0x2];
	[bflag:$0x3] =	sbarrier.arrive $0xFFFF;
	s2 =	simm.s32 @!p0 $0x1C05  }
0x166: {  	[timem:s3], [sflag:s2] =	dma.local @!p0 [hbm:s0], s1  }
0x167: {  	s0 =	simm.s32 @!p0 $0x5  }
0x168: {  	_ =	swait.ge @!p0 [sflag:s0], s1  }
0x169: {  	s1 =	ssub.s32 @!p0 $0x0, s1;
	[sflag:s0] =	ssyncset.done @!p0 $0x0  }
0x16a: {  	[sflag:s0] =	ssyncadd.s32 @!p0 s1  }
0x16b: {  	[bflag:$0x3] =	sbarrier.arrive $0xFFFF  }
0x16c: {  	_ =	shalt  }

// kernel: kernel.33.cloned.1.call-start
scs
__scs_entry_jumppad:
0x0: {  	(pc) =	sbr.rel $0x88, $3  }
0x1: {  	(tag) =	ssettag $0x0;
	lr =	simm.s32 $0x1  }
0x2: {  	[smem:$0x3F92] =	sst lr;
	_ =	strace $0xD0000000  }
0x3: {  	_ = 	snop  }
0x4: {  	_ = 	snop  }
0x5: {  	_ = 	snop  }
0x6: {  	_ = 	snop  }
0x7: {  	_ = 	snop  }
__scs_overlays_trampoline_lowered:
0x8: {  	[smem:$0x3FA1] =	sst s0  }
0x9: {  	[smem:$0x3FA2] =	sst s1  }
0xa: {  	[smem:$0x3FA3] =	sst s2  }
0xb: {  	[smem:$0x3FA4] =	sst s3  }
0xc: {  	[smem:$0x3FA5] =	sst s4  }
0xd: {  	[smem:$0x3FA6] =	sst s5  }
0xe: {  	[smem:$0x3FA7] =	sst s6  }
0xf: {  	[smem:$0x3FA8] =	sst s7  }
0x10: {  	[smem:$0x3FA9] =	sst s8  }
0x11: {  	[smem:$0x3FAA] =	sst s9;
	s0 =	simm.s32 @!p0 $0x0  }
0x12: {  	s1 =	sld [smem:$0x3F90];
	s0 =	simm.s32 @p0 $0x1  }
0x13: {  	[smem:$0x3FAB] =	sst s0;
	s0 =	simm.s32 @!p1 $0x0  }
0x14: {  	s2 =	sld [smem:$0x3F8F];
	s0 =	simm.s32 @p1 $0x1  }
0x15: {  	[smem:$0x3FAC] =	sst s0;
	s0 =	simm.s32 @!p2 $0x0  }
0x16: {  	s3 =	sld [smem:$0x3FDB];
	s0 =	simm.s32 @p2 $0x1  }
0x17: {  	s4 =	simm.s32 $0x1BF5;
	[smem:$0x3FAE] =	sst s0  }
0x18: {  	s0 =	sld [smem:$0x3F91];
	_ =	swait.ge [sflag:s4], $0x0  }
0x19: {  	s7 =	sld [smem:$0x3F92]  }
0x1a: {  	s8 =	sadd.s32 $0xFFFFE003, lr  }
0x1b: {  	s9 =	sadd.s32 $0xFFFFFEF7, lr;
	s5 =	simm.s32 $0xFFFFFFFF;
	p2 =	slt.u32 s8, $0xFFFFF086  }
0x1c: {  	p1 =	slt.u32 s9, $0xF7A;
	s5 =	simm.s32 @!p2 $0x0  }
0x1d: {  	s5 =	simm.s32 @p1 $0x1;
	p0 =	seq.s32 s7, s2  }
0x1e: {  	s7 =	smul.u32 @!p0 $0xF7A, s2;
	p2 =	seq.s32 @!p0 s5, $0x0  }
0x1f: {  	s9 =	smul.u32 $0xF7A, s1;
	s8 =	simm.s32 @!p0 $0x1BF5;
	p2 =	por !p2, p0  }
0x20: {  	[sflag:s8] =	ssyncset.s32 @!p0 $0xFFFFF086;
	s6 =	sadd.s32 @!p0 s3, s7;
	s7 =	simm.s32 @!p0 $0x108  }
0x21: {  	s3 =	sadd.s32 s3, s9;
	s6 =	sadd.s32 @!p0 $0x88, s6;
	s7 =	simm.s32 @p2 $0x1082  }
0x22: {  	[simem:s7], [sflag:s8] =	dma.local @!p0 [hbm:s6], $0xF7A  }
0x23: {  	s9 =	sor.u32 $0xD0000000, s2;
	s6 =	simm.s32 $0x108;
	_ =	swait.ge @!p0 [sflag:s8], $0x0  }
0x24: {  	s3 =	sadd.s32 $0x88, s3;
	s6 =	simm.s32 @!p1 $0x1082;
	[sflag:s4] =	ssyncset.s32 $0xFFFFF086  }
0x25: {  	[simem:s6], [sflag:s4] =	dma.local [hbm:s3], $0xF7A  }
0x26: {  	[smem:$0x3F92] =	sst s1;
	(tag) =	ssettag s2;
	_ =	strace s9  }
0x27: {  	s1 =	sld [smem:$0x3FA2]  }
0x28: {  	s2 =	sld [smem:$0x3FA3]  }
0x29: {  	s4 =	sld [smem:$0x3FA5]  }
0x2a: {  	p0 =	seq.s32 s5, $0x0;
	s5 =	sld [smem:$0x3FA6]  }
0x2b: {  	s6 =	sld [smem:$0x3FA7]  }
0x2c: {  	s7 =	sld [smem:$0x3FA8]  }
0x2d: {  	s3 =	simm.s32 $0x108;
	s8 =	sld [smem:$0x3FA9]  }
0x2e: {  	s3 =	simm.s32 @!p0 $0x1082;
	s9 =	sld [smem:$0x3FAA]  }
0x2f: {  	lr =	sadd.s32 s0, s3;
	s0 =	sld [smem:$0x3FA1]  }
0x30: {  	s3 =	sld [smem:$0x3FA4]  }
0x31: {  	[smem:$0x3FAD] =	sst s10  }
0x32: {  	s10 =	sld [smem:$0x3FAB];
	_ =	sdelay $0x3  }
0x33: {  	p0 =	seq.s32 s10, $0x1;
	s10 =	sld [smem:$0x3FAD];
	_ =	sdelay $0x3  }
0x34: {  	[smem:$0x3FAD] =	sst s10  }
0x35: {  	s10 =	sld [smem:$0x3FAC];
	_ =	sdelay $0x3  }
0x36: {  	p1 =	seq.s32 s10, $0x1;
	s10 =	sld [smem:$0x3FAD];
	_ =	sdelay $0x3  }
0x37: {  	[smem:$0x3FAD] =	sst s10  }
0x38: {  	s10 =	sld [smem:$0x3FAE]  }
0x39: {  	_ = 	snop;
	(pc) =	sbr.ind lr, $3  }
0x3a: {  	_ = 	snop  }
0x3b: {  	_ = 	snop  }
0x3c: {  	p2 =	seq.s32 s10, $0x1;
	s10 =	sld [smem:$0x3FAD]  }
0x3d: {  	_ =	shalt  }
0x3e: {  	_ =	shalt  }
0x3f: {  	_ =	shalt  }
0x40: {  	_ =	shalt  }
0x41: {  	_ =	shalt  }
0x42: {  	_ =	shalt  }
0x43: {  	_ =	shalt  }
0x44: {  	_ =	shalt  }
0x45: {  	_ =	shalt  }
0x46: {  	_ =	shalt  }
0x47: {  	_ =	shalt  }
0x48: {  	_ =	shalt  }
0x49: {  	_ =	shalt  }
0x4a: {  	_ =	shalt  }
0x4b: {  	_ =	shalt  }
0x4c: {  	_ =	shalt  }
0x4d: {  	_ =	shalt  }
0x4e: {  	_ =	shalt  }
0x4f: {  	_ =	shalt  }
0x50: {  	_ =	shalt  }
0x51: {  	_ =	shalt  }
0x52: {  	_ =	shalt  }
0x53: {  	_ =	shalt  }
0x54: {  	_ =	shalt  }
0x55: {  	_ =	shalt  }
0x56: {  	_ =	shalt  }
0x57: {  	_ =	shalt  }
0x58: {  	_ =	shalt  }
0x59: {  	_ =	shalt  }
0x5a: {  	_ =	shalt  }
0x5b: {  	_ =	shalt  }
0x5c: {  	_ =	shalt  }
0x5d: {  	_ =	shalt  }
0x5e: {  	_ =	shalt  }
0x5f: {  	_ =	shalt  }
0x60: {  	_ =	shalt  }
0x61: {  	_ =	shalt  }
0x62: {  	_ =	shalt  }
0x63: {  	_ =	shalt  }
0x64: {  	_ =	shalt  }
0x65: {  	_ =	shalt  }
0x66: {  	_ =	shalt  }
0x67: {  	_ =	shalt  }
0x68: {  	_ =	shalt  }
0x69: {  	_ =	shalt  }
0x6a: {  	_ =	shalt  }
0x6b: {  	_ =	shalt  }
0x6c: {  	_ =	shalt  }
0x6d: {  	_ =	shalt  }
0x6e: {  	_ =	shalt  }
0x6f: {  	_ =	shalt  }
0x70: {  	_ =	shalt  }
0x71: {  	_ =	shalt  }
0x72: {  	_ =	shalt  }
0x73: {  	_ =	shalt  }
0x74: {  	_ =	shalt  }
0x75: {  	_ =	shalt  }
0x76: {  	_ =	shalt  }
0x77: {  	_ =	shalt  }
0x78: {  	_ =	shalt  }
0x79: {  	_ =	shalt  }
0x7a: {  	_ =	shalt  }
0x7b: {  	_ =	shalt  }
0x7c: {  	_ =	shalt  }
0x7d: {  	_ =	shalt  }
0x7e: {  	_ =	shalt  }
0x7f: {  	_ =	shalt  }
0x80: {  	_ =	shalt  }
0x81: {  	_ =	shalt  }
0x82: {  	_ =	shalt  }
0x83: {  	_ =	shalt  }
0x84: {  	_ =	shalt  }
0x85: {  	_ =	shalt  }
0x86: {  	_ =	shalt  }
0x87: {  	_ =	shalt  }
.Lfunc_end0:
.L_simem_size_0:
called_computation.2_lowered:
.L_overlay_start_0:
0x88: {  	s2 =	sld [smem:$0x3FD9]  }
0x89: {  	s3 =	sld [smem:$0x3FFE];
	_ =	sdelay $0x1  }
0x8a: {  	s1 =	srdreg.scid  }
0x8b: {  	s0 =	sand.u32 $0x1, s1  }
0x8c: {  	s16 =	sshll.u32 s0, $0xA;
	s2 =	sadd.s32 s3, s2  }
0x8d: {  	s2 =	sadd.s32 s2, s16  }
0x8e: {  	[smem:$0x3FB9] =	sst s2  }
0x8f: {  	_ = 	snop  }
0x90: {  	(tm) =	ssettm $0x1  }
0x91: {  	s17 =	sld [smem:$0x3FFB];
	_ =	sdelay $0x3  }
0x92: {  	_ =	strace s17  }
0x93: {  	s2 =	sld [smem:$0x3FFC];
	_ =	sdelay $0x3  }
0x94: {  	_ =	strace s2  }
0x95: {  	s2 =	sld [smem:$0x3FFD];
	_ =	sdelay $0x3  }
0x96: {  	_ =	strace s2  }
0x97: {  	_ =	strace $0x8FFFFFFF  }
0x98: {  	s18 =	sld [smem:$0x3FDB];
	_ =	sdelay $0x1  }
0x99: {  	s19 =	simm.s32 $_scs_section_size  }
0x9a: {  	s4 =	simm.s32 $_size__tile_overlayer_lowered;
	s5 =	simm.s32 $_tile_overlayer_lowered  }
0x9b: {  	s22 =	simm.s32 $0x1BFF;
	s21 =	sshll.u32 s5, $0x1;
	s2 =	sadd.s32 s19, s18  }
0x9c: {  	s6 =	simm.s32 $0x0;
	s20 =	sshll.u32 s4, $0x1;
	s4 =	sadd.s32 s21, s2  }
0x9d: {  	[timem:s6], [sflag:s22] =	dma.local [hbm:s4], s20  }
0x9e: {  	_ =	swait.ge [sflag:s22], s20  }
0x9f: {  	s3 =	ssub.s32 $0x0, s20;
	[sflag:s22] =	ssyncset.done $0x0  }
0xa0: {  	[sflag:s22] =	ssyncadd.s32 s3;
	_ =	sdelay $0x1  }
0xa1: {  	s23 =	simm.s32 $0x1B8B  }
0xa2: {  	_ =	swait.ge [sflag:s23], $0x1  }
0xa3: {  	[sflag:s23] =	ssyncset.done $0x0  }
0xa4: {  	s25 =	simm.s32 $0x1B8E;
	s24 =	sld [smem:$0x3FFE];
	[sflag:s23] =	ssyncadd.s32 $0xFFFFFFFF  }
0xa5: {  	s26 =	simm.s32 $execute0_lowered;
	[smem:$0x3FD2] =	sst s25  }
0xa6: {  	s4 =	sshll.u32 s26, $0x1;
	_ =	strace $0x8000004C;
	[dreg:$0x1] =	wrdreg $0xFFFFFFFF  }
0xa7: {  	s28 =	simm.s32 $_size_execute0_lowered;
	s2 =	sadd.s32 s2, s4;
	[dreg:$0x0] =	wrdreg $0x0  }
0xa8: {  	s4 =	sshll.u32 s28, $0x1;
	[dreg:$0x2] =	wrdreg s2  }
0xa9: {  	[dreg:$0x3] =	wrdreg s4  }
0xaa: {  	[dreg:$0x4] =	wrdreg $0xC0  }
0xab: {  	_ =	task [dreg:s6], $0x5FFFF  }
0xac: {  	[dreg:$0x1] =	wrdreg $0xFFFFFFFF  }
0xad: {  	[dreg:$0x0] =	wrdreg $0x60  }
0xae: {  	[dreg:$0x2] =	wrdreg s24  }
0xaf: {  	[dreg:$0x3] =	wrdreg $0x9  }
0xb0: {  	_ =	task.clear_ibuf [dreg:s6], $0x4FFFF;
	_ =	strace $0x9000004C  }
0xb1: {  	s29 =	simm.s32 $0x9;
	_ =	strace $0x8000004E  }
0xb2: {  	_ =	swait.ge [sflag:s29], $0x1  }
0xb3: {  	[sflag:s29] =	ssyncadd.s32 $0xFFFFFFFF  }
0xb4: {  	_ =	strace $0x9000004E  }
0xb5: {  	_ =	sfence  }
0xb6: {  	s30 =	sld [smem:$0x0];
	_ =	sdelay $0x2  }
0xb7: {  	s31 =	sshll.u32 s1, $0xD;
	s1 =	sshrl.u32 s1, $0x2  }
0xb8: {  	s3 =	sand.u32 $0x4000, s31;
	s1 =	sadd.s32 s1, s30  }
0xb9: {  	s0 =	sor.u32 s3, s0;
	s1 =	sshll.u32 s1, $0x11  }
0xba: {  	s0 =	sor.u32 s1, s0  }
0xbb: {  	s0 =	sadd.s32 $0x8F2B, s0  }
0xbc: {  	[sflag:s0] =	ssyncadd.remote.s32 $0x1  }
0xbd: {  	_ =	sfence.sel $0xFFFF  }
0xbe: {  	[dreg:$0x0] =	wrdreg $0xFFFFFFFF;
	(pc) =	sbr.abs _section_cstart, $3  }
0xbf: {  	[dreg:$0x1] =	wrdreg $0xFFFFFFFF  }
0xc0: {  	_ =	task.clear_ibuf [dreg:s6], $0x2FFFF;
	_ =	strace $0x9FFFFFFF  }
0xc1: {  	(tm) =	ssettm $0x7FFFFFFF  }
tec
execute0_lowered:
.L_overlay_start_1:
0x0: {  	(tag) =	ssettag $0x1  }
0x1: {  	s0 =	srdreg.scid;
	s10 =	stileid.u32  }
0x2: {  	s1 =	rddreg [dreg:$0x0];
	s2 =	simm.s32 $0x0;
	s11 =	simm.s32 $0x8900  }
0x3: {  	s13 =	simm.s32 $0x9100;
	s14 =	simm.s32 $0x9900;
	s15 =	simm.s32 $0xA100  }
0x4: {  	s16 =	simm.s32 $0xA900;
	s17 =	simm.s32 $0xB100;
	s18 =	simm.s32 $0xB900  }
0x5: {  	s19 =	simm.s32 $0xC100;
	s3 =	sshll.u32 s10, $0x1;
	s23 =	smul.u32 $0x4E200, s10  }
0x6: {  	[smem:$0x7FF] =	sst s2;
	s24 =	smul.u32 $0x2710, s10;
	s10 =	simm.s32 $0x80  }
0x7: {  	s20 =	simm.s32 $0xC900;
	_ =	strace $0x8000004D;
	[dreg:$0x3] =	wrdreg s10  }
0x8: {  	s21 =	simm.s32 $0xD100;
	s28 =	simm.s32 $0x7900;
	[dreg:$0x4] =	wrdreg s11  }
0x9: {  	s29 =	simm.s32 $0x8100;
	s30 =	simm.s32 $0x1;
	[dreg:$0x5] =	wrdreg s13  }
0xa: {  	s31 =	simm.s32 $0x2;
	s0 =	sand.u32 $0x1, s0;
	[dreg:$0x6] =	wrdreg s14  }
0xb: {  	s5 =	sadd.s32 $0x31600, s1;
	s3 =	sor.u32 s0, s3;
	[dreg:$0x7] =	wrdreg s15  }
0xc: {  	s6 =	ssub.s32 $0x2, s0;
	s26 =	smul.u32 $0x1388, s0;
	[dreg:$0x8] =	wrdreg s16  }
0xd: {  	s0 =	smul.u32 $0x27100, s0;
	s11 =	simm.s32 $0x5;
	[dreg:$0x9] =	wrdreg s17  }
0xe: {  	s13 =	simm.s32 $0x900;
	s14 =	simm.s32 $0x1100;
	[dreg:$0xa] =	wrdreg s18  }
0xf: {  	s15 =	simm.s32 $0x1900;
	s16 =	simm.s32 $0x2100;
	[dreg:$0xb] =	wrdreg s19  }
0x10: {  	s17 =	simm.s32 $0x2900;
	[dreg:$0xc] =	wrdreg s20;
	s18 =	simm.s32 $0x3100  }
0x11: {  	[dreg:$0xd] =	wrdreg s21;
	s19 =	simm.s32 $0x3900;
	s20 =	simm.s32 $0x4100  }
0x12: {  	s21 =	simm.s32 $0x4900;
	s4 =	smul.u32 $0x1388, s3;
	s8 =	sshrl.u32 s6, $0x1  }
0x13: {  	s3 =	sadd.s32 $0x5BAA00, s1;
	s1 =	sadd.s32 $0x36600, s1;
	s6 =	ssub.s32 s6, s8  }
0x14: {  	s7 =	sadd.s32 $0x1300, s4;
	s4 =	sadd.s32 $0x1380, s4;
	s6 =	smax.u32 s6, $0x1  }
0x15: {  	s9 =	sshrl.u32 s7, $0x3;
	s7 =	sshll.u32 s7, $0x5;
	s25 =	sshrl.u32 s4, $0x3  }
0x16: {  	s4 =	sshll.u32 s4, $0x5;
	[dreg:$0x17] =	wrdreg s6;
	s22 =	sadd.s32 s5, s9  }
0x17: {  	s7 =	sadd.s32 s1, s7;
	s4 =	sadd.s32 s1, s4;
	[dreg:$0x13] =	wrdreg s22  }
0x18: {  	s1 =	sadd.s32 s23, s1;
	s23 =	simm.s32 $0xE100;
	[dreg:$0x14] =	wrdreg s7  }
0x19: {  	s7 =	sadd.s32 s5, s25;
	[dreg:$0x16] =	wrdreg s4;
	s0 =	sadd.s32 s0, s1  }
0x1a: {  	s22 =	simm.s32 $0xD900;
	[dreg:$0xf] =	wrdreg s23;
	s25 =	simm.s32 $0xF100  }
0x1b: {  	s23 =	simm.s32 $0x5900;
	s1 =	simm.s32 $0x3;
	[dreg:$0x15] =	wrdreg s7  }
0x1c: {  	s4 =	simm.s32 $0x0;
	s7 =	sadd.s32 s26, s24;
	[dreg:$0x2] =	wrdreg s0  }
0x1d: {  	[dreg:$0xe] =	wrdreg s22;
	s24 =	simm.s32 $0xE900;
	s22 =	simm.s32 $0x5100  }
0x1e: {  	[dreg:$0x11] =	wrdreg s25;
	s26 =	simm.s32 $0xF900;
	s25 =	simm.s32 $0x6900  }
0x1f: {  	s8 =	sadd.s32 $0x80, s7;
	s12 =	sshrl.u32 s7, $0x3;
	[dreg:$0x10] =	wrdreg s24  }
0x20: {  	v2 =	vlaneseq.u32;
	s24 =	simm.s32 $0x6100;
	[dreg:$0x12] =	wrdreg s26;
	s9 =	sshrl.u32 s8, $0x3  }
0x21: {  	vm0 =	vmmov $0xffff;
	v1 =	vshrl.u32 v2, $0x3;
	s26 =	simm.s32 $0x7100;
	s0 =	sadd.s32 s9, s5;
	s5 =	sadd.s32 s12, s5  }
0x22: {  	v0 =	vand.u32 $0x7, v2;
	v2 =	vor.u32 $0x8, v2;
	v1 =	vmul.u32 $0x8, v1;
	s12 =	simm.s32 $0x100;
	[dreg:$0x18] =	wrdreg s0;
	s0 =	simm.s32 $0x4  }
.LBB2_1:
0x23: {  	s10 =	smov.u32 s5;
	s9 =	rddreg [dreg:$0x18];
	s7 =	simm.s32 $0x0  }
.LBB2_2:
0x24: {  	[tilespmem:s2], [sflag:$0x5] =	stream.linear.gather [hbm4b:s10+s2], $0x80, $0x38;
	[tilespmem:$0x10100] =	vst v63  }
0x25: {  	_ =	swait.ge [sflag:s11], $0x80  }
0x26: {  	p0 =	seq.s32 s7, $0x0;
	[sflag:s11] =	ssyncset.done $0x0  }
0x27: {  	s8 =	simm.s32 @!p0 $0x3;
	[sflag:s11] =	ssyncadd.s32 $0xFFFFFF80  }
0x28: {  	_ =	swait.ge @!p0 [sflag:s8], $0x8000  }
0x29: {  	[sflag:s8] =	ssyncset.done @!p0 $0x0  }
0x2a: {  	[sflag:s8] =	ssyncadd.s32 @!p0 $0xFFFF8000  }
0x2b: {  	v3 =	vld [tilespmem:$0x0];
	_ =	sdelay $0x4  }
0x2c: {  	v4 =	vshll.u32 v3, $0x1  }
0x2d: {  	v3 =	vand.u32 $0x7, v3;
	v4 =	vand.u32 $0xFFFFFFF0, v4  }
0x2e: {  	v3 =	vor.u32 v3, v4  }
0x2f: {  	v4 =	vperm.xlane v3, v0;
	_ =	sdelay $0x1  }
0x30: {  	v3 =	vperm.xlane v3, v2;
	v4 =	vadd.s32 v1, v4;
	_ =	sdelay $0x1  }
0x31: {  	v3 =	vadd.s32 v1, v3;
	_ =	sdelay $0x2  }
0x32: {  	[tilespmem:s12], [sflag:$0x1] =	stream.indirect_vreg.gather [hbm4b:s3+s2], $0x80, v4, vm0, $0xb8;
	[tilespmem:$0x10100] =	vst v63  }
0x33: {  	_ = 	snop  }
0x34: {  	[tilespmem:s13], [sflag:$0x1] =	stream.indirect_vreg.gather [hbm4b:s3+s2], $0x80, v3, vm0, $0xb8;
	[tilespmem:$0x10100] =	vst v63  }
0x35: {  	v3 =	vld [tilespmem:$0x10];
	_ =	sdelay $0x4  }
0x36: {  	v49 =	vshll.u32 v3, $0x1  }
0x37: {  	v3 =	vand.u32 $0x7, v3;
	v4 =	vand.u32 $0xFFFFFFF0, v49  }
0x38: {  	v3 =	vor.u32 v3, v4  }
0x39: {  	v4 =	vperm.xlane v3, v0;
	_ =	sdelay $0x1  }
0x3a: {  	v3 =	vperm.xlane v3, v2;
	v4 =	vadd.s32 v1, v4;
	_ =	sdelay $0x1  }
0x3b: {  	v3 =	vadd.s32 v1, v3;
	_ =	sdelay $0x2  }
0x3c: {  	[tilespmem:s14], [sflag:$0x1] =	stream.indirect_vreg.gather [hbm4b:s3+s2], $0x80, v4, vm0, $0xb8;
	[tilespmem:$0x10100] =	vst v63  }
0x3d: {  	_ = 	snop  }
0x3e: {  	[tilespmem:s15], [sflag:$0x1] =	stream.indirect_vreg.gather [hbm4b:s3+s2], $0x80, v3, vm0, $0xb8;
	[tilespmem:$0x10100] =	vst v63  }
0x3f: {  	v3 =	vld [tilespmem:$0x20];
	_ =	sdelay $0x4  }
0x40: {  	v50 =	vshll.u32 v3, $0x1  }
0x41: {  	v3 =	vand.u32 $0x7, v3;
	v4 =	vand.u32 $0xFFFFFFF0, v50  }
0x42: {  	v3 =	vor.u32 v3, v4  }
0x43: {  	v4 =	vperm.xlane v3, v0;
	_ =	sdelay $0x1  }
0x44: {  	v3 =	vperm.xlane v3, v2;
	v4 =	vadd.s32 v1, v4;
	_ =	sdelay $0x1  }
0x45: {  	v3 =	vadd.s32 v1, v3;
	_ =	sdelay $0x2  }
0x46: {  	[tilespmem:s16], [sflag:$0x1] =	stream.indirect_vreg.gather [hbm4b:s3+s2], $0x80, v4, vm0, $0xb8;
	[tilespmem:$0x10100] =	vst v63  }
0x47: {  	_ = 	snop  }
0x48: {  	[tilespmem:s17], [sflag:$0x1] =	stream.indirect_vreg.gather [hbm4b:s3+s2], $0x80, v3, vm0, $0xb8;
	[tilespmem:$0x10100] =	vst v63  }
0x49: {  	v3 =	vld [tilespmem:$0x30];
	_ =	sdelay $0x4  }
0x4a: {  	v51 =	vshll.u32 v3, $0x1  }
0x4b: {  	v3 =	vand.u32 $0x7, v3;
	v4 =	vand.u32 $0xFFFFFFF0, v51  }
0x4c: {  	v3 =	vor.u32 v3, v4  }
0x4d: {  	v4 =	vperm.xlane v3, v0;
	_ =	sdelay $0x1  }
0x4e: {  	v3 =	vperm.xlane v3, v2;
	v4 =	vadd.s32 v1, v4;
	_ =	sdelay $0x1  }
0x4f: {  	v3 =	vadd.s32 v1, v3;
	_ =	sdelay $0x2  }
0x50: {  	[tilespmem:s18], [sflag:$0x1] =	stream.indirect_vreg.gather [hbm4b:s3+s2], $0x80, v4, vm0, $0xb8;
	[tilespmem:$0x10100] =	vst v63  }
0x51: {  	_ = 	snop  }
0x52: {  	[tilespmem:s19], [sflag:$0x1] =	stream.indirect_vreg.gather [hbm4b:s3+s2], $0x80, v3, vm0, $0xb8;
	[tilespmem:$0x10100] =	vst v63  }
0x53: {  	v3 =	vld [tilespmem:$0x40];
	_ =	sdelay $0x4  }
0x54: {  	v52 =	vshll.u32 v3, $0x1  }
0x55: {  	v3 =	vand.u32 $0x7, v3;
	v4 =	vand.u32 $0xFFFFFFF0, v52  }
0x56: {  	v3 =	vor.u32 v3, v4  }
0x57: {  	v4 =	vperm.xlane v3, v0;
	_ =	sdelay $0x1  }
0x58: {  	v3 =	vperm.xlane v3, v2;
	v4 =	vadd.s32 v1, v4;
	_ =	sdelay $0x1  }
0x59: {  	v3 =	vadd.s32 v1, v3;
	_ =	sdelay $0x2  }
0x5a: {  	[tilespmem:s20], [sflag:$0x1] =	stream.indirect_vreg.gather [hbm4b:s3+s2], $0x80, v4, vm0, $0xb8;
	[tilespmem:$0x10100] =	vst v63  }
0x5b: {  	_ = 	snop  }
0x5c: {  	[tilespmem:s21], [sflag:$0x1] =	stream.indirect_vreg.gather [hbm4b:s3+s2], $0x80, v3, vm0, $0xb8;
	[tilespmem:$0x10100] =	vst v63  }
0x5d: {  	v3 =	vld [tilespmem:$0x50];
	_ =	sdelay $0x4  }
0x5e: {  	v53 =	vshll.u32 v3, $0x1  }
0x5f: {  	v3 =	vand.u32 $0x7, v3;
	v4 =	vand.u32 $0xFFFFFFF0, v53  }
0x60: {  	v3 =	vor.u32 v3, v4  }
0x61: {  	v4 =	vperm.xlane v3, v0;
	_ =	sdelay $0x1  }
0x62: {  	v3 =	vperm.xlane v3, v2;
	v4 =	vadd.s32 v1, v4;
	_ =	sdelay $0x1  }
0x63: {  	v3 =	vadd.s32 v1, v3;
	_ =	sdelay $0x2  }
0x64: {  	[tilespmem:s22], [sflag:$0x1] =	stream.indirect_vreg.gather [hbm4b:s3+s2], $0x80, v4, vm0, $0xb8;
	[tilespmem:$0x10100] =	vst v63  }
0x65: {  	_ = 	snop  }
0x66: {  	[tilespmem:s23], [sflag:$0x1] =	stream.indirect_vreg.gather [hbm4b:s3+s2], $0x80, v3, vm0, $0xb8;
	[tilespmem:$0x10100] =	vst v63  }
0x67: {  	v3 =	vld [tilespmem:$0x60];
	_ =	sdelay $0x4  }
0x68: {  	v54 =	vshll.u32 v3, $0x1  }
0x69: {  	v3 =	vand.u32 $0x7, v3;
	v4 =	vand.u32 $0xFFFFFFF0, v54  }
0x6a: {  	v3 =	vor.u32 v3, v4  }
0x6b: {  	v4 =	vperm.xlane v3, v0;
	_ =	sdelay $0x1  }
0x6c: {  	v3 =	vperm.xlane v3, v2;
	v4 =	vadd.s32 v1, v4;
	_ =	sdelay $0x1  }
0x6d: {  	v3 =	vadd.s32 v1, v3;
	_ =	sdelay $0x2  }
0x6e: {  	[tilespmem:s24], [sflag:$0x1] =	stream.indirect_vreg.gather [hbm4b:s3+s2], $0x80, v4, vm0, $0xb8;
	[tilespmem:$0x10100] =	vst v63  }
0x6f: {  	_ = 	snop  }
0x70: {  	[tilespmem:s25], [sflag:$0x1] =	stream.indirect_vreg.gather [hbm4b:s3+s2], $0x80, v3, vm0, $0xb8;
	[tilespmem:$0x10100] =	vst v63  }
0x71: {  	v3 =	vld [tilespmem:$0x70];
	_ =	sdelay $0x4  }
0x72: {  	v55 =	vshll.u32 v3, $0x1  }
0x73: {  	v3 =	vand.u32 $0x7, v3;
	v4 =	vand.u32 $0xFFFFFFF0, v55  }
0x74: {  	v3 =	vor.u32 v3, v4  }
0x75: {  	v4 =	vperm.xlane v3, v0;
	_ =	sdelay $0x1  }
0x76: {  	v3 =	vperm.xlane v3, v2;
	v4 =	vadd.s32 v1, v4;
	_ =	sdelay $0x1  }
0x77: {  	v3 =	vadd.s32 v1, v3;
	_ =	sdelay $0x2  }
0x78: {  	[tilespmem:s26], [sflag:$0x1] =	stream.indirect_vreg.gather [hbm4b:s3+s2], $0x80, v4, vm0, $0xb8;
	[tilespmem:$0x10100] =	vst v63  }
0x79: {  	_ = 	snop  }
0x7a: {  	[tilespmem:s28], [sflag:$0x1] =	stream.indirect_vreg.gather [hbm4b:s3+s2], $0x80, v3, vm0, $0xb8;
	[tilespmem:$0x10100] =	vst v63  }
0x7b: {  	s6 =	rddreg [dreg:$0x3]  }
0x7c: {  	[tilespmem:s6], [sflag:$0x5] =	stream.linear.gather [hbm4b:s9+s2], $0x80, $0x38;
	[tilespmem:$0x10100] =	vst v63  }
0x7d: {  	_ =	swait.ge [sflag:s11], $0x80  }
0x7e: {  	[sflag:s11] =	ssyncset.done $0x0  }
0x7f: {  	s8 =	simm.s32 @!p0 $0x4;
	[sflag:s11] =	ssyncadd.s32 $0xFFFFFF80  }
0x80: {  	_ =	swait.ge @!p0 [sflag:s8], $0x8000  }
0x81: {  	[sflag:s8] =	ssyncset.done @!p0 $0x0  }
0x82: {  	[sflag:s8] =	ssyncadd.s32 @!p0 $0xFFFF8000  }
0x83: {  	v3 =	vld [tilespmem:$0x80];
	_ =	sdelay $0x4  }
0x84: {  	v56 =	vshll.u32 v3, $0x1  }
0x85: {  	v3 =	vand.u32 $0x7, v3;
	v4 =	vand.u32 $0xFFFFFFF0, v56  }
0x86: {  	v3 =	vor.u32 v3, v4  }
0x87: {  	v4 =	vperm.xlane v3, v0;
	_ =	sdelay $0x1  }
0x88: {  	v3 =	vperm.xlane v3, v2;
	v4 =	vadd.s32 v1, v4;
	_ =	sdelay $0x1  }
0x89: {  	v3 =	vadd.s32 v1, v3;
	_ =	sdelay $0x2  }
0x8a: {  	[tilespmem:s29], [sflag:$0x2] =	stream.indirect_vreg.gather [hbm4b:s3+s2], $0x80, v4, vm0, $0xb8;
	[tilespmem:$0x10100] =	vst v63  }
0x8b: {  	s6 =	rddreg [dreg:$0x4]  }
0x8c: {  	[tilespmem:s6], [sflag:$0x2] =	stream.indirect_vreg.gather [hbm4b:s3+s2], $0x80, v3, vm0, $0xb8;
	[tilespmem:$0x10100] =	vst v63  }
0x8d: {  	v3 =	vld [tilespmem:$0x90];
	_ =	sdelay $0x4  }
0x8e: {  	v57 =	vshll.u32 v3, $0x1  }
0x8f: {  	v3 =	vand.u32 $0x7, v3;
	v4 =	vand.u32 $0xFFFFFFF0, v57  }
0x90: {  	v3 =	vor.u32 v3, v4  }
0x91: {  	v4 =	vperm.xlane v3, v0;
	_ =	sdelay $0x1  }
0x92: {  	v3 =	vperm.xlane v3, v2;
	v4 =	vadd.s32 v1, v4;
	_ =	sdelay $0x1  }
0x93: {  	v3 =	vadd.s32 v1, v3;
	_ =	sdelay $0x1  }
0x94: {  	s8 =	rddreg [dreg:$0x5]  }
0x95: {  	[tilespmem:s8], [sflag:$0x2] =	stream.indirect_vreg.gather [hbm4b:s3+s2], $0x80, v4, vm0, $0xb8;
	[tilespmem:$0x10100] =	vst v63  }
0x96: {  	s6 =	rddreg [dreg:$0x6]  }
0x97: {  	[tilespmem:s6], [sflag:$0x2] =	stream.indirect_vreg.gather [hbm4b:s3+s2], $0x80, v3, vm0, $0xb8;
	[tilespmem:$0x10100] =	vst v63  }
0x98: {  	v3 =	vld [tilespmem:$0xA0];
	_ =	sdelay $0x4  }
0x99: {  	v58 =	vshll.u32 v3, $0x1  }
0x9a: {  	v3 =	vand.u32 $0x7, v3;
	v4 =	vand.u32 $0xFFFFFFF0, v58  }
0x9b: {  	v3 =	vor.u32 v3, v4  }
0x9c: {  	v4 =	vperm.xlane v3, v0;
	_ =	sdelay $0x1  }
0x9d: {  	v3 =	vperm.xlane v3, v2;
	v4 =	vadd.s32 v1, v4;
	_ =	sdelay $0x1  }
0x9e: {  	v3 =	vadd.s32 v1, v3;
	_ =	sdelay $0x1  }
0x9f: {  	s6 =	rddreg [dreg:$0x7]  }
0xa0: {  	[tilespmem:s6], [sflag:$0x2] =	stream.indirect_vreg.gather [hbm4b:s3+s2], $0x80, v4, vm0, $0xb8;
	[tilespmem:$0x10100] =	vst v63  }
0xa1: {  	s8 =	rddreg [dreg:$0x8]  }
0xa2: {  	[tilespmem:s8], [sflag:$0x2] =	stream.indirect_vreg.gather [hbm4b:s3+s2], $0x80, v3, vm0, $0xb8;
	[tilespmem:$0x10100] =	vst v63  }
0xa3: {  	v3 =	vld [tilespmem:$0xB0];
	_ =	sdelay $0x4  }
0xa4: {  	v59 =	vshll.u32 v3, $0x1  }
0xa5: {  	v3 =	vand.u32 $0x7, v3;
	v4 =	vand.u32 $0xFFFFFFF0, v59  }
0xa6: {  	v3 =	vor.u32 v3, v4  }
0xa7: {  	v4 =	vperm.xlane v3, v0;
	_ =	sdelay $0x1  }
0xa8: {  	v3 =	vperm.xlane v3, v2;
	v4 =	vadd.s32 v1, v4;
	_ =	sdelay $0x1  }
0xa9: {  	v3 =	vadd.s32 v1, v3;
	_ =	sdelay $0x1  }
0xaa: {  	s6 =	rddreg [dreg:$0x9]  }
0xab: {  	[tilespmem:s6], [sflag:$0x2] =	stream.indirect_vreg.gather [hbm4b:s3+s2], $0x80, v4, vm0, $0xb8;
	[tilespmem:$0x10100] =	vst v63  }
0xac: {  	s8 =	rddreg [dreg:$0xa]  }
0xad: {  	[tilespmem:s8], [sflag:$0x2] =	stream.indirect_vreg.gather [hbm4b:s3+s2], $0x80, v3, vm0, $0xb8;
	[tilespmem:$0x10100] =	vst v63  }
0xae: {  	v3 =	vld [tilespmem:$0xC0];
	_ =	sdelay $0x4  }
0xaf: {  	v60 =	vshll.u32 v3, $0x1  }
0xb0: {  	v3 =	vand.u32 $0x7, v3;
	v4 =	vand.u32 $0xFFFFFFF0, v60  }
0xb1: {  	v3 =	vor.u32 v3, v4  }
0xb2: {  	v4 =	vperm.xlane v3, v0;
	_ =	sdelay $0x1  }
0xb3: {  	v3 =	vperm.xlane v3, v2;
	v4 =	vadd.s32 v1, v4;
	_ =	sdelay $0x1  }
0xb4: {  	v3 =	vadd.s32 v1, v3;
	_ =	sdelay $0x1  }
0xb5: {  	s6 =	rddreg [dreg:$0xb]  }
0xb6: {  	[tilespmem:s6], [sflag:$0x2] =	stream.indirect_vreg.gather [hbm4b:s3+s2], $0x80, v4, vm0, $0xb8;
	[tilespmem:$0x10100] =	vst v63  }
0xb7: {  	s8 =	rddreg [dreg:$0xc]  }
0xb8: {  	[tilespmem:s8], [sflag:$0x2] =	stream.indirect_vreg.gather [hbm4b:s3+s2], $0x80, v3, vm0, $0xb8;
	[tilespmem:$0x10100] =	vst v63  }
0xb9: {  	v3 =	vld [tilespmem:$0xD0];
	_ =	sdelay $0x4  }
0xba: {  	v61 =	vshll.u32 v3, $0x1  }
0xbb: {  	v3 =	vand.u32 $0x7, v3;
	v4 =	vand.u32 $0xFFFFFFF0, v61  }
0xbc: {  	v3 =	vor.u32 v3, v4  }
0xbd: {  	v4 =	vperm.xlane v3, v0;
	_ =	sdelay $0x1  }
0xbe: {  	v3 =	vperm.xlane v3, v2;
	v4 =	vadd.s32 v1, v4;
	_ =	sdelay $0x1  }
0xbf: {  	v3 =	vadd.s32 v1, v3;
	_ =	sdelay $0x1  }
0xc0: {  	s6 =	rddreg [dreg:$0xd]  }
0xc1: {  	[tilespmem:s6], [sflag:$0x2] =	stream.indirect_vreg.gather [hbm4b:s3+s2], $0x80, v4, vm0, $0xb8;
	[tilespmem:$0x10100] =	vst v63  }
0xc2: {  	s8 =	rddreg [dreg:$0xe]  }
0xc3: {  	[tilespmem:s8], [sflag:$0x2] =	stream.indirect_vreg.gather [hbm4b:s3+s2], $0x80, v3, vm0, $0xb8;
	[tilespmem:$0x10100] =	vst v63  }
0xc4: {  	v3 =	vld [tilespmem:$0xE0];
	_ =	sdelay $0x4  }
0xc5: {  	v62 =	vshll.u32 v3, $0x1  }
0xc6: {  	v3 =	vand.u32 $0x7, v3;
	v4 =	vand.u32 $0xFFFFFFF0, v62  }
0xc7: {  	v3 =	vor.u32 v3, v4  }
0xc8: {  	v4 =	vperm.xlane v3, v0;
	_ =	sdelay $0x1  }
0xc9: {  	v3 =	vperm.xlane v3, v2;
	v4 =	vadd.s32 v1, v4;
	_ =	sdelay $0x1  }
0xca: {  	v3 =	vadd.s32 v1, v3;
	_ =	sdelay $0x1  }
0xcb: {  	s6 =	rddreg [dreg:$0xf]  }
0xcc: {  	[tilespmem:s6], [sflag:$0x2] =	stream.indirect_vreg.gather [hbm4b:s3+s2], $0x80, v4, vm0, $0xb8;
	[tilespmem:$0x10100] =	vst v63  }
0xcd: {  	s8 =	rddreg [dreg:$0x10]  }
0xce: {  	[tilespmem:s8], [sflag:$0x2] =	stream.indirect_vreg.gather [hbm4b:s3+s2], $0x80, v3, vm0, $0xb8;
	[tilespmem:$0x10100] =	vst v63  }
0xcf: {  	v3 =	vld [tilespmem:$0xF0];
	_ =	sdelay $0x4  }
0xd0: {  	v63 =	vshll.u32 v3, $0x1  }
0xd1: {  	v3 =	vand.u32 $0x7, v3;
	v4 =	vand.u32 $0xFFFFFFF0, v63  }
0xd2: {  	v3 =	vor.u32 v3, v4  }
0xd3: {  	v4 =	vperm.xlane v3, v0;
	_ =	sdelay $0x1  }
0xd4: {  	v3 =	vperm.xlane v3, v2;
	v4 =	vadd.s32 v1, v4;
	_ =	sdelay $0x1  }
0xd5: {  	v3 =	vadd.s32 v1, v3;
	_ =	sdelay $0x1  }
0xd6: {  	s6 =	rddreg [dreg:$0x11]  }
0xd7: {  	[tilespmem:s6], [sflag:$0x2] =	stream.indirect_vreg.gather [hbm4b:s3+s2], $0x80, v4, vm0, $0xb8;
	[tilespmem:$0x10100] =	vst v63  }
0xd8: {  	s8 =	rddreg [dreg:$0x12]  }
0xd9: {  	[tilespmem:s8], [sflag:$0x2] =	stream.indirect_vreg.gather [hbm4b:s3+s2], $0x80, v3, vm0, $0xb8;
	[tilespmem:$0x10100] =	vst v63  }
0xda: {  	_ =	swait.ge [sflag:s30], $0x8000  }
0xdb: {  	s8 =	rddreg [dreg:$0x2];
	[sflag:s30] =	ssyncset.done $0x0  }
0xdc: {  	[sflag:s30] =	ssyncadd.s32 $0xFFFF8000;
	s6 =	sadd.s32 s7, s8;
	s7 =	sadd.s32 $0x2000, s7  }
0xdd: {  	[hbm4b:s6+s2] =	stream.linear.scatter [tilespmem:s12], [sflag:$0x3], $0x8000, $0x38;
	[tilespmem:$0x10100] =	vst v63  }
0xde: {  	p0 =	sne.s32 s7, $0x26000  }
.Ltmp0:
0xdf: {  	_ = 	snop;
	(pc) =	sbr.rel @p0 .LBB2_2-.Ltmp0, $4  }
0xe0: {  	_ =	swait.ge [sflag:s31], $0x8000  }
0xe1: {  	s10 =	sadd.s32 $0x20, s10;
	[sflag:s31] =	ssyncset.done $0x0  }
0xe2: {  	s9 =	sadd.s32 $0x20, s9;
	s6 =	sadd.s32 $0x1000, s6;
	[sflag:s31] =	ssyncadd.s32 $0xFFFF8000  }
0xe3: {  	[hbm4b:s6+s2] =	stream.linear.scatter [tilespmem:s29], [sflag:$0x4], $0x8000, $0x38;
	[tilespmem:$0x10100] =	vst v63  }
0xe4: {  	_ =	swait.ge [sflag:s1], $0x8000  }
0xe5: {  	[sflag:s1] =	ssyncset.done $0x0  }
0xe6: {  	[sflag:s1] =	ssyncadd.s32 $0xFFFF8000  }
0xe7: {  	_ =	swait.ge [sflag:s0], $0x8000  }
0xe8: {  	[sflag:s0] =	ssyncset.done $0x0  }
0xe9: {  	s6 =	rddreg [dreg:$0x13];
	[sflag:s0] =	ssyncadd.s32 $0xFFFF8000  }
0xea: {  	[tilespmem:s2], [sflag:$0x5] =	stream.linear.gather [hbm4b:s6+s2], $0x80, $0x38;
	[tilespmem:$0x10100] =	vst v63  }
0xeb: {  	_ =	swait.ge [sflag:s11], $0x80  }
0xec: {  	[sflag:s11] =	ssyncset.done $0x0  }
0xed: {  	[sflag:s11] =	ssyncadd.s32 $0xFFFFFF80  }
0xee: {  	v3 =	vld [tilespmem:$0x0];
	_ =	sdelay $0x4  }
0xef: {  	v4 =	vshll.u32 v3, $0x1  }
0xf0: {  	v3 =	vand.u32 $0x7, v3;
	v4 =	vand.u32 $0xFFFFFFF0, v4  }
0xf1: {  	v3 =	vor.u32 v3, v4  }
0xf2: {  	v4 =	vperm.xlane v3, v0;
	_ =	sdelay $0x1  }
0xf3: {  	v3 =	vperm.xlane v3, v2;
	v4 =	vadd.s32 v1, v4;
	_ =	sdelay $0x1  }
0xf4: {  	v3 =	vadd.s32 v1, v3;
	_ =	sdelay $0x2  }
0xf5: {  	[tilespmem:s12], [sflag:$0x1] =	stream.indirect_vreg.gather [hbm4b:s3+s2], $0x80, v4, vm0, $0xb8;
	[tilespmem:$0x10100] =	vst v63  }
0xf6: {  	_ = 	snop  }
0xf7: {  	[tilespmem:s13], [sflag:$0x1] =	stream.indirect_vreg.gather [hbm4b:s3+s2], $0x80, v3, vm0, $0xb8;
	[tilespmem:$0x10100] =	vst v63  }
0xf8: {  	v3 =	vld [tilespmem:$0x10];
	_ =	sdelay $0x4  }
0xf9: {  	v56 =	vshll.u32 v3, $0x1  }
0xfa: {  	v3 =	vand.u32 $0x7, v3;
	v4 =	vand.u32 $0xFFFFFFF0, v56  }
0xfb: {  	v3 =	vor.u32 v3, v4  }
0xfc: {  	v4 =	vperm.xlane v3, v0;
	_ =	sdelay $0x1  }
0xfd: {  	v3 =	vperm.xlane v3, v2;
	v4 =	vadd.s32 v1, v4;
	_ =	sdelay $0x1  }
0xfe: {  	v3 =	vadd.s32 v1, v3;
	_ =	sdelay $0x2  }
0xff: {  	[tilespmem:s14], [sflag:$0x1] =	stream.indirect_vreg.gather [hbm4b:s3+s2], $0x80, v4, vm0, $0xb8;
	[tilespmem:$0x10100] =	vst v63  }
0x100: {  	_ = 	snop  }
0x101: {  	[tilespmem:s15], [sflag:$0x1] =	stream.indirect_vreg.gather [hbm4b:s3+s2], $0x80, v3, vm0, $0xb8;
	[tilespmem:$0x10100] =	vst v63  }
0x102: {  	v3 =	vld [tilespmem:$0x20];
	_ =	sdelay $0x4  }
0x103: {  	v57 =	vshll.u32 v3, $0x1  }
0x104: {  	v3 =	vand.u32 $0x7, v3;
	v4 =	vand.u32 $0xFFFFFFF0, v57  }
0x105: {  	v3 =	vor.u32 v3, v4  }
0x106: {  	v4 =	vperm.xlane v3, v0;
	_ =	sdelay $0x1  }
0x107: {  	v3 =	vperm.xlane v3, v2;
	v4 =	vadd.s32 v1, v4;
	_ =	sdelay $0x1  }
0x108: {  	v3 =	vadd.s32 v1, v3;
	_ =	sdelay $0x2  }
0x109: {  	[tilespmem:s16], [sflag:$0x1] =	stream.indirect_vreg.gather [hbm4b:s3+s2], $0x80, v4, vm0, $0xb8;
	[tilespmem:$0x10100] =	vst v63  }
0x10a: {  	_ = 	snop  }
0x10b: {  	[tilespmem:s17], [sflag:$0x1] =	stream.indirect_vreg.gather [hbm4b:s3+s2], $0x80, v3, vm0, $0xb8;
	[tilespmem:$0x10100] =	vst v63  }
0x10c: {  	v3 =	vld [tilespmem:$0x30];
	_ =	sdelay $0x4  }
0x10d: {  	v58 =	vshll.u32 v3, $0x1  }
0x10e: {  	v3 =	vand.u32 $0x7, v3;
	v4 =	vand.u32 $0xFFFFFFF0, v58  }
0x10f: {  	v3 =	vor.u32 v3, v4  }
0x110: {  	v4 =	vperm.xlane v3, v0;
	_ =	sdelay $0x1  }
0x111: {  	v3 =	vperm.xlane v3, v2;
	v4 =	vadd.s32 v1, v4;
	_ =	sdelay $0x1  }
0x112: {  	v3 =	vadd.s32 v1, v3;
	_ =	sdelay $0x2  }
0x113: {  	[tilespmem:s18], [sflag:$0x1] =	stream.indirect_vreg.gather [hbm4b:s3+s2], $0x80, v4, vm0, $0xb8;
	[tilespmem:$0x10100] =	vst v63  }
0x114: {  	_ = 	snop  }
0x115: {  	[tilespmem:s19], [sflag:$0x1] =	stream.indirect_vreg.gather [hbm4b:s3+s2], $0x80, v3, vm0, $0xb8;
	[tilespmem:$0x10100] =	vst v63  }
0x116: {  	v3 =	vld [tilespmem:$0x40];
	_ =	sdelay $0x4  }
0x117: {  	v59 =	vshll.u32 v3, $0x1  }
0x118: {  	v3 =	vand.u32 $0x7, v3;
	v4 =	vand.u32 $0xFFFFFFF0, v59  }
0x119: {  	v3 =	vor.u32 v3, v4  }
0x11a: {  	v4 =	vperm.xlane v3, v0;
	_ =	sdelay $0x1  }
0x11b: {  	v3 =	vperm.xlane v3, v2;
	v4 =	vadd.s32 v1, v4;
	_ =	sdelay $0x1  }
0x11c: {  	v3 =	vadd.s32 v1, v3;
	_ =	sdelay $0x2  }
0x11d: {  	[tilespmem:s20], [sflag:$0x1] =	stream.indirect_vreg.gather [hbm4b:s3+s2], $0x80, v4, vm0, $0xb8;
	[tilespmem:$0x10100] =	vst v63  }
0x11e: {  	_ = 	snop  }
0x11f: {  	[tilespmem:s21], [sflag:$0x1] =	stream.indirect_vreg.gather [hbm4b:s3+s2], $0x80, v3, vm0, $0xb8;
	[tilespmem:$0x10100] =	vst v63  }
0x120: {  	v3 =	vld [tilespmem:$0x50];
	_ =	sdelay $0x4  }
0x121: {  	v60 =	vshll.u32 v3, $0x1  }
0x122: {  	v3 =	vand.u32 $0x7, v3;
	v4 =	vand.u32 $0xFFFFFFF0, v60  }
0x123: {  	v3 =	vor.u32 v3, v4  }
0x124: {  	v4 =	vperm.xlane v3, v0;
	_ =	sdelay $0x1  }
0x125: {  	v3 =	vperm.xlane v3, v2;
	v4 =	vadd.s32 v1, v4;
	_ =	sdelay $0x1  }
0x126: {  	v3 =	vadd.s32 v1, v3;
	_ =	sdelay $0x2  }
0x127: {  	[tilespmem:s22], [sflag:$0x1] =	stream.indirect_vreg.gather [hbm4b:s3+s2], $0x80, v4, vm0, $0xb8;
	[tilespmem:$0x10100] =	vst v63  }
0x128: {  	_ = 	snop  }
0x129: {  	[tilespmem:s23], [sflag:$0x1] =	stream.indirect_vreg.gather [hbm4b:s3+s2], $0x80, v3, vm0, $0xb8;
	[tilespmem:$0x10100] =	vst v63  }
0x12a: {  	v3 =	vld [tilespmem:$0x60];
	_ =	sdelay $0x4  }
0x12b: {  	v61 =	vshll.u32 v3, $0x1  }
0x12c: {  	v3 =	vand.u32 $0x7, v3;
	v4 =	vand.u32 $0xFFFFFFF0, v61  }
0x12d: {  	v3 =	vor.u32 v3, v4  }
0x12e: {  	v4 =	vperm.xlane v3, v0;
	_ =	sdelay $0x1  }
0x12f: {  	v3 =	vperm.xlane v3, v2;
	v4 =	vadd.s32 v1, v4;
	_ =	sdelay $0x1  }
0x130: {  	v3 =	vadd.s32 v1, v3;
	_ =	sdelay $0x2  }
0x131: {  	[tilespmem:s24], [sflag:$0x1] =	stream.indirect_vreg.gather [hbm4b:s3+s2], $0x80, v4, vm0, $0xb8;
	[tilespmem:$0x10100] =	vst v63  }
0x132: {  	_ = 	snop  }
0x133: {  	[tilespmem:s25], [sflag:$0x1] =	stream.indirect_vreg.gather [hbm4b:s3+s2], $0x80, v3, vm0, $0xb8;
	[tilespmem:$0x10100] =	vst v63  }
0x134: {  	v3 =	vld [tilespmem:$0x70];
	_ =	sdelay $0x4  }
0x135: {  	v62 =	vshll.u32 v3, $0x1  }
0x136: {  	v3 =	vand.u32 $0x7, v3;
	v4 =	vand.u32 $0xFFFFFFF0, v62  }
0x137: {  	v3 =	vor.u32 v3, v4  }
0x138: {  	v4 =	vperm.xlane v3, v0;
	_ =	sdelay $0x1  }
0x139: {  	v3 =	vperm.xlane v3, v2;
	v4 =	vadd.s32 v1, v4;
	_ =	sdelay $0x1  }
0x13a: {  	v3 =	vadd.s32 v1, v3;
	_ =	sdelay $0x2  }
0x13b: {  	[tilespmem:s26], [sflag:$0x1] =	stream.indirect_vreg.gather [hbm4b:s3+s2], $0x80, v4, vm0, $0xb8;
	[tilespmem:$0x10100] =	vst v63  }
0x13c: {  	_ = 	snop  }
0x13d: {  	[tilespmem:s28], [sflag:$0x1] =	stream.indirect_vreg.gather [hbm4b:s3+s2], $0x80, v3, vm0, $0xb8;
	[tilespmem:$0x10100] =	vst v63  }
0x13e: {  	_ =	swait.ge [sflag:s30], $0x8000  }
0x13f: {  	[sflag:s30] =	ssyncset.done $0x0  }
0x140: {  	s7 =	rddreg [dreg:$0x14];
	[sflag:s30] =	ssyncadd.s32 $0xFFFF8000  }
0x141: {  	[hbm4b:s7+s2] =	stream.linear.scatter [tilespmem:s12], [sflag:$0x5], $0x8000, $0x38;
	[tilespmem:$0x10100] =	vst v63  }
0x142: {  	_ =	swait.ge [sflag:s11], $0x8000  }
0x143: {  	[sflag:s11] =	ssyncset.done $0x0  }
0x144: {  	s8 =	rddreg [dreg:$0x15];
	[sflag:s11] =	ssyncadd.s32 $0xFFFF8000  }
0x145: {  	[tilespmem:s2], [sflag:$0x5] =	stream.linear.gather [hbm4b:s8+s2], $0x8, $0x38;
	[tilespmem:$0x10100] =	vst v63  }
0x146: {  	_ =	swait.ge [sflag:s11], $0x8  }
0x147: {  	[sflag:s11] =	ssyncset.done $0x0  }
0x148: {  	[sflag:s11] =	ssyncadd.s32 $0xFFFFFFF8  }
0x149: {  	v3 =	vld.msk [tilespmem:$0x0], $0xff;
	_ =	sdelay $0x4  }
0x14a: {  	v63 =	vshll.u32 v3, $0x1  }
0x14b: {  	v3 =	vand.u32 $0x7, v3;
	v4 =	vand.u32 $0xFFFFFFF0, v63  }
0x14c: {  	v3 =	vor.u32 v3, v4  }
0x14d: {  	v3 =	vperm.xlane v3, v0;
	_ =	sdelay $0x1  }
0x14e: {  	v3 =	vadd.s32 v1, v3;
	_ =	sdelay $0x4  }
0x14f: {  	[tilespmem:s12], [sflag:$0x1] =	stream.indirect_vreg.gather [hbm4b:s3+s2], $0x80, v3, vm0, $0xb8;
	[tilespmem:$0x10100] =	vst v63  }
0x150: {  	_ =	swait.ge [sflag:s30], $0x800  }
0x151: {  	[sflag:s30] =	ssyncset.done $0x0  }
0x152: {  	s9 =	rddreg [dreg:$0x16];
	[sflag:s30] =	ssyncadd.s32 $0xFFFFF800  }
0x153: {  	[hbm4b:s9+s2] =	stream.linear.scatter [tilespmem:s12], [sflag:$0x5], $0x800, $0x38;
	[tilespmem:$0x10100] =	vst v63  }
0x154: {  	_ =	swait.ge [sflag:s11], $0x800  }
0x155: {  	s4 =	sadd.s32 $0x1, s4;
	s10 =	rddreg [dreg:$0x17]  }
0x156: {  	p0 =	sne.s32 s4, s10  }
.Ltmp1:
0x157: {  	_ = 	snop;
	(pc) =	sbr.rel @p0 .LBB2_1-.Ltmp1, $3  }
0x158: {  	_ =	sdelay $0x1  }
0x159: {  	[sflag:s11] =	ssyncset.done $0x0  }
0x15a: {  	[sflag:s11] =	ssyncadd.s32 $0xFFFFF800  }
0x15b: {  	_ =	sfence.sel $0x180000  }
0x15c: {  	[bflag:$0x0] =	sbarrier.arrive $0xFFFF  }
0x15d: {  	_ =	strace $0x9000004D  }
0x15e: {  	s0 =	stileid.u32;
	[bflag:$0x2] =	sbarrier.arrive $0xFFFF  }
0x15f: {  	p0 =	sne.s32 s0, $0x0;
	s0 =	rddreg [dreg:$0x1]  }
0x160: {  	s0 =	sadd.s32 @!p0 $0x100000, s0  }
0x161: {  	[sflag:s0] =	ssyncadd.tile.s32 @!p0 $0x1;
	_ =	shalt  }
.Lfunc_end2:
_tile_overlayer_lowered:
.L_overlay_start_2:
0x162: {  	(tag) =	ssettag $0x2  }
0x163: {  	s0 =	rddreg [dreg:$0x0];
	s2 =	stileid.u32  }
0x164: {  	s1 =	rddreg [dreg:$0x1];
	p0 =	sne.s32 s2, $0x0  }
0x165: {  	s3 =	rddreg [dreg:$0x2];
	[bflag:$0x3] =	sbarrier.arrive $0xFFFF;
	s2 =	simm.s32 @!p0 $0x1C05  }
0x166: {  	[timem:s3], [sflag:s2] =	dma.local @!p0 [hbm:s0], s1  }
0x167: {  	s0 =	simm.s32 @!p0 $0x5  }
0x168: {  	_ =	swait.ge @!p0 [sflag:s0], s1  }
0x169: {  	s1 =	ssub.s32 @!p0 $0x0, s1;
	[sflag:s0] =	ssyncset.done @!p0 $0x0  }
0x16a: {  	[sflag:s0] =	ssyncadd.s32 @!p0 s1  }
0x16b: {  	[bflag:$0x3] =	sbarrier.arrive $0xFFFF  }
0x16c: {  	_ =	shalt  }

// kernel: kernel.36.cloned.1.call-start
scs
__scs_entry_jumppad:
0x0: {  	(pc) =	sbr.rel $0x88, $3  }
0x1: {  	(tag) =	ssettag $0x0;
	lr =	simm.s32 $0x1  }
0x2: {  	[smem:$0x3F92] =	sst lr;
	_ =	strace $0xD0000000  }
0x3: {  	_ = 	snop  }
0x4: {  	_ = 	snop  }
0x5: {  	_ = 	snop  }
0x6: {  	_ = 	snop  }
0x7: {  	_ = 	snop  }
__scs_overlays_trampoline_lowered:
0x8: {  	[smem:$0x3FA1] =	sst s0  }
0x9: {  	[smem:$0x3FA2] =	sst s1  }
0xa: {  	[smem:$0x3FA3] =	sst s2  }
0xb: {  	[smem:$0x3FA4] =	sst s3  }
0xc: {  	[smem:$0x3FA5] =	sst s4  }
0xd: {  	[smem:$0x3FA6] =	sst s5  }
0xe: {  	[smem:$0x3FA7] =	sst s6  }
0xf: {  	[smem:$0x3FA8] =	sst s7  }
0x10: {  	[smem:$0x3FA9] =	sst s8  }
0x11: {  	[smem:$0x3FAA] =	sst s9;
	s0 =	simm.s32 @!p0 $0x0  }
0x12: {  	s1 =	sld [smem:$0x3F90];
	s0 =	simm.s32 @p0 $0x1  }
0x13: {  	[smem:$0x3FAB] =	sst s0;
	s0 =	simm.s32 @!p1 $0x0  }
0x14: {  	s2 =	sld [smem:$0x3F8F];
	s0 =	simm.s32 @p1 $0x1  }
0x15: {  	[smem:$0x3FAC] =	sst s0;
	s0 =	simm.s32 @!p2 $0x0  }
0x16: {  	s3 =	sld [smem:$0x3FDB];
	s0 =	simm.s32 @p2 $0x1  }
0x17: {  	s4 =	simm.s32 $0x1BF5;
	[smem:$0x3FAE] =	sst s0  }
0x18: {  	s0 =	sld [smem:$0x3F91];
	_ =	swait.ge [sflag:s4], $0x0  }
0x19: {  	s7 =	sld [smem:$0x3F92]  }
0x1a: {  	s8 =	sadd.s32 $0xFFFFE003, lr  }
0x1b: {  	s9 =	sadd.s32 $0xFFFFFEF7, lr;
	s5 =	simm.s32 $0xFFFFFFFF;
	p2 =	slt.u32 s8, $0xFFFFF086  }
0x1c: {  	p1 =	slt.u32 s9, $0xF7A;
	s5 =	simm.s32 @!p2 $0x0  }
0x1d: {  	s5 =	simm.s32 @p1 $0x1;
	p0 =	seq.s32 s7, s2  }
0x1e: {  	s7 =	smul.u32 @!p0 $0xF7A, s2;
	p2 =	seq.s32 @!p0 s5, $0x0  }
0x1f: {  	s9 =	smul.u32 $0xF7A, s1;
	s8 =	simm.s32 @!p0 $0x1BF5;
	p2 =	por !p2, p0  }
0x20: {  	[sflag:s8] =	ssyncset.s32 @!p0 $0xFFFFF086;
	s6 =	sadd.s32 @!p0 s3, s7;
	s7 =	simm.s32 @!p0 $0x108  }
0x21: {  	s3 =	sadd.s32 s3, s9;
	s6 =	sadd.s32 @!p0 $0x88, s6;
	s7 =	simm.s32 @p2 $0x1082  }
0x22: {  	[simem:s7], [sflag:s8] =	dma.local @!p0 [hbm:s6], $0xF7A  }
0x23: {  	s9 =	sor.u32 $0xD0000000, s2;
	s6 =	simm.s32 $0x108;
	_ =	swait.ge @!p0 [sflag:s8], $0x0  }
0x24: {  	s3 =	sadd.s32 $0x88, s3;
	s6 =	simm.s32 @!p1 $0x1082;
	[sflag:s4] =	ssyncset.s32 $0xFFFFF086  }
0x25: {  	[simem:s6], [sflag:s4] =	dma.local [hbm:s3], $0xF7A  }
0x26: {  	[smem:$0x3F92] =	sst s1;
	(tag) =	ssettag s2;
	_ =	strace s9  }
0x27: {  	s1 =	sld [smem:$0x3FA2]  }
0x28: {  	s2 =	sld [smem:$0x3FA3]  }
0x29: {  	s4 =	sld [smem:$0x3FA5]  }
0x2a: {  	p0 =	seq.s32 s5, $0x0;
	s5 =	sld [smem:$0x3FA6]  }
0x2b: {  	s6 =	sld [smem:$0x3FA7]  }
0x2c: {  	s7 =	sld [smem:$0x3FA8]  }
0x2d: {  	s3 =	simm.s32 $0x108;
	s8 =	sld [smem:$0x3FA9]  }
0x2e: {  	s3 =	simm.s32 @!p0 $0x1082;
	s9 =	sld [smem:$0x3FAA]  }
0x2f: {  	lr =	sadd.s32 s0, s3;
	s0 =	sld [smem:$0x3FA1]  }
0x30: {  	s3 =	sld [smem:$0x3FA4]  }
0x31: {  	[smem:$0x3FAD] =	sst s10  }
0x32: {  	s10 =	sld [smem:$0x3FAB];
	_ =	sdelay $0x3  }
0x33: {  	p0 =	seq.s32 s10, $0x1;
	s10 =	sld [smem:$0x3FAD];
	_ =	sdelay $0x3  }
0x34: {  	[smem:$0x3FAD] =	sst s10  }
0x35: {  	s10 =	sld [smem:$0x3FAC];
	_ =	sdelay $0x3  }
0x36: {  	p1 =	seq.s32 s10, $0x1;
	s10 =	sld [smem:$0x3FAD];
	_ =	sdelay $0x3  }
0x37: {  	[smem:$0x3FAD] =	sst s10  }
0x38: {  	s10 =	sld [smem:$0x3FAE]  }
0x39: {  	_ = 	snop;
	(pc) =	sbr.ind lr, $3  }
0x3a: {  	_ = 	snop  }
0x3b: {  	_ = 	snop  }
0x3c: {  	p2 =	seq.s32 s10, $0x1;
	s10 =	sld [smem:$0x3FAD]  }
0x3d: {  	_ =	shalt  }
0x3e: {  	_ =	shalt  }
0x3f: {  	_ =	shalt  }
0x40: {  	_ =	shalt  }
0x41: {  	_ =	shalt  }
0x42: {  	_ =	shalt  }
0x43: {  	_ =	shalt  }
0x44: {  	_ =	shalt  }
0x45: {  	_ =	shalt  }
0x46: {  	_ =	shalt  }
0x47: {  	_ =	shalt  }
0x48: {  	_ =	shalt  }
0x49: {  	_ =	shalt  }
0x4a: {  	_ =	shalt  }
0x4b: {  	_ =	shalt  }
0x4c: {  	_ =	shalt  }
0x4d: {  	_ =	shalt  }
0x4e: {  	_ =	shalt  }
0x4f: {  	_ =	shalt  }
0x50: {  	_ =	shalt  }
0x51: {  	_ =	shalt  }
0x52: {  	_ =	shalt  }
0x53: {  	_ =	shalt  }
0x54: {  	_ =	shalt  }
0x55: {  	_ =	shalt  }
0x56: {  	_ =	shalt  }
0x57: {  	_ =	shalt  }
0x58: {  	_ =	shalt  }
0x59: {  	_ =	shalt  }
0x5a: {  	_ =	shalt  }
0x5b: {  	_ =	shalt  }
0x5c: {  	_ =	shalt  }
0x5d: {  	_ =	shalt  }
0x5e: {  	_ =	shalt  }
0x5f: {  	_ =	shalt  }
0x60: {  	_ =	shalt  }
0x61: {  	_ =	shalt  }
0x62: {  	_ =	shalt  }
0x63: {  	_ =	shalt  }
0x64: {  	_ =	shalt  }
0x65: {  	_ =	shalt  }
0x66: {  	_ =	shalt  }
0x67: {  	_ =	shalt  }
0x68: {  	_ =	shalt  }
0x69: {  	_ =	shalt  }
0x6a: {  	_ =	shalt  }
0x6b: {  	_ =	shalt  }
0x6c: {  	_ =	shalt  }
0x6d: {  	_ =	shalt  }
0x6e: {  	_ =	shalt  }
0x6f: {  	_ =	shalt  }
0x70: {  	_ =	shalt  }
0x71: {  	_ =	shalt  }
0x72: {  	_ =	shalt  }
0x73: {  	_ =	shalt  }
0x74: {  	_ =	shalt  }
0x75: {  	_ =	shalt  }
0x76: {  	_ =	shalt  }
0x77: {  	_ =	shalt  }
0x78: {  	_ =	shalt  }
0x79: {  	_ =	shalt  }
0x7a: {  	_ =	shalt  }
0x7b: {  	_ =	shalt  }
0x7c: {  	_ =	shalt  }
0x7d: {  	_ =	shalt  }
0x7e: {  	_ =	shalt  }
0x7f: {  	_ =	shalt  }
0x80: {  	_ =	shalt  }
0x81: {  	_ =	shalt  }
0x82: {  	_ =	shalt  }
0x83: {  	_ =	shalt  }
0x84: {  	_ =	shalt  }
0x85: {  	_ =	shalt  }
0x86: {  	_ =	shalt  }
0x87: {  	_ =	shalt  }
.Lfunc_end0:
.L_simem_size_0:
called_computation.3_lowered:
.L_overlay_start_0:
0x88: {  	s2 =	sld [smem:$0x3FD9]  }
0x89: {  	s3 =	sld [smem:$0x3FFE];
	_ =	sdelay $0x1  }
0x8a: {  	s1 =	srdreg.scid  }
0x8b: {  	s0 =	sand.u32 $0x1, s1  }
0x8c: {  	s17 =	sshll.u32 s0, $0xA;
	s2 =	sadd.s32 s3, s2  }
0x8d: {  	s2 =	sadd.s32 s2, s17  }
0x8e: {  	[smem:$0x3FB9] =	sst s2  }
0x8f: {  	_ = 	snop  }
0x90: {  	(tm) =	ssettm $0x1  }
0x91: {  	s18 =	sld [smem:$0x3FFB];
	_ =	sdelay $0x3  }
0x92: {  	_ =	strace s18  }
0x93: {  	s2 =	sld [smem:$0x3FFC];
	_ =	sdelay $0x3  }
0x94: {  	_ =	strace s2  }
0x95: {  	s2 =	sld [smem:$0x3FFD];
	_ =	sdelay $0x3  }
0x96: {  	_ =	strace s2  }
0x97: {  	_ =	strace $0x8FFFFFFF  }
0x98: {  	s19 =	sld [smem:$0x3FDB];
	_ =	sdelay $0x1  }
0x99: {  	s20 =	simm.s32 $_scs_section_size  }
0x9a: {  	s4 =	simm.s32 $_size__tile_overlayer_lowered;
	s5 =	simm.s32 $_tile_overlayer_lowered  }
0x9b: {  	s6 =	simm.s32 $0x1BFF;
	s21 =	sshll.u32 s5, $0x1;
	s3 =	sadd.s32 s20, s19  }
0x9c: {  	s22 =	simm.s32 $0x0;
	s4 =	sshll.u32 s4, $0x1;
	s5 =	sadd.s32 s21, s3  }
0x9d: {  	[timem:s22], [sflag:s6] =	dma.local [hbm:s5], s4  }
0x9e: {  	_ =	swait.ge [sflag:s6], s4  }
0x9f: {  	s4 =	ssub.s32 $0x0, s4;
	[sflag:s6] =	ssyncset.done $0x0  }
0xa0: {  	[sflag:s6] =	ssyncadd.s32 s4;
	_ =	sdelay $0x1  }
0xa1: {  	s23 =	simm.s32 $0x1B8B  }
0xa2: {  	_ =	swait.ge [sflag:s23], $0x1  }
0xa3: {  	[sflag:s23] =	ssyncset.done $0x0  }
0xa4: {  	[sflag:s23] =	ssyncadd.s32 $0xFFFFFFFF  }
0xa5: {  	s4 =	sld [smem:$0x0]  }
0xa6: {  	s5 =	sand.u32 $0xFFFFFFFE, s1  }
0xa7: {  	p0 =	sne.s32 s1, s5  }
0xa8: {  	s5 =	sshll.u32 @p0 s5, $0xE  }
0xa9: {  	s5 =	sadd.s32 @p0 $0x11B8D, s5;
	s6 =	sshll.u32 @p0 s4, $0x11  }
0xaa: {  	s5 =	sor.u32 @p0 s6, s5  }
0xab: {  	[sflag:s5] =	ssyncadd.remote.s32 @p0 $0x1;
	_ =	sdelay $0x1  }
0xac: {  	s5 =	simm.s32 @p0 $0x1B8D  }
0xad: {  	_ =	swait.eq @p0 [sflag:s5], $0x1  }
0xae: {  	[sflag:s5] =	ssyncadd.s32 @p0 $0xFFFFFFFF  }
0xaf: {  	s6 =	sshll.u32 @!p0 s1, $0xE  }
0xb0: {  	s6 =	sor.u32 @!p0 $0x4000, s6;
	s5 =	simm.s32 @!p0 $0x1B8D  }
0xb1: {  	s4 =	sshll.u32 @!p0 s4, $0x11;
	s6 =	sadd.s32 @!p0 $0x11B8D, s6;
	_ =	swait.eq @!p0 [sflag:s5], $0x1  }
0xb2: {  	s4 =	sor.u32 @!p0 s4, s6;
	[sflag:s5] =	ssyncadd.s32 @!p0 $0xFFFFFFFF  }
0xb3: {  	s25 =	simm.s32 $0x1B8E;
	s24 =	sld [smem:$0x3FFE];
	[sflag:s4] =	ssyncadd.remote.s32 @!p0 $0x1  }
0xb4: {  	s26 =	simm.s32 $execute0_lowered;
	[smem:$0x3FD2] =	sst s25  }
0xb5: {  	s5 =	sshll.u32 s26, $0x1;
	_ =	strace $0x8000004F;
	[dreg:$0x1] =	wrdreg $0xFFFFFFFF  }
0xb6: {  	s28 =	simm.s32 $_size_execute0_lowered;
	s3 =	sadd.s32 s3, s5;
	[dreg:$0x0] =	wrdreg $0x0  }
0xb7: {  	s5 =	sshll.u32 s28, $0x1;
	[dreg:$0x2] =	wrdreg s3  }
0xb8: {  	[dreg:$0x3] =	wrdreg s5  }
0xb9: {  	[dreg:$0x4] =	wrdreg $0xC0  }
0xba: {  	_ =	task [dreg:s22], $0x5FFFF  }
0xbb: {  	[dreg:$0x1] =	wrdreg $0xFFFFFFFF  }
0xbc: {  	[dreg:$0x0] =	wrdreg $0x60  }
0xbd: {  	[dreg:$0x2] =	wrdreg s24  }
0xbe: {  	[dreg:$0x3] =	wrdreg $0xA  }
0xbf: {  	_ =	task.clear_ibuf [dreg:s22], $0x4FFFF;
	_ =	strace $0x9000004F  }
0xc0: {  	s29 =	simm.s32 $0xA;
	_ =	strace $0x80000051  }
0xc1: {  	_ =	swait.ge [sflag:s29], $0x1  }
0xc2: {  	[sflag:s29] =	ssyncadd.s32 $0xFFFFFFFF  }
0xc3: {  	_ =	strace $0x90000051  }
0xc4: {  	_ =	sfence  }
0xc5: {  	s30 =	sld [smem:$0x0];
	_ =	sdelay $0x2  }
0xc6: {  	s31 =	sshll.u32 s1, $0xD;
	s1 =	sshrl.u32 s1, $0x2  }
0xc7: {  	s4 =	sand.u32 $0x4000, s31;
	s1 =	sadd.s32 s1, s30  }
0xc8: {  	s0 =	sor.u32 s4, s0;
	s1 =	sshll.u32 s1, $0x11  }
0xc9: {  	s0 =	sor.u32 s1, s0  }
0xca: {  	s0 =	sadd.s32 $0x8F2B, s0  }
0xcb: {  	[sflag:s0] =	ssyncadd.remote.s32 $0x1  }
0xcc: {  	_ =	sfence.sel $0xFFFF  }
0xcd: {  	[dreg:$0x0] =	wrdreg $0xFFFFFFFF;
	(pc) =	sbr.abs _section_cstart, $3  }
0xce: {  	[dreg:$0x1] =	wrdreg $0xFFFFFFFF  }
0xcf: {  	_ =	task.clear_ibuf [dreg:s22], $0x2FFFF;
	_ =	strace $0x9FFFFFFF  }
0xd0: {  	(tm) =	ssettm $0x7FFFFFFF  }
0xd1: {  	_ =	shalt  }
tec
execute0_lowered:
.L_overlay_start_1:
0x0: {  	(tag) =	ssettag $0x1  }
0x1: {  	s0 =	srdreg.scid;
	s10 =	stileid.u32  }
0x2: {  	s1 =	rddreg [dreg:$0x0];
	s2 =	simm.s32 $0x0;
	s11 =	simm.s32 $0x8900  }
0x3: {  	s13 =	simm.s32 $0x9100;
	s14 =	simm.s32 $0x9900;
	s15 =	simm.s32 $0xA100  }
0x4: {  	s16 =	simm.s32 $0xA900;
	s17 =	simm.s32 $0xB100;
	s18 =	simm.s32 $0xB900  }
0x5: {  	s19 =	simm.s32 $0xC100;
	s3 =	sshll.u32 s10, $0x1;
	s23 =	smul.u32 $0x4E200, s10  }
0x6: {  	[smem:$0x7FF] =	sst s2;
	s24 =	smul.u32 $0x2710, s10;
	s10 =	simm.s32 $0x80  }
0x7: {  	s20 =	simm.s32 $0xC900;
	_ =	strace $0x80000050;
	[dreg:$0x3] =	wrdreg s10  }
0x8: {  	s21 =	simm.s32 $0xD100;
	s28 =	simm.s32 $0x7900;
	[dreg:$0x4] =	wrdreg s11  }
0x9: {  	s29 =	simm.s32 $0x8100;
	s30 =	simm.s32 $0x1;
	[dreg:$0x5] =	wrdreg s13  }
0xa: {  	s31 =	simm.s32 $0x2;
	s0 =	sand.u32 $0x1, s0;
	[dreg:$0x6] =	wrdreg s14  }
0xb: {  	s5 =	sadd.s32 $0x5B5A00, s1;
	s3 =	sor.u32 s0, s3;
	[dreg:$0x7] =	wrdreg s15  }
0xc: {  	s6 =	ssub.s32 $0x2, s0;
	s26 =	smul.u32 $0x1388, s0;
	[dreg:$0x8] =	wrdreg s16  }
0xd: {  	s0 =	smul.u32 $0x27100, s0;
	s11 =	simm.s32 $0x5;
	[dreg:$0x9] =	wrdreg s17  }
0xe: {  	s13 =	simm.s32 $0x900;
	s14 =	simm.s32 $0x1100;
	[dreg:$0xa] =	wrdreg s18  }
0xf: {  	s15 =	simm.s32 $0x1900;
	s16 =	simm.s32 $0x2100;
	[dreg:$0xb] =	wrdreg s19  }
0x10: {  	s17 =	simm.s32 $0x2900;
	[dreg:$0xc] =	wrdreg s20;
	s18 =	simm.s32 $0x3100  }
0x11: {  	[dreg:$0xd] =	wrdreg s21;
	s19 =	simm.s32 $0x3900;
	s20 =	simm.s32 $0x4100  }
0x12: {  	s21 =	simm.s32 $0x4900;
	s4 =	smul.u32 $0x1388, s3;
	s8 =	sshrl.u32 s6, $0x1  }
0x13: {  	s3 =	sadd.s32 $0x5BAA00, s1;
	s1 =	sadd.s32 $0xD0DE00, s1;
	s6 =	ssub.s32 s6, s8  }
0x14: {  	s7 =	sadd.s32 $0x1300, s4;
	s4 =	sadd.s32 $0x1380, s4;
	s6 =	smax.u32 s6, $0x1  }
0x15: {  	s9 =	sshrl.u32 s7, $0x3;
	s7 =	sshll.u32 s7, $0x5;
	s25 =	sshrl.u32 s4, $0x3  }
0x16: {  	s4 =	sshll.u32 s4, $0x5;
	[dreg:$0x17] =	wrdreg s6;
	s22 =	sadd.s32 s5, s9  }
0x17: {  	s7 =	sadd.s32 s1, s7;
	s4 =	sadd.s32 s1, s4;
	[dreg:$0x13] =	wrdreg s22  }
0x18: {  	s1 =	sadd.s32 s23, s1;
	s23 =	simm.s32 $0xE100;
	[dreg:$0x14] =	wrdreg s7  }
0x19: {  	s7 =	sadd.s32 s5, s25;
	[dreg:$0x16] =	wrdreg s4;
	s0 =	sadd.s32 s0, s1  }
0x1a: {  	s22 =	simm.s32 $0xD900;
	[dreg:$0xf] =	wrdreg s23;
	s25 =	simm.s32 $0xF100  }
0x1b: {  	s23 =	simm.s32 $0x5900;
	s1 =	simm.s32 $0x3;
	[dreg:$0x15] =	wrdreg s7  }
0x1c: {  	s4 =	simm.s32 $0x0;
	s7 =	sadd.s32 s26, s24;
	[dreg:$0x2] =	wrdreg s0  }
0x1d: {  	[dreg:$0xe] =	wrdreg s22;
	s24 =	simm.s32 $0xE900;
	s22 =	simm.s32 $0x5100  }
0x1e: {  	[dreg:$0x11] =	wrdreg s25;
	s26 =	simm.s32 $0xF900;
	s25 =	simm.s32 $0x6900  }
0x1f: {  	s8 =	sadd.s32 $0x80, s7;
	s12 =	sshrl.u32 s7, $0x3;
	[dreg:$0x10] =	wrdreg s24  }
0x20: {  	v2 =	vlaneseq.u32;
	s24 =	simm.s32 $0x6100;
	[dreg:$0x12] =	wrdreg s26;
	s9 =	sshrl.u32 s8, $0x3  }
0x21: {  	vm0 =	vmmov $0xffff;
	v1 =	vshrl.u32 v2, $0x3;
	s26 =	simm.s32 $0x7100;
	s0 =	sadd.s32 s9, s5;
	s5 =	sadd.s32 s12, s5  }
0x22: {  	v0 =	vand.u32 $0x7, v2;
	v2 =	vor.u32 $0x8, v2;
	v1 =	vmul.u32 $0x8, v1;
	s12 =	simm.s32 $0x100;
	[dreg:$0x18] =	wrdreg s0;
	s0 =	simm.s32 $0x4  }
.LBB2_1:
0x23: {  	s10 =	smov.u32 s5;
	s9 =	rddreg [dreg:$0x18];
	s7 =	simm.s32 $0x0  }
.LBB2_2:
0x24: {  	[tilespmem:s2], [sflag:$0x5] =	stream.linear.gather [hbm4b:s10+s2], $0x80, $0x38;
	[tilespmem:$0x10100] =	vst v63  }
0x25: {  	_ =	swait.ge [sflag:s11], $0x80  }
0x26: {  	p0 =	seq.s32 s7, $0x0;
	[sflag:s11] =	ssyncset.done $0x0  }
0x27: {  	s8 =	simm.s32 @!p0 $0x3;
	[sflag:s11] =	ssyncadd.s32 $0xFFFFFF80  }
0x28: {  	_ =	swait.ge @!p0 [sflag:s8], $0x8000  }
0x29: {  	[sflag:s8] =	ssyncset.done @!p0 $0x0  }
0x2a: {  	[sflag:s8] =	ssyncadd.s32 @!p0 $0xFFFF8000  }
0x2b: {  	v3 =	vld [tilespmem:$0x0];
	_ =	sdelay $0x4  }
0x2c: {  	v4 =	vshll.u32 v3, $0x1  }
0x2d: {  	v3 =	vand.u32 $0x7, v3;
	v4 =	vand.u32 $0xFFFFFFF0, v4  }
0x2e: {  	v3 =	vor.u32 v3, v4  }
0x2f: {  	v4 =	vperm.xlane v3, v0;
	_ =	sdelay $0x1  }
0x30: {  	v3 =	vperm.xlane v3, v2;
	v4 =	vadd.s32 v1, v4;
	_ =	sdelay $0x1  }
0x31: {  	v3 =	vadd.s32 v1, v3;
	_ =	sdelay $0x2  }
0x32: {  	[tilespmem:s12], [sflag:$0x1] =	stream.indirect_vreg.gather [hbm4b:s3+s2], $0x80, v4, vm0, $0xb8;
	[tilespmem:$0x10100] =	vst v63  }
0x33: {  	_ = 	snop  }
0x34: {  	[tilespmem:s13], [sflag:$0x1] =	stream.indirect_vreg.gather [hbm4b:s3+s2], $0x80, v3, vm0, $0xb8;
	[tilespmem:$0x10100] =	vst v63  }
0x35: {  	v3 =	vld [tilespmem:$0x10];
	_ =	sdelay $0x4  }
0x36: {  	v49 =	vshll.u32 v3, $0x1  }
0x37: {  	v3 =	vand.u32 $0x7, v3;
	v4 =	vand.u32 $0xFFFFFFF0, v49  }
0x38: {  	v3 =	vor.u32 v3, v4  }
0x39: {  	v4 =	vperm.xlane v3, v0;
	_ =	sdelay $0x1  }
0x3a: {  	v3 =	vperm.xlane v3, v2;
	v4 =	vadd.s32 v1, v4;
	_ =	sdelay $0x1  }
0x3b: {  	v3 =	vadd.s32 v1, v3;
	_ =	sdelay $0x2  }
0x3c: {  	[tilespmem:s14], [sflag:$0x1] =	stream.indirect_vreg.gather [hbm4b:s3+s2], $0x80, v4, vm0, $0xb8;
	[tilespmem:$0x10100] =	vst v63  }
0x3d: {  	_ = 	snop  }
0x3e: {  	[tilespmem:s15], [sflag:$0x1] =	stream.indirect_vreg.gather [hbm4b:s3+s2], $0x80, v3, vm0, $0xb8;
	[tilespmem:$0x10100] =	vst v63  }
0x3f: {  	v3 =	vld [tilespmem:$0x20];
	_ =	sdelay $0x4  }
0x40: {  	v50 =	vshll.u32 v3, $0x1  }
0x41: {  	v3 =	vand.u32 $0x7, v3;
	v4 =	vand.u32 $0xFFFFFFF0, v50  }
0x42: {  	v3 =	vor.u32 v3, v4  }
0x43: {  	v4 =	vperm.xlane v3, v0;
	_ =	sdelay $0x1  }
0x44: {  	v3 =	vperm.xlane v3, v2;
	v4 =	vadd.s32 v1, v4;
	_ =	sdelay $0x1  }
0x45: {  	v3 =	vadd.s32 v1, v3;
	_ =	sdelay $0x2  }
0x46: {  	[tilespmem:s16], [sflag:$0x1] =	stream.indirect_vreg.gather [hbm4b:s3+s2], $0x80, v4, vm0, $0xb8;
	[tilespmem:$0x10100] =	vst v63  }
0x47: {  	_ = 	snop  }
0x48: {  	[tilespmem:s17], [sflag:$0x1] =	stream.indirect_vreg.gather [hbm4b:s3+s2], $0x80, v3, vm0, $0xb8;
	[tilespmem:$0x10100] =	vst v63  }
0x49: {  	v3 =	vld [tilespmem:$0x30];
	_ =	sdelay $0x4  }
0x4a: {  	v51 =	vshll.u32 v3, $0x1  }
0x4b: {  	v3 =	vand.u32 $0x7, v3;
	v4 =	vand.u32 $0xFFFFFFF0, v51  }
0x4c: {  	v3 =	vor.u32 v3, v4  }
0x4d: {  	v4 =	vperm.xlane v3, v0;
	_ =	sdelay $0x1  }
0x4e: {  	v3 =	vperm.xlane v3, v2;
	v4 =	vadd.s32 v1, v4;
	_ =	sdelay $0x1  }
0x4f: {  	v3 =	vadd.s32 v1, v3;
	_ =	sdelay $0x2  }
0x50: {  	[tilespmem:s18], [sflag:$0x1] =	stream.indirect_vreg.gather [hbm4b:s3+s2], $0x80, v4, vm0, $0xb8;
	[tilespmem:$0x10100] =	vst v63  }
0x51: {  	_ = 	snop  }
0x52: {  	[tilespmem:s19], [sflag:$0x1] =	stream.indirect_vreg.gather [hbm4b:s3+s2], $0x80, v3, vm0, $0xb8;
	[tilespmem:$0x10100] =	vst v63  }
0x53: {  	v3 =	vld [tilespmem:$0x40];
	_ =	sdelay $0x4  }
0x54: {  	v52 =	vshll.u32 v3, $0x1  }
0x55: {  	v3 =	vand.u32 $0x7, v3;
	v4 =	vand.u32 $0xFFFFFFF0, v52  }
0x56: {  	v3 =	vor.u32 v3, v4  }
0x57: {  	v4 =	vperm.xlane v3, v0;
	_ =	sdelay $0x1  }
0x58: {  	v3 =	vperm.xlane v3, v2;
	v4 =	vadd.s32 v1, v4;
	_ =	sdelay $0x1  }
0x59: {  	v3 =	vadd.s32 v1, v3;
	_ =	sdelay $0x2  }
0x5a: {  	[tilespmem:s20], [sflag:$0x1] =	stream.indirect_vreg.gather [hbm4b:s3+s2], $0x80, v4, vm0, $0xb8;
	[tilespmem:$0x10100] =	vst v63  }
0x5b: {  	_ = 	snop  }
0x5c: {  	[tilespmem:s21], [sflag:$0x1] =	stream.indirect_vreg.gather [hbm4b:s3+s2], $0x80, v3, vm0, $0xb8;
	[tilespmem:$0x10100] =	vst v63  }
0x5d: {  	v3 =	vld [tilespmem:$0x50];
	_ =	sdelay $0x4  }
0x5e: {  	v53 =	vshll.u32 v3, $0x1  }
0x5f: {  	v3 =	vand.u32 $0x7, v3;
	v4 =	vand.u32 $0xFFFFFFF0, v53  }
0x60: {  	v3 =	vor.u32 v3, v4  }
0x61: {  	v4 =	vperm.xlane v3, v0;
	_ =	sdelay $0x1  }
0x62: {  	v3 =	vperm.xlane v3, v2;
	v4 =	vadd.s32 v1, v4;
	_ =	sdelay $0x1  }
0x63: {  	v3 =	vadd.s32 v1, v3;
	_ =	sdelay $0x2  }
0x64: {  	[tilespmem:s22], [sflag:$0x1] =	stream.indirect_vreg.gather [hbm4b:s3+s2], $0x80, v4, vm0, $0xb8;
	[tilespmem:$0x10100] =	vst v63  }
0x65: {  	_ = 	snop  }
0x66: {  	[tilespmem:s23], [sflag:$0x1] =	stream.indirect_vreg.gather [hbm4b:s3+s2], $0x80, v3, vm0, $0xb8;
	[tilespmem:$0x10100] =	vst v63  }
0x67: {  	v3 =	vld [tilespmem:$0x60];
	_ =	sdelay $0x4  }
0x68: {  	v54 =	vshll.u32 v3, $0x1  }
0x69: {  	v3 =	vand.u32 $0x7, v3;
	v4 =	vand.u32 $0xFFFFFFF0, v54  }
0x6a: {  	v3 =	vor.u32 v3, v4  }
0x6b: {  	v4 =	vperm.xlane v3, v0;
	_ =	sdelay $0x1  }
0x6c: {  	v3 =	vperm.xlane v3, v2;
	v4 =	vadd.s32 v1, v4;
	_ =	sdelay $0x1  }
0x6d: {  	v3 =	vadd.s32 v1, v3;
	_ =	sdelay $0x2  }
0x6e: {  	[tilespmem:s24], [sflag:$0x1] =	stream.indirect_vreg.gather [hbm4b:s3+s2], $0x80, v4, vm0, $0xb8;
	[tilespmem:$0x10100] =	vst v63  }
0x6f: {  	_ = 	snop  }
0x70: {  	[tilespmem:s25], [sflag:$0x1] =	stream.indirect_vreg.gather [hbm4b:s3+s2], $0x80, v3, vm0, $0xb8;
	[tilespmem:$0x10100] =	vst v63  }
0x71: {  	v3 =	vld [tilespmem:$0x70];
	_ =	sdelay $0x4  }
0x72: {  	v55 =	vshll.u32 v3, $0x1  }
0x73: {  	v3 =	vand.u32 $0x7, v3;
	v4 =	vand.u32 $0xFFFFFFF0, v55  }
0x74: {  	v3 =	vor.u32 v3, v4  }
0x75: {  	v4 =	vperm.xlane v3, v0;
	_ =	sdelay $0x1  }
0x76: {  	v3 =	vperm.xlane v3, v2;
	v4 =	vadd.s32 v1, v4;
	_ =	sdelay $0x1  }
0x77: {  	v3 =	vadd.s32 v1, v3;
	_ =	sdelay $0x2  }
0x78: {  	[tilespmem:s26], [sflag:$0x1] =	stream.indirect_vreg.gather [hbm4b:s3+s2], $0x80, v4, vm0, $0xb8;
	[tilespmem:$0x10100] =	vst v63  }
0x79: {  	_ = 	snop  }
0x7a: {  	[tilespmem:s28], [sflag:$0x1] =	stream.indirect_vreg.gather [hbm4b:s3+s2], $0x80, v3, vm0, $0xb8;
	[tilespmem:$0x10100] =	vst v63  }
0x7b: {  	s6 =	rddreg [dreg:$0x3]  }
0x7c: {  	[tilespmem:s6], [sflag:$0x5] =	stream.linear.gather [hbm4b:s9+s2], $0x80, $0x38;
	[tilespmem:$0x10100] =	vst v63  }
0x7d: {  	_ =	swait.ge [sflag:s11], $0x80  }
0x7e: {  	[sflag:s11] =	ssyncset.done $0x0  }
0x7f: {  	s8 =	simm.s32 @!p0 $0x4;
	[sflag:s11] =	ssyncadd.s32 $0xFFFFFF80  }
0x80: {  	_ =	swait.ge @!p0 [sflag:s8], $0x8000  }
0x81: {  	[sflag:s8] =	ssyncset.done @!p0 $0x0  }
0x82: {  	[sflag:s8] =	ssyncadd.s32 @!p0 $0xFFFF8000  }
0x83: {  	v3 =	vld [tilespmem:$0x80];
	_ =	sdelay $0x4  }
0x84: {  	v56 =	vshll.u32 v3, $0x1  }
0x85: {  	v3 =	vand.u32 $0x7, v3;
	v4 =	vand.u32 $0xFFFFFFF0, v56  }
0x86: {  	v3 =	vor.u32 v3, v4  }
0x87: {  	v4 =	vperm.xlane v3, v0;
	_ =	sdelay $0x1  }
0x88: {  	v3 =	vperm.xlane v3, v2;
	v4 =	vadd.s32 v1, v4;
	_ =	sdelay $0x1  }
0x89: {  	v3 =	vadd.s32 v1, v3;
	_ =	sdelay $0x2  }
0x8a: {  	[tilespmem:s29], [sflag:$0x2] =	stream.indirect_vreg.gather [hbm4b:s3+s2], $0x80, v4, vm0, $0xb8;
	[tilespmem:$0x10100] =	vst v63  }
0x8b: {  	s6 =	rddreg [dreg:$0x4]  }
0x8c: {  	[tilespmem:s6], [sflag:$0x2] =	stream.indirect_vreg.gather [hbm4b:s3+s2], $0x80, v3, vm0, $0xb8;
	[tilespmem:$0x10100] =	vst v63  }
0x8d: {  	v3 =	vld [tilespmem:$0x90];
	_ =	sdelay $0x4  }
0x8e: {  	v57 =	vshll.u32 v3, $0x1  }
0x8f: {  	v3 =	vand.u32 $0x7, v3;
	v4 =	vand.u32 $0xFFFFFFF0, v57  }
0x90: {  	v3 =	vor.u32 v3, v4  }
0x91: {  	v4 =	vperm.xlane v3, v0;
	_ =	sdelay $0x1  }
0x92: {  	v3 =	vperm.xlane v3, v2;
	v4 =	vadd.s32 v1, v4;
	_ =	sdelay $0x1  }
0x93: {  	v3 =	vadd.s32 v1, v3;
	_ =	sdelay $0x1  }
0x94: {  	s8 =	rddreg [dreg:$0x5]  }
0x95: {  	[tilespmem:s8], [sflag:$0x2] =	stream.indirect_vreg.gather [hbm4b:s3+s2], $0x80, v4, vm0, $0xb8;
	[tilespmem:$0x10100] =	vst v63  }
0x96: {  	s6 =	rddreg [dreg:$0x6]  }
0x97: {  	[tilespmem:s6], [sflag:$0x2] =	stream.indirect_vreg.gather [hbm4b:s3+s2], $0x80, v3, vm0, $0xb8;
	[tilespmem:$0x10100] =	vst v63  }
0x98: {  	v3 =	vld [tilespmem:$0xA0];
	_ =	sdelay $0x4  }
0x99: {  	v58 =	vshll.u32 v3, $0x1  }
0x9a: {  	v3 =	vand.u32 $0x7, v3;
	v4 =	vand.u32 $0xFFFFFFF0, v58  }
0x9b: {  	v3 =	vor.u32 v3, v4  }
0x9c: {  	v4 =	vperm.xlane v3, v0;
	_ =	sdelay $0x1  }
0x9d: {  	v3 =	vperm.xlane v3, v2;
	v4 =	vadd.s32 v1, v4;
	_ =	sdelay $0x1  }
0x9e: {  	v3 =	vadd.s32 v1, v3;
	_ =	sdelay $0x1  }
0x9f: {  	s6 =	rddreg [dreg:$0x7]  }
0xa0: {  	[tilespmem:s6], [sflag:$0x2] =	stream.indirect_vreg.gather [hbm4b:s3+s2], $0x80, v4, vm0, $0xb8;
	[tilespmem:$0x10100] =	vst v63  }
0xa1: {  	s8 =	rddreg [dreg:$0x8]  }
0xa2: {  	[tilespmem:s8], [sflag:$0x2] =	stream.indirect_vreg.gather [hbm4b:s3+s2], $0x80, v3, vm0, $0xb8;
	[tilespmem:$0x10100] =	vst v63  }
0xa3: {  	v3 =	vld [tilespmem:$0xB0];
	_ =	sdelay $0x4  }
0xa4: {  	v59 =	vshll.u32 v3, $0x1  }
0xa5: {  	v3 =	vand.u32 $0x7, v3;
	v4 =	vand.u32 $0xFFFFFFF0, v59  }
0xa6: {  	v3 =	vor.u32 v3, v4  }
0xa7: {  	v4 =	vperm.xlane v3, v0;
	_ =	sdelay $0x1  }
0xa8: {  	v3 =	vperm.xlane v3, v2;
	v4 =	vadd.s32 v1, v4;
	_ =	sdelay $0x1  }
0xa9: {  	v3 =	vadd.s32 v1, v3;
	_ =	sdelay $0x1  }
0xaa: {  	s6 =	rddreg [dreg:$0x9]  }
0xab: {  	[tilespmem:s6], [sflag:$0x2] =	stream.indirect_vreg.gather [hbm4b:s3+s2], $0x80, v4, vm0, $0xb8;
	[tilespmem:$0x10100] =	vst v63  }
0xac: {  	s8 =	rddreg [dreg:$0xa]  }
0xad: {  	[tilespmem:s8], [sflag:$0x2] =	stream.indirect_vreg.gather [hbm4b:s3+s2], $0x80, v3, vm0, $0xb8;
	[tilespmem:$0x10100] =	vst v63  }
0xae: {  	v3 =	vld [tilespmem:$0xC0];
	_ =	sdelay $0x4  }
0xaf: {  	v60 =	vshll.u32 v3, $0x1  }
0xb0: {  	v3 =	vand.u32 $0x7, v3;
	v4 =	vand.u32 $0xFFFFFFF0, v60  }
0xb1: {  	v3 =	vor.u32 v3, v4  }
0xb2: {  	v4 =	vperm.xlane v3, v0;
	_ =	sdelay $0x1  }
0xb3: {  	v3 =	vperm.xlane v3, v2;
	v4 =	vadd.s32 v1, v4;
	_ =	sdelay $0x1  }
0xb4: {  	v3 =	vadd.s32 v1, v3;
	_ =	sdelay $0x1  }
0xb5: {  	s6 =	rddreg [dreg:$0xb]  }
0xb6: {  	[tilespmem:s6], [sflag:$0x2] =	stream.indirect_vreg.gather [hbm4b:s3+s2], $0x80, v4, vm0, $0xb8;
	[tilespmem:$0x10100] =	vst v63  }
0xb7: {  	s8 =	rddreg [dreg:$0xc]  }
0xb8: {  	[tilespmem:s8], [sflag:$0x2] =	stream.indirect_vreg.gather [hbm4b:s3+s2], $0x80, v3, vm0, $0xb8;
	[tilespmem:$0x10100] =	vst v63  }
0xb9: {  	v3 =	vld [tilespmem:$0xD0];
	_ =	sdelay $0x4  }
0xba: {  	v61 =	vshll.u32 v3, $0x1  }
0xbb: {  	v3 =	vand.u32 $0x7, v3;
	v4 =	vand.u32 $0xFFFFFFF0, v61  }
0xbc: {  	v3 =	vor.u32 v3, v4  }
0xbd: {  	v4 =	vperm.xlane v3, v0;
	_ =	sdelay $0x1  }
0xbe: {  	v3 =	vperm.xlane v3, v2;
	v4 =	vadd.s32 v1, v4;
	_ =	sdelay $0x1  }
0xbf: {  	v3 =	vadd.s32 v1, v3;
	_ =	sdelay $0x1  }
0xc0: {  	s6 =	rddreg [dreg:$0xd]  }
0xc1: {  	[tilespmem:s6], [sflag:$0x2] =	stream.indirect_vreg.gather [hbm4b:s3+s2], $0x80, v4, vm0, $0xb8;
	[tilespmem:$0x10100] =	vst v63  }
0xc2: {  	s8 =	rddreg [dreg:$0xe]  }
0xc3: {  	[tilespmem:s8], [sflag:$0x2] =	stream.indirect_vreg.gather [hbm4b:s3+s2], $0x80, v3, vm0, $0xb8;
	[tilespmem:$0x10100] =	vst v63  }
0xc4: {  	v3 =	vld [tilespmem:$0xE0];
	_ =	sdelay $0x4  }
0xc5: {  	v62 =	vshll.u32 v3, $0x1  }
0xc6: {  	v3 =	vand.u32 $0x7, v3;
	v4 =	vand.u32 $0xFFFFFFF0, v62  }
0xc7: {  	v3 =	vor.u32 v3, v4  }
0xc8: {  	v4 =	vperm.xlane v3, v0;
	_ =	sdelay $0x1  }
0xc9: {  	v3 =	vperm.xlane v3, v2;
	v4 =	vadd.s32 v1, v4;
	_ =	sdelay $0x1  }
0xca: {  	v3 =	vadd.s32 v1, v3;
	_ =	sdelay $0x1  }
0xcb: {  	s6 =	rddreg [dreg:$0xf]  }
0xcc: {  	[tilespmem:s6], [sflag:$0x2] =	stream.indirect_vreg.gather [hbm4b:s3+s2], $0x80, v4, vm0, $0xb8;
	[tilespmem:$0x10100] =	vst v63  }
0xcd: {  	s8 =	rddreg [dreg:$0x10]  }
0xce: {  	[tilespmem:s8], [sflag:$0x2] =	stream.indirect_vreg.gather [hbm4b:s3+s2], $0x80, v3, vm0, $0xb8;
	[tilespmem:$0x10100] =	vst v63  }
0xcf: {  	v3 =	vld [tilespmem:$0xF0];
	_ =	sdelay $0x4  }
0xd0: {  	v63 =	vshll.u32 v3, $0x1  }
0xd1: {  	v3 =	vand.u32 $0x7, v3;
	v4 =	vand.u32 $0xFFFFFFF0, v63  }
0xd2: {  	v3 =	vor.u32 v3, v4  }
0xd3: {  	v4 =	vperm.xlane v3, v0;
	_ =	sdelay $0x1  }
0xd4: {  	v3 =	vperm.xlane v3, v2;
	v4 =	vadd.s32 v1, v4;
	_ =	sdelay $0x1  }
0xd5: {  	v3 =	vadd.s32 v1, v3;
	_ =	sdelay $0x1  }
0xd6: {  	s6 =	rddreg [dreg:$0x11]  }
0xd7: {  	[tilespmem:s6], [sflag:$0x2] =	stream.indirect_vreg.gather [hbm4b:s3+s2], $0x80, v4, vm0, $0xb8;
	[tilespmem:$0x10100] =	vst v63  }
0xd8: {  	s8 =	rddreg [dreg:$0x12]  }
0xd9: {  	[tilespmem:s8], [sflag:$0x2] =	stream.indirect_vreg.gather [hbm4b:s3+s2], $0x80, v3, vm0, $0xb8;
	[tilespmem:$0x10100] =	vst v63  }
0xda: {  	_ =	swait.ge [sflag:s30], $0x8000  }
0xdb: {  	s8 =	rddreg [dreg:$0x2];
	[sflag:s30] =	ssyncset.done $0x0  }
0xdc: {  	[sflag:s30] =	ssyncadd.s32 $0xFFFF8000;
	s6 =	sadd.s32 s7, s8;
	s7 =	sadd.s32 $0x2000, s7  }
0xdd: {  	[hbm4b:s6+s2] =	stream.linear.scatter [tilespmem:s12], [sflag:$0x3], $0x8000, $0x38;
	[tilespmem:$0x10100] =	vst v63  }
0xde: {  	p0 =	sne.s32 s7, $0x26000  }
.Ltmp0:
0xdf: {  	_ = 	snop;
	(pc) =	sbr.rel @p0 .LBB2_2-.Ltmp0, $4  }
0xe0: {  	_ =	swait.ge [sflag:s31], $0x8000  }
0xe1: {  	s10 =	sadd.s32 $0x20, s10;
	[sflag:s31] =	ssyncset.done $0x0  }
0xe2: {  	s9 =	sadd.s32 $0x20, s9;
	s6 =	sadd.s32 $0x1000, s6;
	[sflag:s31] =	ssyncadd.s32 $0xFFFF8000  }
0xe3: {  	[hbm4b:s6+s2] =	stream.linear.scatter [tilespmem:s29], [sflag:$0x4], $0x8000, $0x38;
	[tilespmem:$0x10100] =	vst v63  }
0xe4: {  	_ =	swait.ge [sflag:s1], $0x8000  }
0xe5: {  	[sflag:s1] =	ssyncset.done $0x0  }
0xe6: {  	[sflag:s1] =	ssyncadd.s32 $0xFFFF8000  }
0xe7: {  	_ =	swait.ge [sflag:s0], $0x8000  }
0xe8: {  	[sflag:s0] =	ssyncset.done $0x0  }
0xe9: {  	s6 =	rddreg [dreg:$0x13];
	[sflag:s0] =	ssyncadd.s32 $0xFFFF8000  }
0xea: {  	[tilespmem:s2], [sflag:$0x5] =	stream.linear.gather [hbm4b:s6+s2], $0x80, $0x38;
	[tilespmem:$0x10100] =	vst v63  }
0xeb: {  	_ =	swait.ge [sflag:s11], $0x80  }
0xec: {  	[sflag:s11] =	ssyncset.done $0x0  }
0xed: {  	[sflag:s11] =	ssyncadd.s32 $0xFFFFFF80  }
0xee: {  	v3 =	vld [tilespmem:$0x0];
	_ =	sdelay $0x4  }
0xef: {  	v4 =	vshll.u32 v3, $0x1  }
0xf0: {  	v3 =	vand.u32 $0x7, v3;
	v4 =	vand.u32 $0xFFFFFFF0, v4  }
0xf1: {  	v3 =	vor.u32 v3, v4  }
0xf2: {  	v4 =	vperm.xlane v3, v0;
	_ =	sdelay $0x1  }
0xf3: {  	v3 =	vperm.xlane v3, v2;
	v4 =	vadd.s32 v1, v4;
	_ =	sdelay $0x1  }
0xf4: {  	v3 =	vadd.s32 v1, v3;
	_ =	sdelay $0x2  }
0xf5: {  	[tilespmem:s12], [sflag:$0x1] =	stream.indirect_vreg.gather [hbm4b:s3+s2], $0x80, v4, vm0, $0xb8;
	[tilespmem:$0x10100] =	vst v63  }
0xf6: {  	_ = 	snop  }
0xf7: {  	[tilespmem:s13], [sflag:$0x1] =	stream.indirect_vreg.gather [hbm4b:s3+s2], $0x80, v3, vm0, $0xb8;
	[tilespmem:$0x10100] =	vst v63  }
0xf8: {  	v3 =	vld [tilespmem:$0x10];
	_ =	sdelay $0x4  }
0xf9: {  	v56 =	vshll.u32 v3, $0x1  }
0xfa: {  	v3 =	vand.u32 $0x7, v3;
	v4 =	vand.u32 $0xFFFFFFF0, v56  }
0xfb: {  	v3 =	vor.u32 v3, v4  }
0xfc: {  	v4 =	vperm.xlane v3, v0;
	_ =	sdelay $0x1  }
0xfd: {  	v3 =	vperm.xlane v3, v2;
	v4 =	vadd.s32 v1, v4;
	_ =	sdelay $0x1  }
0xfe: {  	v3 =	vadd.s32 v1, v3;
	_ =	sdelay $0x2  }
0xff: {  	[tilespmem:s14], [sflag:$0x1] =	stream.indirect_vreg.gather [hbm4b:s3+s2], $0x80, v4, vm0, $0xb8;
	[tilespmem:$0x10100] =	vst v63  }
0x100: {  	_ = 	snop  }
0x101: {  	[tilespmem:s15], [sflag:$0x1] =	stream.indirect_vreg.gather [hbm4b:s3+s2], $0x80, v3, vm0, $0xb8;
	[tilespmem:$0x10100] =	vst v63  }
0x102: {  	v3 =	vld [tilespmem:$0x20];
	_ =	sdelay $0x4  }
0x103: {  	v57 =	vshll.u32 v3, $0x1  }
0x104: {  	v3 =	vand.u32 $0x7, v3;
	v4 =	vand.u32 $0xFFFFFFF0, v57  }
0x105: {  	v3 =	vor.u32 v3, v4  }
0x106: {  	v4 =	vperm.xlane v3, v0;
	_ =	sdelay $0x1  }
0x107: {  	v3 =	vperm.xlane v3, v2;
	v4 =	vadd.s32 v1, v4;
	_ =	sdelay $0x1  }
0x108: {  	v3 =	vadd.s32 v1, v3;
	_ =	sdelay $0x2  }
0x109: {  	[tilespmem:s16], [sflag:$0x1] =	stream.indirect_vreg.gather [hbm4b:s3+s2], $0x80, v4, vm0, $0xb8;
	[tilespmem:$0x10100] =	vst v63  }
0x10a: {  	_ = 	snop  }
0x10b: {  	[tilespmem:s17], [sflag:$0x1] =	stream.indirect_vreg.gather [hbm4b:s3+s2], $0x80, v3, vm0, $0xb8;
	[tilespmem:$0x10100] =	vst v63  }
0x10c: {  	v3 =	vld [tilespmem:$0x30];
	_ =	sdelay $0x4  }
0x10d: {  	v58 =	vshll.u32 v3, $0x1  }
0x10e: {  	v3 =	vand.u32 $0x7, v3;
	v4 =	vand.u32 $0xFFFFFFF0, v58  }
0x10f: {  	v3 =	vor.u32 v3, v4  }
0x110: {  	v4 =	vperm.xlane v3, v0;
	_ =	sdelay $0x1  }
0x111: {  	v3 =	vperm.xlane v3, v2;
	v4 =	vadd.s32 v1, v4;
	_ =	sdelay $0x1  }
0x112: {  	v3 =	vadd.s32 v1, v3;
	_ =	sdelay $0x2  }
0x113: {  	[tilespmem:s18], [sflag:$0x1] =	stream.indirect_vreg.gather [hbm4b:s3+s2], $0x80, v4, vm0, $0xb8;
	[tilespmem:$0x10100] =	vst v63  }
0x114: {  	_ = 	snop  }
0x115: {  	[tilespmem:s19], [sflag:$0x1] =	stream.indirect_vreg.gather [hbm4b:s3+s2], $0x80, v3, vm0, $0xb8;
	[tilespmem:$0x10100] =	vst v63  }
0x116: {  	v3 =	vld [tilespmem:$0x40];
	_ =	sdelay $0x4  }
0x117: {  	v59 =	vshll.u32 v3, $0x1  }
0x118: {  	v3 =	vand.u32 $0x7, v3;
	v4 =	vand.u32 $0xFFFFFFF0, v59  }
0x119: {  	v3 =	vor.u32 v3, v4  }
0x11a: {  	v4 =	vperm.xlane v3, v0;
	_ =	sdelay $0x1  }
0x11b: {  	v3 =	vperm.xlane v3, v2;
	v4 =	vadd.s32 v1, v4;
	_ =	sdelay $0x1  }
0x11c: {  	v3 =	vadd.s32 v1, v3;
	_ =	sdelay $0x2  }
0x11d: {  	[tilespmem:s20], [sflag:$0x1] =	stream.indirect_vreg.gather [hbm4b:s3+s2], $0x80, v4, vm0, $0xb8;
	[tilespmem:$0x10100] =	vst v63  }
0x11e: {  	_ = 	snop  }
0x11f: {  	[tilespmem:s21], [sflag:$0x1] =	stream.indirect_vreg.gather [hbm4b:s3+s2], $0x80, v3, vm0, $0xb8;
	[tilespmem:$0x10100] =	vst v63  }
0x120: {  	v3 =	vld [tilespmem:$0x50];
	_ =	sdelay $0x4  }
0x121: {  	v60 =	vshll.u32 v3, $0x1  }
0x122: {  	v3 =	vand.u32 $0x7, v3;
	v4 =	vand.u32 $0xFFFFFFF0, v60  }
0x123: {  	v3 =	vor.u32 v3, v4  }
0x124: {  	v4 =	vperm.xlane v3, v0;
	_ =	sdelay $0x1  }
0x125: {  	v3 =	vperm.xlane v3, v2;
	v4 =	vadd.s32 v1, v4;
	_ =	sdelay $0x1  }
0x126: {  	v3 =	vadd.s32 v1, v3;
	_ =	sdelay $0x2  }
0x127: {  	[tilespmem:s22], [sflag:$0x1] =	stream.indirect_vreg.gather [hbm4b:s3+s2], $0x80, v4, vm0, $0xb8;
	[tilespmem:$0x10100] =	vst v63  }
0x128: {  	_ = 	snop  }
0x129: {  	[tilespmem:s23], [sflag:$0x1] =	stream.indirect_vreg.gather [hbm4b:s3+s2], $0x80, v3, vm0, $0xb8;
	[tilespmem:$0x10100] =	vst v63  }
0x12a: {  	v3 =	vld [tilespmem:$0x60];
	_ =	sdelay $0x4  }
0x12b: {  	v61 =	vshll.u32 v3, $0x1  }
0x12c: {  	v3 =	vand.u32 $0x7, v3;
	v4 =	vand.u32 $0xFFFFFFF0, v61  }
0x12d: {  	v3 =	vor.u32 v3, v4  }
0x12e: {  	v4 =	vperm.xlane v3, v0;
	_ =	sdelay $0x1  }
0x12f: {  	v3 =	vperm.xlane v3, v2;
	v4 =	vadd.s32 v1, v4;
	_ =	sdelay $0x1  }
0x130: {  	v3 =	vadd.s32 v1, v3;
	_ =	sdelay $0x2  }
0x131: {  	[tilespmem:s24], [sflag:$0x1] =	stream.indirect_vreg.gather [hbm4b:s3+s2], $0x80, v4, vm0, $0xb8;
	[tilespmem:$0x10100] =	vst v63  }
0x132: {  	_ = 	snop  }
0x133: {  	[tilespmem:s25], [sflag:$0x1] =	stream.indirect_vreg.gather [hbm4b:s3+s2], $0x80, v3, vm0, $0xb8;
	[tilespmem:$0x10100] =	vst v63  }
0x134: {  	v3 =	vld [tilespmem:$0x70];
	_ =	sdelay $0x4  }
0x135: {  	v62 =	vshll.u32 v3, $0x1  }
0x136: {  	v3 =	vand.u32 $0x7, v3;
	v4 =	vand.u32 $0xFFFFFFF0, v62  }
0x137: {  	v3 =	vor.u32 v3, v4  }
0x138: {  	v4 =	vperm.xlane v3, v0;
	_ =	sdelay $0x1  }
0x139: {  	v3 =	vperm.xlane v3, v2;
	v4 =	vadd.s32 v1, v4;
	_ =	sdelay $0x1  }
0x13a: {  	v3 =	vadd.s32 v1, v3;
	_ =	sdelay $0x2  }
0x13b: {  	[tilespmem:s26], [sflag:$0x1] =	stream.indirect_vreg.gather [hbm4b:s3+s2], $0x80, v4, vm0, $0xb8;
	[tilespmem:$0x10100] =	vst v63  }
0x13c: {  	_ = 	snop  }
0x13d: {  	[tilespmem:s28], [sflag:$0x1] =	stream.indirect_vreg.gather [hbm4b:s3+s2], $0x80, v3, vm0, $0xb8;
	[tilespmem:$0x10100] =	vst v63  }
0x13e: {  	_ =	swait.ge [sflag:s30], $0x8000  }
0x13f: {  	[sflag:s30] =	ssyncset.done $0x0  }
0x140: {  	s7 =	rddreg [dreg:$0x14];
	[sflag:s30] =	ssyncadd.s32 $0xFFFF8000  }
0x141: {  	[hbm4b:s7+s2] =	stream.linear.scatter [tilespmem:s12], [sflag:$0x5], $0x8000, $0x38;
	[tilespmem:$0x10100] =	vst v63  }
0x142: {  	_ =	swait.ge [sflag:s11], $0x8000  }
0x143: {  	[sflag:s11] =	ssyncset.done $0x0  }
0x144: {  	s8 =	rddreg [dreg:$0x15];
	[sflag:s11] =	ssyncadd.s32 $0xFFFF8000  }
0x145: {  	[tilespmem:s2], [sflag:$0x5] =	stream.linear.gather [hbm4b:s8+s2], $0x8, $0x38;
	[tilespmem:$0x10100] =	vst v63  }
0x146: {  	_ =	swait.ge [sflag:s11], $0x8  }
0x147: {  	[sflag:s11] =	ssyncset.done $0x0  }
0x148: {  	[sflag:s11] =	ssyncadd.s32 $0xFFFFFFF8  }
0x149: {  	v3 =	vld.msk [tilespmem:$0x0], $0xff;
	_ =	sdelay $0x4  }
0x14a: {  	v63 =	vshll.u32 v3, $0x1  }
0x14b: {  	v3 =	vand.u32 $0x7, v3;
	v4 =	vand.u32 $0xFFFFFFF0, v63  }
0x14c: {  	v3 =	vor.u32 v3, v4  }
0x14d: {  	v3 =	vperm.xlane v3, v0;
	_ =	sdelay $0x1  }
0x14e: {  	v3 =	vadd.s32 v1, v3;
	_ =	sdelay $0x4  }
0x14f: {  	[tilespmem:s12], [sflag:$0x1] =	stream.indirect_vreg.gather [hbm4b:s3+s2], $0x80, v3, vm0, $0xb8;
	[tilespmem:$0x10100] =	vst v63  }
0x150: {  	_ =	swait.ge [sflag:s30], $0x800  }
0x151: {  	[sflag:s30] =	ssyncset.done $0x0  }
0x152: {  	s9 =	rddreg [dreg:$0x16];
	[sflag:s30] =	ssyncadd.s32 $0xFFFFF800  }
0x153: {  	[hbm4b:s9+s2] =	stream.linear.scatter [tilespmem:s12], [sflag:$0x5], $0x800, $0x38;
	[tilespmem:$0x10100] =	vst v63  }
0x154: {  	_ =	swait.ge [sflag:s11], $0x800  }
0x155: {  	s4 =	sadd.s32 $0x1, s4;
	s10 =	rddreg [dreg:$0x17]  }
0x156: {  	p0 =	sne.s32 s4, s10  }
.Ltmp1:
0x157: {  	_ = 	snop;
	(pc) =	sbr.rel @p0 .LBB2_1-.Ltmp1, $3  }
0x158: {  	_ =	sdelay $0x1  }
0x159: {  	[sflag:s11] =	ssyncset.done $0x0  }
0x15a: {  	[sflag:s11] =	ssyncadd.s32 $0xFFFFF800  }
0x15b: {  	_ =	sfence.sel $0x180000  }
0x15c: {  	[bflag:$0x0] =	sbarrier.arrive $0xFFFF  }
0x15d: {  	_ =	strace $0x90000050  }
0x15e: {  	s0 =	stileid.u32;
	[bflag:$0x2] =	sbarrier.arrive $0xFFFF  }
0x15f: {  	p0 =	sne.s32 s0, $0x0;
	s0 =	rddreg [dreg:$0x1]  }
0x160: {  	s0 =	sadd.s32 @!p0 $0x100000, s0  }
0x161: {  	[sflag:s0] =	ssyncadd.tile.s32 @!p0 $0x1;
	_ =	shalt  }
.Lfunc_end2:
_tile_overlayer_lowered:
.L_overlay_start_2:
0x162: {  	(tag) =	ssettag $0x2  }
0x163: {  	s0 =	rddreg [dreg:$0x0];
	s2 =	stileid.u32  }
0x164: {  	s1 =	rddreg [dreg:$0x1];
	p0 =	sne.s32 s2, $0x0  }
0x165: {  	s3 =	rddreg [dreg:$0x2];
	[bflag:$0x3] =	sbarrier.arrive $0xFFFF;
	s2 =	simm.s32 @!p0 $0x1C05  }
0x166: {  	[timem:s3], [sflag:s2] =	dma.local @!p0 [hbm:s0], s1  }
0x167: {  	s0 =	simm.s32 @!p0 $0x5  }
0x168: {  	_ =	swait.ge @!p0 [sflag:s0], s1  }
0x169: {  	s1 =	ssub.s32 @!p0 $0x0, s1;
	[sflag:s0] =	ssyncset.done @!p0 $0x0  }
0x16a: {  	[sflag:s0] =	ssyncadd.s32 @!p0 s1  }
0x16b: {  	[bflag:$0x3] =	sbarrier.arrive $0xFFFF  }
0x16c: {  	_ =	shalt  }

// kernel: kernel.39.cloned.1.call-start
scs
__scs_entry_jumppad:
0x0: {  	(pc) =	sbr.rel $0x88, $3  }
0x1: {  	(tag) =	ssettag $0x0;
	lr =	simm.s32 $0x1  }
0x2: {  	[smem:$0x3F92] =	sst lr;
	_ =	strace $0xD0000000  }
0x3: {  	_ = 	snop  }
0x4: {  	_ = 	snop  }
0x5: {  	_ = 	snop  }
0x6: {  	_ = 	snop  }
0x7: {  	_ = 	snop  }
__scs_overlays_trampoline_lowered:
0x8: {  	[smem:$0x3FA1] =	sst s0  }
0x9: {  	[smem:$0x3FA2] =	sst s1  }
0xa: {  	[smem:$0x3FA3] =	sst s2  }
0xb: {  	[smem:$0x3FA4] =	sst s3  }
0xc: {  	[smem:$0x3FA5] =	sst s4  }
0xd: {  	[smem:$0x3FA6] =	sst s5  }
0xe: {  	[smem:$0x3FA7] =	sst s6  }
0xf: {  	[smem:$0x3FA8] =	sst s7  }
0x10: {  	[smem:$0x3FA9] =	sst s8  }
0x11: {  	[smem:$0x3FAA] =	sst s9;
	s0 =	simm.s32 @!p0 $0x0  }
0x12: {  	s1 =	sld [smem:$0x3F90];
	s0 =	simm.s32 @p0 $0x1  }
0x13: {  	[smem:$0x3FAB] =	sst s0;
	s0 =	simm.s32 @!p1 $0x0  }
0x14: {  	s2 =	sld [smem:$0x3F8F];
	s0 =	simm.s32 @p1 $0x1  }
0x15: {  	[smem:$0x3FAC] =	sst s0;
	s0 =	simm.s32 @!p2 $0x0  }
0x16: {  	s3 =	sld [smem:$0x3FDB];
	s0 =	simm.s32 @p2 $0x1  }
0x17: {  	s4 =	simm.s32 $0x1BF5;
	[smem:$0x3FAE] =	sst s0  }
0x18: {  	s0 =	sld [smem:$0x3F91];
	_ =	swait.ge [sflag:s4], $0x0  }
0x19: {  	s7 =	sld [smem:$0x3F92]  }
0x1a: {  	s8 =	sadd.s32 $0xFFFFE003, lr  }
0x1b: {  	s9 =	sadd.s32 $0xFFFFFEF7, lr;
	s5 =	simm.s32 $0xFFFFFFFF;
	p2 =	slt.u32 s8, $0xFFFFF086  }
0x1c: {  	p1 =	slt.u32 s9, $0xF7A;
	s5 =	simm.s32 @!p2 $0x0  }
0x1d: {  	s5 =	simm.s32 @p1 $0x1;
	p0 =	seq.s32 s7, s2  }
0x1e: {  	s7 =	smul.u32 @!p0 $0xF7A, s2;
	p2 =	seq.s32 @!p0 s5, $0x0  }
0x1f: {  	s9 =	smul.u32 $0xF7A, s1;
	s8 =	simm.s32 @!p0 $0x1BF5;
	p2 =	por !p2, p0  }
0x20: {  	[sflag:s8] =	ssyncset.s32 @!p0 $0xFFFFF086;
	s6 =	sadd.s32 @!p0 s3, s7;
	s7 =	simm.s32 @!p0 $0x108  }
0x21: {  	s3 =	sadd.s32 s3, s9;
	s6 =	sadd.s32 @!p0 $0x88, s6;
	s7 =	simm.s32 @p2 $0x1082  }
0x22: {  	[simem:s7], [sflag:s8] =	dma.local @!p0 [hbm:s6], $0xF7A  }
0x23: {  	s9 =	sor.u32 $0xD0000000, s2;
	s6 =	simm.s32 $0x108;
	_ =	swait.ge @!p0 [sflag:s8], $0x0  }
0x24: {  	s3 =	sadd.s32 $0x88, s3;
	s6 =	simm.s32 @!p1 $0x1082;
	[sflag:s4] =	ssyncset.s32 $0xFFFFF086  }
0x25: {  	[simem:s6], [sflag:s4] =	dma.local [hbm:s3], $0xF7A  }
0x26: {  	[smem:$0x3F92] =	sst s1;
	(tag) =	ssettag s2;
	_ =	strace s9  }
0x27: {  	s1 =	sld [smem:$0x3FA2]  }
0x28: {  	s2 =	sld [smem:$0x3FA3]  }
0x29: {  	s4 =	sld [smem:$0x3FA5]  }
0x2a: {  	p0 =	seq.s32 s5, $0x0;
	s5 =	sld [smem:$0x3FA6]  }
0x2b: {  	s6 =	sld [smem:$0x3FA7]  }
0x2c: {  	s7 =	sld [smem:$0x3FA8]  }
0x2d: {  	s3 =	simm.s32 $0x108;
	s8 =	sld [smem:$0x3FA9]  }
0x2e: {  	s3 =	simm.s32 @!p0 $0x1082;
	s9 =	sld [smem:$0x3FAA]  }
0x2f: {  	lr =	sadd.s32 s0, s3;
	s0 =	sld [smem:$0x3FA1]  }
0x30: {  	s3 =	sld [smem:$0x3FA4]  }
0x31: {  	[smem:$0x3FAD] =	sst s10  }
0x32: {  	s10 =	sld [smem:$0x3FAB];
	_ =	sdelay $0x3  }
0x33: {  	p0 =	seq.s32 s10, $0x1;
	s10 =	sld [smem:$0x3FAD];
	_ =	sdelay $0x3  }
0x34: {  	[smem:$0x3FAD] =	sst s10  }
0x35: {  	s10 =	sld [smem:$0x3FAC];
	_ =	sdelay $0x3  }
0x36: {  	p1 =	seq.s32 s10, $0x1;
	s10 =	sld [smem:$0x3FAD];
	_ =	sdelay $0x3  }
0x37: {  	[smem:$0x3FAD] =	sst s10  }
0x38: {  	s10 =	sld [smem:$0x3FAE]  }
0x39: {  	_ = 	snop;
	(pc) =	sbr.ind lr, $3  }
0x3a: {  	_ = 	snop  }
0x3b: {  	_ = 	snop  }
0x3c: {  	p2 =	seq.s32 s10, $0x1;
	s10 =	sld [smem:$0x3FAD]  }
0x3d: {  	_ =	shalt  }
0x3e: {  	_ =	shalt  }
0x3f: {  	_ =	shalt  }
0x40: {  	_ =	shalt  }
0x41: {  	_ =	shalt  }
0x42: {  	_ =	shalt  }
0x43: {  	_ =	shalt  }
0x44: {  	_ =	shalt  }
0x45: {  	_ =	shalt  }
0x46: {  	_ =	shalt  }
0x47: {  	_ =	shalt  }
0x48: {  	_ =	shalt  }
0x49: {  	_ =	shalt  }
0x4a: {  	_ =	shalt  }
0x4b: {  	_ =	shalt  }
0x4c: {  	_ =	shalt  }
0x4d: {  	_ =	shalt  }
0x4e: {  	_ =	shalt  }
0x4f: {  	_ =	shalt  }
0x50: {  	_ =	shalt  }
0x51: {  	_ =	shalt  }
0x52: {  	_ =	shalt  }
0x53: {  	_ =	shalt  }
0x54: {  	_ =	shalt  }
0x55: {  	_ =	shalt  }
0x56: {  	_ =	shalt  }
0x57: {  	_ =	shalt  }
0x58: {  	_ =	shalt  }
0x59: {  	_ =	shalt  }
0x5a: {  	_ =	shalt  }
0x5b: {  	_ =	shalt  }
0x5c: {  	_ =	shalt  }
0x5d: {  	_ =	shalt  }
0x5e: {  	_ =	shalt  }
0x5f: {  	_ =	shalt  }
0x60: {  	_ =	shalt  }
0x61: {  	_ =	shalt  }
0x62: {  	_ =	shalt  }
0x63: {  	_ =	shalt  }
0x64: {  	_ =	shalt  }
0x65: {  	_ =	shalt  }
0x66: {  	_ =	shalt  }
0x67: {  	_ =	shalt  }
0x68: {  	_ =	shalt  }
0x69: {  	_ =	shalt  }
0x6a: {  	_ =	shalt  }
0x6b: {  	_ =	shalt  }
0x6c: {  	_ =	shalt  }
0x6d: {  	_ =	shalt  }
0x6e: {  	_ =	shalt  }
0x6f: {  	_ =	shalt  }
0x70: {  	_ =	shalt  }
0x71: {  	_ =	shalt  }
0x72: {  	_ =	shalt  }
0x73: {  	_ =	shalt  }
0x74: {  	_ =	shalt  }
0x75: {  	_ =	shalt  }
0x76: {  	_ =	shalt  }
0x77: {  	_ =	shalt  }
0x78: {  	_ =	shalt  }
0x79: {  	_ =	shalt  }
0x7a: {  	_ =	shalt  }
0x7b: {  	_ =	shalt  }
0x7c: {  	_ =	shalt  }
0x7d: {  	_ =	shalt  }
0x7e: {  	_ =	shalt  }
0x7f: {  	_ =	shalt  }
0x80: {  	_ =	shalt  }
0x81: {  	_ =	shalt  }
0x82: {  	_ =	shalt  }
0x83: {  	_ =	shalt  }
0x84: {  	_ =	shalt  }
0x85: {  	_ =	shalt  }
0x86: {  	_ =	shalt  }
0x87: {  	_ =	shalt  }
.Lfunc_end0:
.L_simem_size_0:
called_computation.4_lowered:
.L_overlay_start_0:
0x88: {  	s2 =	sld [smem:$0x3FD9]  }
0x89: {  	s3 =	sld [smem:$0x3FFE];
	_ =	sdelay $0x1  }
0x8a: {  	s1 =	srdreg.scid  }
0x8b: {  	s0 =	sand.u32 $0x1, s1  }
0x8c: {  	s16 =	sshll.u32 s0, $0xA;
	s2 =	sadd.s32 s3, s2  }
0x8d: {  	s2 =	sadd.s32 s2, s16  }
0x8e: {  	[smem:$0x3FB9] =	sst s2  }
0x8f: {  	_ = 	snop  }
0x90: {  	(tm) =	ssettm $0x1  }
0x91: {  	s17 =	sld [smem:$0x3FFB];
	_ =	sdelay $0x3  }
0x92: {  	_ =	strace s17  }
0x93: {  	s2 =	sld [smem:$0x3FFC];
	_ =	sdelay $0x3  }
0x94: {  	_ =	strace s2  }
0x95: {  	s2 =	sld [smem:$0x3FFD];
	_ =	sdelay $0x3  }
0x96: {  	_ =	strace s2  }
0x97: {  	_ =	strace $0x8FFFFFFF  }
0x98: {  	s18 =	sld [smem:$0x3FDB];
	_ =	sdelay $0x1  }
0x99: {  	s19 =	simm.s32 $_scs_section_size  }
0x9a: {  	s4 =	simm.s32 $_size__tile_overlayer_lowered;
	s5 =	simm.s32 $_tile_overlayer_lowered  }
0x9b: {  	s22 =	simm.s32 $0x1BFF;
	s21 =	sshll.u32 s5, $0x1;
	s2 =	sadd.s32 s19, s18  }
0x9c: {  	s6 =	simm.s32 $0x0;
	s20 =	sshll.u32 s4, $0x1;
	s4 =	sadd.s32 s21, s2  }
0x9d: {  	[timem:s6], [sflag:s22] =	dma.local [hbm:s4], s20  }
0x9e: {  	_ =	swait.ge [sflag:s22], s20  }
0x9f: {  	s3 =	ssub.s32 $0x0, s20;
	[sflag:s22] =	ssyncset.done $0x0  }
0xa0: {  	[sflag:s22] =	ssyncadd.s32 s3;
	_ =	sdelay $0x1  }
0xa1: {  	s23 =	simm.s32 $0x1B8B  }
0xa2: {  	_ =	swait.ge [sflag:s23], $0x1  }
0xa3: {  	[sflag:s23] =	ssyncset.done $0x0  }
0xa4: {  	s25 =	simm.s32 $0x1B8E;
	s24 =	sld [smem:$0x3FFE];
	[sflag:s23] =	ssyncadd.s32 $0xFFFFFFFF  }
0xa5: {  	s26 =	simm.s32 $execute0_lowered;
	[smem:$0x3FD2] =	sst s25  }
0xa6: {  	s4 =	sshll.u32 s26, $0x1;
	_ =	strace $0x80000052;
	[dreg:$0x1] =	wrdreg $0xFFFFFFFF  }
0xa7: {  	s28 =	simm.s32 $_size_execute0_lowered;
	s2 =	sadd.s32 s2, s4;
	[dreg:$0x0] =	wrdreg $0x0  }
0xa8: {  	s4 =	sshll.u32 s28, $0x1;
	[dreg:$0x2] =	wrdreg s2  }
0xa9: {  	[dreg:$0x3] =	wrdreg s4  }
0xaa: {  	[dreg:$0x4] =	wrdreg $0xC0  }
0xab: {  	_ =	task [dreg:s6], $0x5FFFF  }
0xac: {  	[dreg:$0x1] =	wrdreg $0xFFFFFFFF  }
0xad: {  	[dreg:$0x0] =	wrdreg $0x60  }
0xae: {  	[dreg:$0x2] =	wrdreg s24  }
0xaf: {  	[dreg:$0x3] =	wrdreg $0x9  }
0xb0: {  	_ =	task.clear_ibuf [dreg:s6], $0x4FFFF;
	_ =	strace $0x90000052  }
0xb1: {  	s29 =	simm.s32 $0x9;
	_ =	strace $0x80000054  }
0xb2: {  	_ =	swait.ge [sflag:s29], $0x1  }
0xb3: {  	[sflag:s29] =	ssyncadd.s32 $0xFFFFFFFF  }
0xb4: {  	_ =	strace $0x90000054  }
0xb5: {  	_ =	sfence  }
0xb6: {  	s30 =	sld [smem:$0x0];
	_ =	sdelay $0x2  }
0xb7: {  	s31 =	sshll.u32 s1, $0xD;
	s1 =	sshrl.u32 s1, $0x2  }
0xb8: {  	s3 =	sand.u32 $0x4000, s31;
	s1 =	sadd.s32 s1, s30  }
0xb9: {  	s0 =	sor.u32 s3, s0;
	s1 =	sshll.u32 s1, $0x11  }
0xba: {  	s0 =	sor.u32 s1, s0  }
0xbb: {  	s0 =	sadd.s32 $0x8F2B, s0  }
0xbc: {  	[sflag:s0] =	ssyncadd.remote.s32 $0x1  }
0xbd: {  	_ =	sfence.sel $0xFFFF  }
0xbe: {  	[dreg:$0x0] =	wrdreg $0xFFFFFFFF;
	(pc) =	sbr.abs _section_cstart, $3  }
0xbf: {  	[dreg:$0x1] =	wrdreg $0xFFFFFFFF  }
0xc0: {  	_ =	task.clear_ibuf [dreg:s6], $0x2FFFF;
	_ =	strace $0x9FFFFFFF  }
0xc1: {  	(tm) =	ssettm $0x7FFFFFFF  }
tec
execute0_lowered:
.L_overlay_start_1:
0x0: {  	(tag) =	ssettag $0x1  }
0x1: {  	s0 =	srdreg.scid;
	s10 =	stileid.u32  }
0x2: {  	s1 =	rddreg [dreg:$0x0];
	s2 =	simm.s32 $0x0;
	s11 =	simm.s32 $0x8900  }
0x3: {  	s13 =	simm.s32 $0x9100;
	s14 =	simm.s32 $0x9900;
	s15 =	simm.s32 $0xA100  }
0x4: {  	s16 =	simm.s32 $0xA900;
	s17 =	simm.s32 $0xB100;
	s18 =	simm.s32 $0xB900  }
0x5: {  	s19 =	simm.s32 $0xC100;
	s3 =	sshll.u32 s10, $0x1;
	s23 =	smul.u32 $0x4E200, s10  }
0x6: {  	[smem:$0x7FF] =	sst s2;
	s24 =	smul.u32 $0x2710, s10;
	s10 =	simm.s32 $0x80  }
0x7: {  	s20 =	simm.s32 $0xC900;
	_ =	strace $0x80000053;
	[dreg:$0x3] =	wrdreg s10  }
0x8: {  	s21 =	simm.s32 $0xD100;
	s28 =	simm.s32 $0x7900;
	[dreg:$0x4] =	wrdreg s11  }
0x9: {  	s29 =	simm.s32 $0x8100;
	s30 =	simm.s32 $0x1;
	[dreg:$0x5] =	wrdreg s13  }
0xa: {  	s31 =	simm.s32 $0x2;
	s0 =	sand.u32 $0x1, s0;
	[dreg:$0x6] =	wrdreg s14  }
0xb: {  	s5 =	sadd.s32 $0x31600, s1;
	s3 =	sor.u32 s0, s3;
	[dreg:$0x7] =	wrdreg s15  }
0xc: {  	s6 =	ssub.s32 $0x2, s0;
	s26 =	smul.u32 $0x1388, s0;
	[dreg:$0x8] =	wrdreg s16  }
0xd: {  	s0 =	smul.u32 $0x27100, s0;
	s11 =	simm.s32 $0x5;
	[dreg:$0x9] =	wrdreg s17  }
0xe: {  	s13 =	simm.s32 $0x900;
	s14 =	simm.s32 $0x1100;
	[dreg:$0xa] =	wrdreg s18  }
0xf: {  	s15 =	simm.s32 $0x1900;
	s16 =	simm.s32 $0x2100;
	[dreg:$0xb] =	wrdreg s19  }
0x10: {  	s17 =	simm.s32 $0x2900;
	[dreg:$0xc] =	wrdreg s20;
	s18 =	simm.s32 $0x3100  }
0x11: {  	[dreg:$0xd] =	wrdreg s21;
	s19 =	simm.s32 $0x3900;
	s20 =	simm.s32 $0x4100  }
0x12: {  	s21 =	simm.s32 $0x4900;
	s4 =	smul.u32 $0x1388, s3;
	s8 =	sshrl.u32 s6, $0x1  }
0x13: {  	s3 =	sadd.s32 $0x5BAA00, s1;
	s1 =	sadd.s32 $0x36600, s1;
	s6 =	ssub.s32 s6, s8  }
0x14: {  	s7 =	sadd.s32 $0x1300, s4;
	s4 =	sadd.s32 $0x1380, s4;
	s6 =	smax.u32 s6, $0x1  }
0x15: {  	s9 =	sshrl.u32 s7, $0x3;
	s7 =	sshll.u32 s7, $0x5;
	s25 =	sshrl.u32 s4, $0x3  }
0x16: {  	s4 =	sshll.u32 s4, $0x5;
	[dreg:$0x17] =	wrdreg s6;
	s22 =	sadd.s32 s5, s9  }
0x17: {  	s7 =	sadd.s32 s1, s7;
	s4 =	sadd.s32 s1, s4;
	[dreg:$0x13] =	wrdreg s22  }
0x18: {  	s1 =	sadd.s32 s23, s1;
	s23 =	simm.s32 $0xE100;
	[dreg:$0x14] =	wrdreg s7  }
0x19: {  	s7 =	sadd.s32 s5, s25;
	[dreg:$0x16] =	wrdreg s4;
	s0 =	sadd.s32 s0, s1  }
0x1a: {  	s22 =	simm.s32 $0xD900;
	[dreg:$0xf] =	wrdreg s23;
	s25 =	simm.s32 $0xF100  }
0x1b: {  	s23 =	simm.s32 $0x5900;
	s1 =	simm.s32 $0x3;
	[dreg:$0x15] =	wrdreg s7  }
0x1c: {  	s4 =	simm.s32 $0x0;
	s7 =	sadd.s32 s26, s24;
	[dreg:$0x2] =	wrdreg s0  }
0x1d: {  	[dreg:$0xe] =	wrdreg s22;
	s24 =	simm.s32 $0xE900;
	s22 =	simm.s32 $0x5100  }
0x1e: {  	[dreg:$0x11] =	wrdreg s25;
	s26 =	simm.s32 $0xF900;
	s25 =	simm.s32 $0x6900  }
0x1f: {  	s8 =	sadd.s32 $0x80, s7;
	s12 =	sshrl.u32 s7, $0x3;
	[dreg:$0x10] =	wrdreg s24  }
0x20: {  	v2 =	vlaneseq.u32;
	s24 =	simm.s32 $0x6100;
	[dreg:$0x12] =	wrdreg s26;
	s9 =	sshrl.u32 s8, $0x3  }
0x21: {  	vm0 =	vmmov $0xffff;
	v1 =	vshrl.u32 v2, $0x3;
	s26 =	simm.s32 $0x7100;
	s0 =	sadd.s32 s9, s5;
	s5 =	sadd.s32 s12, s5  }
0x22: {  	v0 =	vand.u32 $0x7, v2;
	v2 =	vor.u32 $0x8, v2;
	v1 =	vmul.u32 $0x8, v1;
	s12 =	simm.s32 $0x100;
	[dreg:$0x18] =	wrdreg s0;
	s0 =	simm.s32 $0x4  }
.LBB2_1:
0x23: {  	s10 =	smov.u32 s5;
	s9 =	rddreg [dreg:$0x18];
	s7 =	simm.s32 $0x0  }
.LBB2_2:
0x24: {  	[tilespmem:s2], [sflag:$0x5] =	stream.linear.gather [hbm4b:s10+s2], $0x80, $0x38;
	[tilespmem:$0x10100] =	vst v63  }
0x25: {  	_ =	swait.ge [sflag:s11], $0x80  }
0x26: {  	p0 =	seq.s32 s7, $0x0;
	[sflag:s11] =	ssyncset.done $0x0  }
0x27: {  	s8 =	simm.s32 @!p0 $0x3;
	[sflag:s11] =	ssyncadd.s32 $0xFFFFFF80  }
0x28: {  	_ =	swait.ge @!p0 [sflag:s8], $0x8000  }
0x29: {  	[sflag:s8] =	ssyncset.done @!p0 $0x0  }
0x2a: {  	[sflag:s8] =	ssyncadd.s32 @!p0 $0xFFFF8000  }
0x2b: {  	v3 =	vld [tilespmem:$0x0];
	_ =	sdelay $0x4  }
0x2c: {  	v4 =	vshll.u32 v3, $0x1  }
0x2d: {  	v3 =	vand.u32 $0x7, v3;
	v4 =	vand.u32 $0xFFFFFFF0, v4  }
0x2e: {  	v3 =	vor.u32 v3, v4  }
0x2f: {  	v4 =	vperm.xlane v3, v0;
	_ =	sdelay $0x1  }
0x30: {  	v3 =	vperm.xlane v3, v2;
	v4 =	vadd.s32 v1, v4;
	_ =	sdelay $0x1  }
0x31: {  	v3 =	vadd.s32 v1, v3;
	_ =	sdelay $0x2  }
0x32: {  	[tilespmem:s12], [sflag:$0x1] =	stream.indirect_vreg.gather [hbm4b:s3+s2], $0x80, v4, vm0, $0xb8;
	[tilespmem:$0x10100] =	vst v63  }
0x33: {  	_ = 	snop  }
0x34: {  	[tilespmem:s13], [sflag:$0x1] =	stream.indirect_vreg.gather [hbm4b:s3+s2], $0x80, v3, vm0, $0xb8;
	[tilespmem:$0x10100] =	vst v63  }
0x35: {  	v3 =	vld [tilespmem:$0x10];
	_ =	sdelay $0x4  }
0x36: {  	v49 =	vshll.u32 v3, $0x1  }
0x37: {  	v3 =	vand.u32 $0x7, v3;
	v4 =	vand.u32 $0xFFFFFFF0, v49  }
0x38: {  	v3 =	vor.u32 v3, v4  }
0x39: {  	v4 =	vperm.xlane v3, v0;
	_ =	sdelay $0x1  }
0x3a: {  	v3 =	vperm.xlane v3, v2;
	v4 =	vadd.s32 v1, v4;
	_ =	sdelay $0x1  }
0x3b: {  	v3 =	vadd.s32 v1, v3;
	_ =	sdelay $0x2  }
0x3c: {  	[tilespmem:s14], [sflag:$0x1] =	stream.indirect_vreg.gather [hbm4b:s3+s2], $0x80, v4, vm0, $0xb8;
	[tilespmem:$0x10100] =	vst v63  }
0x3d: {  	_ = 	snop  }
0x3e: {  	[tilespmem:s15], [sflag:$0x1] =	stream.indirect_vreg.gather [hbm4b:s3+s2], $0x80, v3, vm0, $0xb8;
	[tilespmem:$0x10100] =	vst v63  }
0x3f: {  	v3 =	vld [tilespmem:$0x20];
	_ =	sdelay $0x4  }
0x40: {  	v50 =	vshll.u32 v3, $0x1  }
0x41: {  	v3 =	vand.u32 $0x7, v3;
	v4 =	vand.u32 $0xFFFFFFF0, v50  }
0x42: {  	v3 =	vor.u32 v3, v4  }
0x43: {  	v4 =	vperm.xlane v3, v0;
	_ =	sdelay $0x1  }
0x44: {  	v3 =	vperm.xlane v3, v2;
	v4 =	vadd.s32 v1, v4;
	_ =	sdelay $0x1  }
0x45: {  	v3 =	vadd.s32 v1, v3;
	_ =	sdelay $0x2  }
0x46: {  	[tilespmem:s16], [sflag:$0x1] =	stream.indirect_vreg.gather [hbm4b:s3+s2], $0x80, v4, vm0, $0xb8;
	[tilespmem:$0x10100] =	vst v63  }
0x47: {  	_ = 	snop  }
0x48: {  	[tilespmem:s17], [sflag:$0x1] =	stream.indirect_vreg.gather [hbm4b:s3+s2], $0x80, v3, vm0, $0xb8;
	[tilespmem:$0x10100] =	vst v63  }
0x49: {  	v3 =	vld [tilespmem:$0x30];
	_ =	sdelay $0x4  }
0x4a: {  	v51 =	vshll.u32 v3, $0x1  }
0x4b: {  	v3 =	vand.u32 $0x7, v3;
	v4 =	vand.u32 $0xFFFFFFF0, v51  }
0x4c: {  	v3 =	vor.u32 v3, v4  }
0x4d: {  	v4 =	vperm.xlane v3, v0;
	_ =	sdelay $0x1  }
0x4e: {  	v3 =	vperm.xlane v3, v2;
	v4 =	vadd.s32 v1, v4;
	_ =	sdelay $0x1  }
0x4f: {  	v3 =	vadd.s32 v1, v3;
	_ =	sdelay $0x2  }
0x50: {  	[tilespmem:s18], [sflag:$0x1] =	stream.indirect_vreg.gather [hbm4b:s3+s2], $0x80, v4, vm0, $0xb8;
	[tilespmem:$0x10100] =	vst v63  }
0x51: {  	_ = 	snop  }
0x52: {  	[tilespmem:s19], [sflag:$0x1] =	stream.indirect_vreg.gather [hbm4b:s3+s2], $0x80, v3, vm0, $0xb8;
	[tilespmem:$0x10100] =	vst v63  }
0x53: {  	v3 =	vld [tilespmem:$0x40];
	_ =	sdelay $0x4  }
0x54: {  	v52 =	vshll.u32 v3, $0x1  }
0x55: {  	v3 =	vand.u32 $0x7, v3;
	v4 =	vand.u32 $0xFFFFFFF0, v52  }
0x56: {  	v3 =	vor.u32 v3, v4  }
0x57: {  	v4 =	vperm.xlane v3, v0;
	_ =	sdelay $0x1  }
0x58: {  	v3 =	vperm.xlane v3, v2;
	v4 =	vadd.s32 v1, v4;
	_ =	sdelay $0x1  }
0x59: {  	v3 =	vadd.s32 v1, v3;
	_ =	sdelay $0x2  }
0x5a: {  	[tilespmem:s20], [sflag:$0x1] =	stream.indirect_vreg.gather [hbm4b:s3+s2], $0x80, v4, vm0, $0xb8;
	[tilespmem:$0x10100] =	vst v63  }
0x5b: {  	_ = 	snop  }
0x5c: {  	[tilespmem:s21], [sflag:$0x1] =	stream.indirect_vreg.gather [hbm4b:s3+s2], $0x80, v3, vm0, $0xb8;
	[tilespmem:$0x10100] =	vst v63  }
0x5d: {  	v3 =	vld [tilespmem:$0x50];
	_ =	sdelay $0x4  }
0x5e: {  	v53 =	vshll.u32 v3, $0x1  }
0x5f: {  	v3 =	vand.u32 $0x7, v3;
	v4 =	vand.u32 $0xFFFFFFF0, v53  }
0x60: {  	v3 =	vor.u32 v3, v4  }
0x61: {  	v4 =	vperm.xlane v3, v0;
	_ =	sdelay $0x1  }
0x62: {  	v3 =	vperm.xlane v3, v2;
	v4 =	vadd.s32 v1, v4;
	_ =	sdelay $0x1  }
0x63: {  	v3 =	vadd.s32 v1, v3;
	_ =	sdelay $0x2  }
0x64: {  	[tilespmem:s22], [sflag:$0x1] =	stream.indirect_vreg.gather [hbm4b:s3+s2], $0x80, v4, vm0, $0xb8;
	[tilespmem:$0x10100] =	vst v63  }
0x65: {  	_ = 	snop  }
0x66: {  	[tilespmem:s23], [sflag:$0x1] =	stream.indirect_vreg.gather [hbm4b:s3+s2], $0x80, v3, vm0, $0xb8;
	[tilespmem:$0x10100] =	vst v63  }
0x67: {  	v3 =	vld [tilespmem:$0x60];
	_ =	sdelay $0x4  }
0x68: {  	v54 =	vshll.u32 v3, $0x1  }
0x69: {  	v3 =	vand.u32 $0x7, v3;
	v4 =	vand.u32 $0xFFFFFFF0, v54  }
0x6a: {  	v3 =	vor.u32 v3, v4  }
0x6b: {  	v4 =	vperm.xlane v3, v0;
	_ =	sdelay $0x1  }
0x6c: {  	v3 =	vperm.xlane v3, v2;
	v4 =	vadd.s32 v1, v4;
	_ =	sdelay $0x1  }
0x6d: {  	v3 =	vadd.s32 v1, v3;
	_ =	sdelay $0x2  }
0x6e: {  	[tilespmem:s24], [sflag:$0x1] =	stream.indirect_vreg.gather [hbm4b:s3+s2], $0x80, v4, vm0, $0xb8;
	[tilespmem:$0x10100] =	vst v63  }
0x6f: {  	_ = 	snop  }
0x70: {  	[tilespmem:s25], [sflag:$0x1] =	stream.indirect_vreg.gather [hbm4b:s3+s2], $0x80, v3, vm0, $0xb8;
	[tilespmem:$0x10100] =	vst v63  }
0x71: {  	v3 =	vld [tilespmem:$0x70];
	_ =	sdelay $0x4  }
0x72: {  	v55 =	vshll.u32 v3, $0x1  }
0x73: {  	v3 =	vand.u32 $0x7, v3;
	v4 =	vand.u32 $0xFFFFFFF0, v55  }
0x74: {  	v3 =	vor.u32 v3, v4  }
0x75: {  	v4 =	vperm.xlane v3, v0;
	_ =	sdelay $0x1  }
0x76: {  	v3 =	vperm.xlane v3, v2;
	v4 =	vadd.s32 v1, v4;
	_ =	sdelay $0x1  }
0x77: {  	v3 =	vadd.s32 v1, v3;
	_ =	sdelay $0x2  }
0x78: {  	[tilespmem:s26], [sflag:$0x1] =	stream.indirect_vreg.gather [hbm4b:s3+s2], $0x80, v4, vm0, $0xb8;
	[tilespmem:$0x10100] =	vst v63  }
0x79: {  	_ = 	snop  }
0x7a: {  	[tilespmem:s28], [sflag:$0x1] =	stream.indirect_vreg.gather [hbm4b:s3+s2], $0x80, v3, vm0, $0xb8;
	[tilespmem:$0x10100] =	vst v63  }
0x7b: {  	s6 =	rddreg [dreg:$0x3]  }
0x7c: {  	[tilespmem:s6], [sflag:$0x5] =	stream.linear.gather [hbm4b:s9+s2], $0x80, $0x38;
	[tilespmem:$0x10100] =	vst v63  }
0x7d: {  	_ =	swait.ge [sflag:s11], $0x80  }
0x7e: {  	[sflag:s11] =	ssyncset.done $0x0  }
0x7f: {  	s8 =	simm.s32 @!p0 $0x4;
	[sflag:s11] =	ssyncadd.s32 $0xFFFFFF80  }
0x80: {  	_ =	swait.ge @!p0 [sflag:s8], $0x8000  }
0x81: {  	[sflag:s8] =	ssyncset.done @!p0 $0x0  }
0x82: {  	[sflag:s8] =	ssyncadd.s32 @!p0 $0xFFFF8000  }
0x83: {  	v3 =	vld [tilespmem:$0x80];
	_ =	sdelay $0x4  }
0x84: {  	v56 =	vshll.u32 v3, $0x1  }
0x85: {  	v3 =	vand.u32 $0x7, v3;
	v4 =	vand.u32 $0xFFFFFFF0, v56  }
0x86: {  	v3 =	vor.u32 v3, v4  }
0x87: {  	v4 =	vperm.xlane v3, v0;
	_ =	sdelay $0x1  }
0x88: {  	v3 =	vperm.xlane v3, v2;
	v4 =	vadd.s32 v1, v4;
	_ =	sdelay $0x1  }
0x89: {  	v3 =	vadd.s32 v1, v3;
	_ =	sdelay $0x2  }
0x8a: {  	[tilespmem:s29], [sflag:$0x2] =	stream.indirect_vreg.gather [hbm4b:s3+s2], $0x80, v4, vm0, $0xb8;
	[tilespmem:$0x10100] =	vst v63  }
0x8b: {  	s6 =	rddreg [dreg:$0x4]  }
0x8c: {  	[tilespmem:s6], [sflag:$0x2] =	stream.indirect_vreg.gather [hbm4b:s3+s2], $0x80, v3, vm0, $0xb8;
	[tilespmem:$0x10100] =	vst v63  }
0x8d: {  	v3 =	vld [tilespmem:$0x90];
	_ =	sdelay $0x4  }
0x8e: {  	v57 =	vshll.u32 v3, $0x1  }
0x8f: {  	v3 =	vand.u32 $0x7, v3;
	v4 =	vand.u32 $0xFFFFFFF0, v57  }
0x90: {  	v3 =	vor.u32 v3, v4  }
0x91: {  	v4 =	vperm.xlane v3, v0;
	_ =	sdelay $0x1  }
0x92: {  	v3 =	vperm.xlane v3, v2;
	v4 =	vadd.s32 v1, v4;
	_ =	sdelay $0x1  }
0x93: {  	v3 =	vadd.s32 v1, v3;
	_ =	sdelay $0x1  }
0x94: {  	s8 =	rddreg [dreg:$0x5]  }
0x95: {  	[tilespmem:s8], [sflag:$0x2] =	stream.indirect_vreg.gather [hbm4b:s3+s2], $0x80, v4, vm0, $0xb8;
	[tilespmem:$0x10100] =	vst v63  }
0x96: {  	s6 =	rddreg [dreg:$0x6]  }
0x97: {  	[tilespmem:s6], [sflag:$0x2] =	stream.indirect_vreg.gather [hbm4b:s3+s2], $0x80, v3, vm0, $0xb8;
	[tilespmem:$0x10100] =	vst v63  }
0x98: {  	v3 =	vld [tilespmem:$0xA0];
	_ =	sdelay $0x4  }
0x99: {  	v58 =	vshll.u32 v3, $0x1  }
0x9a: {  	v3 =	vand.u32 $0x7, v3;
	v4 =	vand.u32 $0xFFFFFFF0, v58  }
0x9b: {  	v3 =	vor.u32 v3, v4  }
0x9c: {  	v4 =	vperm.xlane v3, v0;
	_ =	sdelay $0x1  }
0x9d: {  	v3 =	vperm.xlane v3, v2;
	v4 =	vadd.s32 v1, v4;
	_ =	sdelay $0x1  }
0x9e: {  	v3 =	vadd.s32 v1, v3;
	_ =	sdelay $0x1  }
0x9f: {  	s6 =	rddreg [dreg:$0x7]  }
0xa0: {  	[tilespmem:s6], [sflag:$0x2] =	stream.indirect_vreg.gather [hbm4b:s3+s2], $0x80, v4, vm0, $0xb8;
	[tilespmem:$0x10100] =	vst v63  }
0xa1: {  	s8 =	rddreg [dreg:$0x8]  }
0xa2: {  	[tilespmem:s8], [sflag:$0x2] =	stream.indirect_vreg.gather [hbm4b:s3+s2], $0x80, v3, vm0, $0xb8;
	[tilespmem:$0x10100] =	vst v63  }
0xa3: {  	v3 =	vld [tilespmem:$0xB0];
	_ =	sdelay $0x4  }
0xa4: {  	v59 =	vshll.u32 v3, $0x1  }
0xa5: {  	v3 =	vand.u32 $0x7, v3;
	v4 =	vand.u32 $0xFFFFFFF0, v59  }
0xa6: {  	v3 =	vor.u32 v3, v4  }
0xa7: {  	v4 =	vperm.xlane v3, v0;
	_ =	sdelay $0x1  }
0xa8: {  	v3 =	vperm.xlane v3, v2;
	v4 =	vadd.s32 v1, v4;
	_ =	sdelay $0x1  }
0xa9: {  	v3 =	vadd.s32 v1, v3;
	_ =	sdelay $0x1  }
0xaa: {  	s6 =	rddreg [dreg:$0x9]  }
0xab: {  	[tilespmem:s6], [sflag:$0x2] =	stream.indirect_vreg.gather [hbm4b:s3+s2], $0x80, v4, vm0, $0xb8;
	[tilespmem:$0x10100] =	vst v63  }
0xac: {  	s8 =	rddreg [dreg:$0xa]  }
0xad: {  	[tilespmem:s8], [sflag:$0x2] =	stream.indirect_vreg.gather [hbm4b:s3+s2], $0x80, v3, vm0, $0xb8;
	[tilespmem:$0x10100] =	vst v63  }
0xae: {  	v3 =	vld [tilespmem:$0xC0];
	_ =	sdelay $0x4  }
0xaf: {  	v60 =	vshll.u32 v3, $0x1  }
0xb0: {  	v3 =	vand.u32 $0x7, v3;
	v4 =	vand.u32 $0xFFFFFFF0, v60  }
0xb1: {  	v3 =	vor.u32 v3, v4  }
0xb2: {  	v4 =	vperm.xlane v3, v0;
	_ =	sdelay $0x1  }
0xb3: {  	v3 =	vperm.xlane v3, v2;
	v4 =	vadd.s32 v1, v4;
	_ =	sdelay $0x1  }
0xb4: {  	v3 =	vadd.s32 v1, v3;
	_ =	sdelay $0x1  }
0xb5: {  	s6 =	rddreg [dreg:$0xb]  }
0xb6: {  	[tilespmem:s6], [sflag:$0x2] =	stream.indirect_vreg.gather [hbm4b:s3+s2], $0x80, v4, vm0, $0xb8;
	[tilespmem:$0x10100] =	vst v63  }
0xb7: {  	s8 =	rddreg [dreg:$0xc]  }
0xb8: {  	[tilespmem:s8], [sflag:$0x2] =	stream.indirect_vreg.gather [hbm4b:s3+s2], $0x80, v3, vm0, $0xb8;
	[tilespmem:$0x10100] =	vst v63  }
0xb9: {  	v3 =	vld [tilespmem:$0xD0];
	_ =	sdelay $0x4  }
0xba: {  	v61 =	vshll.u32 v3, $0x1  }
0xbb: {  	v3 =	vand.u32 $0x7, v3;
	v4 =	vand.u32 $0xFFFFFFF0, v61  }
0xbc: {  	v3 =	vor.u32 v3, v4  }
0xbd: {  	v4 =	vperm.xlane v3, v0;
	_ =	sdelay $0x1  }
0xbe: {  	v3 =	vperm.xlane v3, v2;
	v4 =	vadd.s32 v1, v4;
	_ =	sdelay $0x1  }
0xbf: {  	v3 =	vadd.s32 v1, v3;
	_ =	sdelay $0x1  }
0xc0: {  	s6 =	rddreg [dreg:$0xd]  }
0xc1: {  	[tilespmem:s6], [sflag:$0x2] =	stream.indirect_vreg.gather [hbm4b:s3+s2], $0x80, v4, vm0, $0xb8;
	[tilespmem:$0x10100] =	vst v63  }
0xc2: {  	s8 =	rddreg [dreg:$0xe]  }
0xc3: {  	[tilespmem:s8], [sflag:$0x2] =	stream.indirect_vreg.gather [hbm4b:s3+s2], $0x80, v3, vm0, $0xb8;
	[tilespmem:$0x10100] =	vst v63  }
0xc4: {  	v3 =	vld [tilespmem:$0xE0];
	_ =	sdelay $0x4  }
0xc5: {  	v62 =	vshll.u32 v3, $0x1  }
0xc6: {  	v3 =	vand.u32 $0x7, v3;
	v4 =	vand.u32 $0xFFFFFFF0, v62  }
0xc7: {  	v3 =	vor.u32 v3, v4  }
0xc8: {  	v4 =	vperm.xlane v3, v0;
	_ =	sdelay $0x1  }
0xc9: {  	v3 =	vperm.xlane v3, v2;
	v4 =	vadd.s32 v1, v4;
	_ =	sdelay $0x1  }
0xca: {  	v3 =	vadd.s32 v1, v3;
	_ =	sdelay $0x1  }
0xcb: {  	s6 =	rddreg [dreg:$0xf]  }
0xcc: {  	[tilespmem:s6], [sflag:$0x2] =	stream.indirect_vreg.gather [hbm4b:s3+s2], $0x80, v4, vm0, $0xb8;
	[tilespmem:$0x10100] =	vst v63  }
0xcd: {  	s8 =	rddreg [dreg:$0x10]  }
0xce: {  	[tilespmem:s8], [sflag:$0x2] =	stream.indirect_vreg.gather [hbm4b:s3+s2], $0x80, v3, vm0, $0xb8;
	[tilespmem:$0x10100] =	vst v63  }
0xcf: {  	v3 =	vld [tilespmem:$0xF0];
	_ =	sdelay $0x4  }
0xd0: {  	v63 =	vshll.u32 v3, $0x1  }
0xd1: {  	v3 =	vand.u32 $0x7, v3;
	v4 =	vand.u32 $0xFFFFFFF0, v63  }
0xd2: {  	v3 =	vor.u32 v3, v4  }
0xd3: {  	v4 =	vperm.xlane v3, v0;
	_ =	sdelay $0x1  }
0xd4: {  	v3 =	vperm.xlane v3, v2;
	v4 =	vadd.s32 v1, v4;
	_ =	sdelay $0x1  }
0xd5: {  	v3 =	vadd.s32 v1, v3;
	_ =	sdelay $0x1  }
0xd6: {  	s6 =	rddreg [dreg:$0x11]  }
0xd7: {  	[tilespmem:s6], [sflag:$0x2] =	stream.indirect_vreg.gather [hbm4b:s3+s2], $0x80, v4, vm0, $0xb8;
	[tilespmem:$0x10100] =	vst v63  }
0xd8: {  	s8 =	rddreg [dreg:$0x12]  }
0xd9: {  	[tilespmem:s8], [sflag:$0x2] =	stream.indirect_vreg.gather [hbm4b:s3+s2], $0x80, v3, vm0, $0xb8;
	[tilespmem:$0x10100] =	vst v63  }
0xda: {  	_ =	swait.ge [sflag:s30], $0x8000  }
0xdb: {  	s8 =	rddreg [dreg:$0x2];
	[sflag:s30] =	ssyncset.done $0x0  }
0xdc: {  	[sflag:s30] =	ssyncadd.s32 $0xFFFF8000;
	s6 =	sadd.s32 s7, s8;
	s7 =	sadd.s32 $0x2000, s7  }
0xdd: {  	[hbm4b:s6+s2] =	stream.linear.scatter [tilespmem:s12], [sflag:$0x3], $0x8000, $0x38;
	[tilespmem:$0x10100] =	vst v63  }
0xde: {  	p0 =	sne.s32 s7, $0x26000  }
.Ltmp0:
0xdf: {  	_ = 	snop;
	(pc) =	sbr.rel @p0 .LBB2_2-.Ltmp0, $4  }
0xe0: {  	_ =	swait.ge [sflag:s31], $0x8000  }
0xe1: {  	s10 =	sadd.s32 $0x20, s10;
	[sflag:s31] =	ssyncset.done $0x0  }
0xe2: {  	s9 =	sadd.s32 $0x20, s9;
	s6 =	sadd.s32 $0x1000, s6;
	[sflag:s31] =	ssyncadd.s32 $0xFFFF8000  }
0xe3: {  	[hbm4b:s6+s2] =	stream.linear.scatter [tilespmem:s29], [sflag:$0x4], $0x8000, $0x38;
	[tilespmem:$0x10100] =	vst v63  }
0xe4: {  	_ =	swait.ge [sflag:s1], $0x8000  }
0xe5: {  	[sflag:s1] =	ssyncset.done $0x0  }
0xe6: {  	[sflag:s1] =	ssyncadd.s32 $0xFFFF8000  }
0xe7: {  	_ =	swait.ge [sflag:s0], $0x8000  }
0xe8: {  	[sflag:s0] =	ssyncset.done $0x0  }
0xe9: {  	s6 =	rddreg [dreg:$0x13];
	[sflag:s0] =	ssyncadd.s32 $0xFFFF8000  }
0xea: {  	[tilespmem:s2], [sflag:$0x5] =	stream.linear.gather [hbm4b:s6+s2], $0x80, $0x38;
	[tilespmem:$0x10100] =	vst v63  }
0xeb: {  	_ =	swait.ge [sflag:s11], $0x80  }
0xec: {  	[sflag:s11] =	ssyncset.done $0x0  }
0xed: {  	[sflag:s11] =	ssyncadd.s32 $0xFFFFFF80  }
0xee: {  	v3 =	vld [tilespmem:$0x0];
	_ =	sdelay $0x4  }
0xef: {  	v4 =	vshll.u32 v3, $0x1  }
0xf0: {  	v3 =	vand.u32 $0x7, v3;
	v4 =	vand.u32 $0xFFFFFFF0, v4  }
0xf1: {  	v3 =	vor.u32 v3, v4  }
0xf2: {  	v4 =	vperm.xlane v3, v0;
	_ =	sdelay $0x1  }
0xf3: {  	v3 =	vperm.xlane v3, v2;
	v4 =	vadd.s32 v1, v4;
	_ =	sdelay $0x1  }
0xf4: {  	v3 =	vadd.s32 v1, v3;
	_ =	sdelay $0x2  }
0xf5: {  	[tilespmem:s12], [sflag:$0x1] =	stream.indirect_vreg.gather [hbm4b:s3+s2], $0x80, v4, vm0, $0xb8;
	[tilespmem:$0x10100] =	vst v63  }
0xf6: {  	_ = 	snop  }
0xf7: {  	[tilespmem:s13], [sflag:$0x1] =	stream.indirect_vreg.gather [hbm4b:s3+s2], $0x80, v3, vm0, $0xb8;
	[tilespmem:$0x10100] =	vst v63  }
0xf8: {  	v3 =	vld [tilespmem:$0x10];
	_ =	sdelay $0x4  }
0xf9: {  	v56 =	vshll.u32 v3, $0x1  }
0xfa: {  	v3 =	vand.u32 $0x7, v3;
	v4 =	vand.u32 $0xFFFFFFF0, v56  }
0xfb: {  	v3 =	vor.u32 v3, v4  }
0xfc: {  	v4 =	vperm.xlane v3, v0;
	_ =	sdelay $0x1  }
0xfd: {  	v3 =	vperm.xlane v3, v2;
	v4 =	vadd.s32 v1, v4;
	_ =	sdelay $0x1  }
0xfe: {  	v3 =	vadd.s32 v1, v3;
	_ =	sdelay $0x2  }
0xff: {  	[tilespmem:s14], [sflag:$0x1] =	stream.indirect_vreg.gather [hbm4b:s3+s2], $0x80, v4, vm0, $0xb8;
	[tilespmem:$0x10100] =	vst v63  }
0x100: {  	_ = 	snop  }
0x101: {  	[tilespmem:s15], [sflag:$0x1] =	stream.indirect_vreg.gather [hbm4b:s3+s2], $0x80, v3, vm0, $0xb8;
	[tilespmem:$0x10100] =	vst v63  }
0x102: {  	v3 =	vld [tilespmem:$0x20];
	_ =	sdelay $0x4  }
0x103: {  	v57 =	vshll.u32 v3, $0x1  }
0x104: {  	v3 =	vand.u32 $0x7, v3;
	v4 =	vand.u32 $0xFFFFFFF0, v57  }
0x105: {  	v3 =	vor.u32 v3, v4  }
0x106: {  	v4 =	vperm.xlane v3, v0;
	_ =	sdelay $0x1  }
0x107: {  	v3 =	vperm.xlane v3, v2;
	v4 =	vadd.s32 v1, v4;
	_ =	sdelay $0x1  }
0x108: {  	v3 =	vadd.s32 v1, v3;
	_ =	sdelay $0x2  }
0x109: {  	[tilespmem:s16], [sflag:$0x1] =	stream.indirect_vreg.gather [hbm4b:s3+s2], $0x80, v4, vm0, $0xb8;
	[tilespmem:$0x10100] =	vst v63  }
0x10a: {  	_ = 	snop  }
0x10b: {  	[tilespmem:s17], [sflag:$0x1] =	stream.indirect_vreg.gather [hbm4b:s3+s2], $0x80, v3, vm0, $0xb8;
	[tilespmem:$0x10100] =	vst v63  }
0x10c: {  	v3 =	vld [tilespmem:$0x30];
	_ =	sdelay $0x4  }
0x10d: {  	v58 =	vshll.u32 v3, $0x1  }
0x10e: {  	v3 =	vand.u32 $0x7, v3;
	v4 =	vand.u32 $0xFFFFFFF0, v58  }
0x10f: {  	v3 =	vor.u32 v3, v4  }
0x110: {  	v4 =	vperm.xlane v3, v0;
	_ =	sdelay $0x1  }
0x111: {  	v3 =	vperm.xlane v3, v2;
	v4 =	vadd.s32 v1, v4;
	_ =	sdelay $0x1  }
0x112: {  	v3 =	vadd.s32 v1, v3;
	_ =	sdelay $0x2  }
0x113: {  	[tilespmem:s18], [sflag:$0x1] =	stream.indirect_vreg.gather [hbm4b:s3+s2], $0x80, v4, vm0, $0xb8;
	[tilespmem:$0x10100] =	vst v63  }
0x114: {  	_ = 	snop  }
0x115: {  	[tilespmem:s19], [sflag:$0x1] =	stream.indirect_vreg.gather [hbm4b:s3+s2], $0x80, v3, vm0, $0xb8;
	[tilespmem:$0x10100] =	vst v63  }
0x116: {  	v3 =	vld [tilespmem:$0x40];
	_ =	sdelay $0x4  }
0x117: {  	v59 =	vshll.u32 v3, $0x1  }
0x118: {  	v3 =	vand.u32 $0x7, v3;
	v4 =	vand.u32 $0xFFFFFFF0, v59  }
0x119: {  	v3 =	vor.u32 v3, v4  }
0x11a: {  	v4 =	vperm.xlane v3, v0;
	_ =	sdelay $0x1  }
0x11b: {  	v3 =	vperm.xlane v3, v2;
	v4 =	vadd.s32 v1, v4;
	_ =	sdelay $0x1  }
0x11c: {  	v3 =	vadd.s32 v1, v3;
	_ =	sdelay $0x2  }
0x11d: {  	[tilespmem:s20], [sflag:$0x1] =	stream.indirect_vreg.gather [hbm4b:s3+s2], $0x80, v4, vm0, $0xb8;
	[tilespmem:$0x10100] =	vst v63  }
0x11e: {  	_ = 	snop  }
0x11f: {  	[tilespmem:s21], [sflag:$0x1] =	stream.indirect_vreg.gather [hbm4b:s3+s2], $0x80, v3, vm0, $0xb8;
	[tilespmem:$0x10100] =	vst v63  }
0x120: {  	v3 =	vld [tilespmem:$0x50];
	_ =	sdelay $0x4  }
0x121: {  	v60 =	vshll.u32 v3, $0x1  }
0x122: {  	v3 =	vand.u32 $0x7, v3;
	v4 =	vand.u32 $0xFFFFFFF0, v60  }
0x123: {  	v3 =	vor.u32 v3, v4  }
0x124: {  	v4 =	vperm.xlane v3, v0;
	_ =	sdelay $0x1  }
0x125: {  	v3 =	vperm.xlane v3, v2;
	v4 =	vadd.s32 v1, v4;
	_ =	sdelay $0x1  }
0x126: {  	v3 =	vadd.s32 v1, v3;
	_ =	sdelay $0x2  }
0x127: {  	[tilespmem:s22], [sflag:$0x1] =	stream.indirect_vreg.gather [hbm4b:s3+s2], $0x80, v4, vm0, $0xb8;
	[tilespmem:$0x10100] =	vst v63  }
0x128: {  	_ = 	snop  }
0x129: {  	[tilespmem:s23], [sflag:$0x1] =	stream.indirect_vreg.gather [hbm4b:s3+s2], $0x80, v3, vm0, $0xb8;
	[tilespmem:$0x10100] =	vst v63  }
0x12a: {  	v3 =	vld [tilespmem:$0x60];
	_ =	sdelay $0x4  }
0x12b: {  	v61 =	vshll.u32 v3, $0x1  }
0x12c: {  	v3 =	vand.u32 $0x7, v3;
	v4 =	vand.u32 $0xFFFFFFF0, v61  }
0x12d: {  	v3 =	vor.u32 v3, v4  }
0x12e: {  	v4 =	vperm.xlane v3, v0;
	_ =	sdelay $0x1  }
0x12f: {  	v3 =	vperm.xlane v3, v2;
	v4 =	vadd.s32 v1, v4;
	_ =	sdelay $0x1  }
0x130: {  	v3 =	vadd.s32 v1, v3;
	_ =	sdelay $0x2  }
0x131: {  	[tilespmem:s24], [sflag:$0x1] =	stream.indirect_vreg.gather [hbm4b:s3+s2], $0x80, v4, vm0, $0xb8;
	[tilespmem:$0x10100] =	vst v63  }
0x132: {  	_ = 	snop  }
0x133: {  	[tilespmem:s25], [sflag:$0x1] =	stream.indirect_vreg.gather [hbm4b:s3+s2], $0x80, v3, vm0, $0xb8;
	[tilespmem:$0x10100] =	vst v63  }
0x134: {  	v3 =	vld [tilespmem:$0x70];
	_ =	sdelay $0x4  }
0x135: {  	v62 =	vshll.u32 v3, $0x1  }
0x136: {  	v3 =	vand.u32 $0x7, v3;
	v4 =	vand.u32 $0xFFFFFFF0, v62  }
0x137: {  	v3 =	vor.u32 v3, v4  }
0x138: {  	v4 =	vperm.xlane v3, v0;
	_ =	sdelay $0x1  }
0x139: {  	v3 =	vperm.xlane v3, v2;
	v4 =	vadd.s32 v1, v4;
	_ =	sdelay $0x1  }
0x13a: {  	v3 =	vadd.s32 v1, v3;
	_ =	sdelay $0x2  }
0x13b: {  	[tilespmem:s26], [sflag:$0x1] =	stream.indirect_vreg.gather [hbm4b:s3+s2], $0x80, v4, vm0, $0xb8;
	[tilespmem:$0x10100] =	vst v63  }
0x13c: {  	_ = 	snop  }
0x13d: {  	[tilespmem:s28], [sflag:$0x1] =	stream.indirect_vreg.gather [hbm4b:s3+s2], $0x80, v3, vm0, $0xb8;
	[tilespmem:$0x10100] =	vst v63  }
0x13e: {  	_ =	swait.ge [sflag:s30], $0x8000  }
0x13f: {  	[sflag:s30] =	ssyncset.done $0x0  }
0x140: {  	s7 =	rddreg [dreg:$0x14];
	[sflag:s30] =	ssyncadd.s32 $0xFFFF8000  }
0x141: {  	[hbm4b:s7+s2] =	stream.linear.scatter [tilespmem:s12], [sflag:$0x5], $0x8000, $0x38;
	[tilespmem:$0x10100] =	vst v63  }
0x142: {  	_ =	swait.ge [sflag:s11], $0x8000  }
0x143: {  	[sflag:s11] =	ssyncset.done $0x0  }
0x144: {  	s8 =	rddreg [dreg:$0x15];
	[sflag:s11] =	ssyncadd.s32 $0xFFFF8000  }
0x145: {  	[tilespmem:s2], [sflag:$0x5] =	stream.linear.gather [hbm4b:s8+s2], $0x8, $0x38;
	[tilespmem:$0x10100] =	vst v63  }
0x146: {  	_ =	swait.ge [sflag:s11], $0x8  }
0x147: {  	[sflag:s11] =	ssyncset.done $0x0  }
0x148: {  	[sflag:s11] =	ssyncadd.s32 $0xFFFFFFF8  }
0x149: {  	v3 =	vld.msk [tilespmem:$0x0], $0xff;
	_ =	sdelay $0x4  }
0x14a: {  	v63 =	vshll.u32 v3, $0x1  }
0x14b: {  	v3 =	vand.u32 $0x7, v3;
	v4 =	vand.u32 $0xFFFFFFF0, v63  }
0x14c: {  	v3 =	vor.u32 v3, v4  }
0x14d: {  	v3 =	vperm.xlane v3, v0;
	_ =	sdelay $0x1  }
0x14e: {  	v3 =	vadd.s32 v1, v3;
	_ =	sdelay $0x4  }
0x14f: {  	[tilespmem:s12], [sflag:$0x1] =	stream.indirect_vreg.gather [hbm4b:s3+s2], $0x80, v3, vm0, $0xb8;
	[tilespmem:$0x10100] =	vst v63  }
0x150: {  	_ =	swait.ge [sflag:s30], $0x800  }
0x151: {  	[sflag:s30] =	ssyncset.done $0x0  }
0x152: {  	s9 =	rddreg [dreg:$0x16];
	[sflag:s30] =	ssyncadd.s32 $0xFFFFF800  }
0x153: {  	[hbm4b:s9+s2] =	stream.linear.scatter [tilespmem:s12], [sflag:$0x5], $0x800, $0x38;
	[tilespmem:$0x10100] =	vst v63  }
0x154: {  	_ =	swait.ge [sflag:s11], $0x800  }
0x155: {  	s4 =	sadd.s32 $0x1, s4;
	s10 =	rddreg [dreg:$0x17]  }
0x156: {  	p0 =	sne.s32 s4, s10  }
.Ltmp1:
0x157: {  	_ = 	snop;
	(pc) =	sbr.rel @p0 .LBB2_1-.Ltmp1, $3  }
0x158: {  	_ =	sdelay $0x1  }
0x159: {  	[sflag:s11] =	ssyncset.done $0x0  }
0x15a: {  	[sflag:s11] =	ssyncadd.s32 $0xFFFFF800  }
0x15b: {  	_ =	sfence.sel $0x180000  }
0x15c: {  	[bflag:$0x0] =	sbarrier.arrive $0xFFFF  }
0x15d: {  	_ =	strace $0x90000053  }
0x15e: {  	s0 =	stileid.u32;
	[bflag:$0x2] =	sbarrier.arrive $0xFFFF  }
0x15f: {  	p0 =	sne.s32 s0, $0x0;
	s0 =	rddreg [dreg:$0x1]  }
0x160: {  	s0 =	sadd.s32 @!p0 $0x100000, s0  }
0x161: {  	[sflag:s0] =	ssyncadd.tile.s32 @!p0 $0x1;
	_ =	shalt  }
.Lfunc_end2:
_tile_overlayer_lowered:
.L_overlay_start_2:
0x162: {  	(tag) =	ssettag $0x2  }
0x163: {  	s0 =	rddreg [dreg:$0x0];
	s2 =	stileid.u32  }
0x164: {  	s1 =	rddreg [dreg:$0x1];
	p0 =	sne.s32 s2, $0x0  }
0x165: {  	s3 =	rddreg [dreg:$0x2];
	[bflag:$0x3] =	sbarrier.arrive $0xFFFF;
	s2 =	simm.s32 @!p0 $0x1C05  }
0x166: {  	[timem:s3], [sflag:s2] =	dma.local @!p0 [hbm:s0], s1  }
0x167: {  	s0 =	simm.s32 @!p0 $0x5  }
0x168: {  	_ =	swait.ge @!p0 [sflag:s0], s1  }
0x169: {  	s1 =	ssub.s32 @!p0 $0x0, s1;
	[sflag:s0] =	ssyncset.done @!p0 $0x0  }
0x16a: {  	[sflag:s0] =	ssyncadd.s32 @!p0 s1  }
0x16b: {  	[bflag:$0x3] =	sbarrier.arrive $0xFFFF  }
0x16c: {  	_ =	shalt  }

// kernel: kernel.42.cloned.1.call-start
scs
__scs_entry_jumppad:
0x0: {  	(pc) =	sbr.rel $0x88, $3  }
0x1: {  	(tag) =	ssettag $0x0;
	lr =	simm.s32 $0x1  }
0x2: {  	[smem:$0x3F92] =	sst lr;
	_ =	strace $0xD0000000  }
0x3: {  	_ = 	snop  }
0x4: {  	_ = 	snop  }
0x5: {  	_ = 	snop  }
0x6: {  	_ = 	snop  }
0x7: {  	_ = 	snop  }
__scs_overlays_trampoline_lowered:
0x8: {  	[smem:$0x3FA1] =	sst s0  }
0x9: {  	[smem:$0x3FA2] =	sst s1  }
0xa: {  	[smem:$0x3FA3] =	sst s2  }
0xb: {  	[smem:$0x3FA4] =	sst s3  }
0xc: {  	[smem:$0x3FA5] =	sst s4  }
0xd: {  	[smem:$0x3FA6] =	sst s5  }
0xe: {  	[smem:$0x3FA7] =	sst s6  }
0xf: {  	[smem:$0x3FA8] =	sst s7  }
0x10: {  	[smem:$0x3FA9] =	sst s8  }
0x11: {  	[smem:$0x3FAA] =	sst s9;
	s0 =	simm.s32 @!p0 $0x0  }
0x12: {  	s1 =	sld [smem:$0x3F90];
	s0 =	simm.s32 @p0 $0x1  }
0x13: {  	[smem:$0x3FAB] =	sst s0;
	s0 =	simm.s32 @!p1 $0x0  }
0x14: {  	s2 =	sld [smem:$0x3F8F];
	s0 =	simm.s32 @p1 $0x1  }
0x15: {  	[smem:$0x3FAC] =	sst s0;
	s0 =	simm.s32 @!p2 $0x0  }
0x16: {  	s3 =	sld [smem:$0x3FDB];
	s0 =	simm.s32 @p2 $0x1  }
0x17: {  	s4 =	simm.s32 $0x1BF5;
	[smem:$0x3FAE] =	sst s0  }
0x18: {  	s0 =	sld [smem:$0x3F91];
	_ =	swait.ge [sflag:s4], $0x0  }
0x19: {  	s7 =	sld [smem:$0x3F92]  }
0x1a: {  	s8 =	sadd.s32 $0xFFFFE003, lr  }
0x1b: {  	s9 =	sadd.s32 $0xFFFFFEF7, lr;
	s5 =	simm.s32 $0xFFFFFFFF;
	p2 =	slt.u32 s8, $0xFFFFF086  }
0x1c: {  	p1 =	slt.u32 s9, $0xF7A;
	s5 =	simm.s32 @!p2 $0x0  }
0x1d: {  	s5 =	simm.s32 @p1 $0x1;
	p0 =	seq.s32 s7, s2  }
0x1e: {  	s7 =	smul.u32 @!p0 $0xF7A, s2;
	p2 =	seq.s32 @!p0 s5, $0x0  }
0x1f: {  	s9 =	smul.u32 $0xF7A, s1;
	s8 =	simm.s32 @!p0 $0x1BF5;
	p2 =	por !p2, p0  }
0x20: {  	[sflag:s8] =	ssyncset.s32 @!p0 $0xFFFFF086;
	s6 =	sadd.s32 @!p0 s3, s7;
	s7 =	simm.s32 @!p0 $0x108  }
0x21: {  	s3 =	sadd.s32 s3, s9;
	s6 =	sadd.s32 @!p0 $0x88, s6;
	s7 =	simm.s32 @p2 $0x1082  }
0x22: {  	[simem:s7], [sflag:s8] =	dma.local @!p0 [hbm:s6], $0xF7A  }
0x23: {  	s9 =	sor.u32 $0xD0000000, s2;
	s6 =	simm.s32 $0x108;
	_ =	swait.ge @!p0 [sflag:s8], $0x0  }
0x24: {  	s3 =	sadd.s32 $0x88, s3;
	s6 =	simm.s32 @!p1 $0x1082;
	[sflag:s4] =	ssyncset.s32 $0xFFFFF086  }
0x25: {  	[simem:s6], [sflag:s4] =	dma.local [hbm:s3], $0xF7A  }
0x26: {  	[smem:$0x3F92] =	sst s1;
	(tag) =	ssettag s2;
	_ =	strace s9  }
0x27: {  	s1 =	sld [smem:$0x3FA2]  }
0x28: {  	s2 =	sld [smem:$0x3FA3]  }
0x29: {  	s4 =	sld [smem:$0x3FA5]  }
0x2a: {  	p0 =	seq.s32 s5, $0x0;
	s5 =	sld [smem:$0x3FA6]  }
0x2b: {  	s6 =	sld [smem:$0x3FA7]  }
0x2c: {  	s7 =	sld [smem:$0x3FA8]  }
0x2d: {  	s3 =	simm.s32 $0x108;
	s8 =	sld [smem:$0x3FA9]  }
0x2e: {  	s3 =	simm.s32 @!p0 $0x1082;
	s9 =	sld [smem:$0x3FAA]  }
0x2f: {  	lr =	sadd.s32 s0, s3;
	s0 =	sld [smem:$0x3FA1]  }
0x30: {  	s3 =	sld [smem:$0x3FA4]  }
0x31: {  	[smem:$0x3FAD] =	sst s10  }
0x32: {  	s10 =	sld [smem:$0x3FAB];
	_ =	sdelay $0x3  }
0x33: {  	p0 =	seq.s32 s10, $0x1;
	s10 =	sld [smem:$0x3FAD];
	_ =	sdelay $0x3  }
0x34: {  	[smem:$0x3FAD] =	sst s10  }
0x35: {  	s10 =	sld [smem:$0x3FAC];
	_ =	sdelay $0x3  }
0x36: {  	p1 =	seq.s32 s10, $0x1;
	s10 =	sld [smem:$0x3FAD];
	_ =	sdelay $0x3  }
0x37: {  	[smem:$0x3FAD] =	sst s10  }
0x38: {  	s10 =	sld [smem:$0x3FAE]  }
0x39: {  	_ = 	snop;
	(pc) =	sbr.ind lr, $3  }
0x3a: {  	_ = 	snop  }
0x3b: {  	_ = 	snop  }
0x3c: {  	p2 =	seq.s32 s10, $0x1;
	s10 =	sld [smem:$0x3FAD]  }
0x3d: {  	_ =	shalt  }
0x3e: {  	_ =	shalt  }
0x3f: {  	_ =	shalt  }
0x40: {  	_ =	shalt  }
0x41: {  	_ =	shalt  }
0x42: {  	_ =	shalt  }
0x43: {  	_ =	shalt  }
0x44: {  	_ =	shalt  }
0x45: {  	_ =	shalt  }
0x46: {  	_ =	shalt  }
0x47: {  	_ =	shalt  }
0x48: {  	_ =	shalt  }
0x49: {  	_ =	shalt  }
0x4a: {  	_ =	shalt  }
0x4b: {  	_ =	shalt  }
0x4c: {  	_ =	shalt  }
0x4d: {  	_ =	shalt  }
0x4e: {  	_ =	shalt  }
0x4f: {  	_ =	shalt  }
0x50: {  	_ =	shalt  }
0x51: {  	_ =	shalt  }
0x52: {  	_ =	shalt  }
0x53: {  	_ =	shalt  }
0x54: {  	_ =	shalt  }
0x55: {  	_ =	shalt  }
0x56: {  	_ =	shalt  }
0x57: {  	_ =	shalt  }
0x58: {  	_ =	shalt  }
0x59: {  	_ =	shalt  }
0x5a: {  	_ =	shalt  }
0x5b: {  	_ =	shalt  }
0x5c: {  	_ =	shalt  }
0x5d: {  	_ =	shalt  }
0x5e: {  	_ =	shalt  }
0x5f: {  	_ =	shalt  }
0x60: {  	_ =	shalt  }
0x61: {  	_ =	shalt  }
0x62: {  	_ =	shalt  }
0x63: {  	_ =	shalt  }
0x64: {  	_ =	shalt  }
0x65: {  	_ =	shalt  }
0x66: {  	_ =	shalt  }
0x67: {  	_ =	shalt  }
0x68: {  	_ =	shalt  }
0x69: {  	_ =	shalt  }
0x6a: {  	_ =	shalt  }
0x6b: {  	_ =	shalt  }
0x6c: {  	_ =	shalt  }
0x6d: {  	_ =	shalt  }
0x6e: {  	_ =	shalt  }
0x6f: {  	_ =	shalt  }
0x70: {  	_ =	shalt  }
0x71: {  	_ =	shalt  }
0x72: {  	_ =	shalt  }
0x73: {  	_ =	shalt  }
0x74: {  	_ =	shalt  }
0x75: {  	_ =	shalt  }
0x76: {  	_ =	shalt  }
0x77: {  	_ =	shalt  }
0x78: {  	_ =	shalt  }
0x79: {  	_ =	shalt  }
0x7a: {  	_ =	shalt  }
0x7b: {  	_ =	shalt  }
0x7c: {  	_ =	shalt  }
0x7d: {  	_ =	shalt  }
0x7e: {  	_ =	shalt  }
0x7f: {  	_ =	shalt  }
0x80: {  	_ =	shalt  }
0x81: {  	_ =	shalt  }
0x82: {  	_ =	shalt  }
0x83: {  	_ =	shalt  }
0x84: {  	_ =	shalt  }
0x85: {  	_ =	shalt  }
0x86: {  	_ =	shalt  }
0x87: {  	_ =	shalt  }
.Lfunc_end0:
.L_simem_size_0:
called_computation.5_lowered:
.L_overlay_start_0:
0x88: {  	s2 =	sld [smem:$0x3FD9]  }
0x89: {  	s3 =	sld [smem:$0x3FFE];
	_ =	sdelay $0x1  }
0x8a: {  	s1 =	srdreg.scid  }
0x8b: {  	s0 =	sand.u32 $0x1, s1  }
0x8c: {  	s17 =	sshll.u32 s0, $0xA;
	s2 =	sadd.s32 s3, s2  }
0x8d: {  	s2 =	sadd.s32 s2, s17  }
0x8e: {  	[smem:$0x3FB9] =	sst s2  }
0x8f: {  	_ = 	snop  }
0x90: {  	(tm) =	ssettm $0x1  }
0x91: {  	s18 =	sld [smem:$0x3FFB];
	_ =	sdelay $0x3  }
0x92: {  	_ =	strace s18  }
0x93: {  	s2 =	sld [smem:$0x3FFC];
	_ =	sdelay $0x3  }
0x94: {  	_ =	strace s2  }
0x95: {  	s2 =	sld [smem:$0x3FFD];
	_ =	sdelay $0x3  }
0x96: {  	_ =	strace s2  }
0x97: {  	_ =	strace $0x8FFFFFFF  }
0x98: {  	s19 =	sld [smem:$0x3FDB];
	_ =	sdelay $0x1  }
0x99: {  	s20 =	simm.s32 $_scs_section_size  }
0x9a: {  	s4 =	simm.s32 $_size__tile_overlayer_lowered;
	s5 =	simm.s32 $_tile_overlayer_lowered  }
0x9b: {  	s6 =	simm.s32 $0x1BFF;
	s21 =	sshll.u32 s5, $0x1;
	s3 =	sadd.s32 s20, s19  }
0x9c: {  	s22 =	simm.s32 $0x0;
	s4 =	sshll.u32 s4, $0x1;
	s5 =	sadd.s32 s21, s3  }
0x9d: {  	[timem:s22], [sflag:s6] =	dma.local [hbm:s5], s4  }
0x9e: {  	_ =	swait.ge [sflag:s6], s4  }
0x9f: {  	s4 =	ssub.s32 $0x0, s4;
	[sflag:s6] =	ssyncset.done $0x0  }
0xa0: {  	[sflag:s6] =	ssyncadd.s32 s4;
	_ =	sdelay $0x1  }
0xa1: {  	s23 =	simm.s32 $0x1B8B  }
0xa2: {  	_ =	swait.ge [sflag:s23], $0x1  }
0xa3: {  	[sflag:s23] =	ssyncset.done $0x0  }
0xa4: {  	[sflag:s23] =	ssyncadd.s32 $0xFFFFFFFF  }
0xa5: {  	s4 =	sld [smem:$0x0]  }
0xa6: {  	s5 =	sand.u32 $0xFFFFFFFE, s1  }
0xa7: {  	p0 =	sne.s32 s1, s5  }
0xa8: {  	s5 =	sshll.u32 @p0 s5, $0xE  }
0xa9: {  	s5 =	sadd.s32 @p0 $0x11B8D, s5;
	s6 =	sshll.u32 @p0 s4, $0x11  }
0xaa: {  	s5 =	sor.u32 @p0 s6, s5  }
0xab: {  	[sflag:s5] =	ssyncadd.remote.s32 @p0 $0x1;
	_ =	sdelay $0x1  }
0xac: {  	s5 =	simm.s32 @p0 $0x1B8D  }
0xad: {  	_ =	swait.eq @p0 [sflag:s5], $0x1  }
0xae: {  	[sflag:s5] =	ssyncadd.s32 @p0 $0xFFFFFFFF  }
0xaf: {  	s6 =	sshll.u32 @!p0 s1, $0xE  }
0xb0: {  	s6 =	sor.u32 @!p0 $0x4000, s6;
	s5 =	simm.s32 @!p0 $0x1B8D  }
0xb1: {  	s4 =	sshll.u32 @!p0 s4, $0x11;
	s6 =	sadd.s32 @!p0 $0x11B8D, s6;
	_ =	swait.eq @!p0 [sflag:s5], $0x1  }
0xb2: {  	s4 =	sor.u32 @!p0 s4, s6;
	[sflag:s5] =	ssyncadd.s32 @!p0 $0xFFFFFFFF  }
0xb3: {  	s25 =	simm.s32 $0x1B8E;
	s24 =	sld [smem:$0x3FFE];
	[sflag:s4] =	ssyncadd.remote.s32 @!p0 $0x1  }
0xb4: {  	s26 =	simm.s32 $execute0_lowered;
	[smem:$0x3FD2] =	sst s25  }
0xb5: {  	s5 =	sshll.u32 s26, $0x1;
	_ =	strace $0x80000055;
	[dreg:$0x1] =	wrdreg $0xFFFFFFFF  }
0xb6: {  	s28 =	simm.s32 $_size_execute0_lowered;
	s3 =	sadd.s32 s3, s5;
	[dreg:$0x0] =	wrdreg $0x0  }
0xb7: {  	s5 =	sshll.u32 s28, $0x1;
	[dreg:$0x2] =	wrdreg s3  }
0xb8: {  	[dreg:$0x3] =	wrdreg s5  }
0xb9: {  	[dreg:$0x4] =	wrdreg $0xC0  }
0xba: {  	_ =	task [dreg:s22], $0x5FFFF  }
0xbb: {  	[dreg:$0x1] =	wrdreg $0xFFFFFFFF  }
0xbc: {  	[dreg:$0x0] =	wrdreg $0x60  }
0xbd: {  	[dreg:$0x2] =	wrdreg s24  }
0xbe: {  	[dreg:$0x3] =	wrdreg $0xA  }
0xbf: {  	_ =	task.clear_ibuf [dreg:s22], $0x4FFFF;
	_ =	strace $0x90000055  }
0xc0: {  	s29 =	simm.s32 $0xA;
	_ =	strace $0x80000057  }
0xc1: {  	_ =	swait.ge [sflag:s29], $0x1  }
0xc2: {  	[sflag:s29] =	ssyncadd.s32 $0xFFFFFFFF  }
0xc3: {  	_ =	strace $0x90000057  }
0xc4: {  	_ =	sfence  }
0xc5: {  	s30 =	sld [smem:$0x0];
	_ =	sdelay $0x2  }
0xc6: {  	s31 =	sshll.u32 s1, $0xD;
	s1 =	sshrl.u32 s1, $0x2  }
0xc7: {  	s4 =	sand.u32 $0x4000, s31;
	s1 =	sadd.s32 s1, s30  }
0xc8: {  	s0 =	sor.u32 s4, s0;
	s1 =	sshll.u32 s1, $0x11  }
0xc9: {  	s0 =	sor.u32 s1, s0  }
0xca: {  	s0 =	sadd.s32 $0x8F2B, s0  }
0xcb: {  	[sflag:s0] =	ssyncadd.remote.s32 $0x1  }
0xcc: {  	_ =	sfence.sel $0xFFFF  }
0xcd: {  	[dreg:$0x0] =	wrdreg $0xFFFFFFFF;
	(pc) =	sbr.abs _section_cstart, $3  }
0xce: {  	[dreg:$0x1] =	wrdreg $0xFFFFFFFF  }
0xcf: {  	_ =	task.clear_ibuf [dreg:s22], $0x2FFFF;
	_ =	strace $0x9FFFFFFF  }
0xd0: {  	(tm) =	ssettm $0x7FFFFFFF  }
0xd1: {  	_ =	shalt  }
tec
execute0_lowered:
.L_overlay_start_1:
0x0: {  	(tag) =	ssettag $0x1  }
0x1: {  	s0 =	srdreg.scid;
	s10 =	stileid.u32  }
0x2: {  	s1 =	rddreg [dreg:$0x0];
	s2 =	simm.s32 $0x0;
	s11 =	simm.s32 $0x8900  }
0x3: {  	s13 =	simm.s32 $0x9100;
	s14 =	simm.s32 $0x9900;
	s15 =	simm.s32 $0xA100  }
0x4: {  	s16 =	simm.s32 $0xA900;
	s17 =	simm.s32 $0xB100;
	s18 =	simm.s32 $0xB900  }
0x5: {  	s19 =	simm.s32 $0xC100;
	s3 =	sshll.u32 s10, $0x1;
	s23 =	smul.u32 $0x4E200, s10  }
0x6: {  	[smem:$0x7FF] =	sst s2;
	s24 =	smul.u32 $0x2710, s10;
	s10 =	simm.s32 $0x80  }
0x7: {  	s20 =	simm.s32 $0xC900;
	_ =	strace $0x80000056;
	[dreg:$0x3] =	wrdreg s10  }
0x8: {  	s21 =	simm.s32 $0xD100;
	s28 =	simm.s32 $0x7900;
	[dreg:$0x4] =	wrdreg s11  }
0x9: {  	s29 =	simm.s32 $0x8100;
	s30 =	simm.s32 $0x1;
	[dreg:$0x5] =	wrdreg s13  }
0xa: {  	s31 =	simm.s32 $0x2;
	s0 =	sand.u32 $0x1, s0;
	[dreg:$0x6] =	wrdreg s14  }
0xb: {  	s5 =	sadd.s32 $0x5B5A00, s1;
	s3 =	sor.u32 s0, s3;
	[dreg:$0x7] =	wrdreg s15  }
0xc: {  	s6 =	ssub.s32 $0x2, s0;
	s26 =	smul.u32 $0x1388, s0;
	[dreg:$0x8] =	wrdreg s16  }
0xd: {  	s0 =	smul.u32 $0x27100, s0;
	s11 =	simm.s32 $0x5;
	[dreg:$0x9] =	wrdreg s17  }
0xe: {  	s13 =	simm.s32 $0x900;
	s14 =	simm.s32 $0x1100;
	[dreg:$0xa] =	wrdreg s18  }
0xf: {  	s15 =	simm.s32 $0x1900;
	s16 =	simm.s32 $0x2100;
	[dreg:$0xb] =	wrdreg s19  }
0x10: {  	s17 =	simm.s32 $0x2900;
	[dreg:$0xc] =	wrdreg s20;
	s18 =	simm.s32 $0x3100  }
0x11: {  	[dreg:$0xd] =	wrdreg s21;
	s19 =	simm.s32 $0x3900;
	s20 =	simm.s32 $0x4100  }
0x12: {  	s21 =	simm.s32 $0x4900;
	s4 =	smul.u32 $0x1388, s3;
	s8 =	sshrl.u32 s6, $0x1  }
0x13: {  	s3 =	sadd.s32 $0x5BAA00, s1;
	s1 =	sadd.s32 $0xD0DE00, s1;
	s6 =	ssub.s32 s6, s8  }
0x14: {  	s7 =	sadd.s32 $0x1300, s4;
	s4 =	sadd.s32 $0x1380, s4;
	s6 =	smax.u32 s6, $0x1  }
0x15: {  	s9 =	sshrl.u32 s7, $0x3;
	s7 =	sshll.u32 s7, $0x5;
	s25 =	sshrl.u32 s4, $0x3  }
0x16: {  	s4 =	sshll.u32 s4, $0x5;
	[dreg:$0x17] =	wrdreg s6;
	s22 =	sadd.s32 s5, s9  }
0x17: {  	s7 =	sadd.s32 s1, s7;
	s4 =	sadd.s32 s1, s4;
	[dreg:$0x13] =	wrdreg s22  }
0x18: {  	s1 =	sadd.s32 s23, s1;
	s23 =	simm.s32 $0xE100;
	[dreg:$0x14] =	wrdreg s7  }
0x19: {  	s7 =	sadd.s32 s5, s25;
	[dreg:$0x16] =	wrdreg s4;
	s0 =	sadd.s32 s0, s1  }
0x1a: {  	s22 =	simm.s32 $0xD900;
	[dreg:$0xf] =	wrdreg s23;
	s25 =	simm.s32 $0xF100  }
0x1b: {  	s23 =	simm.s32 $0x5900;
	s1 =	simm.s32 $0x3;
	[dreg:$0x15] =	wrdreg s7  }
0x1c: {  	s4 =	simm.s32 $0x0;
	s7 =	sadd.s32 s26, s24;
	[dreg:$0x2] =	wrdreg s0  }
0x1d: {  	[dreg:$0xe] =	wrdreg s22;
	s24 =	simm.s32 $0xE900;
	s22 =	simm.s32 $0x5100  }
0x1e: {  	[dreg:$0x11] =	wrdreg s25;
	s26 =	simm.s32 $0xF900;
	s25 =	simm.s32 $0x6900  }
0x1f: {  	s8 =	sadd.s32 $0x80, s7;
	s12 =	sshrl.u32 s7, $0x3;
	[dreg:$0x10] =	wrdreg s24  }
0x20: {  	v2 =	vlaneseq.u32;
	s24 =	simm.s32 $0x6100;
	[dreg:$0x12] =	wrdreg s26;
	s9 =	sshrl.u32 s8, $0x3  }
0x21: {  	vm0 =	vmmov $0xffff;
	v1 =	vshrl.u32 v2, $0x3;
	s26 =	simm.s32 $0x7100;
	s0 =	sadd.s32 s9, s5;
	s5 =	sadd.s32 s12, s5  }
0x22: {  	v0 =	vand.u32 $0x7, v2;
	v2 =	vor.u32 $0x8, v2;
	v1 =	vmul.u32 $0x8, v1;
	s12 =	simm.s32 $0x100;
	[dreg:$0x18] =	wrdreg s0;
	s0 =	simm.s32 $0x4  }
.LBB2_1:
0x23: {  	s10 =	smov.u32 s5;
	s9 =	rddreg [dreg:$0x18];
	s7 =	simm.s32 $0x0  }
.LBB2_2:
0x24: {  	[tilespmem:s2], [sflag:$0x5] =	stream.linear.gather [hbm4b:s10+s2], $0x80, $0x38;
	[tilespmem:$0x10100] =	vst v63  }
0x25: {  	_ =	swait.ge [sflag:s11], $0x80  }
0x26: {  	p0 =	seq.s32 s7, $0x0;
	[sflag:s11] =	ssyncset.done $0x0  }
0x27: {  	s8 =	simm.s32 @!p0 $0x3;
	[sflag:s11] =	ssyncadd.s32 $0xFFFFFF80  }
0x28: {  	_ =	swait.ge @!p0 [sflag:s8], $0x8000  }
0x29: {  	[sflag:s8] =	ssyncset.done @!p0 $0x0  }
0x2a: {  	[sflag:s8] =	ssyncadd.s32 @!p0 $0xFFFF8000  }
0x2b: {  	v3 =	vld [tilespmem:$0x0];
	_ =	sdelay $0x4  }
0x2c: {  	v4 =	vshll.u32 v3, $0x1  }
0x2d: {  	v3 =	vand.u32 $0x7, v3;
	v4 =	vand.u32 $0xFFFFFFF0, v4  }
0x2e: {  	v3 =	vor.u32 v3, v4  }
0x2f: {  	v4 =	vperm.xlane v3, v0;
	_ =	sdelay $0x1  }
0x30: {  	v3 =	vperm.xlane v3, v2;
	v4 =	vadd.s32 v1, v4;
	_ =	sdelay $0x1  }
0x31: {  	v3 =	vadd.s32 v1, v3;
	_ =	sdelay $0x2  }
0x32: {  	[tilespmem:s12], [sflag:$0x1] =	stream.indirect_vreg.gather [hbm4b:s3+s2], $0x80, v4, vm0, $0xb8;
	[tilespmem:$0x10100] =	vst v63  }
0x33: {  	_ = 	snop  }
0x34: {  	[tilespmem:s13], [sflag:$0x1] =	stream.indirect_vreg.gather [hbm4b:s3+s2], $0x80, v3, vm0, $0xb8;
	[tilespmem:$0x10100] =	vst v63  }
0x35: {  	v3 =	vld [tilespmem:$0x10];
	_ =	sdelay $0x4  }
0x36: {  	v49 =	vshll.u32 v3, $0x1  }
0x37: {  	v3 =	vand.u32 $0x7, v3;
	v4 =	vand.u32 $0xFFFFFFF0, v49  }
0x38: {  	v3 =	vor.u32 v3, v4  }
0x39: {  	v4 =	vperm.xlane v3, v0;
	_ =	sdelay $0x1  }
0x3a: {  	v3 =	vperm.xlane v3, v2;
	v4 =	vadd.s32 v1, v4;
	_ =	sdelay $0x1  }
0x3b: {  	v3 =	vadd.s32 v1, v3;
	_ =	sdelay $0x2  }
0x3c: {  	[tilespmem:s14], [sflag:$0x1] =	stream.indirect_vreg.gather [hbm4b:s3+s2], $0x80, v4, vm0, $0xb8;
	[tilespmem:$0x10100] =	vst v63  }
0x3d: {  	_ = 	snop  }
0x3e: {  	[tilespmem:s15], [sflag:$0x1] =	stream.indirect_vreg.gather [hbm4b:s3+s2], $0x80, v3, vm0, $0xb8;
	[tilespmem:$0x10100] =	vst v63  }
0x3f: {  	v3 =	vld [tilespmem:$0x20];
	_ =	sdelay $0x4  }
0x40: {  	v50 =	vshll.u32 v3, $0x1  }
0x41: {  	v3 =	vand.u32 $0x7, v3;
	v4 =	vand.u32 $0xFFFFFFF0, v50  }
0x42: {  	v3 =	vor.u32 v3, v4  }
0x43: {  	v4 =	vperm.xlane v3, v0;
	_ =	sdelay $0x1  }
0x44: {  	v3 =	vperm.xlane v3, v2;
	v4 =	vadd.s32 v1, v4;
	_ =	sdelay $0x1  }
0x45: {  	v3 =	vadd.s32 v1, v3;
	_ =	sdelay $0x2  }
0x46: {  	[tilespmem:s16], [sflag:$0x1] =	stream.indirect_vreg.gather [hbm4b:s3+s2], $0x80, v4, vm0, $0xb8;
	[tilespmem:$0x10100] =	vst v63  }
0x47: {  	_ = 	snop  }
0x48: {  	[tilespmem:s17], [sflag:$0x1] =	stream.indirect_vreg.gather [hbm4b:s3+s2], $0x80, v3, vm0, $0xb8;
	[tilespmem:$0x10100] =	vst v63  }
0x49: {  	v3 =	vld [tilespmem:$0x30];
	_ =	sdelay $0x4  }
0x4a: {  	v51 =	vshll.u32 v3, $0x1  }
0x4b: {  	v3 =	vand.u32 $0x7, v3;
	v4 =	vand.u32 $0xFFFFFFF0, v51  }
0x4c: {  	v3 =	vor.u32 v3, v4  }
0x4d: {  	v4 =	vperm.xlane v3, v0;
	_ =	sdelay $0x1  }
0x4e: {  	v3 =	vperm.xlane v3, v2;
	v4 =	vadd.s32 v1, v4;
	_ =	sdelay $0x1  }
0x4f: {  	v3 =	vadd.s32 v1, v3;
	_ =	sdelay $0x2  }
0x50: {  	[tilespmem:s18], [sflag:$0x1] =	stream.indirect_vreg.gather [hbm4b:s3+s2], $0x80, v4, vm0, $0xb8;
	[tilespmem:$0x10100] =	vst v63  }
0x51: {  	_ = 	snop  }
0x52: {  	[tilespmem:s19], [sflag:$0x1] =	stream.indirect_vreg.gather [hbm4b:s3+s2], $0x80, v3, vm0, $0xb8;
	[tilespmem:$0x10100] =	vst v63  }
0x53: {  	v3 =	vld [tilespmem:$0x40];
	_ =	sdelay $0x4  }
0x54: {  	v52 =	vshll.u32 v3, $0x1  }
0x55: {  	v3 =	vand.u32 $0x7, v3;
	v4 =	vand.u32 $0xFFFFFFF0, v52  }
0x56: {  	v3 =	vor.u32 v3, v4  }
0x57: {  	v4 =	vperm.xlane v3, v0;
	_ =	sdelay $0x1  }
0x58: {  	v3 =	vperm.xlane v3, v2;
	v4 =	vadd.s32 v1, v4;
	_ =	sdelay $0x1  }
0x59: {  	v3 =	vadd.s32 v1, v3;
	_ =	sdelay $0x2  }
0x5a: {  	[tilespmem:s20], [sflag:$0x1] =	stream.indirect_vreg.gather [hbm4b:s3+s2], $0x80, v4, vm0, $0xb8;
	[tilespmem:$0x10100] =	vst v63  }
0x5b: {  	_ = 	snop  }
0x5c: {  	[tilespmem:s21], [sflag:$0x1] =	stream.indirect_vreg.gather [hbm4b:s3+s2], $0x80, v3, vm0, $0xb8;
	[tilespmem:$0x10100] =	vst v63  }
0x5d: {  	v3 =	vld [tilespmem:$0x50];
	_ =	sdelay $0x4  }
0x5e: {  	v53 =	vshll.u32 v3, $0x1  }
0x5f: {  	v3 =	vand.u32 $0x7, v3;
	v4 =	vand.u32 $0xFFFFFFF0, v53  }
0x60: {  	v3 =	vor.u32 v3, v4  }
0x61: {  	v4 =	vperm.xlane v3, v0;
	_ =	sdelay $0x1  }
0x62: {  	v3 =	vperm.xlane v3, v2;
	v4 =	vadd.s32 v1, v4;
	_ =	sdelay $0x1  }
0x63: {  	v3 =	vadd.s32 v1, v3;
	_ =	sdelay $0x2  }
0x64: {  	[tilespmem:s22], [sflag:$0x1] =	stream.indirect_vreg.gather [hbm4b:s3+s2], $0x80, v4, vm0, $0xb8;
	[tilespmem:$0x10100] =	vst v63  }
0x65: {  	_ = 	snop  }
0x66: {  	[tilespmem:s23], [sflag:$0x1] =	stream.indirect_vreg.gather [hbm4b:s3+s2], $0x80, v3, vm0, $0xb8;
	[tilespmem:$0x10100] =	vst v63  }
0x67: {  	v3 =	vld [tilespmem:$0x60];
	_ =	sdelay $0x4  }
0x68: {  	v54 =	vshll.u32 v3, $0x1  }
0x69: {  	v3 =	vand.u32 $0x7, v3;
	v4 =	vand.u32 $0xFFFFFFF0, v54  }
0x6a: {  	v3 =	vor.u32 v3, v4  }
0x6b: {  	v4 =	vperm.xlane v3, v0;
	_ =	sdelay $0x1  }
0x6c: {  	v3 =	vperm.xlane v3, v2;
	v4 =	vadd.s32 v1, v4;
	_ =	sdelay $0x1  }
0x6d: {  	v3 =	vadd.s32 v1, v3;
	_ =	sdelay $0x2  }
0x6e: {  	[tilespmem:s24], [sflag:$0x1] =	stream.indirect_vreg.gather [hbm4b:s3+s2], $0x80, v4, vm0, $0xb8;
	[tilespmem:$0x10100] =	vst v63  }
0x6f: {  	_ = 	snop  }
0x70: {  	[tilespmem:s25], [sflag:$0x1] =	stream.indirect_vreg.gather [hbm4b:s3+s2], $0x80, v3, vm0, $0xb8;
	[tilespmem:$0x10100] =	vst v63  }
0x71: {  	v3 =	vld [tilespmem:$0x70];
	_ =	sdelay $0x4  }
0x72: {  	v55 =	vshll.u32 v3, $0x1  }
0x73: {  	v3 =	vand.u32 $0x7, v3;
	v4 =	vand.u32 $0xFFFFFFF0, v55  }
0x74: {  	v3 =	vor.u32 v3, v4  }
0x75: {  	v4 =	vperm.xlane v3, v0;
	_ =	sdelay $0x1  }
0x76: {  	v3 =	vperm.xlane v3, v2;
	v4 =	vadd.s32 v1, v4;
	_ =	sdelay $0x1  }
0x77: {  	v3 =	vadd.s32 v1, v3;
	_ =	sdelay $0x2  }
0x78: {  	[tilespmem:s26], [sflag:$0x1] =	stream.indirect_vreg.gather [hbm4b:s3+s2], $0x80, v4, vm0, $0xb8;
	[tilespmem:$0x10100] =	vst v63  }
0x79: {  	_ = 	snop  }
0x7a: {  	[tilespmem:s28], [sflag:$0x1] =	stream.indirect_vreg.gather [hbm4b:s3+s2], $0x80, v3, vm0, $0xb8;
	[tilespmem:$0x10100] =	vst v63  }
0x7b: {  	s6 =	rddreg [dreg:$0x3]  }
0x7c: {  	[tilespmem:s6], [sflag:$0x5] =	stream.linear.gather [hbm4b:s9+s2], $0x80, $0x38;
	[tilespmem:$0x10100] =	vst v63  }
0x7d: {  	_ =	swait.ge [sflag:s11], $0x80  }
0x7e: {  	[sflag:s11] =	ssyncset.done $0x0  }
0x7f: {  	s8 =	simm.s32 @!p0 $0x4;
	[sflag:s11] =	ssyncadd.s32 $0xFFFFFF80  }
0x80: {  	_ =	swait.ge @!p0 [sflag:s8], $0x8000  }
0x81: {  	[sflag:s8] =	ssyncset.done @!p0 $0x0  }
0x82: {  	[sflag:s8] =	ssyncadd.s32 @!p0 $0xFFFF8000  }
0x83: {  	v3 =	vld [tilespmem:$0x80];
	_ =	sdelay $0x4  }
0x84: {  	v56 =	vshll.u32 v3, $0x1  }
0x85: {  	v3 =	vand.u32 $0x7, v3;
	v4 =	vand.u32 $0xFFFFFFF0, v56  }
0x86: {  	v3 =	vor.u32 v3, v4  }
0x87: {  	v4 =	vperm.xlane v3, v0;
	_ =	sdelay $0x1  }
0x88: {  	v3 =	vperm.xlane v3, v2;
	v4 =	vadd.s32 v1, v4;
	_ =	sdelay $0x1  }
0x89: {  	v3 =	vadd.s32 v1, v3;
	_ =	sdelay $0x2  }
0x8a: {  	[tilespmem:s29], [sflag:$0x2] =	stream.indirect_vreg.gather [hbm4b:s3+s2], $0x80, v4, vm0, $0xb8;
	[tilespmem:$0x10100] =	vst v63  }
0x8b: {  	s6 =	rddreg [dreg:$0x4]  }
0x8c: {  	[tilespmem:s6], [sflag:$0x2] =	stream.indirect_vreg.gather [hbm4b:s3+s2], $0x80, v3, vm0, $0xb8;
	[tilespmem:$0x10100] =	vst v63  }
0x8d: {  	v3 =	vld [tilespmem:$0x90];
	_ =	sdelay $0x4  }
0x8e: {  	v57 =	vshll.u32 v3, $0x1  }
0x8f: {  	v3 =	vand.u32 $0x7, v3;
	v4 =	vand.u32 $0xFFFFFFF0, v57  }
0x90: {  	v3 =	vor.u32 v3, v4  }
0x91: {  	v4 =	vperm.xlane v3, v0;
	_ =	sdelay $0x1  }
0x92: {  	v3 =	vperm.xlane v3, v2;
	v4 =	vadd.s32 v1, v4;
	_ =	sdelay $0x1  }
0x93: {  	v3 =	vadd.s32 v1, v3;
	_ =	sdelay $0x1  }
0x94: {  	s8 =	rddreg [dreg:$0x5]  }
0x95: {  	[tilespmem:s8], [sflag:$0x2] =	stream.indirect_vreg.gather [hbm4b:s3+s2], $0x80, v4, vm0, $0xb8;
	[tilespmem:$0x10100] =	vst v63  }
0x96: {  	s6 =	rddreg [dreg:$0x6]  }
0x97: {  	[tilespmem:s6], [sflag:$0x2] =	stream.indirect_vreg.gather [hbm4b:s3+s2], $0x80, v3, vm0, $0xb8;
	[tilespmem:$0x10100] =	vst v63  }
0x98: {  	v3 =	vld [tilespmem:$0xA0];
	_ =	sdelay $0x4  }
0x99: {  	v58 =	vshll.u32 v3, $0x1  }
0x9a: {  	v3 =	vand.u32 $0x7, v3;
	v4 =	vand.u32 $0xFFFFFFF0, v58  }
0x9b: {  	v3 =	vor.u32 v3, v4  }
0x9c: {  	v4 =	vperm.xlane v3, v0;
	_ =	sdelay $0x1  }
0x9d: {  	v3 =	vperm.xlane v3, v2;
	v4 =	vadd.s32 v1, v4;
	_ =	sdelay $0x1  }
0x9e: {  	v3 =	vadd.s32 v1, v3;
	_ =	sdelay $0x1  }
0x9f: {  	s6 =	rddreg [dreg:$0x7]  }
0xa0: {  	[tilespmem:s6], [sflag:$0x2] =	stream.indirect_vreg.gather [hbm4b:s3+s2], $0x80, v4, vm0, $0xb8;
	[tilespmem:$0x10100] =	vst v63  }
0xa1: {  	s8 =	rddreg [dreg:$0x8]  }
0xa2: {  	[tilespmem:s8], [sflag:$0x2] =	stream.indirect_vreg.gather [hbm4b:s3+s2], $0x80, v3, vm0, $0xb8;
	[tilespmem:$0x10100] =	vst v63  }
0xa3: {  	v3 =	vld [tilespmem:$0xB0];
	_ =	sdelay $0x4  }
0xa4: {  	v59 =	vshll.u32 v3, $0x1  }
0xa5: {  	v3 =	vand.u32 $0x7, v3;
	v4 =	vand.u32 $0xFFFFFFF0, v59  }
0xa6: {  	v3 =	vor.u32 v3, v4  }
0xa7: {  	v4 =	vperm.xlane v3, v0;
	_ =	sdelay $0x1  }
0xa8: {  	v3 =	vperm.xlane v3, v2;
	v4 =	vadd.s32 v1, v4;
	_ =	sdelay $0x1  }
0xa9: {  	v3 =	vadd.s32 v1, v3;
	_ =	sdelay $0x1  }
0xaa: {  	s6 =	rddreg [dreg:$0x9]  }
0xab: {  	[tilespmem:s6], [sflag:$0x2] =	stream.indirect_vreg.gather [hbm4b:s3+s2], $0x80, v4, vm0, $0xb8;
	[tilespmem:$0x10100] =	vst v63  }
0xac: {  	s8 =	rddreg [dreg:$0xa]  }
0xad: {  	[tilespmem:s8], [sflag:$0x2] =	stream.indirect_vreg.gather [hbm4b:s3+s2], $0x80, v3, vm0, $0xb8;
	[tilespmem:$0x10100] =	vst v63  }
0xae: {  	v3 =	vld [tilespmem:$0xC0];
	_ =	sdelay $0x4  }
0xaf: {  	v60 =	vshll.u32 v3, $0x1  }
0xb0: {  	v3 =	vand.u32 $0x7, v3;
	v4 =	vand.u32 $0xFFFFFFF0, v60  }
0xb1: {  	v3 =	vor.u32 v3, v4  }
0xb2: {  	v4 =	vperm.xlane v3, v0;
	_ =	sdelay $0x1  }
0xb3: {  	v3 =	vperm.xlane v3, v2;
	v4 =	vadd.s32 v1, v4;
	_ =	sdelay $0x1  }
0xb4: {  	v3 =	vadd.s32 v1, v3;
	_ =	sdelay $0x1  }
0xb5: {  	s6 =	rddreg [dreg:$0xb]  }
0xb6: {  	[tilespmem:s6], [sflag:$0x2] =	stream.indirect_vreg.gather [hbm4b:s3+s2], $0x80, v4, vm0, $0xb8;
	[tilespmem:$0x10100] =	vst v63  }
0xb7: {  	s8 =	rddreg [dreg:$0xc]  }
0xb8: {  	[tilespmem:s8], [sflag:$0x2] =	stream.indirect_vreg.gather [hbm4b:s3+s2], $0x80, v3, vm0, $0xb8;
	[tilespmem:$0x10100] =	vst v63  }
0xb9: {  	v3 =	vld [tilespmem:$0xD0];
	_ =	sdelay $0x4  }
0xba: {  	v61 =	vshll.u32 v3, $0x1  }
0xbb: {  	v3 =	vand.u32 $0x7, v3;
	v4 =	vand.u32 $0xFFFFFFF0, v61  }
0xbc: {  	v3 =	vor.u32 v3, v4  }
0xbd: {  	v4 =	vperm.xlane v3, v0;
	_ =	sdelay $0x1  }
0xbe: {  	v3 =	vperm.xlane v3, v2;
	v4 =	vadd.s32 v1, v4;
	_ =	sdelay $0x1  }
0xbf: {  	v3 =	vadd.s32 v1, v3;
	_ =	sdelay $0x1  }
0xc0: {  	s6 =	rddreg [dreg:$0xd]  }
0xc1: {  	[tilespmem:s6], [sflag:$0x2] =	stream.indirect_vreg.gather [hbm4b:s3+s2], $0x80, v4, vm0, $0xb8;
	[tilespmem:$0x10100] =	vst v63  }
0xc2: {  	s8 =	rddreg [dreg:$0xe]  }
0xc3: {  	[tilespmem:s8], [sflag:$0x2] =	stream.indirect_vreg.gather [hbm4b:s3+s2], $0x80, v3, vm0, $0xb8;
	[tilespmem:$0x10100] =	vst v63  }
0xc4: {  	v3 =	vld [tilespmem:$0xE0];
	_ =	sdelay $0x4  }
0xc5: {  	v62 =	vshll.u32 v3, $0x1  }
0xc6: {  	v3 =	vand.u32 $0x7, v3;
	v4 =	vand.u32 $0xFFFFFFF0, v62  }
0xc7: {  	v3 =	vor.u32 v3, v4  }
0xc8: {  	v4 =	vperm.xlane v3, v0;
	_ =	sdelay $0x1  }
0xc9: {  	v3 =	vperm.xlane v3, v2;
	v4 =	vadd.s32 v1, v4;
	_ =	sdelay $0x1  }
0xca: {  	v3 =	vadd.s32 v1, v3;
	_ =	sdelay $0x1  }
0xcb: {  	s6 =	rddreg [dreg:$0xf]  }
0xcc: {  	[tilespmem:s6], [sflag:$0x2] =	stream.indirect_vreg.gather [hbm4b:s3+s2], $0x80, v4, vm0, $0xb8;
	[tilespmem:$0x10100] =	vst v63  }
0xcd: {  	s8 =	rddreg [dreg:$0x10]  }
0xce: {  	[tilespmem:s8], [sflag:$0x2] =	stream.indirect_vreg.gather [hbm4b:s3+s2], $0x80, v3, vm0, $0xb8;
	[tilespmem:$0x10100] =	vst v63  }
0xcf: {  	v3 =	vld [tilespmem:$0xF0];
	_ =	sdelay $0x4  }
0xd0: {  	v63 =	vshll.u32 v3, $0x1  }
0xd1: {  	v3 =	vand.u32 $0x7, v3;
	v4 =	vand.u32 $0xFFFFFFF0, v63  }
0xd2: {  	v3 =	vor.u32 v3, v4  }
0xd3: {  	v4 =	vperm.xlane v3, v0;
	_ =	sdelay $0x1  }
0xd4: {  	v3 =	vperm.xlane v3, v2;
	v4 =	vadd.s32 v1, v4;
	_ =	sdelay $0x1  }
0xd5: {  	v3 =	vadd.s32 v1, v3;
	_ =	sdelay $0x1  }
0xd6: {  	s6 =	rddreg [dreg:$0x11]  }
0xd7: {  	[tilespmem:s6], [sflag:$0x2] =	stream.indirect_vreg.gather [hbm4b:s3+s2], $0x80, v4, vm0, $0xb8;
	[tilespmem:$0x10100] =	vst v63  }
0xd8: {  	s8 =	rddreg [dreg:$0x12]  }
0xd9: {  	[tilespmem:s8], [sflag:$0x2] =	stream.indirect_vreg.gather [hbm4b:s3+s2], $0x80, v3, vm0, $0xb8;
	[tilespmem:$0x10100] =	vst v63  }
0xda: {  	_ =	swait.ge [sflag:s30], $0x8000  }
0xdb: {  	s8 =	rddreg [dreg:$0x2];
	[sflag:s30] =	ssyncset.done $0x0  }
0xdc: {  	[sflag:s30] =	ssyncadd.s32 $0xFFFF8000;
	s6 =	sadd.s32 s7, s8;
	s7 =	sadd.s32 $0x2000, s7  }
0xdd: {  	[hbm4b:s6+s2] =	stream.linear.scatter [tilespmem:s12], [sflag:$0x3], $0x8000, $0x38;
	[tilespmem:$0x10100] =	vst v63  }
0xde: {  	p0 =	sne.s32 s7, $0x26000  }
.Ltmp0:
0xdf: {  	_ = 	snop;
	(pc) =	sbr.rel @p0 .LBB2_2-.Ltmp0, $4  }
0xe0: {  	_ =	swait.ge [sflag:s31], $0x8000  }
0xe1: {  	s10 =	sadd.s32 $0x20, s10;
	[sflag:s31] =	ssyncset.done $0x0  }
0xe2: {  	s9 =	sadd.s32 $0x20, s9;
	s6 =	sadd.s32 $0x1000, s6;
	[sflag:s31] =	ssyncadd.s32 $0xFFFF8000  }
0xe3: {  	[hbm4b:s6+s2] =	stream.linear.scatter [tilespmem:s29], [sflag:$0x4], $0x8000, $0x38;
	[tilespmem:$0x10100] =	vst v63  }
0xe4: {  	_ =	swait.ge [sflag:s1], $0x8000  }
0xe5: {  	[sflag:s1] =	ssyncset.done $0x0  }
0xe6: {  	[sflag:s1] =	ssyncadd.s32 $0xFFFF8000  }
0xe7: {  	_ =	swait.ge [sflag:s0], $0x8000  }
0xe8: {  	[sflag:s0] =	ssyncset.done $0x0  }
0xe9: {  	s6 =	rddreg [dreg:$0x13];
	[sflag:s0] =	ssyncadd.s32 $0xFFFF8000  }
0xea: {  	[tilespmem:s2], [sflag:$0x5] =	stream.linear.gather [hbm4b:s6+s2], $0x80, $0x38;
	[tilespmem:$0x10100] =	vst v63  }
0xeb: {  	_ =	swait.ge [sflag:s11], $0x80  }
0xec: {  	[sflag:s11] =	ssyncset.done $0x0  }
0xed: {  	[sflag:s11] =	ssyncadd.s32 $0xFFFFFF80  }
0xee: {  	v3 =	vld [tilespmem:$0x0];
	_ =	sdelay $0x4  }
0xef: {  	v4 =	vshll.u32 v3, $0x1  }
0xf0: {  	v3 =	vand.u32 $0x7, v3;
	v4 =	vand.u32 $0xFFFFFFF0, v4  }
0xf1: {  	v3 =	vor.u32 v3, v4  }
0xf2: {  	v4 =	vperm.xlane v3, v0;
	_ =	sdelay $0x1  }
0xf3: {  	v3 =	vperm.xlane v3, v2;
	v4 =	vadd.s32 v1, v4;
	_ =	sdelay $0x1  }
0xf4: {  	v3 =	vadd.s32 v1, v3;
	_ =	sdelay $0x2  }
0xf5: {  	[tilespmem:s12], [sflag:$0x1] =	stream.indirect_vreg.gather [hbm4b:s3+s2], $0x80, v4, vm0, $0xb8;
	[tilespmem:$0x10100] =	vst v63  }
0xf6: {  	_ = 	snop  }
0xf7: {  	[tilespmem:s13], [sflag:$0x1] =	stream.indirect_vreg.gather [hbm4b:s3+s2], $0x80, v3, vm0, $0xb8;
	[tilespmem:$0x10100] =	vst v63  }
0xf8: {  	v3 =	vld [tilespmem:$0x10];
	_ =	sdelay $0x4  }
0xf9: {  	v56 =	vshll.u32 v3, $0x1  }
0xfa: {  	v3 =	vand.u32 $0x7, v3;
	v4 =	vand.u32 $0xFFFFFFF0, v56  }
0xfb: {  	v3 =	vor.u32 v3, v4  }
0xfc: {  	v4 =	vperm.xlane v3, v0;
	_ =	sdelay $0x1  }
0xfd: {  	v3 =	vperm.xlane v3, v2;
	v4 =	vadd.s32 v1, v4;
	_ =	sdelay $0x1  }
0xfe: {  	v3 =	vadd.s32 v1, v3;
	_ =	sdelay $0x2  }
0xff: {  	[tilespmem:s14], [sflag:$0x1] =	stream.indirect_vreg.gather [hbm4b:s3+s2], $0x80, v4, vm0, $0xb8;
	[tilespmem:$0x10100] =	vst v63  }
0x100: {  	_ = 	snop  }
0x101: {  	[tilespmem:s15], [sflag:$0x1] =	stream.indirect_vreg.gather [hbm4b:s3+s2], $0x80, v3, vm0, $0xb8;
	[tilespmem:$0x10100] =	vst v63  }
0x102: {  	v3 =	vld [tilespmem:$0x20];
	_ =	sdelay $0x4  }
0x103: {  	v57 =	vshll.u32 v3, $0x1  }
0x104: {  	v3 =	vand.u32 $0x7, v3;
	v4 =	vand.u32 $0xFFFFFFF0, v57  }
0x105: {  	v3 =	vor.u32 v3, v4  }
0x106: {  	v4 =	vperm.xlane v3, v0;
	_ =	sdelay $0x1  }
0x107: {  	v3 =	vperm.xlane v3, v2;
	v4 =	vadd.s32 v1, v4;
	_ =	sdelay $0x1  }
0x108: {  	v3 =	vadd.s32 v1, v3;
	_ =	sdelay $0x2  }
0x109: {  	[tilespmem:s16], [sflag:$0x1] =	stream.indirect_vreg.gather [hbm4b:s3+s2], $0x80, v4, vm0, $0xb8;
	[tilespmem:$0x10100] =	vst v63  }
0x10a: {  	_ = 	snop  }
0x10b: {  	[tilespmem:s17], [sflag:$0x1] =	stream.indirect_vreg.gather [hbm4b:s3+s2], $0x80, v3, vm0, $0xb8;
	[tilespmem:$0x10100] =	vst v63  }
0x10c: {  	v3 =	vld [tilespmem:$0x30];
	_ =	sdelay $0x4  }
0x10d: {  	v58 =	vshll.u32 v3, $0x1  }
0x10e: {  	v3 =	vand.u32 $0x7, v3;
	v4 =	vand.u32 $0xFFFFFFF0, v58  }
0x10f: {  	v3 =	vor.u32 v3, v4  }
0x110: {  	v4 =	vperm.xlane v3, v0;
	_ =	sdelay $0x1  }
0x111: {  	v3 =	vperm.xlane v3, v2;
	v4 =	vadd.s32 v1, v4;
	_ =	sdelay $0x1  }
0x112: {  	v3 =	vadd.s32 v1, v3;
	_ =	sdelay $0x2  }
0x113: {  	[tilespmem:s18], [sflag:$0x1] =	stream.indirect_vreg.gather [hbm4b:s3+s2], $0x80, v4, vm0, $0xb8;
	[tilespmem:$0x10100] =	vst v63  }
0x114: {  	_ = 	snop  }
0x115: {  	[tilespmem:s19], [sflag:$0x1] =	stream.indirect_vreg.gather [hbm4b:s3+s2], $0x80, v3, vm0, $0xb8;
	[tilespmem:$0x10100] =	vst v63  }
0x116: {  	v3 =	vld [tilespmem:$0x40];
	_ =	sdelay $0x4  }
0x117: {  	v59 =	vshll.u32 v3, $0x1  }
0x118: {  	v3 =	vand.u32 $0x7, v3;
	v4 =	vand.u32 $0xFFFFFFF0, v59  }
0x119: {  	v3 =	vor.u32 v3, v4  }
0x11a: {  	v4 =	vperm.xlane v3, v0;
	_ =	sdelay $0x1  }
0x11b: {  	v3 =	vperm.xlane v3, v2;
	v4 =	vadd.s32 v1, v4;
	_ =	sdelay $0x1  }
0x11c: {  	v3 =	vadd.s32 v1, v3;
	_ =	sdelay $0x2  }
0x11d: {  	[tilespmem:s20], [sflag:$0x1] =	stream.indirect_vreg.gather [hbm4b:s3+s2], $0x80, v4, vm0, $0xb8;
	[tilespmem:$0x10100] =	vst v63  }
0x11e: {  	_ = 	snop  }
0x11f: {  	[tilespmem:s21], [sflag:$0x1] =	stream.indirect_vreg.gather [hbm4b:s3+s2], $0x80, v3, vm0, $0xb8;
	[tilespmem:$0x10100] =	vst v63  }
0x120: {  	v3 =	vld [tilespmem:$0x50];
	_ =	sdelay $0x4  }
0x121: {  	v60 =	vshll.u32 v3, $0x1  }
0x122: {  	v3 =	vand.u32 $0x7, v3;
	v4 =	vand.u32 $0xFFFFFFF0, v60  }
0x123: {  	v3 =	vor.u32 v3, v4  }
0x124: {  	v4 =	vperm.xlane v3, v0;
	_ =	sdelay $0x1  }
0x125: {  	v3 =	vperm.xlane v3, v2;
	v4 =	vadd.s32 v1, v4;
	_ =	sdelay $0x1  }
0x126: {  	v3 =	vadd.s32 v1, v3;
	_ =	sdelay $0x2  }
0x127: {  	[tilespmem:s22], [sflag:$0x1] =	stream.indirect_vreg.gather [hbm4b:s3+s2], $0x80, v4, vm0, $0xb8;
	[tilespmem:$0x10100] =	vst v63  }
0x128: {  	_ = 	snop  }
0x129: {  	[tilespmem:s23], [sflag:$0x1] =	stream.indirect_vreg.gather [hbm4b:s3+s2], $0x80, v3, vm0, $0xb8;
	[tilespmem:$0x10100] =	vst v63  }
0x12a: {  	v3 =	vld [tilespmem:$0x60];
	_ =	sdelay $0x4  }
0x12b: {  	v61 =	vshll.u32 v3, $0x1  }
0x12c: {  	v3 =	vand.u32 $0x7, v3;
	v4 =	vand.u32 $0xFFFFFFF0, v61  }
0x12d: {  	v3 =	vor.u32 v3, v4  }
0x12e: {  	v4 =	vperm.xlane v3, v0;
	_ =	sdelay $0x1  }
0x12f: {  	v3 =	vperm.xlane v3, v2;
	v4 =	vadd.s32 v1, v4;
	_ =	sdelay $0x1  }
0x130: {  	v3 =	vadd.s32 v1, v3;
	_ =	sdelay $0x2  }
0x131: {  	[tilespmem:s24], [sflag:$0x1] =	stream.indirect_vreg.gather [hbm4b:s3+s2], $0x80, v4, vm0, $0xb8;
	[tilespmem:$0x10100] =	vst v63  }
0x132: {  	_ = 	snop  }
0x133: {  	[tilespmem:s25], [sflag:$0x1] =	stream.indirect_vreg.gather [hbm4b:s3+s2], $0x80, v3, vm0, $0xb8;
	[tilespmem:$0x10100] =	vst v63  }
0x134: {  	v3 =	vld [tilespmem:$0x70];
	_ =	sdelay $0x4  }
0x135: {  	v62 =	vshll.u32 v3, $0x1  }
0x136: {  	v3 =	vand.u32 $0x7, v3;
	v4 =	vand.u32 $0xFFFFFFF0, v62  }
0x137: {  	v3 =	vor.u32 v3, v4  }
0x138: {  	v4 =	vperm.xlane v3, v0;
	_ =	sdelay $0x1  }
0x139: {  	v3 =	vperm.xlane v3, v2;
	v4 =	vadd.s32 v1, v4;
	_ =	sdelay $0x1  }
0x13a: {  	v3 =	vadd.s32 v1, v3;
	_ =	sdelay $0x2  }
0x13b: {  	[tilespmem:s26], [sflag:$0x1] =	stream.indirect_vreg.gather [hbm4b:s3+s2], $0x80, v4, vm0, $0xb8;
	[tilespmem:$0x10100] =	vst v63  }
0x13c: {  	_ = 	snop  }
0x13d: {  	[tilespmem:s28], [sflag:$0x1] =	stream.indirect_vreg.gather [hbm4b:s3+s2], $0x80, v3, vm0, $0xb8;
	[tilespmem:$0x10100] =	vst v63  }
0x13e: {  	_ =	swait.ge [sflag:s30], $0x8000  }
0x13f: {  	[sflag:s30] =	ssyncset.done $0x0  }
0x140: {  	s7 =	rddreg [dreg:$0x14];
	[sflag:s30] =	ssyncadd.s32 $0xFFFF8000  }
0x141: {  	[hbm4b:s7+s2] =	stream.linear.scatter [tilespmem:s12], [sflag:$0x5], $0x8000, $0x38;
	[tilespmem:$0x10100] =	vst v63  }
0x142: {  	_ =	swait.ge [sflag:s11], $0x8000  }
0x143: {  	[sflag:s11] =	ssyncset.done $0x0  }
0x144: {  	s8 =	rddreg [dreg:$0x15];
	[sflag:s11] =	ssyncadd.s32 $0xFFFF8000  }
0x145: {  	[tilespmem:s2], [sflag:$0x5] =	stream.linear.gather [hbm4b:s8+s2], $0x8, $0x38;
	[tilespmem:$0x10100] =	vst v63  }
0x146: {  	_ =	swait.ge [sflag:s11], $0x8  }
0x147: {  	[sflag:s11] =	ssyncset.done $0x0  }
0x148: {  	[sflag:s11] =	ssyncadd.s32 $0xFFFFFFF8  }
0x149: {  	v3 =	vld.msk [tilespmem:$0x0], $0xff;
	_ =	sdelay $0x4  }
0x14a: {  	v63 =	vshll.u32 v3, $0x1  }
0x14b: {  	v3 =	vand.u32 $0x7, v3;
	v4 =	vand.u32 $0xFFFFFFF0, v63  }
0x14c: {  	v3 =	vor.u32 v3, v4  }
0x14d: {  	v3 =	vperm.xlane v3, v0;
	_ =	sdelay $0x1  }
0x14e: {  	v3 =	vadd.s32 v1, v3;
	_ =	sdelay $0x4  }
0x14f: {  	[tilespmem:s12], [sflag:$0x1] =	stream.indirect_vreg.gather [hbm4b:s3+s2], $0x80, v3, vm0, $0xb8;
	[tilespmem:$0x10100] =	vst v63  }
0x150: {  	_ =	swait.ge [sflag:s30], $0x800  }
0x151: {  	[sflag:s30] =	ssyncset.done $0x0  }
0x152: {  	s9 =	rddreg [dreg:$0x16];
	[sflag:s30] =	ssyncadd.s32 $0xFFFFF800  }
0x153: {  	[hbm4b:s9+s2] =	stream.linear.scatter [tilespmem:s12], [sflag:$0x5], $0x800, $0x38;
	[tilespmem:$0x10100] =	vst v63  }
0x154: {  	_ =	swait.ge [sflag:s11], $0x800  }
0x155: {  	s4 =	sadd.s32 $0x1, s4;
	s10 =	rddreg [dreg:$0x17]  }
0x156: {  	p0 =	sne.s32 s4, s10  }
.Ltmp1:
0x157: {  	_ = 	snop;
	(pc) =	sbr.rel @p0 .LBB2_1-.Ltmp1, $3  }
0x158: {  	_ =	sdelay $0x1  }
0x159: {  	[sflag:s11] =	ssyncset.done $0x0  }
0x15a: {  	[sflag:s11] =	ssyncadd.s32 $0xFFFFF800  }
0x15b: {  	_ =	sfence.sel $0x180000  }
0x15c: {  	[bflag:$0x0] =	sbarrier.arrive $0xFFFF  }
0x15d: {  	_ =	strace $0x90000056  }
0x15e: {  	s0 =	stileid.u32;
	[bflag:$0x2] =	sbarrier.arrive $0xFFFF  }
0x15f: {  	p0 =	sne.s32 s0, $0x0;
	s0 =	rddreg [dreg:$0x1]  }
0x160: {  	s0 =	sadd.s32 @!p0 $0x100000, s0  }
0x161: {  	[sflag:s0] =	ssyncadd.tile.s32 @!p0 $0x1;
	_ =	shalt  }
.Lfunc_end2:
_tile_overlayer_lowered:
.L_overlay_start_2:
0x162: {  	(tag) =	ssettag $0x2  }
0x163: {  	s0 =	rddreg [dreg:$0x0];
	s2 =	stileid.u32  }
0x164: {  	s1 =	rddreg [dreg:$0x1];
	p0 =	sne.s32 s2, $0x0  }
0x165: {  	s3 =	rddreg [dreg:$0x2];
	[bflag:$0x3] =	sbarrier.arrive $0xFFFF;
	s2 =	simm.s32 @!p0 $0x1C05  }
0x166: {  	[timem:s3], [sflag:s2] =	dma.local @!p0 [hbm:s0], s1  }
0x167: {  	s0 =	simm.s32 @!p0 $0x5  }
0x168: {  	_ =	swait.ge @!p0 [sflag:s0], s1  }
0x169: {  	s1 =	ssub.s32 @!p0 $0x0, s1;
	[sflag:s0] =	ssyncset.done @!p0 $0x0  }
0x16a: {  	[sflag:s0] =	ssyncadd.s32 @!p0 s1  }
0x16b: {  	[bflag:$0x3] =	sbarrier.arrive $0xFFFF  }
0x16c: {  	_ =	shalt  }

</sc_bundles>
